<compile_context>
chip_gen: v7x
topology: tpu7x:2x2x1
jax: 0.10.2.dev20260603
libtpu: 0.0.44.dev20260713+nightly
codegen_flags: <defaults>
</compile_context>

<pallas_src>
import jax
import jax.numpy as jnp
from jax import lax
from jax.experimental import pallas as pl
from jax.experimental.pallas import tpu as pltpu
from jax.experimental.pallas import tpu_sc as plsc

N = 10000
H = 128
G = 64

_NC = 2
_NS = 16
_CHUNK = 128
_KMAX = -(-(320000 // _CHUNK // _NC) // _NS)

_DOT = dict(preferred_element_type=jnp.float32,
            precision=jax.lax.Precision.DEFAULT)


_NBUF = 3


def _seg_sum_body(msg_hbm, src_hbm, dst_hbm, out_hbm, sidx, didx,
                  rows0, rows1, rows2, acc,
                  sg0, sg1, sg2, si0, si1, si2, ss0, ss1, ss2):
    c = lax.axis_index("c")
    s = lax.axis_index("s")
    E = src_hbm.shape[0]
    n_chunks = E // _CHUNK
    per_core = n_chunks // _NC
    kmax = (per_core + _NS - 1) // _NS
    slab = (N // 8 // _NS) * 8
    chunks = []
    o = 0
    while o < slab:
        sz = min(_CHUNK, slab - o)
        chunks.append((o, sz))
        o += sz

    @pl.loop(0, _CHUNK)
    def _(r):
        @pl.loop(0, H // 16)
        def _(j):
            rows0[r, pl.ds(j * 16, 16)] = jnp.zeros((16,), jnp.float32)

    row0 = pl.multiple_of(s * slab, 8)
    for o, sz in chunks:
        pltpu.sync_copy(rows0.at[pl.ds(0, sz)],
                        acc.at[pl.ds(row0 + o, sz)])

    @pl.when(s == 0)
    def _():
        r0 = pl.multiple_of(slab * _NS, 8)
        pltpu.sync_copy(rows0.at[pl.ds(0, N - slab * _NS)],
                        acc.at[pl.ds(r0, N - slab * _NS)])

    base_k = per_core // _NS
    extra = per_core - base_k * _NS
    cs = c * per_core + s * base_k + jnp.minimum(s, extra)
    kn = base_k + jnp.where(s < extra, 1, 0)
    edge0 = cs * _CHUNK

    bufs = ((rows0, sg0, si0, ss0), (rows1, sg1, si1, ss1),
            (rows2, sg2, si2, ss2))

    def _idx_copies(k, b, si_b):
        return (pltpu.make_async_copy(
                    src_hbm.at[pl.ds(edge0 + k * _CHUNK, _CHUNK)],
                    sidx.at[b], si_b),
                pltpu.make_async_copy(
                    dst_hbm.at[pl.ds(edge0 + k * _CHUNK, _CHUNK)],
                    didx.at[lax.rem(k, 2 * _NBUF)], si_b))

    def _gather_copy(k, b, rows_b, sg_b):
        return pltpu.make_async_copy(
            msg_hbm.at[sidx.at[b]], rows_b, sg_b)

    def _scatter_start(k, rows_b, ss_b):
        pltpu.async_copy(
            rows_b, acc.at[didx.at[lax.rem(k, 2 * _NBUF)]], ss_b, add=True)

    def _scatter_wait(k, rows_b, ss_b):
        pltpu.make_async_copy(
            rows_b, acc.at[didx.at[lax.rem(k, 2 * _NBUF)]], ss_b).wait()

    for b in range(_NBUF):
        rows_b, sg_b, si_b, ss_b = bufs[b]

        @pl.when(b < kn)
        def _(b=b, si_b=si_b):
            for cp in _idx_copies(b, b, si_b):
                cp.start()

    for b in range(2):
        rows_b, sg_b, si_b, ss_b = bufs[b]

        @pl.when(b < kn)
        def _(b=b, rows_b=rows_b, sg_b=sg_b, si_b=si_b):
            for cp in _idx_copies(b, b, si_b):
                cp.wait()
            _gather_copy(b, b, rows_b, sg_b).start()

    plsc.subcore_barrier()

    @pl.loop(0, (kmax + _NBUF) // _NBUF)
    def _(kq):
        for b in range(_NBUF):
            rows_b, sg_b, si_b, ss_b = bufs[b]
            b1 = (b + _NBUF - 1) % _NBUF
            rows_b1, sg_b1, si_b1, ss_b1 = bufs[b1]
            b2 = (b + 2) % _NBUF
            rows_b2, sg_b2, si_b2, ss_b2 = bufs[b2]
            k = kq * _NBUF + b

            @pl.when((k >= 1) & (k <= kn))
            def _(k=k, rows_b1=rows_b1, ss_b1=ss_b1):
                _scatter_wait(k - 1, rows_b1, ss_b1)

            @pl.when(k < kn)
            def _(k=k, b=b, rows_b=rows_b, sg_b=sg_b, si_b=si_b, ss_b=ss_b,
                  b2=b2, rows_b2=rows_b2, sg_b2=sg_b2, si_b2=si_b2):
                _gather_copy(k, b, rows_b, sg_b).wait()
                _scatter_start(k, rows_b, ss_b)

                @pl.when(k + _NBUF < kn)
                def _():
                    for cp in _idx_copies(k + _NBUF, b, si_b):
                        cp.start()

                @pl.when(k + 2 < kn)
                def _():
                    for cp in _idx_copies(k + 2, b2, si_b2):
                        cp.wait()
                    _gather_copy(k + 2, b2, rows_b2, sg_b2).start()

    plsc.subcore_barrier()

    for o, sz in chunks:
        r1 = pl.multiple_of(row0 + o, 8)
        pltpu.sync_copy(acc.at[pl.ds(r1, sz)],
                        out_hbm.at[pl.ds(pl.multiple_of(c * N + r1, 8), sz)])

    @pl.when(s == 0)
    def _():
        r0 = pl.multiple_of(slab * _NS, 8)
        pltpu.sync_copy(
            acc.at[pl.ds(r0, N - slab * _NS)],
            out_hbm.at[pl.ds(pl.multiple_of(c * N + r0, 8), N - slab * _NS)])


def _seg_sum(msg, src, dst):
    mesh = plsc.VectorSubcoreMesh(core_axis_name="c", subcore_axis_name="s")
    f = pl.kernel(
        _seg_sum_body,
        out_type=jax.ShapeDtypeStruct((_NC * N, H), jnp.float32),
        mesh=mesh,
        scratch_types=[
            pltpu.VMEM((_NBUF, _CHUNK), jnp.int32),
            pltpu.VMEM((2 * _NBUF, _CHUNK), jnp.int32),
            pltpu.VMEM((_CHUNK, H), jnp.float32),
            pltpu.VMEM((_CHUNK, H), jnp.float32),
            pltpu.VMEM((_CHUNK, H), jnp.float32),
            pltpu.VMEM_SHARED((N, H), jnp.float32),
            pltpu.SemaphoreType.DMA,
            pltpu.SemaphoreType.DMA,
            pltpu.SemaphoreType.DMA,
            pltpu.SemaphoreType.DMA,
            pltpu.SemaphoreType.DMA,
            pltpu.SemaphoreType.DMA,
            pltpu.SemaphoreType.DMA,
            pltpu.SemaphoreType.DMA,
            pltpu.SemaphoreType.DMA,
        ],
    )
    return f(msg, src, dst)


_RB = 2000


def _gru_body(p0_ref, p1_ref, h_ref, w_ref, wih_ref, whh_ref, bih_ref,
              bhh_ref, o_ref):
    agg = p0_ref[...] + p1_ref[...]
    m = lax.dot_general(agg, w_ref[...], (((1,), (0,)), ((), ())), **_DOT)
    h = h_ref[...]
    gi = lax.dot_general(m, wih_ref[...], (((1,), (1,)), ((), ())), **_DOT)
    gi = gi + bih_ref[...][None, :]
    gh = lax.dot_general(h, whh_ref[...], (((1,), (1,)), ((), ())), **_DOT)
    gh = gh + bhh_ref[...][None, :]
    r = jax.nn.sigmoid(gi[:, 0:H] + gh[:, 0:H])
    z = jax.nn.sigmoid(gi[:, H:2 * H] + gh[:, H:2 * H])
    n = jnp.tanh(gi[:, 2 * H:3 * H] + r * gh[:, 2 * H:3 * H])
    o_ref[...] = (1.0 - z) * n + z * h


def _gru_call(parts, h, w, w_ih, w_hh, b_ih, b_hh):
    nb = N // _RB
    return pl.pallas_call(
        _gru_body,
        grid=(nb,),
        in_specs=[pl.BlockSpec((_RB, H), lambda i: (i, 0)),
                  pl.BlockSpec((_RB, H), lambda i, nb=nb: (i + nb, 0)),
                  pl.BlockSpec((_RB, H), lambda i: (i, 0)),
                  pl.BlockSpec((H, H), lambda i: (0, 0)),
                  pl.BlockSpec((3 * H, H), lambda i: (0, 0)),
                  pl.BlockSpec((3 * H, H), lambda i: (0, 0)),
                  pl.BlockSpec((3 * H,), lambda i: (0,)),
                  pl.BlockSpec((3 * H,), lambda i: (0,))],
        out_specs=pl.BlockSpec((_RB, H), lambda i: (i, 0)),
        out_shape=jax.ShapeDtypeStruct((N, H), jnp.float32),
    )(parts, parts, h, w, w_ih, w_hh, b_ih, b_hh)


def _gru_tail_body(p0_ref, p1_ref, h_ref, w_ref, wih_ref, whh_ref, bih_ref,
                   bhh_ref, w1_ref, b1_ref, bng_ref, bnb_ref, batch_ref,
                   w2_ref, b2_ref, o_ref, y_scr, st_scr):
    nb = N // _RB
    i = pl.program_id(0)

    @pl.when(i < nb)
    def _():
        agg = p0_ref[...] + p1_ref[...]
        m = lax.dot_general(agg, w_ref[...], (((1,), (0,)), ((), ())), **_DOT)
        h = h_ref[...]
        gi = lax.dot_general(m, wih_ref[...], (((1,), (1,)), ((), ())),
                             **_DOT) + bih_ref[...][None, :]
        gh = lax.dot_general(h, whh_ref[...], (((1,), (1,)), ((), ())),
                             **_DOT) + bhh_ref[...][None, :]
        r = jax.nn.sigmoid(gi[:, 0:H] + gh[:, 0:H])
        z = jax.nn.sigmoid(gi[:, H:2 * H] + gh[:, H:2 * H])
        n = jnp.tanh(gi[:, 2 * H:3 * H] + r * gh[:, 2 * H:3 * H])
        hn = (1.0 - z) * n + z * h
        y = lax.dot_general(hn, w1_ref[...], (((1,), (1,)), ((), ())),
                            **_DOT) + b1_ref[...][None, :]
        y_scr[pl.ds(pl.multiple_of(i * _RB, 8), _RB), :] = y
        st = jnp.stack([jnp.sum(y, axis=0), jnp.sum(y * y, axis=0)], axis=0)

        @pl.when(i == 0)
        def _():
            st_scr[...] = st

        @pl.when(i != 0)
        def _():
            st_scr[...] += st

    @pl.when(i == nb)
    def _():
        mean = st_scr[0, :] / N
        var = st_scr[1, :] / N - mean * mean
        scale = bng_ref[...] * lax.rsqrt(var + 1e-5)
        y = (y_scr[...] - mean[None, :]) * scale[None, :]
        y = jnp.maximum(y + bnb_ref[...][None, :], 0.0)
        b = batch_ref[0, :]
        onehot = (b[:, None] == lax.broadcasted_iota(jnp.int32, (N, G), 1))
        onehot = onehot.astype(jnp.float32)
        gs = lax.dot_general(onehot, y, (((0,), (0,)), ((), ())), **_DOT)
        gc = jnp.sum(onehot, axis=0)
        gm = gs / jnp.maximum(gc, 1.0)[:, None]
        logits = lax.dot_general(gm, w2_ref[...], (((1,), (1,)), ((), ())),
                                 **_DOT) + b2_ref[...][None, :]
        mx = jnp.max(logits, axis=-1, keepdims=True)
        sh = logits - mx
        lse = jnp.log(jnp.sum(jnp.exp(sh), axis=-1, keepdims=True))
        o_ref[...] = sh - lse


def _gru_tail_call(parts, h, w, w_ih, w_hh, b_ih, b_hh,
                   fc1_w, fc1_b, bn_g, bn_b, batch, fc2_w, fc2_b):
    C = fc2_w.shape[0]
    nb = N // _RB
    blk = lambda i: (jnp.minimum(i, nb - 1), 0)
    blk2 = lambda i: (jnp.minimum(i, nb - 1) + nb, 0)
    full = lambda i: (0, 0)
    vec = lambda i: (0,)
    return pl.pallas_call(
        _gru_tail_body,
        grid=(nb + 1,),
        in_specs=[pl.BlockSpec((_RB, H), blk),
                  pl.BlockSpec((_RB, H), blk2),
                  pl.BlockSpec((_RB, H), blk),
                  pl.BlockSpec((H, H), full),
                  pl.BlockSpec((3 * H, H), full),
                  pl.BlockSpec((3 * H, H), full),
                  pl.BlockSpec((3 * H,), vec),
                  pl.BlockSpec((3 * H,), vec),
                  pl.BlockSpec((H, H), full),
                  pl.BlockSpec((H,), vec),
                  pl.BlockSpec((H,), vec),
                  pl.BlockSpec((H,), vec),
                  pl.BlockSpec((1, N), full),
                  pl.BlockSpec((C, H), full),
                  pl.BlockSpec((C,), vec)],
        out_specs=pl.BlockSpec((G, C), full),
        out_shape=jax.ShapeDtypeStruct((G, C), jnp.float32),
        scratch_shapes=[pltpu.VMEM((N, H), jnp.float32),
                        pltpu.VMEM((2, H), jnp.float32)],
    )(parts, parts, h, w, w_ih, w_hh, b_ih, b_hh,
      fc1_w, fc1_b, bn_g, bn_b, batch.reshape(1, N), fc2_w, fc2_b)


def kernel(x, edge_index, batch, weight, w_ih, w_hh, b_ih, b_hh,
           fc1_w, fc1_b, bn_g, bn_b, fc2_w, fc2_b):
    src = edge_index[0]
    dst = edge_index[1]
    h = x
    L = weight.shape[0]
    for l in range(L - 1):
        parts = _seg_sum(h, src, dst)
        h = _gru_call(parts, h, weight[l], w_ih, w_hh, b_ih, b_hh)
    parts = _seg_sum(h, src, dst)
    return _gru_tail_call(parts, h, weight[L - 1], w_ih, w_hh, b_ih, b_hh,
                          fc1_w, fc1_b, bn_g, bn_b, batch, fc2_w, fc2_b)

# --- scband reference (transcript-rebuilt; emitter-appended) ---
"""Pipeline reference for scband-ggnnmodel-85770496901353 (READ-ONLY COPY).

The authoritative reference and input builder live on the scoring server;
editing this copy changes nothing except your own understanding.
"""

import jax, jax.numpy as jnp
import numpy as np

N = 10000
E = 320000
H = 128
C = 10
L = 3
G = 64


def setup_inputs(seed: int = 0) -> dict:
    key = jax.random.key(seed)
    ks = jax.random.split(key, 12)
    x = jax.random.normal(ks[0], (N, H), dtype=jnp.float32)
    edge_index = jax.random.randint(ks[1], (2, E), 0, N, dtype=jnp.int32)
    batch = jnp.sort(jax.random.randint(ks[2], (N,), 0, G, dtype=jnp.int32))
    s = 1.0 / np.sqrt(H)
    weight = jax.random.normal(ks[3], (L, H, H), dtype=jnp.float32) * s
    w_ih = jax.random.normal(ks[4], (3 * H, H), dtype=jnp.float32) * s
    w_hh = jax.random.normal(ks[5], (3 * H, H), dtype=jnp.float32) * s
    b_ih = jnp.zeros((3 * H,), dtype=jnp.float32)
    b_hh = jnp.zeros((3 * H,), dtype=jnp.float32)
    fc1_w = jax.random.normal(ks[6], (H, H), dtype=jnp.float32) * s
    fc1_b = jnp.zeros((H,), dtype=jnp.float32)
    bn_g = jnp.ones((H,), dtype=jnp.float32)
    bn_b = jnp.zeros((H,), dtype=jnp.float32)
    fc2_w = jax.random.normal(ks[7], (C, H), dtype=jnp.float32) * s
    fc2_b = jnp.zeros((C,), dtype=jnp.float32)
    return {"x": x, "edge_index": edge_index, "batch": batch, "weight": weight,
            "w_ih": w_ih, "w_hh": w_hh, "b_ih": b_ih, "b_hh": b_hh,
            "fc1_w": fc1_w, "fc1_b": fc1_b, "bn_g": bn_g, "bn_b": bn_b,
            "fc2_w": fc2_w, "fc2_b": fc2_b}


def _gru_cell(m, h, w_ih, w_hh, b_ih, b_hh):
    gi = m @ w_ih.T + b_ih
    gh = h @ w_hh.T + b_hh
    i_r, i_z, i_n = jnp.split(gi, 3, axis=-1)
    h_r, h_z, h_n = jnp.split(gh, 3, axis=-1)
    r = jax.nn.sigmoid(i_r + h_r)
    z = jax.nn.sigmoid(i_z + h_z)
    n = jnp.tanh(i_n + r * h_n)
    return (1.0 - z) * n + z * h


def reference(x, edge_index, batch, weight, w_ih, w_hh, b_ih, b_hh,
              fc1_w, fc1_b, bn_g, bn_b, fc2_w, fc2_b):
    src = edge_index[0]
    dst = edge_index[1]
    h = x  # input_dim == hidden_dim, no padding needed
    for l in range(L):
        msg = h @ weight[l]
        m = jax.ops.segment_sum(msg[src], dst, num_segments=N)
        h = _gru_cell(m, h, w_ih, w_hh, b_ih, b_hh)
    y = h @ fc1_w.T + fc1_b
    # BatchNorm1d (training-mode batch statistics, biased variance)
    mean = jnp.mean(y, axis=0)
    var = jnp.var(y, axis=0)
    y = (y - mean) / jnp.sqrt(var + 1e-5) * bn_g + bn_b
    y = jax.nn.relu(y)
    # dropout: identity (eval mode)
    sums = jax.ops.segment_sum(y, batch, num_segments=G)
    counts = jax.ops.segment_sum(jnp.ones((N,), dtype=jnp.float32), batch, num_segments=G)
    gm = sums / jnp.clip(counts, 1.0, None)[:, None]
    out = gm @ fc2_w.T + fc2_b
    return jax.nn.log_softmax(out, axis=-1)

if __name__ == "__main__":
    import jax
    _d = setup_inputs()
    print(jax.jit(kernel)(*tuple(_d.values())))

</pallas_src>

<mosaic_0001>
#map = affine_map<(d0, d1) -> (0, 0)>
#map1 = affine_map<(d0, d1) -> (0)>
module attributes {stable_mosaic.version = 14 : i64} {
  func.func @_seg_sum_body(%arg0: i32, %arg1: i32, %arg2: memref<10000x128xf32, #tpu.memory_space<hbm>>, %arg3: memref<320000xi32, #tpu.memory_space<hbm>>, %arg4: memref<320000xi32, #tpu.memory_space<hbm>>, %arg5: memref<20000x128xf32, #tpu.memory_space<hbm>>, %arg6: memref<3x128xi32, #tpu.memory_space<vmem>>, %arg7: memref<6x128xi32, #tpu.memory_space<vmem>>, %arg8: memref<128x128xf32, #tpu.memory_space<vmem>>, %arg9: memref<128x128xf32, #tpu.memory_space<vmem>>, %arg10: memref<128x128xf32, #tpu.memory_space<vmem>>, %arg11: memref<10000x128xf32, #tpu.memory_space<vmem_shared>>, %arg12: memref<!tpu.dma_semaphore, #tpu.memory_space<semaphore_mem>>, %arg13: memref<!tpu.dma_semaphore, #tpu.memory_space<semaphore_mem>>, %arg14: memref<!tpu.dma_semaphore, #tpu.memory_space<semaphore_mem>>, %arg15: memref<!tpu.dma_semaphore, #tpu.memory_space<semaphore_mem>>, %arg16: memref<!tpu.dma_semaphore, #tpu.memory_space<semaphore_mem>>, %arg17: memref<!tpu.dma_semaphore, #tpu.memory_space<semaphore_mem>>, %arg18: memref<!tpu.dma_semaphore, #tpu.memory_space<semaphore_mem>>, %arg19: memref<!tpu.dma_semaphore, #tpu.memory_space<semaphore_mem>>, %arg20: memref<!tpu.dma_semaphore, #tpu.memory_space<semaphore_mem>>) attributes {dimension_semantics = [#tpu.dimension_semantics<core_parallel>, #tpu.dimension_semantics<subcore_parallel>], iteration_bounds = array<i64: 2, 16>, scalar_prefetch = 0 : i64, scratch_operands = 15 : i64, tpu.core_type = #tpu.core_type<sc_vector_subcore>, window_params = [{transform_indices = #map}, {transform_indices = #map1}, {transform_indices = #map1}, {transform_indices = #map}]} {
    %scan3A = arith.constant 0 : i32
    %scan3A_0 = arith.constant 128 : i32
    %scan3A_1 = arith.addi %scan3A, %scan3A_0 : i32
    %scan3A_2 = arith.constant 1 : i32
    scf.for %scan3A_99 = %scan3A to %scan3A_1 step %scan3A_2  : i32 {
      %mul3A_100 = arith.constant 1 : i32
      %mul3A_101 = arith.muli %scan3A_99, %mul3A_100 : i32
      %add3A_102 = arith.constant 0 : i32
      %add3A_103 = arith.addi %add3A_102, %mul3A_101 : i32
      %scan3A_104 = arith.constant 0 : i32
      %scan3A_105 = arith.constant 8 : i32
      %scan3A_106 = arith.addi %scan3A_104, %scan3A_105 : i32
      %scan3A_107 = arith.constant 1 : i32
      scf.for %scan3A_109 = %scan3A_104 to %scan3A_106 step %scan3A_107  : i32 {
        %mul3A_110 = arith.constant 1 : i32
        %mul3A_111 = arith.muli %scan3A_109, %mul3A_110 : i32
        %add3A_112 = arith.constant 0 : i32
        %add3A_113 = arith.addi %add3A_112, %mul3A_111 : i32
        %broadcast_in_dim3A = arith.constant 0.000000e+00 : f32
        %broadcast_in_dim3A_114 = vector.broadcast %broadcast_in_dim3A : f32 to vector<16xf32>
        %mul3A_115 = arith.constant 16 : i32
        %mul3A_116 = arith.muli %add3A_113, %mul3A_115 : i32
        %swap3A = arith.index_cast %add3A_103 : i32 to index
        %swap3A_117 = arith.index_cast %mul3A_116 : i32 to index
        %swap3A_118 = tpu.vector_load %arg8[%swap3A, %swap3A_117] {strides = array<i32>} : memref<128x128xf32, #tpu.memory_space<vmem>>, vector<1x16xf32>,
        %swap3A_119 = vector.shape_cast %swap3A_118 : vector<1x16xf32> to vector<16xf32>
        %swap3A_120 = vector.shape_cast %broadcast_in_dim3A_114 : vector<16xf32> to vector<1x16xf32>
        tpu.vector_store %arg8[%swap3A, %swap3A_117], %swap3A_120 {strides = array<i32>} : memref<128x128xf32, #tpu.memory_space<vmem>>, vector<1x16xf32>,
      }
      %scan3A_108 = arith.constant 8 : i32
    }
    %scan3A_3 = arith.constant 128 : i32
    %mul3A = arith.constant 624 : i32
    %mul3A_4 = arith.muli %arg1, %mul3A : i32
    %multiple_of3A = tpu.assume_multiple %mul3A_4, 8 : i32
    %add3A = arith.constant 0 : i32
    %add3A_5 = arith.addi %multiple_of3A, %add3A : i32
    "tpu.region"() ({
      %run_scoped3A = tpu.sem_alloc : memref<!tpu.dma_semaphore, #tpu.memory_space<semaphore_mem>>
      %dma_start3A = arith.constant 0 : i32
      %dma_start3A_99 = arith.constant 0 : i32
      %dma_start3A_100 = tpu.memref_slice %arg8[%dma_start3A, %dma_start3A_99] : memref<128x128xf32, #tpu.memory_space<vmem>> -> memref<128x128xf32, #tpu.memory_space<vmem>>
      %dma_start3A_101 = arith.constant 0 : i32
      %dma_start3A_102 = tpu.memref_slice %arg11[%add3A_5, %dma_start3A_101] : memref<10000x128xf32, #tpu.memory_space<vmem_shared>> -> memref<128x128xf32, #tpu.memory_space<vmem_shared>>
      %dma_start3A_103 = arith.constant 0 : i32
      %dma_start3A_104 = tpu.memref_slice %arg11[%add3A_5, %dma_start3A_103] : memref<10000x128xf32, #tpu.memory_space<vmem_shared>> -> memref<128x128xf32, #tpu.memory_space<vmem_shared>>
      %dma_start3A_105 = arith.constant 0 : i32
      %dma_start3A_106 = arith.constant 0 : i32
      %dma_start3A_107 = tpu.memref_slice %arg8[%dma_start3A_105, %dma_start3A_106] : memref<128x128xf32, #tpu.memory_space<vmem>> -> memref<128x128xf32, #tpu.memory_space<vmem>>
      tpu.enqueue_dma source(%dma_start3A_107 : memref<128x128xf32, #tpu.memory_space<vmem>>) target(%dma_start3A_104 : memref<128x128xf32, #tpu.memory_space<vmem_shared>>) target_semaphore(%run_scoped3A : memref<!tpu.dma_semaphore, #tpu.memory_space<semaphore_mem>>)
      %dma_wait3A = arith.constant 0 : i32
      %dma_wait3A_108 = arith.constant 0 : i32
      %dma_wait3A_109 = tpu.memref_slice %arg8[%dma_wait3A, %dma_wait3A_108] : memref<128x128xf32, #tpu.memory_space<vmem>> -> memref<128x128xf32, #tpu.memory_space<vmem>>
      %dma_wait3A_110 = arith.constant 0 : i32
      %dma_wait3A_111 = tpu.memref_slice %arg11[%add3A_5, %dma_wait3A_110] : memref<10000x128xf32, #tpu.memory_space<vmem_shared>> -> memref<128x128xf32, #tpu.memory_space<vmem_shared>>
      %dma_wait3A_112 = arith.constant 0 : i32
      %dma_wait3A_113 = tpu.memref_slice %arg11[%add3A_5, %dma_wait3A_112] : memref<10000x128xf32, #tpu.memory_space<vmem_shared>> -> memref<128x128xf32, #tpu.memory_space<vmem_shared>>
      %dma_wait3A_114 = arith.constant 0 : i32
      %dma_wait3A_115 = arith.constant 0 : i32
      %dma_wait3A_116 = tpu.memref_slice %arg8[%dma_wait3A_114, %dma_wait3A_115] : memref<128x128xf32, #tpu.memory_space<vmem>> -> memref<128x128xf32, #tpu.memory_space<vmem>>
      tpu.wait_dma2 semaphore(%run_scoped3A : memref<!tpu.dma_semaphore, #tpu.memory_space<semaphore_mem>>) src(%dma_wait3A_116 : memref<128x128xf32, #tpu.memory_space<vmem>>) dst(%dma_wait3A_113 : memref<128x128xf32, #tpu.memory_space<vmem_shared>>)
      tpu.yield
    }) : () -> ()
    %add3A_6 = arith.constant 128 : i32
    %add3A_7 = arith.addi %multiple_of3A, %add3A_6 : i32
    "tpu.region"() ({
      %run_scoped3A = tpu.sem_alloc : memref<!tpu.dma_semaphore, #tpu.memory_space<semaphore_mem>>
      %dma_start3A = arith.constant 0 : i32
      %dma_start3A_99 = arith.constant 0 : i32
      %dma_start3A_100 = tpu.memref_slice %arg8[%dma_start3A, %dma_start3A_99] : memref<128x128xf32, #tpu.memory_space<vmem>> -> memref<128x128xf32, #tpu.memory_space<vmem>>
      %dma_start3A_101 = arith.constant 0 : i32
      %dma_start3A_102 = tpu.memref_slice %arg11[%add3A_7, %dma_start3A_101] : memref<10000x128xf32, #tpu.memory_space<vmem_shared>> -> memref<128x128xf32, #tpu.memory_space<vmem_shared>>
      %dma_start3A_103 = arith.constant 0 : i32
      %dma_start3A_104 = tpu.memref_slice %arg11[%add3A_7, %dma_start3A_103] : memref<10000x128xf32, #tpu.memory_space<vmem_shared>> -> memref<128x128xf32, #tpu.memory_space<vmem_shared>>
      %dma_start3A_105 = arith.constant 0 : i32
      %dma_start3A_106 = arith.constant 0 : i32
      %dma_start3A_107 = tpu.memref_slice %arg8[%dma_start3A_105, %dma_start3A_106] : memref<128x128xf32, #tpu.memory_space<vmem>> -> memref<128x128xf32, #tpu.memory_space<vmem>>
      tpu.enqueue_dma source(%dma_start3A_107 : memref<128x128xf32, #tpu.memory_space<vmem>>) target(%dma_start3A_104 : memref<128x128xf32, #tpu.memory_space<vmem_shared>>) target_semaphore(%run_scoped3A : memref<!tpu.dma_semaphore, #tpu.memory_space<semaphore_mem>>)
      %dma_wait3A = arith.constant 0 : i32
      %dma_wait3A_108 = arith.constant 0 : i32
      %dma_wait3A_109 = tpu.memref_slice %arg8[%dma_wait3A, %dma_wait3A_108] : memref<128x128xf32, #tpu.memory_space<vmem>> -> memref<128x128xf32, #tpu.memory_space<vmem>>
      %dma_wait3A_110 = arith.constant 0 : i32
      %dma_wait3A_111 = tpu.memref_slice %arg11[%add3A_7, %dma_wait3A_110] : memref<10000x128xf32, #tpu.memory_space<vmem_shared>> -> memref<128x128xf32, #tpu.memory_space<vmem_shared>>
      %dma_wait3A_112 = arith.constant 0 : i32
      %dma_wait3A_113 = tpu.memref_slice %arg11[%add3A_7, %dma_wait3A_112] : memref<10000x128xf32, #tpu.memory_space<vmem_shared>> -> memref<128x128xf32, #tpu.memory_space<vmem_shared>>
      %dma_wait3A_114 = arith.constant 0 : i32
      %dma_wait3A_115 = arith.constant 0 : i32
      %dma_wait3A_116 = tpu.memref_slice %arg8[%dma_wait3A_114, %dma_wait3A_115] : memref<128x128xf32, #tpu.memory_space<vmem>> -> memref<128x128xf32, #tpu.memory_space<vmem>>
      tpu.wait_dma2 semaphore(%run_scoped3A : memref<!tpu.dma_semaphore, #tpu.memory_space<semaphore_mem>>) src(%dma_wait3A_116 : memref<128x128xf32, #tpu.memory_space<vmem>>) dst(%dma_wait3A_113 : memref<128x128xf32, #tpu.memory_space<vmem_shared>>)
      tpu.yield
    }) : () -> ()
    %add3A_8 = arith.constant 256 : i32
    %add3A_9 = arith.addi %multiple_of3A, %add3A_8 : i32
    "tpu.region"() ({
      %run_scoped3A = tpu.sem_alloc : memref<!tpu.dma_semaphore, #tpu.memory_space<semaphore_mem>>
      %dma_start3A = arith.constant 0 : i32
      %dma_start3A_99 = arith.constant 0 : i32
      %dma_start3A_100 = tpu.memref_slice %arg8[%dma_start3A, %dma_start3A_99] : memref<128x128xf32, #tpu.memory_space<vmem>> -> memref<128x128xf32, #tpu.memory_space<vmem>>
      %dma_start3A_101 = arith.constant 0 : i32
      %dma_start3A_102 = tpu.memref_slice %arg11[%add3A_9, %dma_start3A_101] : memref<10000x128xf32, #tpu.memory_space<vmem_shared>> -> memref<128x128xf32, #tpu.memory_space<vmem_shared>>
      %dma_start3A_103 = arith.constant 0 : i32
      %dma_start3A_104 = tpu.memref_slice %arg11[%add3A_9, %dma_start3A_103] : memref<10000x128xf32, #tpu.memory_space<vmem_shared>> -> memref<128x128xf32, #tpu.memory_space<vmem_shared>>
      %dma_start3A_105 = arith.constant 0 : i32
      %dma_start3A_106 = arith.constant 0 : i32
      %dma_start3A_107 = tpu.memref_slice %arg8[%dma_start3A_105, %dma_start3A_106] : memref<128x128xf32, #tpu.memory_space<vmem>> -> memref<128x128xf32, #tpu.memory_space<vmem>>
      tpu.enqueue_dma source(%dma_start3A_107 : memref<128x128xf32, #tpu.memory_space<vmem>>) target(%dma_start3A_104 : memref<128x128xf32, #tpu.memory_space<vmem_shared>>) target_semaphore(%run_scoped3A : memref<!tpu.dma_semaphore, #tpu.memory_space<semaphore_mem>>)
      %dma_wait3A = arith.constant 0 : i32
      %dma_wait3A_108 = arith.constant 0 : i32
      %dma_wait3A_109 = tpu.memref_slice %arg8[%dma_wait3A, %dma_wait3A_108] : memref<128x128xf32, #tpu.memory_space<vmem>> -> memref<128x128xf32, #tpu.memory_space<vmem>>
      %dma_wait3A_110 = arith.constant 0 : i32
      %dma_wait3A_111 = tpu.memref_slice %arg11[%add3A_9, %dma_wait3A_110] : memref<10000x128xf32, #tpu.memory_space<vmem_shared>> -> memref<128x128xf32, #tpu.memory_space<vmem_shared>>
      %dma_wait3A_112 = arith.constant 0 : i32
      %dma_wait3A_113 = tpu.memref_slice %arg11[%add3A_9, %dma_wait3A_112] : memref<10000x128xf32, #tpu.memory_space<vmem_shared>> -> memref<128x128xf32, #tpu.memory_space<vmem_shared>>
      %dma_wait3A_114 = arith.constant 0 : i32
      %dma_wait3A_115 = arith.constant 0 : i32
      %dma_wait3A_116 = tpu.memref_slice %arg8[%dma_wait3A_114, %dma_wait3A_115] : memref<128x128xf32, #tpu.memory_space<vmem>> -> memref<128x128xf32, #tpu.memory_space<vmem>>
      tpu.wait_dma2 semaphore(%run_scoped3A : memref<!tpu.dma_semaphore, #tpu.memory_space<semaphore_mem>>) src(%dma_wait3A_116 : memref<128x128xf32, #tpu.memory_space<vmem>>) dst(%dma_wait3A_113 : memref<128x128xf32, #tpu.memory_space<vmem_shared>>)
      tpu.yield
    }) : () -> ()
    %add3A_10 = arith.constant 384 : i32
    %add3A_11 = arith.addi %multiple_of3A, %add3A_10 : i32
    "tpu.region"() ({
      %run_scoped3A = tpu.sem_alloc : memref<!tpu.dma_semaphore, #tpu.memory_space<semaphore_mem>>
      %dma_start3A = arith.constant 0 : i32
      %dma_start3A_99 = arith.constant 0 : i32
      %dma_start3A_100 = tpu.memref_slice %arg8[%dma_start3A, %dma_start3A_99] : memref<128x128xf32, #tpu.memory_space<vmem>> -> memref<128x128xf32, #tpu.memory_space<vmem>>
      %dma_start3A_101 = arith.constant 0 : i32
      %dma_start3A_102 = tpu.memref_slice %arg11[%add3A_11, %dma_start3A_101] : memref<10000x128xf32, #tpu.memory_space<vmem_shared>> -> memref<128x128xf32, #tpu.memory_space<vmem_shared>>
      %dma_start3A_103 = arith.constant 0 : i32
      %dma_start3A_104 = tpu.memref_slice %arg11[%add3A_11, %dma_start3A_103] : memref<10000x128xf32, #tpu.memory_space<vmem_shared>> -> memref<128x128xf32, #tpu.memory_space<vmem_shared>>
      %dma_start3A_105 = arith.constant 0 : i32
      %dma_start3A_106 = arith.constant 0 : i32
      %dma_start3A_107 = tpu.memref_slice %arg8[%dma_start3A_105, %dma_start3A_106] : memref<128x128xf32, #tpu.memory_space<vmem>> -> memref<128x128xf32, #tpu.memory_space<vmem>>
      tpu.enqueue_dma source(%dma_start3A_107 : memref<128x128xf32, #tpu.memory_space<vmem>>) target(%dma_start3A_104 : memref<128x128xf32, #tpu.memory_space<vmem_shared>>) target_semaphore(%run_scoped3A : memref<!tpu.dma_semaphore, #tpu.memory_space<semaphore_mem>>)
      %dma_wait3A = arith.constant 0 : i32
      %dma_wait3A_108 = arith.constant 0 : i32
      %dma_wait3A_109 = tpu.memref_slice %arg8[%dma_wait3A, %dma_wait3A_108] : memref<128x128xf32, #tpu.memory_space<vmem>> -> memref<128x128xf32, #tpu.memory_space<vmem>>
      %dma_wait3A_110 = arith.constant 0 : i32
      %dma_wait3A_111 = tpu.memref_slice %arg11[%add3A_11, %dma_wait3A_110] : memref<10000x128xf32, #tpu.memory_space<vmem_shared>> -> memref<128x128xf32, #tpu.memory_space<vmem_shared>>
      %dma_wait3A_112 = arith.constant 0 : i32
      %dma_wait3A_113 = tpu.memref_slice %arg11[%add3A_11, %dma_wait3A_112] : memref<10000x128xf32, #tpu.memory_space<vmem_shared>> -> memref<128x128xf32, #tpu.memory_space<vmem_shared>>
      %dma_wait3A_114 = arith.constant 0 : i32
      %dma_wait3A_115 = arith.constant 0 : i32
      %dma_wait3A_116 = tpu.memref_slice %arg8[%dma_wait3A_114, %dma_wait3A_115] : memref<128x128xf32, #tpu.memory_space<vmem>> -> memref<128x128xf32, #tpu.memory_space<vmem>>
      tpu.wait_dma2 semaphore(%run_scoped3A : memref<!tpu.dma_semaphore, #tpu.memory_space<semaphore_mem>>) src(%dma_wait3A_116 : memref<128x128xf32, #tpu.memory_space<vmem>>) dst(%dma_wait3A_113 : memref<128x128xf32, #tpu.memory_space<vmem_shared>>)
      tpu.yield
    }) : () -> ()
    %add3A_12 = arith.constant 512 : i32
    %add3A_13 = arith.addi %multiple_of3A, %add3A_12 : i32
    "tpu.region"() ({
      %run_scoped3A = tpu.sem_alloc : memref<!tpu.dma_semaphore, #tpu.memory_space<semaphore_mem>>
      %dma_start3A = arith.constant 0 : i32
      %dma_start3A_99 = arith.constant 0 : i32
      %dma_start3A_100 = tpu.memref_slice %arg8[%dma_start3A, %dma_start3A_99] : memref<128x128xf32, #tpu.memory_space<vmem>> -> memref<112x128xf32, #tpu.memory_space<vmem>>
      %dma_start3A_101 = arith.constant 0 : i32
      %dma_start3A_102 = tpu.memref_slice %arg11[%add3A_13, %dma_start3A_101] : memref<10000x128xf32, #tpu.memory_space<vmem_shared>> -> memref<112x128xf32, #tpu.memory_space<vmem_shared>>
      %dma_start3A_103 = arith.constant 0 : i32
      %dma_start3A_104 = tpu.memref_slice %arg11[%add3A_13, %dma_start3A_103] : memref<10000x128xf32, #tpu.memory_space<vmem_shared>> -> memref<112x128xf32, #tpu.memory_space<vmem_shared>>
      %dma_start3A_105 = arith.constant 0 : i32
      %dma_start3A_106 = arith.constant 0 : i32
      %dma_start3A_107 = tpu.memref_slice %arg8[%dma_start3A_105, %dma_start3A_106] : memref<128x128xf32, #tpu.memory_space<vmem>> -> memref<112x128xf32, #tpu.memory_space<vmem>>
      tpu.enqueue_dma source(%dma_start3A_107 : memref<112x128xf32, #tpu.memory_space<vmem>>) target(%dma_start3A_104 : memref<112x128xf32, #tpu.memory_space<vmem_shared>>) target_semaphore(%run_scoped3A : memref<!tpu.dma_semaphore, #tpu.memory_space<semaphore_mem>>)
      %dma_wait3A = arith.constant 0 : i32
      %dma_wait3A_108 = arith.constant 0 : i32
      %dma_wait3A_109 = tpu.memref_slice %arg8[%dma_wait3A, %dma_wait3A_108] : memref<128x128xf32, #tpu.memory_space<vmem>> -> memref<112x128xf32, #tpu.memory_space<vmem>>
      %dma_wait3A_110 = arith.constant 0 : i32
      %dma_wait3A_111 = tpu.memref_slice %arg11[%add3A_13, %dma_wait3A_110] : memref<10000x128xf32, #tpu.memory_space<vmem_shared>> -> memref<112x128xf32, #tpu.memory_space<vmem_shared>>
      %dma_wait3A_112 = arith.constant 0 : i32
      %dma_wait3A_113 = tpu.memref_slice %arg11[%add3A_13, %dma_wait3A_112] : memref<10000x128xf32, #tpu.memory_space<vmem_shared>> -> memref<112x128xf32, #tpu.memory_space<vmem_shared>>
      %dma_wait3A_114 = arith.constant 0 : i32
      %dma_wait3A_115 = arith.constant 0 : i32
      %dma_wait3A_116 = tpu.memref_slice %arg8[%dma_wait3A_114, %dma_wait3A_115] : memref<128x128xf32, #tpu.memory_space<vmem>> -> memref<112x128xf32, #tpu.memory_space<vmem>>
      tpu.wait_dma2 semaphore(%run_scoped3A : memref<!tpu.dma_semaphore, #tpu.memory_space<semaphore_mem>>) src(%dma_wait3A_116 : memref<112x128xf32, #tpu.memory_space<vmem>>) dst(%dma_wait3A_113 : memref<112x128xf32, #tpu.memory_space<vmem_shared>>)
      tpu.yield
    }) : () -> ()
    %eq3A = arith.constant 0 : i32
    %eq3A_14 = arith.cmpi eq, %arg1, %eq3A : i32
    %convert_element_type3A = arith.extui %eq3A_14 : i1 to i32
    %cond3A = arith.constant 0 : i32
    %cond3A_15 = arith.cmpi ne, %convert_element_type3A, %cond3A : i32
    scf.if %cond3A_15 {
      %multiple_of3A_99 = arith.constant 9984 : i32
      %multiple_of3A_100 = tpu.assume_multiple %multiple_of3A_99, 8 : i32
      "tpu.region"() ({
        %run_scoped3A = tpu.sem_alloc : memref<!tpu.dma_semaphore, #tpu.memory_space<semaphore_mem>>
        %dma_start3A = arith.constant 0 : i32
        %dma_start3A_101 = arith.constant 0 : i32
        %dma_start3A_102 = tpu.memref_slice %arg8[%dma_start3A, %dma_start3A_101] : memref<128x128xf32, #tpu.memory_space<vmem>> -> memref<16x128xf32, #tpu.memory_space<vmem>>
        %dma_start3A_103 = arith.constant 0 : i32
        %dma_start3A_104 = tpu.memref_slice %arg11[%multiple_of3A_100, %dma_start3A_103] : memref<10000x128xf32, #tpu.memory_space<vmem_shared>> -> memref<16x128xf32, #tpu.memory_space<vmem_shared>>
        %dma_start3A_105 = arith.constant 0 : i32
        %dma_start3A_106 = tpu.memref_slice %arg11[%multiple_of3A_100, %dma_start3A_105] : memref<10000x128xf32, #tpu.memory_space<vmem_shared>> -> memref<16x128xf32, #tpu.memory_space<vmem_shared>>
        %dma_start3A_107 = arith.constant 0 : i32
        %dma_start3A_108 = arith.constant 0 : i32
        %dma_start3A_109 = tpu.memref_slice %arg8[%dma_start3A_107, %dma_start3A_108] : memref<128x128xf32, #tpu.memory_space<vmem>> -> memref<16x128xf32, #tpu.memory_space<vmem>>
        tpu.enqueue_dma source(%dma_start3A_109 : memref<16x128xf32, #tpu.memory_space<vmem>>) target(%dma_start3A_106 : memref<16x128xf32, #tpu.memory_space<vmem_shared>>) target_semaphore(%run_scoped3A : memref<!tpu.dma_semaphore, #tpu.memory_space<semaphore_mem>>)
        %dma_wait3A = arith.constant 0 : i32
        %dma_wait3A_110 = arith.constant 0 : i32
        %dma_wait3A_111 = tpu.memref_slice %arg8[%dma_wait3A, %dma_wait3A_110] : memref<128x128xf32, #tpu.memory_space<vmem>> -> memref<16x128xf32, #tpu.memory_space<vmem>>
        %dma_wait3A_112 = arith.constant 0 : i32
        %dma_wait3A_113 = tpu.memref_slice %arg11[%multiple_of3A_100, %dma_wait3A_112] : memref<10000x128xf32, #tpu.memory_space<vmem_shared>> -> memref<16x128xf32, #tpu.memory_space<vmem_shared>>
        %dma_wait3A_114 = arith.constant 0 : i32
        %dma_wait3A_115 = tpu.memref_slice %arg11[%multiple_of3A_100, %dma_wait3A_114] : memref<10000x128xf32, #tpu.memory_space<vmem_shared>> -> memref<16x128xf32, #tpu.memory_space<vmem_shared>>
        %dma_wait3A_116 = arith.constant 0 : i32
        %dma_wait3A_117 = arith.constant 0 : i32
        %dma_wait3A_118 = tpu.memref_slice %arg8[%dma_wait3A_116, %dma_wait3A_117] : memref<128x128xf32, #tpu.memory_space<vmem>> -> memref<16x128xf32, #tpu.memory_space<vmem>>
        tpu.wait_dma2 semaphore(%run_scoped3A : memref<!tpu.dma_semaphore, #tpu.memory_space<semaphore_mem>>) src(%dma_wait3A_118 : memref<16x128xf32, #tpu.memory_space<vmem>>) dst(%dma_wait3A_115 : memref<16x128xf32, #tpu.memory_space<vmem_shared>>)
        tpu.yield
      }) : () -> ()
    } else {
    }
    %mul3A_16 = arith.constant 1250 : i32
    %mul3A_17 = arith.muli %arg0, %mul3A_16 : i32
    %mul3A_18 = arith.constant 78 : i32
    %mul3A_19 = arith.muli %arg1, %mul3A_18 : i32
    %add3A_20 = arith.addi %mul3A_17, %mul3A_19 : i32
    %min3A = arith.constant 2 : i32
    %min3A_21 = arith.minsi %arg1, %min3A : i32
    %add3A_22 = arith.addi %add3A_20, %min3A_21 : i32
    %lt3A = arith.constant 2 : i32
    %lt3A_23 = arith.cmpi slt, %arg1, %lt3A : i32
    %jit3A = arith.constant 1 : i32
    %jit3A_24 = arith.constant 0 : i32
    %select_n3A = arith.select %lt3A_23, %jit3A, %jit3A_24 : i32
    %add3A_25 = arith.constant 78 : i32
    %add3A_26 = arith.addi %add3A_25, %select_n3A : i32
    %mul3A_27 = arith.constant 128 : i32
    %mul3A_28 = arith.muli %add3A_22, %mul3A_27 : i32
    %gt3A = arith.constant 0 : i32
    %gt3A_29 = arith.cmpi sgt, %add3A_26, %gt3A : i32
    %convert_element_type3A_30 = arith.extui %gt3A_29 : i1 to i32
    %cond3A_31 = arith.constant 0 : i32
    %cond3A_32 = arith.cmpi ne, %convert_element_type3A_30, %cond3A_31 : i32
    scf.if %cond3A_32 {
      %add3A_99 = arith.constant 0 : i32
      %add3A_100 = arith.addi %mul3A_28, %add3A_99 : i32
      %add3A_101 = arith.constant 0 : i32
      %add3A_102 = arith.addi %mul3A_28, %add3A_101 : i32
      %rem3A = arith.constant 0 : i32
      %rem3A_103 = arith.constant 6 : i32
      %rem3A_104 = arith.remsi %rem3A, %rem3A_103 : i32
      %dma_start3A = arith.constant 0 : i32
      %dma_start3A_105 = arith.constant 0 : i32
      %dma_start3A_106 = tpu.memref_slice %arg6[%dma_start3A, %dma_start3A_105] : memref<3x128xi32, #tpu.memory_space<vmem>> -> memref<1x128xi32, #tpu.memory_space<vmem>>
      %dma_start3A_107 = tpu.memref_squeeze %dma_start3A_106 : memref<1x128xi32, #tpu.memory_space<vmem>> -> memref<128xi32, #tpu.memory_space<vmem>>
      %dma_start3A_108 = tpu.memref_slice %arg3[%add3A_100] : memref<320000xi32, #tpu.memory_space<hbm>> -> memref<128xi32, #tpu.memory_space<hbm>>
      %dma_start3A_109 = arith.constant 0 : i32
      %dma_start3A_110 = tpu.memref_slice %arg6[%dma_start3A, %dma_start3A_109] : memref<3x128xi32, #tpu.memory_space<vmem>> -> memref<1x128xi32, #tpu.memory_space<vmem>>
      %dma_start3A_111 = tpu.memref_squeeze %dma_start3A_110 : memref<1x128xi32, #tpu.memory_space<vmem>> -> memref<128xi32, #tpu.memory_space<vmem>>
      %dma_start3A_112 = tpu.memref_slice %arg3[%add3A_100] : memref<320000xi32, #tpu.memory_space<hbm>> -> memref<128xi32, #tpu.memory_space<hbm>>
      tpu.enqueue_dma source(%dma_start3A_112 : memref<128xi32, #tpu.memory_space<hbm>>) target(%dma_start3A_111 : memref<128xi32, #tpu.memory_space<vmem>>) target_semaphore(%arg15 : memref<!tpu.dma_semaphore, #tpu.memory_space<semaphore_mem>>)
      %dma_start3A_113 = arith.constant 0 : i32
      %dma_start3A_114 = tpu.memref_slice %arg7[%rem3A_104, %dma_start3A_113] : memref<6x128xi32, #tpu.memory_space<vmem>> -> memref<1x128xi32, #tpu.memory_space<vmem>>
      %dma_start3A_115 = tpu.memref_squeeze %dma_start3A_114 : memref<1x128xi32, #tpu.memory_space<vmem>> -> memref<128xi32, #tpu.memory_space<vmem>>
      %dma_start3A_116 = tpu.memref_slice %arg4[%add3A_102] : memref<320000xi32, #tpu.memory_space<hbm>> -> memref<128xi32, #tpu.memory_space<hbm>>
      %dma_start3A_117 = arith.constant 0 : i32
      %dma_start3A_118 = tpu.memref_slice %arg7[%rem3A_104, %dma_start3A_117] : memref<6x128xi32, #tpu.memory_space<vmem>> -> memref<1x128xi32, #tpu.memory_space<vmem>>
      %dma_start3A_119 = tpu.memref_squeeze %dma_start3A_118 : memref<1x128xi32, #tpu.memory_space<vmem>> -> memref<128xi32, #tpu.memory_space<vmem>>
      %dma_start3A_120 = tpu.memref_slice %arg4[%add3A_102] : memref<320000xi32, #tpu.memory_space<hbm>> -> memref<128xi32, #tpu.memory_space<hbm>>
      tpu.enqueue_dma source(%dma_start3A_120 : memref<128xi32, #tpu.memory_space<hbm>>) target(%dma_start3A_119 : memref<128xi32, #tpu.memory_space<vmem>>) target_semaphore(%arg15 : memref<!tpu.dma_semaphore, #tpu.memory_space<semaphore_mem>>)
    } else {
    }
    %gt3A_33 = arith.constant 1 : i32
    %gt3A_34 = arith.cmpi sgt, %add3A_26, %gt3A_33 : i32
    %convert_element_type3A_35 = arith.extui %gt3A_34 : i1 to i32
    %cond3A_36 = arith.constant 0 : i32
    %cond3A_37 = arith.cmpi ne, %convert_element_type3A_35, %cond3A_36 : i32
    scf.if %cond3A_37 {
      %add3A_99 = arith.constant 128 : i32
      %add3A_100 = arith.addi %mul3A_28, %add3A_99 : i32
      %add3A_101 = arith.constant 128 : i32
      %add3A_102 = arith.addi %mul3A_28, %add3A_101 : i32
      %rem3A = arith.constant 1 : i32
      %rem3A_103 = arith.constant 6 : i32
      %rem3A_104 = arith.remsi %rem3A, %rem3A_103 : i32
      %dma_start3A = arith.constant 1 : i32
      %dma_start3A_105 = arith.constant 0 : i32
      %dma_start3A_106 = tpu.memref_slice %arg6[%dma_start3A, %dma_start3A_105] : memref<3x128xi32, #tpu.memory_space<vmem>> -> memref<1x128xi32, #tpu.memory_space<vmem>>
      %dma_start3A_107 = tpu.memref_squeeze %dma_start3A_106 : memref<1x128xi32, #tpu.memory_space<vmem>> -> memref<128xi32, #tpu.memory_space<vmem>>
      %dma_start3A_108 = tpu.memref_slice %arg3[%add3A_100] : memref<320000xi32, #tpu.memory_space<hbm>> -> memref<128xi32, #tpu.memory_space<hbm>>
      %dma_start3A_109 = arith.constant 0 : i32
      %dma_start3A_110 = tpu.memref_slice %arg6[%dma_start3A, %dma_start3A_109] : memref<3x128xi32, #tpu.memory_space<vmem>> -> memref<1x128xi32, #tpu.memory_space<vmem>>
      %dma_start3A_111 = tpu.memref_squeeze %dma_start3A_110 : memref<1x128xi32, #tpu.memory_space<vmem>> -> memref<128xi32, #tpu.memory_space<vmem>>
      %dma_start3A_112 = tpu.memref_slice %arg3[%add3A_100] : memref<320000xi32, #tpu.memory_space<hbm>> -> memref<128xi32, #tpu.memory_space<hbm>>
      tpu.enqueue_dma source(%dma_start3A_112 : memref<128xi32, #tpu.memory_space<hbm>>) target(%dma_start3A_111 : memref<128xi32, #tpu.memory_space<vmem>>) target_semaphore(%arg16 : memref<!tpu.dma_semaphore, #tpu.memory_space<semaphore_mem>>)
      %dma_start3A_113 = arith.constant 0 : i32
      %dma_start3A_114 = tpu.memref_slice %arg7[%rem3A_104, %dma_start3A_113] : memref<6x128xi32, #tpu.memory_space<vmem>> -> memref<1x128xi32, #tpu.memory_space<vmem>>
      %dma_start3A_115 = tpu.memref_squeeze %dma_start3A_114 : memref<1x128xi32, #tpu.memory_space<vmem>> -> memref<128xi32, #tpu.memory_space<vmem>>
      %dma_start3A_116 = tpu.memref_slice %arg4[%add3A_102] : memref<320000xi32, #tpu.memory_space<hbm>> -> memref<128xi32, #tpu.memory_space<hbm>>
      %dma_start3A_117 = arith.constant 0 : i32
      %dma_start3A_118 = tpu.memref_slice %arg7[%rem3A_104, %dma_start3A_117] : memref<6x128xi32, #tpu.memory_space<vmem>> -> memref<1x128xi32, #tpu.memory_space<vmem>>
      %dma_start3A_119 = tpu.memref_squeeze %dma_start3A_118 : memref<1x128xi32, #tpu.memory_space<vmem>> -> memref<128xi32, #tpu.memory_space<vmem>>
      %dma_start3A_120 = tpu.memref_slice %arg4[%add3A_102] : memref<320000xi32, #tpu.memory_space<hbm>> -> memref<128xi32, #tpu.memory_space<hbm>>
      tpu.enqueue_dma source(%dma_start3A_120 : memref<128xi32, #tpu.memory_space<hbm>>) target(%dma_start3A_119 : memref<128xi32, #tpu.memory_space<vmem>>) target_semaphore(%arg16 : memref<!tpu.dma_semaphore, #tpu.memory_space<semaphore_mem>>)
    } else {
    }
    %gt3A_38 = arith.constant 2 : i32
    %gt3A_39 = arith.cmpi sgt, %add3A_26, %gt3A_38 : i32
    %convert_element_type3A_40 = arith.extui %gt3A_39 : i1 to i32
    %cond3A_41 = arith.constant 0 : i32
    %cond3A_42 = arith.cmpi ne, %convert_element_type3A_40, %cond3A_41 : i32
    scf.if %cond3A_42 {
      %add3A_99 = arith.constant 256 : i32
      %add3A_100 = arith.addi %mul3A_28, %add3A_99 : i32
      %add3A_101 = arith.constant 256 : i32
      %add3A_102 = arith.addi %mul3A_28, %add3A_101 : i32
      %rem3A = arith.constant 2 : i32
      %rem3A_103 = arith.constant 6 : i32
      %rem3A_104 = arith.remsi %rem3A, %rem3A_103 : i32
      %dma_start3A = arith.constant 2 : i32
      %dma_start3A_105 = arith.constant 0 : i32
      %dma_start3A_106 = tpu.memref_slice %arg6[%dma_start3A, %dma_start3A_105] : memref<3x128xi32, #tpu.memory_space<vmem>> -> memref<1x128xi32, #tpu.memory_space<vmem>>
      %dma_start3A_107 = tpu.memref_squeeze %dma_start3A_106 : memref<1x128xi32, #tpu.memory_space<vmem>> -> memref<128xi32, #tpu.memory_space<vmem>>
      %dma_start3A_108 = tpu.memref_slice %arg3[%add3A_100] : memref<320000xi32, #tpu.memory_space<hbm>> -> memref<128xi32, #tpu.memory_space<hbm>>
      %dma_start3A_109 = arith.constant 0 : i32
      %dma_start3A_110 = tpu.memref_slice %arg6[%dma_start3A, %dma_start3A_109] : memref<3x128xi32, #tpu.memory_space<vmem>> -> memref<1x128xi32, #tpu.memory_space<vmem>>
      %dma_start3A_111 = tpu.memref_squeeze %dma_start3A_110 : memref<1x128xi32, #tpu.memory_space<vmem>> -> memref<128xi32, #tpu.memory_space<vmem>>
      %dma_start3A_112 = tpu.memref_slice %arg3[%add3A_100] : memref<320000xi32, #tpu.memory_space<hbm>> -> memref<128xi32, #tpu.memory_space<hbm>>
      tpu.enqueue_dma source(%dma_start3A_112 : memref<128xi32, #tpu.memory_space<hbm>>) target(%dma_start3A_111 : memref<128xi32, #tpu.memory_space<vmem>>) target_semaphore(%arg17 : memref<!tpu.dma_semaphore, #tpu.memory_space<semaphore_mem>>)
      %dma_start3A_113 = arith.constant 0 : i32
      %dma_start3A_114 = tpu.memref_slice %arg7[%rem3A_104, %dma_start3A_113] : memref<6x128xi32, #tpu.memory_space<vmem>> -> memref<1x128xi32, #tpu.memory_space<vmem>>
      %dma_start3A_115 = tpu.memref_squeeze %dma_start3A_114 : memref<1x128xi32, #tpu.memory_space<vmem>> -> memref<128xi32, #tpu.memory_space<vmem>>
      %dma_start3A_116 = tpu.memref_slice %arg4[%add3A_102] : memref<320000xi32, #tpu.memory_space<hbm>> -> memref<128xi32, #tpu.memory_space<hbm>>
      %dma_start3A_117 = arith.constant 0 : i32
      %dma_start3A_118 = tpu.memref_slice %arg7[%rem3A_104, %dma_start3A_117] : memref<6x128xi32, #tpu.memory_space<vmem>> -> memref<1x128xi32, #tpu.memory_space<vmem>>
      %dma_start3A_119 = tpu.memref_squeeze %dma_start3A_118 : memref<1x128xi32, #tpu.memory_space<vmem>> -> memref<128xi32, #tpu.memory_space<vmem>>
      %dma_start3A_120 = tpu.memref_slice %arg4[%add3A_102] : memref<320000xi32, #tpu.memory_space<hbm>> -> memref<128xi32, #tpu.memory_space<hbm>>
      tpu.enqueue_dma source(%dma_start3A_120 : memref<128xi32, #tpu.memory_space<hbm>>) target(%dma_start3A_119 : memref<128xi32, #tpu.memory_space<vmem>>) target_semaphore(%arg17 : memref<!tpu.dma_semaphore, #tpu.memory_space<semaphore_mem>>)
    } else {
    }
    %gt3A_43 = arith.constant 0 : i32
    %gt3A_44 = arith.cmpi sgt, %add3A_26, %gt3A_43 : i32
    %convert_element_type3A_45 = arith.extui %gt3A_44 : i1 to i32
    %cond3A_46 = arith.constant 0 : i32
    %cond3A_47 = arith.cmpi ne, %convert_element_type3A_45, %cond3A_46 : i32
    scf.if %cond3A_47 {
      %add3A_99 = arith.constant 0 : i32
      %add3A_100 = arith.addi %mul3A_28, %add3A_99 : i32
      %add3A_101 = arith.constant 0 : i32
      %add3A_102 = arith.addi %mul3A_28, %add3A_101 : i32
      %rem3A = arith.constant 0 : i32
      %rem3A_103 = arith.constant 6 : i32
      %rem3A_104 = arith.remsi %rem3A, %rem3A_103 : i32
      %dma_wait3A = arith.constant 0 : i32
      %dma_wait3A_105 = arith.constant 0 : i32
      %dma_wait3A_106 = tpu.memref_slice %arg6[%dma_wait3A, %dma_wait3A_105] : memref<3x128xi32, #tpu.memory_space<vmem>> -> memref<1x128xi32, #tpu.memory_space<vmem>>
      %dma_wait3A_107 = tpu.memref_squeeze %dma_wait3A_106 : memref<1x128xi32, #tpu.memory_space<vmem>> -> memref<128xi32, #tpu.memory_space<vmem>>
      %dma_wait3A_108 = tpu.memref_slice %arg3[%add3A_100] : memref<320000xi32, #tpu.memory_space<hbm>> -> memref<128xi32, #tpu.memory_space<hbm>>
      %dma_wait3A_109 = arith.constant 0 : i32
      %dma_wait3A_110 = tpu.memref_slice %arg6[%dma_wait3A, %dma_wait3A_109] : memref<3x128xi32, #tpu.memory_space<vmem>> -> memref<1x128xi32, #tpu.memory_space<vmem>>
      %dma_wait3A_111 = tpu.memref_squeeze %dma_wait3A_110 : memref<1x128xi32, #tpu.memory_space<vmem>> -> memref<128xi32, #tpu.memory_space<vmem>>
      %dma_wait3A_112 = tpu.memref_slice %arg3[%add3A_100] : memref<320000xi32, #tpu.memory_space<hbm>> -> memref<128xi32, #tpu.memory_space<hbm>>
      tpu.wait_dma2 semaphore(%arg15 : memref<!tpu.dma_semaphore, #tpu.memory_space<semaphore_mem>>) src(%dma_wait3A_112 : memref<128xi32, #tpu.memory_space<hbm>>) dst(%dma_wait3A_111 : memref<128xi32, #tpu.memory_space<vmem>>)
      %dma_wait3A_113 = arith.constant 0 : i32
      %dma_wait3A_114 = tpu.memref_slice %arg7[%rem3A_104, %dma_wait3A_113] : memref<6x128xi32, #tpu.memory_space<vmem>> -> memref<1x128xi32, #tpu.memory_space<vmem>>
      %dma_wait3A_115 = tpu.memref_squeeze %dma_wait3A_114 : memref<1x128xi32, #tpu.memory_space<vmem>> -> memref<128xi32, #tpu.memory_space<vmem>>
      %dma_wait3A_116 = tpu.memref_slice %arg4[%add3A_102] : memref<320000xi32, #tpu.memory_space<hbm>> -> memref<128xi32, #tpu.memory_space<hbm>>
      %dma_wait3A_117 = arith.constant 0 : i32
      %dma_wait3A_118 = tpu.memref_slice %arg7[%rem3A_104, %dma_wait3A_117] : memref<6x128xi32, #tpu.memory_space<vmem>> -> memref<1x128xi32, #tpu.memory_space<vmem>>
      %dma_wait3A_119 = tpu.memref_squeeze %dma_wait3A_118 : memref<1x128xi32, #tpu.memory_space<vmem>> -> memref<128xi32, #tpu.memory_space<vmem>>
      %dma_wait3A_120 = tpu.memref_slice %arg4[%add3A_102] : memref<320000xi32, #tpu.memory_space<hbm>> -> memref<128xi32, #tpu.memory_space<hbm>>
      tpu.wait_dma2 semaphore(%arg15 : memref<!tpu.dma_semaphore, #tpu.memory_space<semaphore_mem>>) src(%dma_wait3A_120 : memref<128xi32, #tpu.memory_space<hbm>>) dst(%dma_wait3A_119 : memref<128xi32, #tpu.memory_space<vmem>>)
      %dma_start3A = arith.constant 0 : i32
      %dma_start3A_121 = arith.constant 0 : i32
      %dma_start3A_122 = tpu.memref_slice %arg6[%dma_start3A, %dma_start3A_121] : memref<3x128xi32, #tpu.memory_space<vmem>> -> memref<1x128xi32, #tpu.memory_space<vmem>>
      %dma_start3A_123 = tpu.memref_squeeze %dma_start3A_122 : memref<1x128xi32, #tpu.memory_space<vmem>> -> memref<128xi32, #tpu.memory_space<vmem>>
      %dma_start3A_124 = arith.constant 0 : i32
      %dma_start3A_125 = arith.constant 0 : i32
      %dma_start3A_126 = tpu.memref_slice %arg2[%dma_start3A_124, %dma_start3A_125] : memref<10000x128xf32, #tpu.memory_space<hbm>> -> memref<10000x128xf32, #tpu.memory_space<hbm>>
      tpu.enqueue_indirect_dma source(%dma_start3A_126 : memref<10000x128xf32, #tpu.memory_space<hbm>>) target(%arg8 : memref<128x128xf32, #tpu.memory_space<vmem>>) offsets(%dma_start3A_123 : memref<128xi32, #tpu.memory_space<vmem>>) semaphore(%arg12 : memref<!tpu.dma_semaphore, #tpu.memory_space<semaphore_mem>>)
    } else {
    }
    %gt3A_48 = arith.constant 1 : i32
    %gt3A_49 = arith.cmpi sgt, %add3A_26, %gt3A_48 : i32
    %convert_element_type3A_50 = arith.extui %gt3A_49 : i1 to i32
    %cond3A_51 = arith.constant 0 : i32
    %cond3A_52 = arith.cmpi ne, %convert_element_type3A_50, %cond3A_51 : i32
    scf.if %cond3A_52 {
      %add3A_99 = arith.constant 128 : i32
      %add3A_100 = arith.addi %mul3A_28, %add3A_99 : i32
      %add3A_101 = arith.constant 128 : i32
      %add3A_102 = arith.addi %mul3A_28, %add3A_101 : i32
      %rem3A = arith.constant 1 : i32
      %rem3A_103 = arith.constant 6 : i32
      %rem3A_104 = arith.remsi %rem3A, %rem3A_103 : i32
      %dma_wait3A = arith.constant 1 : i32
      %dma_wait3A_105 = arith.constant 0 : i32
      %dma_wait3A_106 = tpu.memref_slice %arg6[%dma_wait3A, %dma_wait3A_105] : memref<3x128xi32, #tpu.memory_space<vmem>> -> memref<1x128xi32, #tpu.memory_space<vmem>>
      %dma_wait3A_107 = tpu.memref_squeeze %dma_wait3A_106 : memref<1x128xi32, #tpu.memory_space<vmem>> -> memref<128xi32, #tpu.memory_space<vmem>>
      %dma_wait3A_108 = tpu.memref_slice %arg3[%add3A_100] : memref<320000xi32, #tpu.memory_space<hbm>> -> memref<128xi32, #tpu.memory_space<hbm>>
      %dma_wait3A_109 = arith.constant 0 : i32
      %dma_wait3A_110 = tpu.memref_slice %arg6[%dma_wait3A, %dma_wait3A_109] : memref<3x128xi32, #tpu.memory_space<vmem>> -> memref<1x128xi32, #tpu.memory_space<vmem>>
      %dma_wait3A_111 = tpu.memref_squeeze %dma_wait3A_110 : memref<1x128xi32, #tpu.memory_space<vmem>> -> memref<128xi32, #tpu.memory_space<vmem>>
      %dma_wait3A_112 = tpu.memref_slice %arg3[%add3A_100] : memref<320000xi32, #tpu.memory_space<hbm>> -> memref<128xi32, #tpu.memory_space<hbm>>
      tpu.wait_dma2 semaphore(%arg16 : memref<!tpu.dma_semaphore, #tpu.memory_space<semaphore_mem>>) src(%dma_wait3A_112 : memref<128xi32, #tpu.memory_space<hbm>>) dst(%dma_wait3A_111 : memref<128xi32, #tpu.memory_space<vmem>>)
      %dma_wait3A_113 = arith.constant 0 : i32
      %dma_wait3A_114 = tpu.memref_slice %arg7[%rem3A_104, %dma_wait3A_113] : memref<6x128xi32, #tpu.memory_space<vmem>> -> memref<1x128xi32, #tpu.memory_space<vmem>>
      %dma_wait3A_115 = tpu.memref_squeeze %dma_wait3A_114 : memref<1x128xi32, #tpu.memory_space<vmem>> -> memref<128xi32, #tpu.memory_space<vmem>>
      %dma_wait3A_116 = tpu.memref_slice %arg4[%add3A_102] : memref<320000xi32, #tpu.memory_space<hbm>> -> memref<128xi32, #tpu.memory_space<hbm>>
      %dma_wait3A_117 = arith.constant 0 : i32
      %dma_wait3A_118 = tpu.memref_slice %arg7[%rem3A_104, %dma_wait3A_117] : memref<6x128xi32, #tpu.memory_space<vmem>> -> memref<1x128xi32, #tpu.memory_space<vmem>>
      %dma_wait3A_119 = tpu.memref_squeeze %dma_wait3A_118 : memref<1x128xi32, #tpu.memory_space<vmem>> -> memref<128xi32, #tpu.memory_space<vmem>>
      %dma_wait3A_120 = tpu.memref_slice %arg4[%add3A_102] : memref<320000xi32, #tpu.memory_space<hbm>> -> memref<128xi32, #tpu.memory_space<hbm>>
      tpu.wait_dma2 semaphore(%arg16 : memref<!tpu.dma_semaphore, #tpu.memory_space<semaphore_mem>>) src(%dma_wait3A_120 : memref<128xi32, #tpu.memory_space<hbm>>) dst(%dma_wait3A_119 : memref<128xi32, #tpu.memory_space<vmem>>)
      %dma_start3A = arith.constant 1 : i32
      %dma_start3A_121 = arith.constant 0 : i32
      %dma_start3A_122 = tpu.memref_slice %arg6[%dma_start3A, %dma_start3A_121] : memref<3x128xi32, #tpu.memory_space<vmem>> -> memref<1x128xi32, #tpu.memory_space<vmem>>
      %dma_start3A_123 = tpu.memref_squeeze %dma_start3A_122 : memref<1x128xi32, #tpu.memory_space<vmem>> -> memref<128xi32, #tpu.memory_space<vmem>>
      %dma_start3A_124 = arith.constant 0 : i32
      %dma_start3A_125 = arith.constant 0 : i32
      %dma_start3A_126 = tpu.memref_slice %arg2[%dma_start3A_124, %dma_start3A_125] : memref<10000x128xf32, #tpu.memory_space<hbm>> -> memref<10000x128xf32, #tpu.memory_space<hbm>>
      tpu.enqueue_indirect_dma source(%dma_start3A_126 : memref<10000x128xf32, #tpu.memory_space<hbm>>) target(%arg9 : memref<128x128xf32, #tpu.memory_space<vmem>>) offsets(%dma_start3A_123 : memref<128xi32, #tpu.memory_space<vmem>>) semaphore(%arg13 : memref<!tpu.dma_semaphore, #tpu.memory_space<semaphore_mem>>)
    } else {
    }
    %barrier3A = arith.constant 0 : index
    tpu.barrier barrier_id(%barrier3A)
    %scan3A_53 = arith.constant 0 : i32
    %scan3A_54 = arith.constant 27 : i32
    %scan3A_55 = arith.addi %scan3A_53, %scan3A_54 : i32
    %scan3A_56 = arith.constant 1 : i32
    scf.for %scan3A_99 = %scan3A_53 to %scan3A_55 step %scan3A_56  : i32 {
      %mul3A_100 = arith.constant 1 : i32
      %mul3A_101 = arith.muli %scan3A_99, %mul3A_100 : i32
      %add3A_102 = arith.constant 0 : i32
      %add3A_103 = arith.addi %add3A_102, %mul3A_101 : i32
      %mul3A_104 = arith.constant 3 : i32
      %mul3A_105 = arith.muli %add3A_103, %mul3A_104 : i32
      %add3A_106 = arith.constant 0 : i32
      %add3A_107 = arith.addi %mul3A_105, %add3A_106 : i32
      %ge3A = arith.constant 1 : i32
      %ge3A_108 = arith.cmpi sge, %add3A_107, %ge3A : i32
      %le3A = arith.cmpi sle, %add3A_107, %add3A_26 : i32
      %and3A = arith.andi %ge3A_108, %le3A : i1
      %convert_element_type3A_109 = arith.extui %and3A : i1 to i32
      %cond3A_110 = arith.constant 0 : i32
      %cond3A_111 = arith.cmpi ne, %convert_element_type3A_109, %cond3A_110 : i32
      scf.if %cond3A_111 {
        %sub3A = arith.constant 1 : i32
        %sub3A_146 = arith.subi %add3A_107, %sub3A : i32
        %rem3A = arith.constant 6 : i32
        %rem3A_147 = arith.remsi %sub3A_146, %rem3A : i32
        %dma_wait3A = arith.constant 0 : i32
        %dma_wait3A_148 = tpu.memref_slice %arg7[%rem3A_147, %dma_wait3A] : memref<6x128xi32, #tpu.memory_space<vmem>> -> memref<1x128xi32, #tpu.memory_space<vmem>>
        %dma_wait3A_149 = tpu.memref_squeeze %dma_wait3A_148 : memref<1x128xi32, #tpu.memory_space<vmem>> -> memref<128xi32, #tpu.memory_space<vmem>>
        %dma_wait3A_150 = arith.constant 0 : i32
        %dma_wait3A_151 = arith.constant 0 : i32
        %dma_wait3A_152 = tpu.memref_slice %arg11[%dma_wait3A_150, %dma_wait3A_151] : memref<10000x128xf32, #tpu.memory_space<vmem_shared>> -> memref<10000x128xf32, #tpu.memory_space<vmem_shared>>
        tpu.wait_indirect_dma semaphore(%arg20 : memref<!tpu.dma_semaphore, #tpu.memory_space<semaphore_mem>>) src(%arg10 : memref<128x128xf32, #tpu.memory_space<vmem>>) dst(%dma_wait3A_152 : memref<10000x128xf32, #tpu.memory_space<vmem_shared>>)
      } else {
      }
      %lt3A_112 = arith.cmpi slt, %add3A_107, %add3A_26 : i32
      %convert_element_type3A_113 = arith.extui %lt3A_112 : i1 to i32
      %cond3A_114 = arith.constant 0 : i32
      %cond3A_115 = arith.cmpi ne, %convert_element_type3A_113, %cond3A_114 : i32
      scf.if %cond3A_115 {
        %dma_wait3A = arith.constant 0 : i32
        %dma_wait3A_146 = arith.constant 0 : i32
        %dma_wait3A_147 = tpu.memref_slice %arg6[%dma_wait3A, %dma_wait3A_146] : memref<3x128xi32, #tpu.memory_space<vmem>> -> memref<1x128xi32, #tpu.memory_space<vmem>>
        %dma_wait3A_148 = tpu.memref_squeeze %dma_wait3A_147 : memref<1x128xi32, #tpu.memory_space<vmem>> -> memref<128xi32, #tpu.memory_space<vmem>>
        %dma_wait3A_149 = arith.constant 0 : i32
        %dma_wait3A_150 = arith.constant 0 : i32
        %dma_wait3A_151 = tpu.memref_slice %arg2[%dma_wait3A_149, %dma_wait3A_150] : memref<10000x128xf32, #tpu.memory_space<hbm>> -> memref<10000x128xf32, #tpu.memory_space<hbm>>
        tpu.wait_indirect_dma semaphore(%arg12 : memref<!tpu.dma_semaphore, #tpu.memory_space<semaphore_mem>>) src(%dma_wait3A_151 : memref<10000x128xf32, #tpu.memory_space<hbm>>) dst(%arg8 : memref<128x128xf32, #tpu.memory_space<vmem>>)
        %rem3A = arith.constant 6 : i32
        %rem3A_152 = arith.remsi %add3A_107, %rem3A : i32
        %dma_start3A = arith.constant 0 : i32
        %dma_start3A_153 = tpu.memref_slice %arg7[%rem3A_152, %dma_start3A] : memref<6x128xi32, #tpu.memory_space<vmem>> -> memref<1x128xi32, #tpu.memory_space<vmem>>
        %dma_start3A_154 = tpu.memref_squeeze %dma_start3A_153 : memref<1x128xi32, #tpu.memory_space<vmem>> -> memref<128xi32, #tpu.memory_space<vmem>>
        %dma_start3A_155 = arith.constant 0 : i32
        %dma_start3A_156 = arith.constant 0 : i32
        %dma_start3A_157 = tpu.memref_slice %arg11[%dma_start3A_155, %dma_start3A_156] : memref<10000x128xf32, #tpu.memory_space<vmem_shared>> -> memref<10000x128xf32, #tpu.memory_space<vmem_shared>>
        tpu.enqueue_indirect_dma source(%arg8 : memref<128x128xf32, #tpu.memory_space<vmem>>) target(%dma_start3A_157 : memref<10000x128xf32, #tpu.memory_space<vmem_shared>>) offsets(%dma_start3A_154 : memref<128xi32, #tpu.memory_space<vmem>>) semaphore(%arg18 : memref<!tpu.dma_semaphore, #tpu.memory_space<semaphore_mem>>) {add = true}
        %add3A_158 = arith.constant 3 : i32
        %add3A_159 = arith.addi %add3A_107, %add3A_158 : i32
        %lt3A_160 = arith.cmpi slt, %add3A_159, %add3A_26 : i32
        %convert_element_type3A_161 = arith.extui %lt3A_160 : i1 to i32
        %cond3A_162 = arith.constant 0 : i32
        %cond3A_163 = arith.cmpi ne, %convert_element_type3A_161, %cond3A_162 : i32
        scf.if %cond3A_163 {
          %add3A_170 = arith.constant 3 : i32
          %add3A_171 = arith.addi %add3A_107, %add3A_170 : i32
          %mul3A_172 = arith.constant 128 : i32
          %mul3A_173 = arith.muli %add3A_171, %mul3A_172 : i32
          %add3A_174 = arith.addi %mul3A_28, %mul3A_173 : i32
          %mul3A_175 = arith.constant 128 : i32
          %mul3A_176 = arith.muli %add3A_171, %mul3A_175 : i32
          %add3A_177 = arith.addi %mul3A_28, %mul3A_176 : i32
          %rem3A_178 = arith.constant 6 : i32
          %rem3A_179 = arith.remsi %add3A_171, %rem3A_178 : i32
          %dma_start3A_180 = arith.constant 0 : i32
          %dma_start3A_181 = arith.constant 0 : i32
          %dma_start3A_182 = tpu.memref_slice %arg6[%dma_start3A_180, %dma_start3A_181] : memref<3x128xi32, #tpu.memory_space<vmem>> -> memref<1x128xi32, #tpu.memory_space<vmem>>
          %dma_start3A_183 = tpu.memref_squeeze %dma_start3A_182 : memref<1x128xi32, #tpu.memory_space<vmem>> -> memref<128xi32, #tpu.memory_space<vmem>>
          %dma_start3A_184 = tpu.memref_slice %arg3[%add3A_174] : memref<320000xi32, #tpu.memory_space<hbm>> -> memref<128xi32, #tpu.memory_space<hbm>>
          %dma_start3A_185 = arith.constant 0 : i32
          %dma_start3A_186 = tpu.memref_slice %arg6[%dma_start3A_180, %dma_start3A_185] : memref<3x128xi32, #tpu.memory_space<vmem>> -> memref<1x128xi32, #tpu.memory_space<vmem>>
          %dma_start3A_187 = tpu.memref_squeeze %dma_start3A_186 : memref<1x128xi32, #tpu.memory_space<vmem>> -> memref<128xi32, #tpu.memory_space<vmem>>
          %dma_start3A_188 = tpu.memref_slice %arg3[%add3A_174] : memref<320000xi32, #tpu.memory_space<hbm>> -> memref<128xi32, #tpu.memory_space<hbm>>
          tpu.enqueue_dma source(%dma_start3A_188 : memref<128xi32, #tpu.memory_space<hbm>>) target(%dma_start3A_187 : memref<128xi32, #tpu.memory_space<vmem>>) target_semaphore(%arg15 : memref<!tpu.dma_semaphore, #tpu.memory_space<semaphore_mem>>)
          %dma_start3A_189 = arith.constant 0 : i32
          %dma_start3A_190 = tpu.memref_slice %arg7[%rem3A_179, %dma_start3A_189] : memref<6x128xi32, #tpu.memory_space<vmem>> -> memref<1x128xi32, #tpu.memory_space<vmem>>
          %dma_start3A_191 = tpu.memref_squeeze %dma_start3A_190 : memref<1x128xi32, #tpu.memory_space<vmem>> -> memref<128xi32, #tpu.memory_space<vmem>>
          %dma_start3A_192 = tpu.memref_slice %arg4[%add3A_177] : memref<320000xi32, #tpu.memory_space<hbm>> -> memref<128xi32, #tpu.memory_space<hbm>>
          %dma_start3A_193 = arith.constant 0 : i32
          %dma_start3A_194 = tpu.memref_slice %arg7[%rem3A_179, %dma_start3A_193] : memref<6x128xi32, #tpu.memory_space<vmem>> -> memref<1x128xi32, #tpu.memory_space<vmem>>
          %dma_start3A_195 = tpu.memref_squeeze %dma_start3A_194 : memref<1x128xi32, #tpu.memory_space<vmem>> -> memref<128xi32, #tpu.memory_space<vmem>>
          %dma_start3A_196 = tpu.memref_slice %arg4[%add3A_177] : memref<320000xi32, #tpu.memory_space<hbm>> -> memref<128xi32, #tpu.memory_space<hbm>>
          tpu.enqueue_dma source(%dma_start3A_196 : memref<128xi32, #tpu.memory_space<hbm>>) target(%dma_start3A_195 : memref<128xi32, #tpu.memory_space<vmem>>) target_semaphore(%arg15 : memref<!tpu.dma_semaphore, #tpu.memory_space<semaphore_mem>>)
        } else {
        }
        %add3A_164 = arith.constant 2 : i32
        %add3A_165 = arith.addi %add3A_107, %add3A_164 : i32
        %lt3A_166 = arith.cmpi slt, %add3A_165, %add3A_26 : i32
        %convert_element_type3A_167 = arith.extui %lt3A_166 : i1 to i32
        %cond3A_168 = arith.constant 0 : i32
        %cond3A_169 = arith.cmpi ne, %convert_element_type3A_167, %cond3A_168 : i32
        scf.if %cond3A_169 {
          %add3A_170 = arith.constant 2 : i32
          %add3A_171 = arith.addi %add3A_107, %add3A_170 : i32
          %mul3A_172 = arith.constant 128 : i32
          %mul3A_173 = arith.muli %add3A_171, %mul3A_172 : i32
          %add3A_174 = arith.addi %mul3A_28, %mul3A_173 : i32
          %mul3A_175 = arith.constant 128 : i32
          %mul3A_176 = arith.muli %add3A_171, %mul3A_175 : i32
          %add3A_177 = arith.addi %mul3A_28, %mul3A_176 : i32
          %rem3A_178 = arith.constant 6 : i32
          %rem3A_179 = arith.remsi %add3A_171, %rem3A_178 : i32
          %dma_wait3A_180 = arith.constant 2 : i32
          %dma_wait3A_181 = arith.constant 0 : i32
          %dma_wait3A_182 = tpu.memref_slice %arg6[%dma_wait3A_180, %dma_wait3A_181] : memref<3x128xi32, #tpu.memory_space<vmem>> -> memref<1x128xi32, #tpu.memory_space<vmem>>
          %dma_wait3A_183 = tpu.memref_squeeze %dma_wait3A_182 : memref<1x128xi32, #tpu.memory_space<vmem>> -> memref<128xi32, #tpu.memory_space<vmem>>
          %dma_wait3A_184 = tpu.memref_slice %arg3[%add3A_174] : memref<320000xi32, #tpu.memory_space<hbm>> -> memref<128xi32, #tpu.memory_space<hbm>>
          %dma_wait3A_185 = arith.constant 0 : i32
          %dma_wait3A_186 = tpu.memref_slice %arg6[%dma_wait3A_180, %dma_wait3A_185] : memref<3x128xi32, #tpu.memory_space<vmem>> -> memref<1x128xi32, #tpu.memory_space<vmem>>
          %dma_wait3A_187 = tpu.memref_squeeze %dma_wait3A_186 : memref<1x128xi32, #tpu.memory_space<vmem>> -> memref<128xi32, #tpu.memory_space<vmem>>
          %dma_wait3A_188 = tpu.memref_slice %arg3[%add3A_174] : memref<320000xi32, #tpu.memory_space<hbm>> -> memref<128xi32, #tpu.memory_space<hbm>>
          tpu.wait_dma2 semaphore(%arg17 : memref<!tpu.dma_semaphore, #tpu.memory_space<semaphore_mem>>) src(%dma_wait3A_188 : memref<128xi32, #tpu.memory_space<hbm>>) dst(%dma_wait3A_187 : memref<128xi32, #tpu.memory_space<vmem>>)
          %dma_wait3A_189 = arith.constant 0 : i32
          %dma_wait3A_190 = tpu.memref_slice %arg7[%rem3A_179, %dma_wait3A_189] : memref<6x128xi32, #tpu.memory_space<vmem>> -> memref<1x128xi32, #tpu.memory_space<vmem>>
          %dma_wait3A_191 = tpu.memref_squeeze %dma_wait3A_190 : memref<1x128xi32, #tpu.memory_space<vmem>> -> memref<128xi32, #tpu.memory_space<vmem>>
          %dma_wait3A_192 = tpu.memref_slice %arg4[%add3A_177] : memref<320000xi32, #tpu.memory_space<hbm>> -> memref<128xi32, #tpu.memory_space<hbm>>
          %dma_wait3A_193 = arith.constant 0 : i32
          %dma_wait3A_194 = tpu.memref_slice %arg7[%rem3A_179, %dma_wait3A_193] : memref<6x128xi32, #tpu.memory_space<vmem>> -> memref<1x128xi32, #tpu.memory_space<vmem>>
          %dma_wait3A_195 = tpu.memref_squeeze %dma_wait3A_194 : memref<1x128xi32, #tpu.memory_space<vmem>> -> memref<128xi32, #tpu.memory_space<vmem>>
          %dma_wait3A_196 = tpu.memref_slice %arg4[%add3A_177] : memref<320000xi32, #tpu.memory_space<hbm>> -> memref<128xi32, #tpu.memory_space<hbm>>
          tpu.wait_dma2 semaphore(%arg17 : memref<!tpu.dma_semaphore, #tpu.memory_space<semaphore_mem>>) src(%dma_wait3A_196 : memref<128xi32, #tpu.memory_space<hbm>>) dst(%dma_wait3A_195 : memref<128xi32, #tpu.memory_space<vmem>>)
          %add3A_197 = arith.constant 2 : i32
          %add3A_198 = arith.addi %add3A_107, %add3A_197 : i32
          %dma_start3A_199 = arith.constant 2 : i32
          %dma_start3A_200 = arith.constant 0 : i32
          %dma_start3A_201 = tpu.memref_slice %arg6[%dma_start3A_199, %dma_start3A_200] : memref<3x128xi32, #tpu.memory_space<vmem>> -> memref<1x128xi32, #tpu.memory_space<vmem>>
          %dma_start3A_202 = tpu.memref_squeeze %dma_start3A_201 : memref<1x128xi32, #tpu.memory_space<vmem>> -> memref<128xi32, #tpu.memory_space<vmem>>
          %dma_start3A_203 = arith.constant 0 : i32
          %dma_start3A_204 = arith.constant 0 : i32
          %dma_start3A_205 = tpu.memref_slice %arg2[%dma_start3A_203, %dma_start3A_204] : memref<10000x128xf32, #tpu.memory_space<hbm>> -> memref<10000x128xf32, #tpu.memory_space<hbm>>
          tpu.enqueue_indirect_dma source(%dma_start3A_205 : memref<10000x128xf32, #tpu.memory_space<hbm>>) target(%arg10 : memref<128x128xf32, #tpu.memory_space<vmem>>) offsets(%dma_start3A_202 : memref<128xi32, #tpu.memory_space<vmem>>) semaphore(%arg14 : memref<!tpu.dma_semaphore, #tpu.memory_space<semaphore_mem>>)
        } else {
        }
      } else {
      }
      %mul3A_116 = arith.constant 3 : i32
      %mul3A_117 = arith.muli %add3A_103, %mul3A_116 : i32
      %add3A_118 = arith.constant 1 : i32
      %add3A_119 = arith.addi %mul3A_117, %add3A_118 : i32
      %ge3A_120 = arith.constant 1 : i32
      %ge3A_121 = arith.cmpi sge, %add3A_119, %ge3A_120 : i32
      %le3A_122 = arith.cmpi sle, %add3A_119, %add3A_26 : i32
      %and3A_123 = arith.andi %ge3A_121, %le3A_122 : i1
      %convert_element_type3A_124 = arith.extui %and3A_123 : i1 to i32
      %cond3A_125 = arith.constant 0 : i32
      %cond3A_126 = arith.cmpi ne, %convert_element_type3A_124, %cond3A_125 : i32
      scf.if %cond3A_126 {
        %sub3A = arith.constant 1 : i32
        %sub3A_146 = arith.subi %add3A_119, %sub3A : i32
        %rem3A = arith.constant 6 : i32
        %rem3A_147 = arith.remsi %sub3A_146, %rem3A : i32
        %dma_wait3A = arith.constant 0 : i32
        %dma_wait3A_148 = tpu.memref_slice %arg7[%rem3A_147, %dma_wait3A] : memref<6x128xi32, #tpu.memory_space<vmem>> -> memref<1x128xi32, #tpu.memory_space<vmem>>
        %dma_wait3A_149 = tpu.memref_squeeze %dma_wait3A_148 : memref<1x128xi32, #tpu.memory_space<vmem>> -> memref<128xi32, #tpu.memory_space<vmem>>
        %dma_wait3A_150 = arith.constant 0 : i32
        %dma_wait3A_151 = arith.constant 0 : i32
        %dma_wait3A_152 = tpu.memref_slice %arg11[%dma_wait3A_150, %dma_wait3A_151] : memref<10000x128xf32, #tpu.memory_space<vmem_shared>> -> memref<10000x128xf32, #tpu.memory_space<vmem_shared>>
        tpu.wait_indirect_dma semaphore(%arg18 : memref<!tpu.dma_semaphore, #tpu.memory_space<semaphore_mem>>) src(%arg8 : memref<128x128xf32, #tpu.memory_space<vmem>>) dst(%dma_wait3A_152 : memref<10000x128xf32, #tpu.memory_space<vmem_shared>>)
      } else {
      }
      %lt3A_127 = arith.cmpi slt, %add3A_119, %add3A_26 : i32
      %convert_element_type3A_128 = arith.extui %lt3A_127 : i1 to i32
      %cond3A_129 = arith.constant 0 : i32
      %cond3A_130 = arith.cmpi ne, %convert_element_type3A_128, %cond3A_129 : i32
      scf.if %cond3A_130 {
        %dma_wait3A = arith.constant 1 : i32
        %dma_wait3A_146 = arith.constant 0 : i32
        %dma_wait3A_147 = tpu.memref_slice %arg6[%dma_wait3A, %dma_wait3A_146] : memref<3x128xi32, #tpu.memory_space<vmem>> -> memref<1x128xi32, #tpu.memory_space<vmem>>
        %dma_wait3A_148 = tpu.memref_squeeze %dma_wait3A_147 : memref<1x128xi32, #tpu.memory_space<vmem>> -> memref<128xi32, #tpu.memory_space<vmem>>
        %dma_wait3A_149 = arith.constant 0 : i32
        %dma_wait3A_150 = arith.constant 0 : i32
        %dma_wait3A_151 = tpu.memref_slice %arg2[%dma_wait3A_149, %dma_wait3A_150] : memref<10000x128xf32, #tpu.memory_space<hbm>> -> memref<10000x128xf32, #tpu.memory_space<hbm>>
        tpu.wait_indirect_dma semaphore(%arg13 : memref<!tpu.dma_semaphore, #tpu.memory_space<semaphore_mem>>) src(%dma_wait3A_151 : memref<10000x128xf32, #tpu.memory_space<hbm>>) dst(%arg9 : memref<128x128xf32, #tpu.memory_space<vmem>>)
        %rem3A = arith.constant 6 : i32
        %rem3A_152 = arith.remsi %add3A_119, %rem3A : i32
        %dma_start3A = arith.constant 0 : i32
        %dma_start3A_153 = tpu.memref_slice %arg7[%rem3A_152, %dma_start3A] : memref<6x128xi32, #tpu.memory_space<vmem>> -> memref<1x128xi32, #tpu.memory_space<vmem>>
        %dma_start3A_154 = tpu.memref_squeeze %dma_start3A_153 : memref<1x128xi32, #tpu.memory_space<vmem>> -> memref<128xi32, #tpu.memory_space<vmem>>
        %dma_start3A_155 = arith.constant 0 : i32
        %dma_start3A_156 = arith.constant 0 : i32
        %dma_start3A_157 = tpu.memref_slice %arg11[%dma_start3A_155, %dma_start3A_156] : memref<10000x128xf32, #tpu.memory_space<vmem_shared>> -> memref<10000x128xf32, #tpu.memory_space<vmem_shared>>
        tpu.enqueue_indirect_dma source(%arg9 : memref<128x128xf32, #tpu.memory_space<vmem>>) target(%dma_start3A_157 : memref<10000x128xf32, #tpu.memory_space<vmem_shared>>) offsets(%dma_start3A_154 : memref<128xi32, #tpu.memory_space<vmem>>) semaphore(%arg19 : memref<!tpu.dma_semaphore, #tpu.memory_space<semaphore_mem>>) {add = true}
        %add3A_158 = arith.constant 3 : i32
        %add3A_159 = arith.addi %add3A_119, %add3A_158 : i32
        %lt3A_160 = arith.cmpi slt, %add3A_159, %add3A_26 : i32
        %convert_element_type3A_161 = arith.extui %lt3A_160 : i1 to i32
        %cond3A_162 = arith.constant 0 : i32
        %cond3A_163 = arith.cmpi ne, %convert_element_type3A_161, %cond3A_162 : i32
        scf.if %cond3A_163 {
          %add3A_170 = arith.constant 3 : i32
          %add3A_171 = arith.addi %add3A_119, %add3A_170 : i32
          %mul3A_172 = arith.constant 128 : i32
          %mul3A_173 = arith.muli %add3A_171, %mul3A_172 : i32
          %add3A_174 = arith.addi %mul3A_28, %mul3A_173 : i32
          %mul3A_175 = arith.constant 128 : i32
          %mul3A_176 = arith.muli %add3A_171, %mul3A_175 : i32
          %add3A_177 = arith.addi %mul3A_28, %mul3A_176 : i32
          %rem3A_178 = arith.constant 6 : i32
          %rem3A_179 = arith.remsi %add3A_171, %rem3A_178 : i32
          %dma_start3A_180 = arith.constant 1 : i32
          %dma_start3A_181 = arith.constant 0 : i32
          %dma_start3A_182 = tpu.memref_slice %arg6[%dma_start3A_180, %dma_start3A_181] : memref<3x128xi32, #tpu.memory_space<vmem>> -> memref<1x128xi32, #tpu.memory_space<vmem>>
          %dma_start3A_183 = tpu.memref_squeeze %dma_start3A_182 : memref<1x128xi32, #tpu.memory_space<vmem>> -> memref<128xi32, #tpu.memory_space<vmem>>
          %dma_start3A_184 = tpu.memref_slice %arg3[%add3A_174] : memref<320000xi32, #tpu.memory_space<hbm>> -> memref<128xi32, #tpu.memory_space<hbm>>
          %dma_start3A_185 = arith.constant 0 : i32
          %dma_start3A_186 = tpu.memref_slice %arg6[%dma_start3A_180, %dma_start3A_185] : memref<3x128xi32, #tpu.memory_space<vmem>> -> memref<1x128xi32, #tpu.memory_space<vmem>>
          %dma_start3A_187 = tpu.memref_squeeze %dma_start3A_186 : memref<1x128xi32, #tpu.memory_space<vmem>> -> memref<128xi32, #tpu.memory_space<vmem>>
          %dma_start3A_188 = tpu.memref_slice %arg3[%add3A_174] : memref<320000xi32, #tpu.memory_space<hbm>> -> memref<128xi32, #tpu.memory_space<hbm>>
          tpu.enqueue_dma source(%dma_start3A_188 : memref<128xi32, #tpu.memory_space<hbm>>) target(%dma_start3A_187 : memref<128xi32, #tpu.memory_space<vmem>>) target_semaphore(%arg16 : memref<!tpu.dma_semaphore, #tpu.memory_space<semaphore_mem>>)
          %dma_start3A_189 = arith.constant 0 : i32
          %dma_start3A_190 = tpu.memref_slice %arg7[%rem3A_179, %dma_start3A_189] : memref<6x128xi32, #tpu.memory_space<vmem>> -> memref<1x128xi32, #tpu.memory_space<vmem>>
          %dma_start3A_191 = tpu.memref_squeeze %dma_start3A_190 : memref<1x128xi32, #tpu.memory_space<vmem>> -> memref<128xi32, #tpu.memory_space<vmem>>
          %dma_start3A_192 = tpu.memref_slice %arg4[%add3A_177] : memref<320000xi32, #tpu.memory_space<hbm>> -> memref<128xi32, #tpu.memory_space<hbm>>
          %dma_start3A_193 = arith.constant 0 : i32
          %dma_start3A_194 = tpu.memref_slice %arg7[%rem3A_179, %dma_start3A_193] : memref<6x128xi32, #tpu.memory_space<vmem>> -> memref<1x128xi32, #tpu.memory_space<vmem>>
          %dma_start3A_195 = tpu.memref_squeeze %dma_start3A_194 : memref<1x128xi32, #tpu.memory_space<vmem>> -> memref<128xi32, #tpu.memory_space<vmem>>
          %dma_start3A_196 = tpu.memref_slice %arg4[%add3A_177] : memref<320000xi32, #tpu.memory_space<hbm>> -> memref<128xi32, #tpu.memory_space<hbm>>
          tpu.enqueue_dma source(%dma_start3A_196 : memref<128xi32, #tpu.memory_space<hbm>>) target(%dma_start3A_195 : memref<128xi32, #tpu.memory_space<vmem>>) target_semaphore(%arg16 : memref<!tpu.dma_semaphore, #tpu.memory_space<semaphore_mem>>)
        } else {
        }
        %add3A_164 = arith.constant 2 : i32
        %add3A_165 = arith.addi %add3A_119, %add3A_164 : i32
        %lt3A_166 = arith.cmpi slt, %add3A_165, %add3A_26 : i32
        %convert_element_type3A_167 = arith.extui %lt3A_166 : i1 to i32
        %cond3A_168 = arith.constant 0 : i32
        %cond3A_169 = arith.cmpi ne, %convert_element_type3A_167, %cond3A_168 : i32
        scf.if %cond3A_169 {
          %add3A_170 = arith.constant 2 : i32
          %add3A_171 = arith.addi %add3A_119, %add3A_170 : i32
          %mul3A_172 = arith.constant 128 : i32
          %mul3A_173 = arith.muli %add3A_171, %mul3A_172 : i32
          %add3A_174 = arith.addi %mul3A_28, %mul3A_173 : i32
          %mul3A_175 = arith.constant 128 : i32
          %mul3A_176 = arith.muli %add3A_171, %mul3A_175 : i32
          %add3A_177 = arith.addi %mul3A_28, %mul3A_176 : i32
          %rem3A_178 = arith.constant 6 : i32
          %rem3A_179 = arith.remsi %add3A_171, %rem3A_178 : i32
          %dma_wait3A_180 = arith.constant 0 : i32
          %dma_wait3A_181 = arith.constant 0 : i32
          %dma_wait3A_182 = tpu.memref_slice %arg6[%dma_wait3A_180, %dma_wait3A_181] : memref<3x128xi32, #tpu.memory_space<vmem>> -> memref<1x128xi32, #tpu.memory_space<vmem>>
          %dma_wait3A_183 = tpu.memref_squeeze %dma_wait3A_182 : memref<1x128xi32, #tpu.memory_space<vmem>> -> memref<128xi32, #tpu.memory_space<vmem>>
          %dma_wait3A_184 = tpu.memref_slice %arg3[%add3A_174] : memref<320000xi32, #tpu.memory_space<hbm>> -> memref<128xi32, #tpu.memory_space<hbm>>
          %dma_wait3A_185 = arith.constant 0 : i32
          %dma_wait3A_186 = tpu.memref_slice %arg6[%dma_wait3A_180, %dma_wait3A_185] : memref<3x128xi32, #tpu.memory_space<vmem>> -> memref<1x128xi32, #tpu.memory_space<vmem>>
          %dma_wait3A_187 = tpu.memref_squeeze %dma_wait3A_186 : memref<1x128xi32, #tpu.memory_space<vmem>> -> memref<128xi32, #tpu.memory_space<vmem>>
          %dma_wait3A_188 = tpu.memref_slice %arg3[%add3A_174] : memref<320000xi32, #tpu.memory_space<hbm>> -> memref<128xi32, #tpu.memory_space<hbm>>
          tpu.wait_dma2 semaphore(%arg15 : memref<!tpu.dma_semaphore, #tpu.memory_space<semaphore_mem>>) src(%dma_wait3A_188 : memref<128xi32, #tpu.memory_space<hbm>>) dst(%dma_wait3A_187 : memref<128xi32, #tpu.memory_space<vmem>>)
          %dma_wait3A_189 = arith.constant 0 : i32
          %dma_wait3A_190 = tpu.memref_slice %arg7[%rem3A_179, %dma_wait3A_189] : memref<6x128xi32, #tpu.memory_space<vmem>> -> memref<1x128xi32, #tpu.memory_space<vmem>>
          %dma_wait3A_191 = tpu.memref_squeeze %dma_wait3A_190 : memref<1x128xi32, #tpu.memory_space<vmem>> -> memref<128xi32, #tpu.memory_space<vmem>>
          %dma_wait3A_192 = tpu.memref_slice %arg4[%add3A_177] : memref<320000xi32, #tpu.memory_space<hbm>> -> memref<128xi32, #tpu.memory_space<hbm>>
          %dma_wait3A_193 = arith.constant 0 : i32
          %dma_wait3A_194 = tpu.memref_slice %arg7[%rem3A_179, %dma_wait3A_193] : memref<6x128xi32, #tpu.memory_space<vmem>> -> memref<1x128xi32, #tpu.memory_space<vmem>>
          %dma_wait3A_195 = tpu.memref_squeeze %dma_wait3A_194 : memref<1x128xi32, #tpu.memory_space<vmem>> -> memref<128xi32, #tpu.memory_space<vmem>>
          %dma_wait3A_196 = tpu.memref_slice %arg4[%add3A_177] : memref<320000xi32, #tpu.memory_space<hbm>> -> memref<128xi32, #tpu.memory_space<hbm>>
          tpu.wait_dma2 semaphore(%arg15 : memref<!tpu.dma_semaphore, #tpu.memory_space<semaphore_mem>>) src(%dma_wait3A_196 : memref<128xi32, #tpu.memory_space<hbm>>) dst(%dma_wait3A_195 : memref<128xi32, #tpu.memory_space<vmem>>)
          %add3A_197 = arith.constant 2 : i32
          %add3A_198 = arith.addi %add3A_119, %add3A_197 : i32
          %dma_start3A_199 = arith.constant 0 : i32
          %dma_start3A_200 = arith.constant 0 : i32
          %dma_start3A_201 = tpu.memref_slice %arg6[%dma_start3A_199, %dma_start3A_200] : memref<3x128xi32, #tpu.memory_space<vmem>> -> memref<1x128xi32, #tpu.memory_space<vmem>>
          %dma_start3A_202 = tpu.memref_squeeze %dma_start3A_201 : memref<1x128xi32, #tpu.memory_space<vmem>> -> memref<128xi32, #tpu.memory_space<vmem>>
          %dma_start3A_203 = arith.constant 0 : i32
          %dma_start3A_204 = arith.constant 0 : i32
          %dma_start3A_205 = tpu.memref_slice %arg2[%dma_start3A_203, %dma_start3A_204] : memref<10000x128xf32, #tpu.memory_space<hbm>> -> memref<10000x128xf32, #tpu.memory_space<hbm>>
          tpu.enqueue_indirect_dma source(%dma_start3A_205 : memref<10000x128xf32, #tpu.memory_space<hbm>>) target(%arg8 : memref<128x128xf32, #tpu.memory_space<vmem>>) offsets(%dma_start3A_202 : memref<128xi32, #tpu.memory_space<vmem>>) semaphore(%arg12 : memref<!tpu.dma_semaphore, #tpu.memory_space<semaphore_mem>>)
        } else {
        }
      } else {
      }
      %mul3A_131 = arith.constant 3 : i32
      %mul3A_132 = arith.muli %add3A_103, %mul3A_131 : i32
      %add3A_133 = arith.constant 2 : i32
      %add3A_134 = arith.addi %mul3A_132, %add3A_133 : i32
      %ge3A_135 = arith.constant 1 : i32
      %ge3A_136 = arith.cmpi sge, %add3A_134, %ge3A_135 : i32
      %le3A_137 = arith.cmpi sle, %add3A_134, %add3A_26 : i32
      %and3A_138 = arith.andi %ge3A_136, %le3A_137 : i1
      %convert_element_type3A_139 = arith.extui %and3A_138 : i1 to i32
      %cond3A_140 = arith.constant 0 : i32
      %cond3A_141 = arith.cmpi ne, %convert_element_type3A_139, %cond3A_140 : i32
      scf.if %cond3A_141 {
        %sub3A = arith.constant 1 : i32
        %sub3A_146 = arith.subi %add3A_134, %sub3A : i32
        %rem3A = arith.constant 6 : i32
        %rem3A_147 = arith.remsi %sub3A_146, %rem3A : i32
        %dma_wait3A = arith.constant 0 : i32
        %dma_wait3A_148 = tpu.memref_slice %arg7[%rem3A_147, %dma_wait3A] : memref<6x128xi32, #tpu.memory_space<vmem>> -> memref<1x128xi32, #tpu.memory_space<vmem>>
        %dma_wait3A_149 = tpu.memref_squeeze %dma_wait3A_148 : memref<1x128xi32, #tpu.memory_space<vmem>> -> memref<128xi32, #tpu.memory_space<vmem>>
        %dma_wait3A_150 = arith.constant 0 : i32
        %dma_wait3A_151 = arith.constant 0 : i32
        %dma_wait3A_152 = tpu.memref_slice %arg11[%dma_wait3A_150, %dma_wait3A_151] : memref<10000x128xf32, #tpu.memory_space<vmem_shared>> -> memref<10000x128xf32, #tpu.memory_space<vmem_shared>>
        tpu.wait_indirect_dma semaphore(%arg19 : memref<!tpu.dma_semaphore, #tpu.memory_space<semaphore_mem>>) src(%arg9 : memref<128x128xf32, #tpu.memory_space<vmem>>) dst(%dma_wait3A_152 : memref<10000x128xf32, #tpu.memory_space<vmem_shared>>)
      } else {
      }
      %lt3A_142 = arith.cmpi slt, %add3A_134, %add3A_26 : i32
      %convert_element_type3A_143 = arith.extui %lt3A_142 : i1 to i32
      %cond3A_144 = arith.constant 0 : i32
      %cond3A_145 = arith.cmpi ne, %convert_element_type3A_143, %cond3A_144 : i32
      scf.if %cond3A_145 {
        %dma_wait3A = arith.constant 2 : i32
        %dma_wait3A_146 = arith.constant 0 : i32
        %dma_wait3A_147 = tpu.memref_slice %arg6[%dma_wait3A, %dma_wait3A_146] : memref<3x128xi32, #tpu.memory_space<vmem>> -> memref<1x128xi32, #tpu.memory_space<vmem>>
        %dma_wait3A_148 = tpu.memref_squeeze %dma_wait3A_147 : memref<1x128xi32, #tpu.memory_space<vmem>> -> memref<128xi32, #tpu.memory_space<vmem>>
        %dma_wait3A_149 = arith.constant 0 : i32
        %dma_wait3A_150 = arith.constant 0 : i32
        %dma_wait3A_151 = tpu.memref_slice %arg2[%dma_wait3A_149, %dma_wait3A_150] : memref<10000x128xf32, #tpu.memory_space<hbm>> -> memref<10000x128xf32, #tpu.memory_space<hbm>>
        tpu.wait_indirect_dma semaphore(%arg14 : memref<!tpu.dma_semaphore, #tpu.memory_space<semaphore_mem>>) src(%dma_wait3A_151 : memref<10000x128xf32, #tpu.memory_space<hbm>>) dst(%arg10 : memref<128x128xf32, #tpu.memory_space<vmem>>)
        %rem3A = arith.constant 6 : i32
        %rem3A_152 = arith.remsi %add3A_134, %rem3A : i32
        %dma_start3A = arith.constant 0 : i32
        %dma_start3A_153 = tpu.memref_slice %arg7[%rem3A_152, %dma_start3A] : memref<6x128xi32, #tpu.memory_space<vmem>> -> memref<1x128xi32, #tpu.memory_space<vmem>>
        %dma_start3A_154 = tpu.memref_squeeze %dma_start3A_153 : memref<1x128xi32, #tpu.memory_space<vmem>> -> memref<128xi32, #tpu.memory_space<vmem>>
        %dma_start3A_155 = arith.constant 0 : i32
        %dma_start3A_156 = arith.constant 0 : i32
        %dma_start3A_157 = tpu.memref_slice %arg11[%dma_start3A_155, %dma_start3A_156] : memref<10000x128xf32, #tpu.memory_space<vmem_shared>> -> memref<10000x128xf32, #tpu.memory_space<vmem_shared>>
        tpu.enqueue_indirect_dma source(%arg10 : memref<128x128xf32, #tpu.memory_space<vmem>>) target(%dma_start3A_157 : memref<10000x128xf32, #tpu.memory_space<vmem_shared>>) offsets(%dma_start3A_154 : memref<128xi32, #tpu.memory_space<vmem>>) semaphore(%arg20 : memref<!tpu.dma_semaphore, #tpu.memory_space<semaphore_mem>>) {add = true}
        %add3A_158 = arith.constant 3 : i32
        %add3A_159 = arith.addi %add3A_134, %add3A_158 : i32
        %lt3A_160 = arith.cmpi slt, %add3A_159, %add3A_26 : i32
        %convert_element_type3A_161 = arith.extui %lt3A_160 : i1 to i32
        %cond3A_162 = arith.constant 0 : i32
        %cond3A_163 = arith.cmpi ne, %convert_element_type3A_161, %cond3A_162 : i32
        scf.if %cond3A_163 {
          %add3A_170 = arith.constant 3 : i32
          %add3A_171 = arith.addi %add3A_134, %add3A_170 : i32
          %mul3A_172 = arith.constant 128 : i32
          %mul3A_173 = arith.muli %add3A_171, %mul3A_172 : i32
          %add3A_174 = arith.addi %mul3A_28, %mul3A_173 : i32
          %mul3A_175 = arith.constant 128 : i32
          %mul3A_176 = arith.muli %add3A_171, %mul3A_175 : i32
          %add3A_177 = arith.addi %mul3A_28, %mul3A_176 : i32
          %rem3A_178 = arith.constant 6 : i32
          %rem3A_179 = arith.remsi %add3A_171, %rem3A_178 : i32
          %dma_start3A_180 = arith.constant 2 : i32
          %dma_start3A_181 = arith.constant 0 : i32
          %dma_start3A_182 = tpu.memref_slice %arg6[%dma_start3A_180, %dma_start3A_181] : memref<3x128xi32, #tpu.memory_space<vmem>> -> memref<1x128xi32, #tpu.memory_space<vmem>>
          %dma_start3A_183 = tpu.memref_squeeze %dma_start3A_182 : memref<1x128xi32, #tpu.memory_space<vmem>> -> memref<128xi32, #tpu.memory_space<vmem>>
          %dma_start3A_184 = tpu.memref_slice %arg3[%add3A_174] : memref<320000xi32, #tpu.memory_space<hbm>> -> memref<128xi32, #tpu.memory_space<hbm>>
          %dma_start3A_185 = arith.constant 0 : i32
          %dma_start3A_186 = tpu.memref_slice %arg6[%dma_start3A_180, %dma_start3A_185] : memref<3x128xi32, #tpu.memory_space<vmem>> -> memref<1x128xi32, #tpu.memory_space<vmem>>
          %dma_start3A_187 = tpu.memref_squeeze %dma_start3A_186 : memref<1x128xi32, #tpu.memory_space<vmem>> -> memref<128xi32, #tpu.memory_space<vmem>>
          %dma_start3A_188 = tpu.memref_slice %arg3[%add3A_174] : memref<320000xi32, #tpu.memory_space<hbm>> -> memref<128xi32, #tpu.memory_space<hbm>>
          tpu.enqueue_dma source(%dma_start3A_188 : memref<128xi32, #tpu.memory_space<hbm>>) target(%dma_start3A_187 : memref<128xi32, #tpu.memory_space<vmem>>) target_semaphore(%arg17 : memref<!tpu.dma_semaphore, #tpu.memory_space<semaphore_mem>>)
          %dma_start3A_189 = arith.constant 0 : i32
          %dma_start3A_190 = tpu.memref_slice %arg7[%rem3A_179, %dma_start3A_189] : memref<6x128xi32, #tpu.memory_space<vmem>> -> memref<1x128xi32, #tpu.memory_space<vmem>>
          %dma_start3A_191 = tpu.memref_squeeze %dma_start3A_190 : memref<1x128xi32, #tpu.memory_space<vmem>> -> memref<128xi32, #tpu.memory_space<vmem>>
          %dma_start3A_192 = tpu.memref_slice %arg4[%add3A_177] : memref<320000xi32, #tpu.memory_space<hbm>> -> memref<128xi32, #tpu.memory_space<hbm>>
          %dma_start3A_193 = arith.constant 0 : i32
          %dma_start3A_194 = tpu.memref_slice %arg7[%rem3A_179, %dma_start3A_193] : memref<6x128xi32, #tpu.memory_space<vmem>> -> memref<1x128xi32, #tpu.memory_space<vmem>>
          %dma_start3A_195 = tpu.memref_squeeze %dma_start3A_194 : memref<1x128xi32, #tpu.memory_space<vmem>> -> memref<128xi32, #tpu.memory_space<vmem>>
          %dma_start3A_196 = tpu.memref_slice %arg4[%add3A_177] : memref<320000xi32, #tpu.memory_space<hbm>> -> memref<128xi32, #tpu.memory_space<hbm>>
          tpu.enqueue_dma source(%dma_start3A_196 : memref<128xi32, #tpu.memory_space<hbm>>) target(%dma_start3A_195 : memref<128xi32, #tpu.memory_space<vmem>>) target_semaphore(%arg17 : memref<!tpu.dma_semaphore, #tpu.memory_space<semaphore_mem>>)
        } else {
        }
        %add3A_164 = arith.constant 2 : i32
        %add3A_165 = arith.addi %add3A_134, %add3A_164 : i32
        %lt3A_166 = arith.cmpi slt, %add3A_165, %add3A_26 : i32
        %convert_element_type3A_167 = arith.extui %lt3A_166 : i1 to i32
        %cond3A_168 = arith.constant 0 : i32
        %cond3A_169 = arith.cmpi ne, %convert_element_type3A_167, %cond3A_168 : i32
        scf.if %cond3A_169 {
          %add3A_170 = arith.constant 2 : i32
          %add3A_171 = arith.addi %add3A_134, %add3A_170 : i32
          %mul3A_172 = arith.constant 128 : i32
          %mul3A_173 = arith.muli %add3A_171, %mul3A_172 : i32
          %add3A_174 = arith.addi %mul3A_28, %mul3A_173 : i32
          %mul3A_175 = arith.constant 128 : i32
          %mul3A_176 = arith.muli %add3A_171, %mul3A_175 : i32
          %add3A_177 = arith.addi %mul3A_28, %mul3A_176 : i32
          %rem3A_178 = arith.constant 6 : i32
          %rem3A_179 = arith.remsi %add3A_171, %rem3A_178 : i32
          %dma_wait3A_180 = arith.constant 1 : i32
          %dma_wait3A_181 = arith.constant 0 : i32
          %dma_wait3A_182 = tpu.memref_slice %arg6[%dma_wait3A_180, %dma_wait3A_181] : memref<3x128xi32, #tpu.memory_space<vmem>> -> memref<1x128xi32, #tpu.memory_space<vmem>>
          %dma_wait3A_183 = tpu.memref_squeeze %dma_wait3A_182 : memref<1x128xi32, #tpu.memory_space<vmem>> -> memref<128xi32, #tpu.memory_space<vmem>>
          %dma_wait3A_184 = tpu.memref_slice %arg3[%add3A_174] : memref<320000xi32, #tpu.memory_space<hbm>> -> memref<128xi32, #tpu.memory_space<hbm>>
          %dma_wait3A_185 = arith.constant 0 : i32
          %dma_wait3A_186 = tpu.memref_slice %arg6[%dma_wait3A_180, %dma_wait3A_185] : memref<3x128xi32, #tpu.memory_space<vmem>> -> memref<1x128xi32, #tpu.memory_space<vmem>>
          %dma_wait3A_187 = tpu.memref_squeeze %dma_wait3A_186 : memref<1x128xi32, #tpu.memory_space<vmem>> -> memref<128xi32, #tpu.memory_space<vmem>>
          %dma_wait3A_188 = tpu.memref_slice %arg3[%add3A_174] : memref<320000xi32, #tpu.memory_space<hbm>> -> memref<128xi32, #tpu.memory_space<hbm>>
          tpu.wait_dma2 semaphore(%arg16 : memref<!tpu.dma_semaphore, #tpu.memory_space<semaphore_mem>>) src(%dma_wait3A_188 : memref<128xi32, #tpu.memory_space<hbm>>) dst(%dma_wait3A_187 : memref<128xi32, #tpu.memory_space<vmem>>)
          %dma_wait3A_189 = arith.constant 0 : i32
          %dma_wait3A_190 = tpu.memref_slice %arg7[%rem3A_179, %dma_wait3A_189] : memref<6x128xi32, #tpu.memory_space<vmem>> -> memref<1x128xi32, #tpu.memory_space<vmem>>
          %dma_wait3A_191 = tpu.memref_squeeze %dma_wait3A_190 : memref<1x128xi32, #tpu.memory_space<vmem>> -> memref<128xi32, #tpu.memory_space<vmem>>
          %dma_wait3A_192 = tpu.memref_slice %arg4[%add3A_177] : memref<320000xi32, #tpu.memory_space<hbm>> -> memref<128xi32, #tpu.memory_space<hbm>>
          %dma_wait3A_193 = arith.constant 0 : i32
          %dma_wait3A_194 = tpu.memref_slice %arg7[%rem3A_179, %dma_wait3A_193] : memref<6x128xi32, #tpu.memory_space<vmem>> -> memref<1x128xi32, #tpu.memory_space<vmem>>
          %dma_wait3A_195 = tpu.memref_squeeze %dma_wait3A_194 : memref<1x128xi32, #tpu.memory_space<vmem>> -> memref<128xi32, #tpu.memory_space<vmem>>
          %dma_wait3A_196 = tpu.memref_slice %arg4[%add3A_177] : memref<320000xi32, #tpu.memory_space<hbm>> -> memref<128xi32, #tpu.memory_space<hbm>>
          tpu.wait_dma2 semaphore(%arg16 : memref<!tpu.dma_semaphore, #tpu.memory_space<semaphore_mem>>) src(%dma_wait3A_196 : memref<128xi32, #tpu.memory_space<hbm>>) dst(%dma_wait3A_195 : memref<128xi32, #tpu.memory_space<vmem>>)
          %add3A_197 = arith.constant 2 : i32
          %add3A_198 = arith.addi %add3A_134, %add3A_197 : i32
          %dma_start3A_199 = arith.constant 1 : i32
          %dma_start3A_200 = arith.constant 0 : i32
          %dma_start3A_201 = tpu.memref_slice %arg6[%dma_start3A_199, %dma_start3A_200] : memref<3x128xi32, #tpu.memory_space<vmem>> -> memref<1x128xi32, #tpu.memory_space<vmem>>
          %dma_start3A_202 = tpu.memref_squeeze %dma_start3A_201 : memref<1x128xi32, #tpu.memory_space<vmem>> -> memref<128xi32, #tpu.memory_space<vmem>>
          %dma_start3A_203 = arith.constant 0 : i32
          %dma_start3A_204 = arith.constant 0 : i32
          %dma_start3A_205 = tpu.memref_slice %arg2[%dma_start3A_203, %dma_start3A_204] : memref<10000x128xf32, #tpu.memory_space<hbm>> -> memref<10000x128xf32, #tpu.memory_space<hbm>>
          tpu.enqueue_indirect_dma source(%dma_start3A_205 : memref<10000x128xf32, #tpu.memory_space<hbm>>) target(%arg9 : memref<128x128xf32, #tpu.memory_space<vmem>>) offsets(%dma_start3A_202 : memref<128xi32, #tpu.memory_space<vmem>>) semaphore(%arg13 : memref<!tpu.dma_semaphore, #tpu.memory_space<semaphore_mem>>)
        } else {
        }
      } else {
      }
    }
    %scan3A_57 = arith.constant 27 : i32
    %barrier3A_58 = arith.constant 0 : index
    tpu.barrier barrier_id(%barrier3A_58)
    %add3A_59 = arith.constant 0 : i32
    %add3A_60 = arith.addi %multiple_of3A, %add3A_59 : i32
    %multiple_of3A_61 = tpu.assume_multiple %add3A_60, 8 : i32
    %mul3A_62 = arith.constant 10000 : i32
    %mul3A_63 = arith.muli %arg0, %mul3A_62 : i32
    %add3A_64 = arith.addi %mul3A_63, %multiple_of3A_61 : i32
    %multiple_of3A_65 = tpu.assume_multiple %add3A_64, 8 : i32
    "tpu.region"() ({
      %run_scoped3A = tpu.sem_alloc : memref<!tpu.dma_semaphore, #tpu.memory_space<semaphore_mem>>
      %dma_start3A = arith.constant 0 : i32
      %dma_start3A_99 = tpu.memref_slice %arg5[%multiple_of3A_65, %dma_start3A] : memref<20000x128xf32, #tpu.memory_space<hbm>> -> memref<128x128xf32, #tpu.memory_space<hbm>>
      %dma_start3A_100 = arith.constant 0 : i32
      %dma_start3A_101 = tpu.memref_slice %arg11[%multiple_of3A_61, %dma_start3A_100] : memref<10000x128xf32, #tpu.memory_space<vmem_shared>> -> memref<128x128xf32, #tpu.memory_space<vmem_shared>>
      tpu.enqueue_dma source(%dma_start3A_101 : memref<128x128xf32, #tpu.memory_space<vmem_shared>>) target(%dma_start3A_99 : memref<128x128xf32, #tpu.memory_space<hbm>>) target_semaphore(%run_scoped3A : memref<!tpu.dma_semaphore, #tpu.memory_space<semaphore_mem>>)
      %dma_wait3A = arith.constant 0 : i32
      %dma_wait3A_102 = tpu.memref_slice %arg5[%multiple_of3A_65, %dma_wait3A] : memref<20000x128xf32, #tpu.memory_space<hbm>> -> memref<128x128xf32, #tpu.memory_space<hbm>>
      %dma_wait3A_103 = arith.constant 0 : i32
      %dma_wait3A_104 = tpu.memref_slice %arg11[%multiple_of3A_61, %dma_wait3A_103] : memref<10000x128xf32, #tpu.memory_space<vmem_shared>> -> memref<128x128xf32, #tpu.memory_space<vmem_shared>>
      tpu.wait_dma2 semaphore(%run_scoped3A : memref<!tpu.dma_semaphore, #tpu.memory_space<semaphore_mem>>) src(%dma_wait3A_104 : memref<128x128xf32, #tpu.memory_space<vmem_shared>>) dst(%dma_wait3A_102 : memref<128x128xf32, #tpu.memory_space<hbm>>)
      tpu.yield
    }) : () -> ()
    %add3A_66 = arith.constant 128 : i32
    %add3A_67 = arith.addi %multiple_of3A, %add3A_66 : i32
    %multiple_of3A_68 = tpu.assume_multiple %add3A_67, 8 : i32
    %mul3A_69 = arith.constant 10000 : i32
    %mul3A_70 = arith.muli %arg0, %mul3A_69 : i32
    %add3A_71 = arith.addi %mul3A_70, %multiple_of3A_68 : i32
    %multiple_of3A_72 = tpu.assume_multiple %add3A_71, 8 : i32
    "tpu.region"() ({
      %run_scoped3A = tpu.sem_alloc : memref<!tpu.dma_semaphore, #tpu.memory_space<semaphore_mem>>
      %dma_start3A = arith.constant 0 : i32
      %dma_start3A_99 = tpu.memref_slice %arg5[%multiple_of3A_72, %dma_start3A] : memref<20000x128xf32, #tpu.memory_space<hbm>> -> memref<128x128xf32, #tpu.memory_space<hbm>>
      %dma_start3A_100 = arith.constant 0 : i32
      %dma_start3A_101 = tpu.memref_slice %arg11[%multiple_of3A_68, %dma_start3A_100] : memref<10000x128xf32, #tpu.memory_space<vmem_shared>> -> memref<128x128xf32, #tpu.memory_space<vmem_shared>>
      tpu.enqueue_dma source(%dma_start3A_101 : memref<128x128xf32, #tpu.memory_space<vmem_shared>>) target(%dma_start3A_99 : memref<128x128xf32, #tpu.memory_space<hbm>>) target_semaphore(%run_scoped3A : memref<!tpu.dma_semaphore, #tpu.memory_space<semaphore_mem>>)
      %dma_wait3A = arith.constant 0 : i32
      %dma_wait3A_102 = tpu.memref_slice %arg5[%multiple_of3A_72, %dma_wait3A] : memref<20000x128xf32, #tpu.memory_space<hbm>> -> memref<128x128xf32, #tpu.memory_space<hbm>>
      %dma_wait3A_103 = arith.constant 0 : i32
      %dma_wait3A_104 = tpu.memref_slice %arg11[%multiple_of3A_68, %dma_wait3A_103] : memref<10000x128xf32, #tpu.memory_space<vmem_shared>> -> memref<128x128xf32, #tpu.memory_space<vmem_shared>>
      tpu.wait_dma2 semaphore(%run_scoped3A : memref<!tpu.dma_semaphore, #tpu.memory_space<semaphore_mem>>) src(%dma_wait3A_104 : memref<128x128xf32, #tpu.memory_space<vmem_shared>>) dst(%dma_wait3A_102 : memref<128x128xf32, #tpu.memory_space<hbm>>)
      tpu.yield
    }) : () -> ()
    %add3A_73 = arith.constant 256 : i32
    %add3A_74 = arith.addi %multiple_of3A, %add3A_73 : i32
    %multiple_of3A_75 = tpu.assume_multiple %add3A_74, 8 : i32
    %mul3A_76 = arith.constant 10000 : i32
    %mul3A_77 = arith.muli %arg0, %mul3A_76 : i32
    %add3A_78 = arith.addi %mul3A_77, %multiple_of3A_75 : i32
    %multiple_of3A_79 = tpu.assume_multiple %add3A_78, 8 : i32
    "tpu.region"() ({
      %run_scoped3A = tpu.sem_alloc : memref<!tpu.dma_semaphore, #tpu.memory_space<semaphore_mem>>
      %dma_start3A = arith.constant 0 : i32
      %dma_start3A_99 = tpu.memref_slice %arg5[%multiple_of3A_79, %dma_start3A] : memref<20000x128xf32, #tpu.memory_space<hbm>> -> memref<128x128xf32, #tpu.memory_space<hbm>>
      %dma_start3A_100 = arith.constant 0 : i32
      %dma_start3A_101 = tpu.memref_slice %arg11[%multiple_of3A_75, %dma_start3A_100] : memref<10000x128xf32, #tpu.memory_space<vmem_shared>> -> memref<128x128xf32, #tpu.memory_space<vmem_shared>>
      tpu.enqueue_dma source(%dma_start3A_101 : memref<128x128xf32, #tpu.memory_space<vmem_shared>>) target(%dma_start3A_99 : memref<128x128xf32, #tpu.memory_space<hbm>>) target_semaphore(%run_scoped3A : memref<!tpu.dma_semaphore, #tpu.memory_space<semaphore_mem>>)
      %dma_wait3A = arith.constant 0 : i32
      %dma_wait3A_102 = tpu.memref_slice %arg5[%multiple_of3A_79, %dma_wait3A] : memref<20000x128xf32, #tpu.memory_space<hbm>> -> memref<128x128xf32, #tpu.memory_space<hbm>>
      %dma_wait3A_103 = arith.constant 0 : i32
      %dma_wait3A_104 = tpu.memref_slice %arg11[%multiple_of3A_75, %dma_wait3A_103] : memref<10000x128xf32, #tpu.memory_space<vmem_shared>> -> memref<128x128xf32, #tpu.memory_space<vmem_shared>>
      tpu.wait_dma2 semaphore(%run_scoped3A : memref<!tpu.dma_semaphore, #tpu.memory_space<semaphore_mem>>) src(%dma_wait3A_104 : memref<128x128xf32, #tpu.memory_space<vmem_shared>>) dst(%dma_wait3A_102 : memref<128x128xf32, #tpu.memory_space<hbm>>)
      tpu.yield
    }) : () -> ()
    %add3A_80 = arith.constant 384 : i32
    %add3A_81 = arith.addi %multiple_of3A, %add3A_80 : i32
    %multiple_of3A_82 = tpu.assume_multiple %add3A_81, 8 : i32
    %mul3A_83 = arith.constant 10000 : i32
    %mul3A_84 = arith.muli %arg0, %mul3A_83 : i32
    %add3A_85 = arith.addi %mul3A_84, %multiple_of3A_82 : i32
    %multiple_of3A_86 = tpu.assume_multiple %add3A_85, 8 : i32
    "tpu.region"() ({
      %run_scoped3A = tpu.sem_alloc : memref<!tpu.dma_semaphore, #tpu.memory_space<semaphore_mem>>
      %dma_start3A = arith.constant 0 : i32
      %dma_start3A_99 = tpu.memref_slice %arg5[%multiple_of3A_86, %dma_start3A] : memref<20000x128xf32, #tpu.memory_space<hbm>> -> memref<128x128xf32, #tpu.memory_space<hbm>>
      %dma_start3A_100 = arith.constant 0 : i32
      %dma_start3A_101 = tpu.memref_slice %arg11[%multiple_of3A_82, %dma_start3A_100] : memref<10000x128xf32, #tpu.memory_space<vmem_shared>> -> memref<128x128xf32, #tpu.memory_space<vmem_shared>>
      tpu.enqueue_dma source(%dma_start3A_101 : memref<128x128xf32, #tpu.memory_space<vmem_shared>>) target(%dma_start3A_99 : memref<128x128xf32, #tpu.memory_space<hbm>>) target_semaphore(%run_scoped3A : memref<!tpu.dma_semaphore, #tpu.memory_space<semaphore_mem>>)
      %dma_wait3A = arith.constant 0 : i32
      %dma_wait3A_102 = tpu.memref_slice %arg5[%multiple_of3A_86, %dma_wait3A] : memref<20000x128xf32, #tpu.memory_space<hbm>> -> memref<128x128xf32, #tpu.memory_space<hbm>>
      %dma_wait3A_103 = arith.constant 0 : i32
      %dma_wait3A_104 = tpu.memref_slice %arg11[%multiple_of3A_82, %dma_wait3A_103] : memref<10000x128xf32, #tpu.memory_space<vmem_shared>> -> memref<128x128xf32, #tpu.memory_space<vmem_shared>>
      tpu.wait_dma2 semaphore(%run_scoped3A : memref<!tpu.dma_semaphore, #tpu.memory_space<semaphore_mem>>) src(%dma_wait3A_104 : memref<128x128xf32, #tpu.memory_space<vmem_shared>>) dst(%dma_wait3A_102 : memref<128x128xf32, #tpu.memory_space<hbm>>)
      tpu.yield
    }) : () -> ()
    %add3A_87 = arith.constant 512 : i32
    %add3A_88 = arith.addi %multiple_of3A, %add3A_87 : i32
    %multiple_of3A_89 = tpu.assume_multiple %add3A_88, 8 : i32
    %mul3A_90 = arith.constant 10000 : i32
    %mul3A_91 = arith.muli %arg0, %mul3A_90 : i32
    %add3A_92 = arith.addi %mul3A_91, %multiple_of3A_89 : i32
    %multiple_of3A_93 = tpu.assume_multiple %add3A_92, 8 : i32
    "tpu.region"() ({
      %run_scoped3A = tpu.sem_alloc : memref<!tpu.dma_semaphore, #tpu.memory_space<semaphore_mem>>
      %dma_start3A = arith.constant 0 : i32
      %dma_start3A_99 = tpu.memref_slice %arg5[%multiple_of3A_93, %dma_start3A] : memref<20000x128xf32, #tpu.memory_space<hbm>> -> memref<112x128xf32, #tpu.memory_space<hbm>>
      %dma_start3A_100 = arith.constant 0 : i32
      %dma_start3A_101 = tpu.memref_slice %arg11[%multiple_of3A_89, %dma_start3A_100] : memref<10000x128xf32, #tpu.memory_space<vmem_shared>> -> memref<112x128xf32, #tpu.memory_space<vmem_shared>>
      tpu.enqueue_dma source(%dma_start3A_101 : memref<112x128xf32, #tpu.memory_space<vmem_shared>>) target(%dma_start3A_99 : memref<112x128xf32, #tpu.memory_space<hbm>>) target_semaphore(%run_scoped3A : memref<!tpu.dma_semaphore, #tpu.memory_space<semaphore_mem>>)
      %dma_wait3A = arith.constant 0 : i32
      %dma_wait3A_102 = tpu.memref_slice %arg5[%multiple_of3A_93, %dma_wait3A] : memref<20000x128xf32, #tpu.memory_space<hbm>> -> memref<112x128xf32, #tpu.memory_space<hbm>>
      %dma_wait3A_103 = arith.constant 0 : i32
      %dma_wait3A_104 = tpu.memref_slice %arg11[%multiple_of3A_89, %dma_wait3A_103] : memref<10000x128xf32, #tpu.memory_space<vmem_shared>> -> memref<112x128xf32, #tpu.memory_space<vmem_shared>>
      tpu.wait_dma2 semaphore(%run_scoped3A : memref<!tpu.dma_semaphore, #tpu.memory_space<semaphore_mem>>) src(%dma_wait3A_104 : memref<112x128xf32, #tpu.memory_space<vmem_shared>>) dst(%dma_wait3A_102 : memref<112x128xf32, #tpu.memory_space<hbm>>)
      tpu.yield
    }) : () -> ()
    %eq3A_94 = arith.constant 0 : i32
    %eq3A_95 = arith.cmpi eq, %arg1, %eq3A_94 : i32
    %convert_element_type3A_96 = arith.extui %eq3A_95 : i1 to i32
    %cond3A_97 = arith.constant 0 : i32
    %cond3A_98 = arith.cmpi ne, %convert_element_type3A_96, %cond3A_97 : i32
    scf.if %cond3A_98 {
      %multiple_of3A_99 = arith.constant 9984 : i32
      %multiple_of3A_100 = tpu.assume_multiple %multiple_of3A_99, 8 : i32
      %mul3A_101 = arith.constant 10000 : i32
      %mul3A_102 = arith.muli %arg0, %mul3A_101 : i32
      %add3A_103 = arith.addi %mul3A_102, %multiple_of3A_100 : i32
      %multiple_of3A_104 = tpu.assume_multiple %add3A_103, 8 : i32
      "tpu.region"() ({
        %run_scoped3A = tpu.sem_alloc : memref<!tpu.dma_semaphore, #tpu.memory_space<semaphore_mem>>
        %dma_start3A = arith.constant 0 : i32
        %dma_start3A_105 = tpu.memref_slice %arg5[%multiple_of3A_104, %dma_start3A] : memref<20000x128xf32, #tpu.memory_space<hbm>> -> memref<16x128xf32, #tpu.memory_space<hbm>>
        %dma_start3A_106 = arith.constant 0 : i32
        %dma_start3A_107 = tpu.memref_slice %arg11[%multiple_of3A_100, %dma_start3A_106] : memref<10000x128xf32, #tpu.memory_space<vmem_shared>> -> memref<16x128xf32, #tpu.memory_space<vmem_shared>>
        tpu.enqueue_dma source(%dma_start3A_107 : memref<16x128xf32, #tpu.memory_space<vmem_shared>>) target(%dma_start3A_105 : memref<16x128xf32, #tpu.memory_space<hbm>>) target_semaphore(%run_scoped3A : memref<!tpu.dma_semaphore, #tpu.memory_space<semaphore_mem>>)
        %dma_wait3A = arith.constant 0 : i32
        %dma_wait3A_108 = tpu.memref_slice %arg5[%multiple_of3A_104, %dma_wait3A] : memref<20000x128xf32, #tpu.memory_space<hbm>> -> memref<16x128xf32, #tpu.memory_space<hbm>>
        %dma_wait3A_109 = arith.constant 0 : i32
        %dma_wait3A_110 = tpu.memref_slice %arg11[%multiple_of3A_100, %dma_wait3A_109] : memref<10000x128xf32, #tpu.memory_space<vmem_shared>> -> memref<16x128xf32, #tpu.memory_space<vmem_shared>>
        tpu.wait_dma2 semaphore(%run_scoped3A : memref<!tpu.dma_semaphore, #tpu.memory_space<semaphore_mem>>) src(%dma_wait3A_110 : memref<16x128xf32, #tpu.memory_space<vmem_shared>>) dst(%dma_wait3A_108 : memref<16x128xf32, #tpu.memory_space<hbm>>)
        tpu.yield
      }) : () -> ()
    } else {
    }
    return
  }
}

#map = affine_map<(d0, d1) -> (0, 0)>
#map1 = affine_map<(d0, d1) -> (0)>
module attributes {stable_mosaic.version = 14 : i64} {
  func.func @_seg_sum_body(%arg0: i32, %arg1: i32, %arg2: memref<10000x128xf32, #tpu.memory_space<hbm>>, %arg3: memref<320000xi32, #tpu.memory_space<hbm>>, %arg4: memref<320000xi32, #tpu.memory_space<hbm>>, %arg5: memref<20000x128xf32, #tpu.memory_space<hbm>>, %arg6: memref<3x128xi32, #tpu.memory_space<vmem>>, %arg7: memref<6x128xi32, #tpu.memory_space<vmem>>, %arg8: memref<128x128xf32, #tpu.memory_space<vmem>>, %arg9: memref<128x128xf32, #tpu.memory_space<vmem>>, %arg10: memref<128x128xf32, #tpu.memory_space<vmem>>, %arg11: memref<10000x128xf32, #tpu.memory_space<vmem_shared>>, %arg12: memref<!tpu.dma_semaphore, #tpu.memory_space<semaphore_mem>>, %arg13: memref<!tpu.dma_semaphore, #tpu.memory_space<semaphore_mem>>, %arg14: memref<!tpu.dma_semaphore, #tpu.memory_space<semaphore_mem>>, %arg15: memref<!tpu.dma_semaphore, #tpu.memory_space<semaphore_mem>>, %arg16: memref<!tpu.dma_semaphore, #tpu.memory_space<semaphore_mem>>, %arg17: memref<!tpu.dma_semaphore, #tpu.memory_space<semaphore_mem>>, %arg18: memref<!tpu.dma_semaphore, #tpu.memory_space<semaphore_mem>>, %arg19: memref<!tpu.dma_semaphore, #tpu.memory_space<semaphore_mem>>, %arg20: memref<!tpu.dma_semaphore, #tpu.memory_space<semaphore_mem>>) attributes {dimension_semantics = [#tpu.dimension_semantics<core_parallel>, #tpu.dimension_semantics<subcore_parallel>], iteration_bounds = array<i64: 2, 16>, scalar_prefetch = 0 : i64, scratch_operands = 15 : i64, tpu.core_type = #tpu.core_type<sc_vector_subcore>, window_params = [{transform_indices = #map}, {transform_indices = #map1}, {transform_indices = #map1}, {transform_indices = #map}]} {
    %scan3A = arith.constant 0 : i32
    %scan3A_0 = arith.constant 128 : i32
    %scan3A_1 = arith.addi %scan3A, %scan3A_0 : i32
    %scan3A_2 = arith.constant 1 : i32
    scf.for %scan3A_99 = %scan3A to %scan3A_1 step %scan3A_2  : i32 {
      %mul3A_100 = arith.constant 1 : i32
      %mul3A_101 = arith.muli %scan3A_99, %mul3A_100 : i32
      %add3A_102 = arith.constant 0 : i32
      %add3A_103 = arith.addi %add3A_102, %mul3A_101 : i32
      %scan3A_104 = arith.constant 0 : i32
      %scan3A_105 = arith.constant 8 : i32
      %scan3A_106 = arith.addi %scan3A_104, %scan3A_105 : i32
      %scan3A_107 = arith.constant 1 : i32
      scf.for %scan3A_109 = %scan3A_104 to %scan3A_106 step %scan3A_107  : i32 {
        %mul3A_110 = arith.constant 1 : i32
        %mul3A_111 = arith.muli %scan3A_109, %mul3A_110 : i32
        %add3A_112 = arith.constant 0 : i32
        %add3A_113 = arith.addi %add3A_112, %mul3A_111 : i32
        %broadcast_in_dim3A = arith.constant 0.000000e+00 : f32
        %broadcast_in_dim3A_114 = vector.broadcast %broadcast_in_dim3A : f32 to vector<16xf32>
        %mul3A_115 = arith.constant 16 : i32
        %mul3A_116 = arith.muli %add3A_113, %mul3A_115 : i32
        %swap3A = arith.index_cast %add3A_103 : i32 to index
        %swap3A_117 = arith.index_cast %mul3A_116 : i32 to index
        %swap3A_118 = tpu.vector_load %arg8[%swap3A, %swap3A_117] {strides = array<i32>} : memref<128x128xf32, #tpu.memory_space<vmem>>, vector<1x16xf32>,
        %swap3A_119 = vector.shape_cast %swap3A_118 : vector<1x16xf32> to vector<16xf32>
        %swap3A_120 = vector.shape_cast %broadcast_in_dim3A_114 : vector<16xf32> to vector<1x16xf32>
        tpu.vector_store %arg8[%swap3A, %swap3A_117], %swap3A_120 {strides = array<i32>} : memref<128x128xf32, #tpu.memory_space<vmem>>, vector<1x16xf32>,
      }
      %scan3A_108 = arith.constant 8 : i32
    }
    %scan3A_3 = arith.constant 128 : i32
    %mul3A = arith.constant 624 : i32
    %mul3A_4 = arith.muli %arg1, %mul3A : i32
    %multiple_of3A = tpu.assume_multiple %mul3A_4, 8 : i32
    %add3A = arith.constant 0 : i32
    %add3A_5 = arith.addi %multiple_of3A, %add3A : i32
    "tpu.region"() ({
      %run_scoped3A = tpu.sem_alloc : memref<!tpu.dma_semaphore, #tpu.memory_space<semaphore_mem>>
      %dma_start3A = arith.constant 0 : i32
      %dma_start3A_99 = arith.constant 0 : i32
      %dma_start3A_100 = tpu.memref_slice %arg8[%dma_start3A, %dma_start3A_99] : memref<128x128xf32, #tpu.memory_space<vmem>> -> memref<128x128xf32, #tpu.memory_space<vmem>>
      %dma_start3A_101 = arith.constant 0 : i32
      %dma_start3A_102 = tpu.memref_slice %arg11[%add3A_5, %dma_start3A_101] : memref<10000x128xf32, #tpu.memory_space<vmem_shared>> -> memref<128x128xf32, #tpu.memory_space<vmem_shared>>
      %dma_start3A_103 = arith.constant 0 : i32
      %dma_start3A_104 = tpu.memref_slice %arg11[%add3A_5, %dma_start3A_103] : memref<10000x128xf32, #tpu.memory_space<vmem_shared>> -> memref<128x128xf32, #tpu.memory_space<vmem_shared>>
      %dma_start3A_105 = arith.constant 0 : i32
      %dma_start3A_106 = arith.constant 0 : i32
      %dma_start3A_107 = tpu.memref_slice %arg8[%dma_start3A_105, %dma_start3A_106] : memref<128x128xf32, #tpu.memory_space<vmem>> -> memref<128x128xf32, #tpu.memory_space<vmem>>
      tpu.enqueue_dma source(%dma_start3A_107 : memref<128x128xf32, #tpu.memory_space<vmem>>) target(%dma_start3A_104 : memref<128x128xf32, #tpu.memory_space<vmem_shared>>) target_semaphore(%run_scoped3A : memref<!tpu.dma_semaphore, #tpu.memory_space<semaphore_mem>>)
      %dma_wait3A = arith.constant 0 : i32
      %dma_wait3A_108 = arith.constant 0 : i32
      %dma_wait3A_109 = tpu.memref_slice %arg8[%dma_wait3A, %dma_wait3A_108] : memref<128x128xf32, #tpu.memory_space<vmem>> -> memref<128x128xf32, #tpu.memory_space<vmem>>
      %dma_wait3A_110 = arith.constant 0 : i32
      %dma_wait3A_111 = tpu.memref_slice %arg11[%add3A_5, %dma_wait3A_110] : memref<10000x128xf32, #tpu.memory_space<vmem_shared>> -> memref<128x128xf32, #tpu.memory_space<vmem_shared>>
      %dma_wait3A_112 = arith.constant 0 : i32
      %dma_wait3A_113 = tpu.memref_slice %arg11[%add3A_5, %dma_wait3A_112] : memref<10000x128xf32, #tpu.memory_space<vmem_shared>> -> memref<128x128xf32, #tpu.memory_space<vmem_shared>>
      %dma_wait3A_114 = arith.constant 0 : i32
      %dma_wait3A_115 = arith.constant 0 : i32
      %dma_wait3A_116 = tpu.memref_slice %arg8[%dma_wait3A_114, %dma_wait3A_115] : memref<128x128xf32, #tpu.memory_space<vmem>> -> memref<128x128xf32, #tpu.memory_space<vmem>>
      tpu.wait_dma2 semaphore(%run_scoped3A : memref<!tpu.dma_semaphore, #tpu.memory_space<semaphore_mem>>) src(%dma_wait3A_116 : memref<128x128xf32, #tpu.memory_space<vmem>>) dst(%dma_wait3A_113 : memref<128x128xf32, #tpu.memory_space<vmem_shared>>)
      tpu.yield
    }) : () -> ()
    %add3A_6 = arith.constant 128 : i32
    %add3A_7 = arith.addi %multiple_of3A, %add3A_6 : i32
    "tpu.region"() ({
      %run_scoped3A = tpu.sem_alloc : memref<!tpu.dma_semaphore, #tpu.memory_space<semaphore_mem>>
      %dma_start3A = arith.constant 0 : i32
      %dma_start3A_99 = arith.constant 0 : i32
      %dma_start3A_100 = tpu.memref_slice %arg8[%dma_start3A, %dma_start3A_99] : memref<128x128xf32, #tpu.memory_space<vmem>> -> memref<128x128xf32, #tpu.memory_space<vmem>>
      %dma_start3A_101 = arith.constant 0 : i32
      %dma_start3A_102 = tpu.memref_slice %arg11[%add3A_7, %dma_start3A_101] : memref<10000x128xf32, #tpu.memory_space<vmem_shared>> -> memref<128x128xf32, #tpu.memory_space<vmem_shared>>
      %dma_start3A_103 = arith.constant 0 : i32
      %dma_start3A_104 = tpu.memref_slice %arg11[%add3A_7, %dma_start3A_103] : memref<10000x128xf32, #tpu.memory_space<vmem_shared>> -> memref<128x128xf32, #tpu.memory_space<vmem_shared>>
      %dma_start3A_105 = arith.constant 0 : i32
      %dma_start3A_106 = arith.constant 0 : i32
      %dma_start3A_107 = tpu.memref_slice %arg8[%dma_start3A_105, %dma_start3A_106] : memref<128x128xf32, #tpu.memory_space<vmem>> -> memref<128x128xf32, #tpu.memory_space<vmem>>
      tpu.enqueue_dma source(%dma_start3A_107 : memref<128x128xf32, #tpu.memory_space<vmem>>) target(%dma_start3A_104 : memref<128x128xf32, #tpu.memory_space<vmem_shared>>) target_semaphore(%run_scoped3A : memref<!tpu.dma_semaphore, #tpu.memory_space<semaphore_mem>>)
      %dma_wait3A = arith.constant 0 : i32
      %dma_wait3A_108 = arith.constant 0 : i32
      %dma_wait3A_109 = tpu.memref_slice %arg8[%dma_wait3A, %dma_wait3A_108] : memref<128x128xf32, #tpu.memory_space<vmem>> -> memref<128x128xf32, #tpu.memory_space<vmem>>
      %dma_wait3A_110 = arith.constant 0 : i32
      %dma_wait3A_111 = tpu.memref_slice %arg11[%add3A_7, %dma_wait3A_110] : memref<10000x128xf32, #tpu.memory_space<vmem_shared>> -> memref<128x128xf32, #tpu.memory_space<vmem_shared>>
      %dma_wait3A_112 = arith.constant 0 : i32
      %dma_wait3A_113 = tpu.memref_slice %arg11[%add3A_7, %dma_wait3A_112] : memref<10000x128xf32, #tpu.memory_space<vmem_shared>> -> memref<128x128xf32, #tpu.memory_space<vmem_shared>>
      %dma_wait3A_114 = arith.constant 0 : i32
      %dma_wait3A_115 = arith.constant 0 : i32
      %dma_wait3A_116 = tpu.memref_slice %arg8[%dma_wait3A_114, %dma_wait3A_115] : memref<128x128xf32, #tpu.memory_space<vmem>> -> memref<128x128xf32, #tpu.memory_space<vmem>>
      tpu.wait_dma2 semaphore(%run_scoped3A : memref<!tpu.dma_semaphore, #tpu.memory_space<semaphore_mem>>) src(%dma_wait3A_116 : memref<128x128xf32, #tpu.memory_space<vmem>>) dst(%dma_wait3A_113 : memref<128x128xf32, #tpu.memory_space<vmem_shared>>)
      tpu.yield
    }) : () -> ()
    %add3A_8 = arith.constant 256 : i32
    %add3A_9 = arith.addi %multiple_of3A, %add3A_8 : i32
    "tpu.region"() ({
      %run_scoped3A = tpu.sem_alloc : memref<!tpu.dma_semaphore, #tpu.memory_space<semaphore_mem>>
      %dma_start3A = arith.constant 0 : i32
      %dma_start3A_99 = arith.constant 0 : i32
      %dma_start3A_100 = tpu.memref_slice %arg8[%dma_start3A, %dma_start3A_99] : memref<128x128xf32, #tpu.memory_space<vmem>> -> memref<128x128xf32, #tpu.memory_space<vmem>>
      %dma_start3A_101 = arith.constant 0 : i32
      %dma_start3A_102 = tpu.memref_slice %arg11[%add3A_9, %dma_start3A_101] : memref<10000x128xf32, #tpu.memory_space<vmem_shared>> -> memref<128x128xf32, #tpu.memory_space<vmem_shared>>
      %dma_start3A_103 = arith.constant 0 : i32
      %dma_start3A_104 = tpu.memref_slice %arg11[%add3A_9, %dma_start3A_103] : memref<10000x128xf32, #tpu.memory_space<vmem_shared>> -> memref<128x128xf32, #tpu.memory_space<vmem_shared>>
      %dma_start3A_105 = arith.constant 0 : i32
      %dma_start3A_106 = arith.constant 0 : i32
      %dma_start3A_107 = tpu.memref_slice %arg8[%dma_start3A_105, %dma_start3A_106] : memref<128x128xf32, #tpu.memory_space<vmem>> -> memref<128x128xf32, #tpu.memory_space<vmem>>
      tpu.enqueue_dma source(%dma_start3A_107 : memref<128x128xf32, #tpu.memory_space<vmem>>) target(%dma_start3A_104 : memref<128x128xf32, #tpu.memory_space<vmem_shared>>) target_semaphore(%run_scoped3A : memref<!tpu.dma_semaphore, #tpu.memory_space<semaphore_mem>>)
      %dma_wait3A = arith.constant 0 : i32
      %dma_wait3A_108 = arith.constant 0 : i32
      %dma_wait3A_109 = tpu.memref_slice %arg8[%dma_wait3A, %dma_wait3A_108] : memref<128x128xf32, #tpu.memory_space<vmem>> -> memref<128x128xf32, #tpu.memory_space<vmem>>
      %dma_wait3A_110 = arith.constant 0 : i32
      %dma_wait3A_111 = tpu.memref_slice %arg11[%add3A_9, %dma_wait3A_110] : memref<10000x128xf32, #tpu.memory_space<vmem_shared>> -> memref<128x128xf32, #tpu.memory_space<vmem_shared>>
      %dma_wait3A_112 = arith.constant 0 : i32
      %dma_wait3A_113 = tpu.memref_slice %arg11[%add3A_9, %dma_wait3A_112] : memref<10000x128xf32, #tpu.memory_space<vmem_shared>> -> memref<128x128xf32, #tpu.memory_space<vmem_shared>>
      %dma_wait3A_114 = arith.constant 0 : i32
      %dma_wait3A_115 = arith.constant 0 : i32
      %dma_wait3A_116 = tpu.memref_slice %arg8[%dma_wait3A_114, %dma_wait3A_115] : memref<128x128xf32, #tpu.memory_space<vmem>> -> memref<128x128xf32, #tpu.memory_space<vmem>>
      tpu.wait_dma2 semaphore(%run_scoped3A : memref<!tpu.dma_semaphore, #tpu.memory_space<semaphore_mem>>) src(%dma_wait3A_116 : memref<128x128xf32, #tpu.memory_space<vmem>>) dst(%dma_wait3A_113 : memref<128x128xf32, #tpu.memory_space<vmem_shared>>)
      tpu.yield
    }) : () -> ()
    %add3A_10 = arith.constant 384 : i32
    %add3A_11 = arith.addi %multiple_of3A, %add3A_10 : i32
    "tpu.region"() ({
      %run_scoped3A = tpu.sem_alloc : memref<!tpu.dma_semaphore, #tpu.memory_space<semaphore_mem>>
      %dma_start3A = arith.constant 0 : i32
      %dma_start3A_99 = arith.constant 0 : i32
      %dma_start3A_100 = tpu.memref_slice %arg8[%dma_start3A, %dma_start3A_99] : memref<128x128xf32, #tpu.memory_space<vmem>> -> memref<128x128xf32, #tpu.memory_space<vmem>>
      %dma_start3A_101 = arith.constant 0 : i32
      %dma_start3A_102 = tpu.memref_slice %arg11[%add3A_11, %dma_start3A_101] : memref<10000x128xf32, #tpu.memory_space<vmem_shared>> -> memref<128x128xf32, #tpu.memory_space<vmem_shared>>
      %dma_start3A_103 = arith.constant 0 : i32
      %dma_start3A_104 = tpu.memref_slice %arg11[%add3A_11, %dma_start3A_103] : memref<10000x128xf32, #tpu.memory_space<vmem_shared>> -> memref<128x128xf32, #tpu.memory_space<vmem_shared>>
      %dma_start3A_105 = arith.constant 0 : i32
      %dma_start3A_106 = arith.constant 0 : i32
      %dma_start3A_107 = tpu.memref_slice %arg8[%dma_start3A_105, %dma_start3A_106] : memref<128x128xf32, #tpu.memory_space<vmem>> -> memref<128x128xf32, #tpu.memory_space<vmem>>
      tpu.enqueue_dma source(%dma_start3A_107 : memref<128x128xf32, #tpu.memory_space<vmem>>) target(%dma_start3A_104 : memref<128x128xf32, #tpu.memory_space<vmem_shared>>) target_semaphore(%run_scoped3A : memref<!tpu.dma_semaphore, #tpu.memory_space<semaphore_mem>>)
      %dma_wait3A = arith.constant 0 : i32
      %dma_wait3A_108 = arith.constant 0 : i32
      %dma_wait3A_109 = tpu.memref_slice %arg8[%dma_wait3A, %dma_wait3A_108] : memref<128x128xf32, #tpu.memory_space<vmem>> -> memref<128x128xf32, #tpu.memory_space<vmem>>
      %dma_wait3A_110 = arith.constant 0 : i32
      %dma_wait3A_111 = tpu.memref_slice %arg11[%add3A_11, %dma_wait3A_110] : memref<10000x128xf32, #tpu.memory_space<vmem_shared>> -> memref<128x128xf32, #tpu.memory_space<vmem_shared>>
      %dma_wait3A_112 = arith.constant 0 : i32
      %dma_wait3A_113 = tpu.memref_slice %arg11[%add3A_11, %dma_wait3A_112] : memref<10000x128xf32, #tpu.memory_space<vmem_shared>> -> memref<128x128xf32, #tpu.memory_space<vmem_shared>>
      %dma_wait3A_114 = arith.constant 0 : i32
      %dma_wait3A_115 = arith.constant 0 : i32
      %dma_wait3A_116 = tpu.memref_slice %arg8[%dma_wait3A_114, %dma_wait3A_115] : memref<128x128xf32, #tpu.memory_space<vmem>> -> memref<128x128xf32, #tpu.memory_space<vmem>>
      tpu.wait_dma2 semaphore(%run_scoped3A : memref<!tpu.dma_semaphore, #tpu.memory_space<semaphore_mem>>) src(%dma_wait3A_116 : memref<128x128xf32, #tpu.memory_space<vmem>>) dst(%dma_wait3A_113 : memref<128x128xf32, #tpu.memory_space<vmem_shared>>)
      tpu.yield
    }) : () -> ()
    %add3A_12 = arith.constant 512 : i32
    %add3A_13 = arith.addi %multiple_of3A, %add3A_12 : i32
    "tpu.region"() ({
      %run_scoped3A = tpu.sem_alloc : memref<!tpu.dma_semaphore, #tpu.memory_space<semaphore_mem>>
      %dma_start3A = arith.constant 0 : i32
      %dma_start3A_99 = arith.constant 0 : i32
      %dma_start3A_100 = tpu.memref_slice %arg8[%dma_start3A, %dma_start3A_99] : memref<128x128xf32, #tpu.memory_space<vmem>> -> memref<112x128xf32, #tpu.memory_space<vmem>>
      %dma_start3A_101 = arith.constant 0 : i32
      %dma_start3A_102 = tpu.memref_slice %arg11[%add3A_13, %dma_start3A_101] : memref<10000x128xf32, #tpu.memory_space<vmem_shared>> -> memref<112x128xf32, #tpu.memory_space<vmem_shared>>
      %dma_start3A_103 = arith.constant 0 : i32
      %dma_start3A_104 = tpu.memref_slice %arg11[%add3A_13, %dma_start3A_103] : memref<10000x128xf32, #tpu.memory_space<vmem_shared>> -> memref<112x128xf32, #tpu.memory_space<vmem_shared>>
      %dma_start3A_105 = arith.constant 0 : i32
      %dma_start3A_106 = arith.constant 0 : i32
      %dma_start3A_107 = tpu.memref_slice %arg8[%dma_start3A_105, %dma_start3A_106] : memref<128x128xf32, #tpu.memory_space<vmem>> -> memref<112x128xf32, #tpu.memory_space<vmem>>
      tpu.enqueue_dma source(%dma_start3A_107 : memref<112x128xf32, #tpu.memory_space<vmem>>) target(%dma_start3A_104 : memref<112x128xf32, #tpu.memory_space<vmem_shared>>) target_semaphore(%run_scoped3A : memref<!tpu.dma_semaphore, #tpu.memory_space<semaphore_mem>>)
      %dma_wait3A = arith.constant 0 : i32
      %dma_wait3A_108 = arith.constant 0 : i32
      %dma_wait3A_109 = tpu.memref_slice %arg8[%dma_wait3A, %dma_wait3A_108] : memref<128x128xf32, #tpu.memory_space<vmem>> -> memref<112x128xf32, #tpu.memory_space<vmem>>
      %dma_wait3A_110 = arith.constant 0 : i32
      %dma_wait3A_111 = tpu.memref_slice %arg11[%add3A_13, %dma_wait3A_110] : memref<10000x128xf32, #tpu.memory_space<vmem_shared>> -> memref<112x128xf32, #tpu.memory_space<vmem_shared>>
      %dma_wait3A_112 = arith.constant 0 : i32
      %dma_wait3A_113 = tpu.memref_slice %arg11[%add3A_13, %dma_wait3A_112] : memref<10000x128xf32, #tpu.memory_space<vmem_shared>> -> memref<112x128xf32, #tpu.memory_space<vmem_shared>>
      %dma_wait3A_114 = arith.constant 0 : i32
      %dma_wait3A_115 = arith.constant 0 : i32
      %dma_wait3A_116 = tpu.memref_slice %arg8[%dma_wait3A_114, %dma_wait3A_115] : memref<128x128xf32, #tpu.memory_space<vmem>> -> memref<112x128xf32, #tpu.memory_space<vmem>>
      tpu.wait_dma2 semaphore(%run_scoped3A : memref<!tpu.dma_semaphore, #tpu.memory_space<semaphore_mem>>) src(%dma_wait3A_116 : memref<112x128xf32, #tpu.memory_space<vmem>>) dst(%dma_wait3A_113 : memref<112x128xf32, #tpu.memory_space<vmem_shared>>)
      tpu.yield
    }) : () -> ()
    %eq3A = arith.constant 0 : i32
    %eq3A_14 = arith.cmpi eq, %arg1, %eq3A : i32
    %convert_element_type3A = arith.extui %eq3A_14 : i1 to i32
    %cond3A = arith.constant 0 : i32
    %cond3A_15 = arith.cmpi ne, %convert_element_type3A, %cond3A : i32
    scf.if %cond3A_15 {
      %multiple_of3A_99 = arith.constant 9984 : i32
      %multiple_of3A_100 = tpu.assume_multiple %multiple_of3A_99, 8 : i32
      "tpu.region"() ({
        %run_scoped3A = tpu.sem_alloc : memref<!tpu.dma_semaphore, #tpu.memory_space<semaphore_mem>>
        %dma_start3A = arith.constant 0 : i32
        %dma_start3A_101 = arith.constant 0 : i32
        %dma_start3A_102 = tpu.memref_slice %arg8[%dma_start3A, %dma_start3A_101] : memref<128x128xf32, #tpu.memory_space<vmem>> -> memref<16x128xf32, #tpu.memory_space<vmem>>
        %dma_start3A_103 = arith.constant 0 : i32
        %dma_start3A_104 = tpu.memref_slice %arg11[%multiple_of3A_100, %dma_start3A_103] : memref<10000x128xf32, #tpu.memory_space<vmem_shared>> -> memref<16x128xf32, #tpu.memory_space<vmem_shared>>
        %dma_start3A_105 = arith.constant 0 : i32
        %dma_start3A_106 = tpu.memref_slice %arg11[%multiple_of3A_100, %dma_start3A_105] : memref<10000x128xf32, #tpu.memory_space<vmem_shared>> -> memref<16x128xf32, #tpu.memory_space<vmem_shared>>
        %dma_start3A_107 = arith.constant 0 : i32
        %dma_start3A_108 = arith.constant 0 : i32
        %dma_start3A_109 = tpu.memref_slice %arg8[%dma_start3A_107, %dma_start3A_108] : memref<128x128xf32, #tpu.memory_space<vmem>> -> memref<16x128xf32, #tpu.memory_space<vmem>>
        tpu.enqueue_dma source(%dma_start3A_109 : memref<16x128xf32, #tpu.memory_space<vmem>>) target(%dma_start3A_106 : memref<16x128xf32, #tpu.memory_space<vmem_shared>>) target_semaphore(%run_scoped3A : memref<!tpu.dma_semaphore, #tpu.memory_space<semaphore_mem>>)
        %dma_wait3A = arith.constant 0 : i32
        %dma_wait3A_110 = arith.constant 0 : i32
        %dma_wait3A_111 = tpu.memref_slice %arg8[%dma_wait3A, %dma_wait3A_110] : memref<128x128xf32, #tpu.memory_space<vmem>> -> memref<16x128xf32, #tpu.memory_space<vmem>>
        %dma_wait3A_112 = arith.constant 0 : i32
        %dma_wait3A_113 = tpu.memref_slice %arg11[%multiple_of3A_100, %dma_wait3A_112] : memref<10000x128xf32, #tpu.memory_space<vmem_shared>> -> memref<16x128xf32, #tpu.memory_space<vmem_shared>>
        %dma_wait3A_114 = arith.constant 0 : i32
        %dma_wait3A_115 = tpu.memref_slice %arg11[%multiple_of3A_100, %dma_wait3A_114] : memref<10000x128xf32, #tpu.memory_space<vmem_shared>> -> memref<16x128xf32, #tpu.memory_space<vmem_shared>>
        %dma_wait3A_116 = arith.constant 0 : i32
        %dma_wait3A_117 = arith.constant 0 : i32
        %dma_wait3A_118 = tpu.memref_slice %arg8[%dma_wait3A_116, %dma_wait3A_117] : memref<128x128xf32, #tpu.memory_space<vmem>> -> memref<16x128xf32, #tpu.memory_space<vmem>>
        tpu.wait_dma2 semaphore(%run_scoped3A : memref<!tpu.dma_semaphore, #tpu.memory_space<semaphore_mem>>) src(%dma_wait3A_118 : memref<16x128xf32, #tpu.memory_space<vmem>>) dst(%dma_wait3A_115 : memref<16x128xf32, #tpu.memory_space<vmem_shared>>)
        tpu.yield
      }) : () -> ()
    } else {
    }
    %mul3A_16 = arith.constant 1250 : i32
    %mul3A_17 = arith.muli %arg0, %mul3A_16 : i32
    %mul3A_18 = arith.constant 78 : i32
    %mul3A_19 = arith.muli %arg1, %mul3A_18 : i32
    %add3A_20 = arith.addi %mul3A_17, %mul3A_19 : i32
    %min3A = arith.constant 2 : i32
    %min3A_21 = arith.minsi %arg1, %min3A : i32
    %add3A_22 = arith.addi %add3A_20, %min3A_21 : i32
    %lt3A = arith.constant 2 : i32
    %lt3A_23 = arith.cmpi slt, %arg1, %lt3A : i32
    %jit3A = arith.constant 1 : i32
    %jit3A_24 = arith.constant 0 : i32
    %select_n3A = arith.select %lt3A_23, %jit3A, %jit3A_24 : i32
    %add3A_25 = arith.constant 78 : i32
    %add3A_26 = arith.addi %add3A_25, %select_n3A : i32
    %mul3A_27 = arith.constant 128 : i32
    %mul3A_28 = arith.muli %add3A_22, %mul3A_27 : i32
    %gt3A = arith.constant 0 : i32
    %gt3A_29 = arith.cmpi sgt, %add3A_26, %gt3A : i32
    %convert_element_type3A_30 = arith.extui %gt3A_29 : i1 to i32
    %cond3A_31 = arith.constant 0 : i32
    %cond3A_32 = arith.cmpi ne, %convert_element_type3A_30, %cond3A_31 : i32
    scf.if %cond3A_32 {
      %add3A_99 = arith.constant 0 : i32
      %add3A_100 = arith.addi %mul3A_28, %add3A_99 : i32
      %add3A_101 = arith.constant 0 : i32
      %add3A_102 = arith.addi %mul3A_28, %add3A_101 : i32
      %rem3A = arith.constant 0 : i32
      %rem3A_103 = arith.constant 6 : i32
      %rem3A_104 = arith.remsi %rem3A, %rem3A_103 : i32
      %dma_start3A = arith.constant 0 : i32
      %dma_start3A_105 = arith.constant 0 : i32
      %dma_start3A_106 = tpu.memref_slice %arg6[%dma_start3A, %dma_start3A_105] : memref<3x128xi32, #tpu.memory_space<vmem>> -> memref<1x128xi32, #tpu.memory_space<vmem>>
      %dma_start3A_107 = tpu.memref_squeeze %dma_start3A_106 : memref<1x128xi32, #tpu.memory_space<vmem>> -> memref<128xi32, #tpu.memory_space<vmem>>
      %dma_start3A_108 = tpu.memref_slice %arg3[%add3A_100] : memref<320000xi32, #tpu.memory_space<hbm>> -> memref<128xi32, #tpu.memory_space<hbm>>
      %dma_start3A_109 = arith.constant 0 : i32
      %dma_start3A_110 = tpu.memref_slice %arg6[%dma_start3A, %dma_start3A_109] : memref<3x128xi32, #tpu.memory_space<vmem>> -> memref<1x128xi32, #tpu.memory_space<vmem>>
      %dma_start3A_111 = tpu.memref_squeeze %dma_start3A_110 : memref<1x128xi32, #tpu.memory_space<vmem>> -> memref<128xi32, #tpu.memory_space<vmem>>
      %dma_start3A_112 = tpu.memref_slice %arg3[%add3A_100] : memref<320000xi32, #tpu.memory_space<hbm>> -> memref<128xi32, #tpu.memory_space<hbm>>
      tpu.enqueue_dma source(%dma_start3A_112 : memref<128xi32, #tpu.memory_space<hbm>>) target(%dma_start3A_111 : memref<128xi32, #tpu.memory_space<vmem>>) target_semaphore(%arg15 : memref<!tpu.dma_semaphore, #tpu.memory_space<semaphore_mem>>)
      %dma_start3A_113 = arith.constant 0 : i32
      %dma_start3A_114 = tpu.memref_slice %arg7[%rem3A_104, %dma_start3A_113] : memref<6x128xi32, #tpu.memory_space<vmem>> -> memref<1x128xi32, #tpu.memory_space<vmem>>
      %dma_start3A_115 = tpu.memref_squeeze %dma_start3A_114 : memref<1x128xi32, #tpu.memory_space<vmem>> -> memref<128xi32, #tpu.memory_space<vmem>>
      %dma_start3A_116 = tpu.memref_slice %arg4[%add3A_102] : memref<320000xi32, #tpu.memory_space<hbm>> -> memref<128xi32, #tpu.memory_space<hbm>>
      %dma_start3A_117 = arith.constant 0 : i32
      %dma_start3A_118 = tpu.memref_slice %arg7[%rem3A_104, %dma_start3A_117] : memref<6x128xi32, #tpu.memory_space<vmem>> -> memref<1x128xi32, #tpu.memory_space<vmem>>
      %dma_start3A_119 = tpu.memref_squeeze %dma_start3A_118 : memref<1x128xi32, #tpu.memory_space<vmem>> -> memref<128xi32, #tpu.memory_space<vmem>>
      %dma_start3A_120 = tpu.memref_slice %arg4[%add3A_102] : memref<320000xi32, #tpu.memory_space<hbm>> -> memref<128xi32, #tpu.memory_space<hbm>>
      tpu.enqueue_dma source(%dma_start3A_120 : memref<128xi32, #tpu.memory_space<hbm>>) target(%dma_start3A_119 : memref<128xi32, #tpu.memory_space<vmem>>) target_semaphore(%arg15 : memref<!tpu.dma_semaphore, #tpu.memory_space<semaphore_mem>>)
    } else {
    }
    %gt3A_33 = arith.constant 1 : i32
    %gt3A_34 = arith.cmpi sgt, %add3A_26, %gt3A_33 : i32
    %convert_element_type3A_35 = arith.extui %gt3A_34 : i1 to i32
    %cond3A_36 = arith.constant 0 : i32
    %cond3A_37 = arith.cmpi ne, %convert_element_type3A_35, %cond3A_36 : i32
    scf.if %cond3A_37 {
      %add3A_99 = arith.constant 128 : i32
      %add3A_100 = arith.addi %mul3A_28, %add3A_99 : i32
      %add3A_101 = arith.constant 128 : i32
      %add3A_102 = arith.addi %mul3A_28, %add3A_101 : i32
      %rem3A = arith.constant 1 : i32
      %rem3A_103 = arith.constant 6 : i32
      %rem3A_104 = arith.remsi %rem3A, %rem3A_103 : i32
      %dma_start3A = arith.constant 1 : i32
      %dma_start3A_105 = arith.constant 0 : i32
      %dma_start3A_106 = tpu.memref_slice %arg6[%dma_start3A, %dma_start3A_105] : memref<3x128xi32, #tpu.memory_space<vmem>> -> memref<1x128xi32, #tpu.memory_space<vmem>>
      %dma_start3A_107 = tpu.memref_squeeze %dma_start3A_106 : memref<1x128xi32, #tpu.memory_space<vmem>> -> memref<128xi32, #tpu.memory_space<vmem>>
      %dma_start3A_108 = tpu.memref_slice %arg3[%add3A_100] : memref<320000xi32, #tpu.memory_space<hbm>> -> memref<128xi32, #tpu.memory_space<hbm>>
      %dma_start3A_109 = arith.constant 0 : i32
      %dma_start3A_110 = tpu.memref_slice %arg6[%dma_start3A, %dma_start3A_109] : memref<3x128xi32, #tpu.memory_space<vmem>> -> memref<1x128xi32, #tpu.memory_space<vmem>>
      %dma_start3A_111 = tpu.memref_squeeze %dma_start3A_110 : memref<1x128xi32, #tpu.memory_space<vmem>> -> memref<128xi32, #tpu.memory_space<vmem>>
      %dma_start3A_112 = tpu.memref_slice %arg3[%add3A_100] : memref<320000xi32, #tpu.memory_space<hbm>> -> memref<128xi32, #tpu.memory_space<hbm>>
      tpu.enqueue_dma source(%dma_start3A_112 : memref<128xi32, #tpu.memory_space<hbm>>) target(%dma_start3A_111 : memref<128xi32, #tpu.memory_space<vmem>>) target_semaphore(%arg16 : memref<!tpu.dma_semaphore, #tpu.memory_space<semaphore_mem>>)
      %dma_start3A_113 = arith.constant 0 : i32
      %dma_start3A_114 = tpu.memref_slice %arg7[%rem3A_104, %dma_start3A_113] : memref<6x128xi32, #tpu.memory_space<vmem>> -> memref<1x128xi32, #tpu.memory_space<vmem>>
      %dma_start3A_115 = tpu.memref_squeeze %dma_start3A_114 : memref<1x128xi32, #tpu.memory_space<vmem>> -> memref<128xi32, #tpu.memory_space<vmem>>
      %dma_start3A_116 = tpu.memref_slice %arg4[%add3A_102] : memref<320000xi32, #tpu.memory_space<hbm>> -> memref<128xi32, #tpu.memory_space<hbm>>
      %dma_start3A_117 = arith.constant 0 : i32
      %dma_start3A_118 = tpu.memref_slice %arg7[%rem3A_104, %dma_start3A_117] : memref<6x128xi32, #tpu.memory_space<vmem>> -> memref<1x128xi32, #tpu.memory_space<vmem>>
      %dma_start3A_119 = tpu.memref_squeeze %dma_start3A_118 : memref<1x128xi32, #tpu.memory_space<vmem>> -> memref<128xi32, #tpu.memory_space<vmem>>
      %dma_start3A_120 = tpu.memref_slice %arg4[%add3A_102] : memref<320000xi32, #tpu.memory_space<hbm>> -> memref<128xi32, #tpu.memory_space<hbm>>
      tpu.enqueue_dma source(%dma_start3A_120 : memref<128xi32, #tpu.memory_space<hbm>>) target(%dma_start3A_119 : memref<128xi32, #tpu.memory_space<vmem>>) target_semaphore(%arg16 : memref<!tpu.dma_semaphore, #tpu.memory_space<semaphore_mem>>)
    } else {
    }
    %gt3A_38 = arith.constant 2 : i32
    %gt3A_39 = arith.cmpi sgt, %add3A_26, %gt3A_38 : i32
    %convert_element_type3A_40 = arith.extui %gt3A_39 : i1 to i32
    %cond3A_41 = arith.constant 0 : i32
    %cond3A_42 = arith.cmpi ne, %convert_element_type3A_40, %cond3A_41 : i32
    scf.if %cond3A_42 {
      %add3A_99 = arith.constant 256 : i32
      %add3A_100 = arith.addi %mul3A_28, %add3A_99 : i32
      %add3A_101 = arith.constant 256 : i32
      %add3A_102 = arith.addi %mul3A_28, %add3A_101 : i32
      %rem3A = arith.constant 2 : i32
      %rem3A_103 = arith.constant 6 : i32
      %rem3A_104 = arith.remsi %rem3A, %rem3A_103 : i32
      %dma_start3A = arith.constant 2 : i32
      %dma_start3A_105 = arith.constant 0 : i32
      %dma_start3A_106 = tpu.memref_slice %arg6[%dma_start3A, %dma_start3A_105] : memref<3x128xi32, #tpu.memory_space<vmem>> -> memref<1x128xi32, #tpu.memory_space<vmem>>
      %dma_start3A_107 = tpu.memref_squeeze %dma_start3A_106 : memref<1x128xi32, #tpu.memory_space<vmem>> -> memref<128xi32, #tpu.memory_space<vmem>>
      %dma_start3A_108 = tpu.memref_slice %arg3[%add3A_100] : memref<320000xi32, #tpu.memory_space<hbm>> -> memref<128xi32, #tpu.memory_space<hbm>>
      %dma_start3A_109 = arith.constant 0 : i32
      %dma_start3A_110 = tpu.memref_slice %arg6[%dma_start3A, %dma_start3A_109] : memref<3x128xi32, #tpu.memory_space<vmem>> -> memref<1x128xi32, #tpu.memory_space<vmem>>
      %dma_start3A_111 = tpu.memref_squeeze %dma_start3A_110 : memref<1x128xi32, #tpu.memory_space<vmem>> -> memref<128xi32, #tpu.memory_space<vmem>>
      %dma_start3A_112 = tpu.memref_slice %arg3[%add3A_100] : memref<320000xi32, #tpu.memory_space<hbm>> -> memref<128xi32, #tpu.memory_space<hbm>>
      tpu.enqueue_dma source(%dma_start3A_112 : memref<128xi32, #tpu.memory_space<hbm>>) target(%dma_start3A_111 : memref<128xi32, #tpu.memory_space<vmem>>) target_semaphore(%arg17 : memref<!tpu.dma_semaphore, #tpu.memory_space<semaphore_mem>>)
      %dma_start3A_113 = arith.constant 0 : i32
      %dma_start3A_114 = tpu.memref_slice %arg7[%rem3A_104, %dma_start3A_113] : memref<6x128xi32, #tpu.memory_space<vmem>> -> memref<1x128xi32, #tpu.memory_space<vmem>>
      %dma_start3A_115 = tpu.memref_squeeze %dma_start3A_114 : memref<1x128xi32, #tpu.memory_space<vmem>> -> memref<128xi32, #tpu.memory_space<vmem>>
      %dma_start3A_116 = tpu.memref_slice %arg4[%add3A_102] : memref<320000xi32, #tpu.memory_space<hbm>> -> memref<128xi32, #tpu.memory_space<hbm>>
      %dma_start3A_117 = arith.constant 0 : i32
      %dma_start3A_118 = tpu.memref_slice %arg7[%rem3A_104, %dma_start3A_117] : memref<6x128xi32, #tpu.memory_space<vmem>> -> memref<1x128xi32, #tpu.memory_space<vmem>>
      %dma_start3A_119 = tpu.memref_squeeze %dma_start3A_118 : memref<1x128xi32, #tpu.memory_space<vmem>> -> memref<128xi32, #tpu.memory_space<vmem>>
      %dma_start3A_120 = tpu.memref_slice %arg4[%add3A_102] : memref<320000xi32, #tpu.memory_space<hbm>> -> memref<128xi32, #tpu.memory_space<hbm>>
      tpu.enqueue_dma source(%dma_start3A_120 : memref<128xi32, #tpu.memory_space<hbm>>) target(%dma_start3A_119 : memref<128xi32, #tpu.memory_space<vmem>>) target_semaphore(%arg17 : memref<!tpu.dma_semaphore, #tpu.memory_space<semaphore_mem>>)
    } else {
    }
    %gt3A_43 = arith.constant 0 : i32
    %gt3A_44 = arith.cmpi sgt, %add3A_26, %gt3A_43 : i32
    %convert_element_type3A_45 = arith.extui %gt3A_44 : i1 to i32
    %cond3A_46 = arith.constant 0 : i32
    %cond3A_47 = arith.cmpi ne, %convert_element_type3A_45, %cond3A_46 : i32
    scf.if %cond3A_47 {
      %add3A_99 = arith.constant 0 : i32
      %add3A_100 = arith.addi %mul3A_28, %add3A_99 : i32
      %add3A_101 = arith.constant 0 : i32
      %add3A_102 = arith.addi %mul3A_28, %add3A_101 : i32
      %rem3A = arith.constant 0 : i32
      %rem3A_103 = arith.constant 6 : i32
      %rem3A_104 = arith.remsi %rem3A, %rem3A_103 : i32
      %dma_wait3A = arith.constant 0 : i32
      %dma_wait3A_105 = arith.constant 0 : i32
      %dma_wait3A_106 = tpu.memref_slice %arg6[%dma_wait3A, %dma_wait3A_105] : memref<3x128xi32, #tpu.memory_space<vmem>> -> memref<1x128xi32, #tpu.memory_space<vmem>>
      %dma_wait3A_107 = tpu.memref_squeeze %dma_wait3A_106 : memref<1x128xi32, #tpu.memory_space<vmem>> -> memref<128xi32, #tpu.memory_space<vmem>>
      %dma_wait3A_108 = tpu.memref_slice %arg3[%add3A_100] : memref<320000xi32, #tpu.memory_space<hbm>> -> memref<128xi32, #tpu.memory_space<hbm>>
      %dma_wait3A_109 = arith.constant 0 : i32
      %dma_wait3A_110 = tpu.memref_slice %arg6[%dma_wait3A, %dma_wait3A_109] : memref<3x128xi32, #tpu.memory_space<vmem>> -> memref<1x128xi32, #tpu.memory_space<vmem>>
      %dma_wait3A_111 = tpu.memref_squeeze %dma_wait3A_110 : memref<1x128xi32, #tpu.memory_space<vmem>> -> memref<128xi32, #tpu.memory_space<vmem>>
      %dma_wait3A_112 = tpu.memref_slice %arg3[%add3A_100] : memref<320000xi32, #tpu.memory_space<hbm>> -> memref<128xi32, #tpu.memory_space<hbm>>
      tpu.wait_dma2 semaphore(%arg15 : memref<!tpu.dma_semaphore, #tpu.memory_space<semaphore_mem>>) src(%dma_wait3A_112 : memref<128xi32, #tpu.memory_space<hbm>>) dst(%dma_wait3A_111 : memref<128xi32, #tpu.memory_space<vmem>>)
      %dma_wait3A_113 = arith.constant 0 : i32
      %dma_wait3A_114 = tpu.memref_slice %arg7[%rem3A_104, %dma_wait3A_113] : memref<6x128xi32, #tpu.memory_space<vmem>> -> memref<1x128xi32, #tpu.memory_space<vmem>>
      %dma_wait3A_115 = tpu.memref_squeeze %dma_wait3A_114 : memref<1x128xi32, #tpu.memory_space<vmem>> -> memref<128xi32, #tpu.memory_space<vmem>>
      %dma_wait3A_116 = tpu.memref_slice %arg4[%add3A_102] : memref<320000xi32, #tpu.memory_space<hbm>> -> memref<128xi32, #tpu.memory_space<hbm>>
      %dma_wait3A_117 = arith.constant 0 : i32
      %dma_wait3A_118 = tpu.memref_slice %arg7[%rem3A_104, %dma_wait3A_117] : memref<6x128xi32, #tpu.memory_space<vmem>> -> memref<1x128xi32, #tpu.memory_space<vmem>>
      %dma_wait3A_119 = tpu.memref_squeeze %dma_wait3A_118 : memref<1x128xi32, #tpu.memory_space<vmem>> -> memref<128xi32, #tpu.memory_space<vmem>>
      %dma_wait3A_120 = tpu.memref_slice %arg4[%add3A_102] : memref<320000xi32, #tpu.memory_space<hbm>> -> memref<128xi32, #tpu.memory_space<hbm>>
      tpu.wait_dma2 semaphore(%arg15 : memref<!tpu.dma_semaphore, #tpu.memory_space<semaphore_mem>>) src(%dma_wait3A_120 : memref<128xi32, #tpu.memory_space<hbm>>) dst(%dma_wait3A_119 : memref<128xi32, #tpu.memory_space<vmem>>)
      %dma_start3A = arith.constant 0 : i32
      %dma_start3A_121 = arith.constant 0 : i32
      %dma_start3A_122 = tpu.memref_slice %arg6[%dma_start3A, %dma_start3A_121] : memref<3x128xi32, #tpu.memory_space<vmem>> -> memref<1x128xi32, #tpu.memory_space<vmem>>
      %dma_start3A_123 = tpu.memref_squeeze %dma_start3A_122 : memref<1x128xi32, #tpu.memory_space<vmem>> -> memref<128xi32, #tpu.memory_space<vmem>>
      %dma_start3A_124 = arith.constant 0 : i32
      %dma_start3A_125 = arith.constant 0 : i32
      %dma_start3A_126 = tpu.memref_slice %arg2[%dma_start3A_124, %dma_start3A_125] : memref<10000x128xf32, #tpu.memory_space<hbm>> -> memref<10000x128xf32, #tpu.memory_space<hbm>>
      tpu.enqueue_indirect_dma source(%dma_start3A_126 : memref<10000x128xf32, #tpu.memory_space<hbm>>) target(%arg8 : memref<128x128xf32, #tpu.memory_space<vmem>>) offsets(%dma_start3A_123 : memref<128xi32, #tpu.memory_space<vmem>>) semaphore(%arg12 : memref<!tpu.dma_semaphore, #tpu.memory_space<semaphore_mem>>)
    } else {
    }
    %gt3A_48 = arith.constant 1 : i32
    %gt3A_49 = arith.cmpi sgt, %add3A_26, %gt3A_48 : i32
    %convert_element_type3A_50 = arith.extui %gt3A_49 : i1 to i32
    %cond3A_51 = arith.constant 0 : i32
    %cond3A_52 = arith.cmpi ne, %convert_element_type3A_50, %cond3A_51 : i32
    scf.if %cond3A_52 {
      %add3A_99 = arith.constant 128 : i32
      %add3A_100 = arith.addi %mul3A_28, %add3A_99 : i32
      %add3A_101 = arith.constant 128 : i32
      %add3A_102 = arith.addi %mul3A_28, %add3A_101 : i32
      %rem3A = arith.constant 1 : i32
      %rem3A_103 = arith.constant 6 : i32
      %rem3A_104 = arith.remsi %rem3A, %rem3A_103 : i32
      %dma_wait3A = arith.constant 1 : i32
      %dma_wait3A_105 = arith.constant 0 : i32
      %dma_wait3A_106 = tpu.memref_slice %arg6[%dma_wait3A, %dma_wait3A_105] : memref<3x128xi32, #tpu.memory_space<vmem>> -> memref<1x128xi32, #tpu.memory_space<vmem>>
      %dma_wait3A_107 = tpu.memref_squeeze %dma_wait3A_106 : memref<1x128xi32, #tpu.memory_space<vmem>> -> memref<128xi32, #tpu.memory_space<vmem>>
      %dma_wait3A_108 = tpu.memref_slice %arg3[%add3A_100] : memref<320000xi32, #tpu.memory_space<hbm>> -> memref<128xi32, #tpu.memory_space<hbm>>
      %dma_wait3A_109 = arith.constant 0 : i32
      %dma_wait3A_110 = tpu.memref_slice %arg6[%dma_wait3A, %dma_wait3A_109] : memref<3x128xi32, #tpu.memory_space<vmem>> -> memref<1x128xi32, #tpu.memory_space<vmem>>
      %dma_wait3A_111 = tpu.memref_squeeze %dma_wait3A_110 : memref<1x128xi32, #tpu.memory_space<vmem>> -> memref<128xi32, #tpu.memory_space<vmem>>
      %dma_wait3A_112 = tpu.memref_slice %arg3[%add3A_100] : memref<320000xi32, #tpu.memory_space<hbm>> -> memref<128xi32, #tpu.memory_space<hbm>>
      tpu.wait_dma2 semaphore(%arg16 : memref<!tpu.dma_semaphore, #tpu.memory_space<semaphore_mem>>) src(%dma_wait3A_112 : memref<128xi32, #tpu.memory_space<hbm>>) dst(%dma_wait3A_111 : memref<128xi32, #tpu.memory_space<vmem>>)
      %dma_wait3A_113 = arith.constant 0 : i32
      %dma_wait3A_114 = tpu.memref_slice %arg7[%rem3A_104, %dma_wait3A_113] : memref<6x128xi32, #tpu.memory_space<vmem>> -> memref<1x128xi32, #tpu.memory_space<vmem>>
      %dma_wait3A_115 = tpu.memref_squeeze %dma_wait3A_114 : memref<1x128xi32, #tpu.memory_space<vmem>> -> memref<128xi32, #tpu.memory_space<vmem>>
      %dma_wait3A_116 = tpu.memref_slice %arg4[%add3A_102] : memref<320000xi32, #tpu.memory_space<hbm>> -> memref<128xi32, #tpu.memory_space<hbm>>
      %dma_wait3A_117 = arith.constant 0 : i32
      %dma_wait3A_118 = tpu.memref_slice %arg7[%rem3A_104, %dma_wait3A_117] : memref<6x128xi32, #tpu.memory_space<vmem>> -> memref<1x128xi32, #tpu.memory_space<vmem>>
      %dma_wait3A_119 = tpu.memref_squeeze %dma_wait3A_118 : memref<1x128xi32, #tpu.memory_space<vmem>> -> memref<128xi32, #tpu.memory_space<vmem>>
      %dma_wait3A_120 = tpu.memref_slice %arg4[%add3A_102] : memref<320000xi32, #tpu.memory_space<hbm>> -> memref<128xi32, #tpu.memory_space<hbm>>
      tpu.wait_dma2 semaphore(%arg16 : memref<!tpu.dma_semaphore, #tpu.memory_space<semaphore_mem>>) src(%dma_wait3A_120 : memref<128xi32, #tpu.memory_space<hbm>>) dst(%dma_wait3A_119 : memref<128xi32, #tpu.memory_space<vmem>>)
      %dma_start3A = arith.constant 1 : i32
      %dma_start3A_121 = arith.constant 0 : i32
      %dma_start3A_122 = tpu.memref_slice %arg6[%dma_start3A, %dma_start3A_121] : memref<3x128xi32, #tpu.memory_space<vmem>> -> memref<1x128xi32, #tpu.memory_space<vmem>>
      %dma_start3A_123 = tpu.memref_squeeze %dma_start3A_122 : memref<1x128xi32, #tpu.memory_space<vmem>> -> memref<128xi32, #tpu.memory_space<vmem>>
      %dma_start3A_124 = arith.constant 0 : i32
      %dma_start3A_125 = arith.constant 0 : i32
      %dma_start3A_126 = tpu.memref_slice %arg2[%dma_start3A_124, %dma_start3A_125] : memref<10000x128xf32, #tpu.memory_space<hbm>> -> memref<10000x128xf32, #tpu.memory_space<hbm>>
      tpu.enqueue_indirect_dma source(%dma_start3A_126 : memref<10000x128xf32, #tpu.memory_space<hbm>>) target(%arg9 : memref<128x128xf32, #tpu.memory_space<vmem>>) offsets(%dma_start3A_123 : memref<128xi32, #tpu.memory_space<vmem>>) semaphore(%arg13 : memref<!tpu.dma_semaphore, #tpu.memory_space<semaphore_mem>>)
    } else {
    }
    %barrier3A = arith.constant 0 : index
    tpu.barrier barrier_id(%barrier3A)
    %scan3A_53 = arith.constant 0 : i32
    %scan3A_54 = arith.constant 27 : i32
    %scan3A_55 = arith.addi %scan3A_53, %scan3A_54 : i32
    %scan3A_56 = arith.constant 1 : i32
    scf.for %scan3A_99 = %scan3A_53 to %scan3A_55 step %scan3A_56  : i32 {
      %mul3A_100 = arith.constant 1 : i32
      %mul3A_101 = arith.muli %scan3A_99, %mul3A_100 : i32
      %add3A_102 = arith.constant 0 : i32
      %add3A_103 = arith.addi %add3A_102, %mul3A_101 : i32
      %mul3A_104 = arith.constant 3 : i32
      %mul3A_105 = arith.muli %add3A_103, %mul3A_104 : i32
      %add3A_106 = arith.constant 0 : i32
      %add3A_107 = arith.addi %mul3A_105, %add3A_106 : i32
      %ge3A = arith.constant 1 : i32
      %ge3A_108 = arith.cmpi sge, %add3A_107, %ge3A : i32
      %le3A = arith.cmpi sle, %add3A_107, %add3A_26 : i32
      %and3A = arith.andi %ge3A_108, %le3A : i1
      %convert_element_type3A_109 = arith.extui %and3A : i1 to i32
      %cond3A_110 = arith.constant 0 : i32
      %cond3A_111 = arith.cmpi ne, %convert_element_type3A_109, %cond3A_110 : i32
      scf.if %cond3A_111 {
        %sub3A = arith.constant 1 : i32
        %sub3A_146 = arith.subi %add3A_107, %sub3A : i32
        %rem3A = arith.constant 6 : i32
        %rem3A_147 = arith.remsi %sub3A_146, %rem3A : i32
        %dma_wait3A = arith.constant 0 : i32
        %dma_wait3A_148 = tpu.memref_slice %arg7[%rem3A_147, %dma_wait3A] : memref<6x128xi32, #tpu.memory_space<vmem>> -> memref<1x128xi32, #tpu.memory_space<vmem>>
        %dma_wait3A_149 = tpu.memref_squeeze %dma_wait3A_148 : memref<1x128xi32, #tpu.memory_space<vmem>> -> memref<128xi32, #tpu.memory_space<vmem>>
        %dma_wait3A_150 = arith.constant 0 : i32
        %dma_wait3A_151 = arith.constant 0 : i32
        %dma_wait3A_152 = tpu.memref_slice %arg11[%dma_wait3A_150, %dma_wait3A_151] : memref<10000x128xf32, #tpu.memory_space<vmem_shared>> -> memref<10000x128xf32, #tpu.memory_space<vmem_shared>>
        tpu.wait_indirect_dma semaphore(%arg20 : memref<!tpu.dma_semaphore, #tpu.memory_space<semaphore_mem>>) src(%arg10 : memref<128x128xf32, #tpu.memory_space<vmem>>) dst(%dma_wait3A_152 : memref<10000x128xf32, #tpu.memory_space<vmem_shared>>)
      } else {
      }
      %lt3A_112 = arith.cmpi slt, %add3A_107, %add3A_26 : i32
      %convert_element_type3A_113 = arith.extui %lt3A_112 : i1 to i32
      %cond3A_114 = arith.constant 0 : i32
      %cond3A_115 = arith.cmpi ne, %convert_element_type3A_113, %cond3A_114 : i32
      scf.if %cond3A_115 {
        %dma_wait3A = arith.constant 0 : i32
        %dma_wait3A_146 = arith.constant 0 : i32
        %dma_wait3A_147 = tpu.memref_slice %arg6[%dma_wait3A, %dma_wait3A_146] : memref<3x128xi32, #tpu.memory_space<vmem>> -> memref<1x128xi32, #tpu.memory_space<vmem>>
        %dma_wait3A_148 = tpu.memref_squeeze %dma_wait3A_147 : memref<1x128xi32, #tpu.memory_space<vmem>> -> memref<128xi32, #tpu.memory_space<vmem>>
        %dma_wait3A_149 = arith.constant 0 : i32
        %dma_wait3A_150 = arith.constant 0 : i32
        %dma_wait3A_151 = tpu.memref_slice %arg2[%dma_wait3A_149, %dma_wait3A_150] : memref<10000x128xf32, #tpu.memory_space<hbm>> -> memref<10000x128xf32, #tpu.memory_space<hbm>>
        tpu.wait_indirect_dma semaphore(%arg12 : memref<!tpu.dma_semaphore, #tpu.memory_space<semaphore_mem>>) src(%dma_wait3A_151 : memref<10000x128xf32, #tpu.memory_space<hbm>>) dst(%arg8 : memref<128x128xf32, #tpu.memory_space<vmem>>)
        %rem3A = arith.constant 6 : i32
        %rem3A_152 = arith.remsi %add3A_107, %rem3A : i32
        %dma_start3A = arith.constant 0 : i32
        %dma_start3A_153 = tpu.memref_slice %arg7[%rem3A_152, %dma_start3A] : memref<6x128xi32, #tpu.memory_space<vmem>> -> memref<1x128xi32, #tpu.memory_space<vmem>>
        %dma_start3A_154 = tpu.memref_squeeze %dma_start3A_153 : memref<1x128xi32, #tpu.memory_space<vmem>> -> memref<128xi32, #tpu.memory_space<vmem>>
        %dma_start3A_155 = arith.constant 0 : i32
        %dma_start3A_156 = arith.constant 0 : i32
        %dma_start3A_157 = tpu.memref_slice %arg11[%dma_start3A_155, %dma_start3A_156] : memref<10000x128xf32, #tpu.memory_space<vmem_shared>> -> memref<10000x128xf32, #tpu.memory_space<vmem_shared>>
        tpu.enqueue_indirect_dma source(%arg8 : memref<128x128xf32, #tpu.memory_space<vmem>>) target(%dma_start3A_157 : memref<10000x128xf32, #tpu.memory_space<vmem_shared>>) offsets(%dma_start3A_154 : memref<128xi32, #tpu.memory_space<vmem>>) semaphore(%arg18 : memref<!tpu.dma_semaphore, #tpu.memory_space<semaphore_mem>>) {add = true}
        %add3A_158 = arith.constant 3 : i32
        %add3A_159 = arith.addi %add3A_107, %add3A_158 : i32
        %lt3A_160 = arith.cmpi slt, %add3A_159, %add3A_26 : i32
        %convert_element_type3A_161 = arith.extui %lt3A_160 : i1 to i32
        %cond3A_162 = arith.constant 0 : i32
        %cond3A_163 = arith.cmpi ne, %convert_element_type3A_161, %cond3A_162 : i32
        scf.if %cond3A_163 {
          %add3A_170 = arith.constant 3 : i32
          %add3A_171 = arith.addi %add3A_107, %add3A_170 : i32
          %mul3A_172 = arith.constant 128 : i32
          %mul3A_173 = arith.muli %add3A_171, %mul3A_172 : i32
          %add3A_174 = arith.addi %mul3A_28, %mul3A_173 : i32
          %mul3A_175 = arith.constant 128 : i32
          %mul3A_176 = arith.muli %add3A_171, %mul3A_175 : i32
          %add3A_177 = arith.addi %mul3A_28, %mul3A_176 : i32
          %rem3A_178 = arith.constant 6 : i32
          %rem3A_179 = arith.remsi %add3A_171, %rem3A_178 : i32
          %dma_start3A_180 = arith.constant 0 : i32
          %dma_start3A_181 = arith.constant 0 : i32
          %dma_start3A_182 = tpu.memref_slice %arg6[%dma_start3A_180, %dma_start3A_181] : memref<3x128xi32, #tpu.memory_space<vmem>> -> memref<1x128xi32, #tpu.memory_space<vmem>>
          %dma_start3A_183 = tpu.memref_squeeze %dma_start3A_182 : memref<1x128xi32, #tpu.memory_space<vmem>> -> memref<128xi32, #tpu.memory_space<vmem>>
          %dma_start3A_184 = tpu.memref_slice %arg3[%add3A_174] : memref<320000xi32, #tpu.memory_space<hbm>> -> memref<128xi32, #tpu.memory_space<hbm>>
          %dma_start3A_185 = arith.constant 0 : i32
          %dma_start3A_186 = tpu.memref_slice %arg6[%dma_start3A_180, %dma_start3A_185] : memref<3x128xi32, #tpu.memory_space<vmem>> -> memref<1x128xi32, #tpu.memory_space<vmem>>
          %dma_start3A_187 = tpu.memref_squeeze %dma_start3A_186 : memref<1x128xi32, #tpu.memory_space<vmem>> -> memref<128xi32, #tpu.memory_space<vmem>>
          %dma_start3A_188 = tpu.memref_slice %arg3[%add3A_174] : memref<320000xi32, #tpu.memory_space<hbm>> -> memref<128xi32, #tpu.memory_space<hbm>>
          tpu.enqueue_dma source(%dma_start3A_188 : memref<128xi32, #tpu.memory_space<hbm>>) target(%dma_start3A_187 : memref<128xi32, #tpu.memory_space<vmem>>) target_semaphore(%arg15 : memref<!tpu.dma_semaphore, #tpu.memory_space<semaphore_mem>>)
          %dma_start3A_189 = arith.constant 0 : i32
          %dma_start3A_190 = tpu.memref_slice %arg7[%rem3A_179, %dma_start3A_189] : memref<6x128xi32, #tpu.memory_space<vmem>> -> memref<1x128xi32, #tpu.memory_space<vmem>>
          %dma_start3A_191 = tpu.memref_squeeze %dma_start3A_190 : memref<1x128xi32, #tpu.memory_space<vmem>> -> memref<128xi32, #tpu.memory_space<vmem>>
          %dma_start3A_192 = tpu.memref_slice %arg4[%add3A_177] : memref<320000xi32, #tpu.memory_space<hbm>> -> memref<128xi32, #tpu.memory_space<hbm>>
          %dma_start3A_193 = arith.constant 0 : i32
          %dma_start3A_194 = tpu.memref_slice %arg7[%rem3A_179, %dma_start3A_193] : memref<6x128xi32, #tpu.memory_space<vmem>> -> memref<1x128xi32, #tpu.memory_space<vmem>>
          %dma_start3A_195 = tpu.memref_squeeze %dma_start3A_194 : memref<1x128xi32, #tpu.memory_space<vmem>> -> memref<128xi32, #tpu.memory_space<vmem>>
          %dma_start3A_196 = tpu.memref_slice %arg4[%add3A_177] : memref<320000xi32, #tpu.memory_space<hbm>> -> memref<128xi32, #tpu.memory_space<hbm>>
          tpu.enqueue_dma source(%dma_start3A_196 : memref<128xi32, #tpu.memory_space<hbm>>) target(%dma_start3A_195 : memref<128xi32, #tpu.memory_space<vmem>>) target_semaphore(%arg15 : memref<!tpu.dma_semaphore, #tpu.memory_space<semaphore_mem>>)
        } else {
        }
        %add3A_164 = arith.constant 2 : i32
        %add3A_165 = arith.addi %add3A_107, %add3A_164 : i32
        %lt3A_166 = arith.cmpi slt, %add3A_165, %add3A_26 : i32
        %convert_element_type3A_167 = arith.extui %lt3A_166 : i1 to i32
        %cond3A_168 = arith.constant 0 : i32
        %cond3A_169 = arith.cmpi ne, %convert_element_type3A_167, %cond3A_168 : i32
        scf.if %cond3A_169 {
          %add3A_170 = arith.constant 2 : i32
          %add3A_171 = arith.addi %add3A_107, %add3A_170 : i32
          %mul3A_172 = arith.constant 128 : i32
          %mul3A_173 = arith.muli %add3A_171, %mul3A_172 : i32
          %add3A_174 = arith.addi %mul3A_28, %mul3A_173 : i32
          %mul3A_175 = arith.constant 128 : i32
          %mul3A_176 = arith.muli %add3A_171, %mul3A_175 : i32
          %add3A_177 = arith.addi %mul3A_28, %mul3A_176 : i32
          %rem3A_178 = arith.constant 6 : i32
          %rem3A_179 = arith.remsi %add3A_171, %rem3A_178 : i32
          %dma_wait3A_180 = arith.constant 2 : i32
          %dma_wait3A_181 = arith.constant 0 : i32
          %dma_wait3A_182 = tpu.memref_slice %arg6[%dma_wait3A_180, %dma_wait3A_181] : memref<3x128xi32, #tpu.memory_space<vmem>> -> memref<1x128xi32, #tpu.memory_space<vmem>>
          %dma_wait3A_183 = tpu.memref_squeeze %dma_wait3A_182 : memref<1x128xi32, #tpu.memory_space<vmem>> -> memref<128xi32, #tpu.memory_space<vmem>>
          %dma_wait3A_184 = tpu.memref_slice %arg3[%add3A_174] : memref<320000xi32, #tpu.memory_space<hbm>> -> memref<128xi32, #tpu.memory_space<hbm>>
          %dma_wait3A_185 = arith.constant 0 : i32
          %dma_wait3A_186 = tpu.memref_slice %arg6[%dma_wait3A_180, %dma_wait3A_185] : memref<3x128xi32, #tpu.memory_space<vmem>> -> memref<1x128xi32, #tpu.memory_space<vmem>>
          %dma_wait3A_187 = tpu.memref_squeeze %dma_wait3A_186 : memref<1x128xi32, #tpu.memory_space<vmem>> -> memref<128xi32, #tpu.memory_space<vmem>>
          %dma_wait3A_188 = tpu.memref_slice %arg3[%add3A_174] : memref<320000xi32, #tpu.memory_space<hbm>> -> memref<128xi32, #tpu.memory_space<hbm>>
          tpu.wait_dma2 semaphore(%arg17 : memref<!tpu.dma_semaphore, #tpu.memory_space<semaphore_mem>>) src(%dma_wait3A_188 : memref<128xi32, #tpu.memory_space<hbm>>) dst(%dma_wait3A_187 : memref<128xi32, #tpu.memory_space<vmem>>)
          %dma_wait3A_189 = arith.constant 0 : i32
          %dma_wait3A_190 = tpu.memref_slice %arg7[%rem3A_179, %dma_wait3A_189] : memref<6x128xi32, #tpu.memory_space<vmem>> -> memref<1x128xi32, #tpu.memory_space<vmem>>
          %dma_wait3A_191 = tpu.memref_squeeze %dma_wait3A_190 : memref<1x128xi32, #tpu.memory_space<vmem>> -> memref<128xi32, #tpu.memory_space<vmem>>
          %dma_wait3A_192 = tpu.memref_slice %arg4[%add3A_177] : memref<320000xi32, #tpu.memory_space<hbm>> -> memref<128xi32, #tpu.memory_space<hbm>>
          %dma_wait3A_193 = arith.constant 0 : i32
          %dma_wait3A_194 = tpu.memref_slice %arg7[%rem3A_179, %dma_wait3A_193] : memref<6x128xi32, #tpu.memory_space<vmem>> -> memref<1x128xi32, #tpu.memory_space<vmem>>
          %dma_wait3A_195 = tpu.memref_squeeze %dma_wait3A_194 : memref<1x128xi32, #tpu.memory_space<vmem>> -> memref<128xi32, #tpu.memory_space<vmem>>
          %dma_wait3A_196 = tpu.memref_slice %arg4[%add3A_177] : memref<320000xi32, #tpu.memory_space<hbm>> -> memref<128xi32, #tpu.memory_space<hbm>>
          tpu.wait_dma2 semaphore(%arg17 : memref<!tpu.dma_semaphore, #tpu.memory_space<semaphore_mem>>) src(%dma_wait3A_196 : memref<128xi32, #tpu.memory_space<hbm>>) dst(%dma_wait3A_195 : memref<128xi32, #tpu.memory_space<vmem>>)
          %add3A_197 = arith.constant 2 : i32
          %add3A_198 = arith.addi %add3A_107, %add3A_197 : i32
          %dma_start3A_199 = arith.constant 2 : i32
          %dma_start3A_200 = arith.constant 0 : i32
          %dma_start3A_201 = tpu.memref_slice %arg6[%dma_start3A_199, %dma_start3A_200] : memref<3x128xi32, #tpu.memory_space<vmem>> -> memref<1x128xi32, #tpu.memory_space<vmem>>
          %dma_start3A_202 = tpu.memref_squeeze %dma_start3A_201 : memref<1x128xi32, #tpu.memory_space<vmem>> -> memref<128xi32, #tpu.memory_space<vmem>>
          %dma_start3A_203 = arith.constant 0 : i32
          %dma_start3A_204 = arith.constant 0 : i32
          %dma_start3A_205 = tpu.memref_slice %arg2[%dma_start3A_203, %dma_start3A_204] : memref<10000x128xf32, #tpu.memory_space<hbm>> -> memref<10000x128xf32, #tpu.memory_space<hbm>>
          tpu.enqueue_indirect_dma source(%dma_start3A_205 : memref<10000x128xf32, #tpu.memory_space<hbm>>) target(%arg10 : memref<128x128xf32, #tpu.memory_space<vmem>>) offsets(%dma_start3A_202 : memref<128xi32, #tpu.memory_space<vmem>>) semaphore(%arg14 : memref<!tpu.dma_semaphore, #tpu.memory_space<semaphore_mem>>)
        } else {
        }
      } else {
      }
      %mul3A_116 = arith.constant 3 : i32
      %mul3A_117 = arith.muli %add3A_103, %mul3A_116 : i32
      %add3A_118 = arith.constant 1 : i32
      %add3A_119 = arith.addi %mul3A_117, %add3A_118 : i32
      %ge3A_120 = arith.constant 1 : i32
      %ge3A_121 = arith.cmpi sge, %add3A_119, %ge3A_120 : i32
      %le3A_122 = arith.cmpi sle, %add3A_119, %add3A_26 : i32
      %and3A_123 = arith.andi %ge3A_121, %le3A_122 : i1
      %convert_element_type3A_124 = arith.extui %and3A_123 : i1 to i32
      %cond3A_125 = arith.constant 0 : i32
      %cond3A_126 = arith.cmpi ne, %convert_element_type3A_124, %cond3A_125 : i32
      scf.if %cond3A_126 {
        %sub3A = arith.constant 1 : i32
        %sub3A_146 = arith.subi %add3A_119, %sub3A : i32
        %rem3A = arith.constant 6 : i32
        %rem3A_147 = arith.remsi %sub3A_146, %rem3A : i32
        %dma_wait3A = arith.constant 0 : i32
        %dma_wait3A_148 = tpu.memref_slice %arg7[%rem3A_147, %dma_wait3A] : memref<6x128xi32, #tpu.memory_space<vmem>> -> memref<1x128xi32, #tpu.memory_space<vmem>>
        %dma_wait3A_149 = tpu.memref_squeeze %dma_wait3A_148 : memref<1x128xi32, #tpu.memory_space<vmem>> -> memref<128xi32, #tpu.memory_space<vmem>>
        %dma_wait3A_150 = arith.constant 0 : i32
        %dma_wait3A_151 = arith.constant 0 : i32
        %dma_wait3A_152 = tpu.memref_slice %arg11[%dma_wait3A_150, %dma_wait3A_151] : memref<10000x128xf32, #tpu.memory_space<vmem_shared>> -> memref<10000x128xf32, #tpu.memory_space<vmem_shared>>
        tpu.wait_indirect_dma semaphore(%arg18 : memref<!tpu.dma_semaphore, #tpu.memory_space<semaphore_mem>>) src(%arg8 : memref<128x128xf32, #tpu.memory_space<vmem>>) dst(%dma_wait3A_152 : memref<10000x128xf32, #tpu.memory_space<vmem_shared>>)
      } else {
      }
      %lt3A_127 = arith.cmpi slt, %add3A_119, %add3A_26 : i32
      %convert_element_type3A_128 = arith.extui %lt3A_127 : i1 to i32
      %cond3A_129 = arith.constant 0 : i32
      %cond3A_130 = arith.cmpi ne, %convert_element_type3A_128, %cond3A_129 : i32
      scf.if %cond3A_130 {
        %dma_wait3A = arith.constant 1 : i32
        %dma_wait3A_146 = arith.constant 0 : i32
        %dma_wait3A_147 = tpu.memref_slice %arg6[%dma_wait3A, %dma_wait3A_146] : memref<3x128xi32, #tpu.memory_space<vmem>> -> memref<1x128xi32, #tpu.memory_space<vmem>>
        %dma_wait3A_148 = tpu.memref_squeeze %dma_wait3A_147 : memref<1x128xi32, #tpu.memory_space<vmem>> -> memref<128xi32, #tpu.memory_space<vmem>>
        %dma_wait3A_149 = arith.constant 0 : i32
        %dma_wait3A_150 = arith.constant 0 : i32
        %dma_wait3A_151 = tpu.memref_slice %arg2[%dma_wait3A_149, %dma_wait3A_150] : memref<10000x128xf32, #tpu.memory_space<hbm>> -> memref<10000x128xf32, #tpu.memory_space<hbm>>
        tpu.wait_indirect_dma semaphore(%arg13 : memref<!tpu.dma_semaphore, #tpu.memory_space<semaphore_mem>>) src(%dma_wait3A_151 : memref<10000x128xf32, #tpu.memory_space<hbm>>) dst(%arg9 : memref<128x128xf32, #tpu.memory_space<vmem>>)
        %rem3A = arith.constant 6 : i32
        %rem3A_152 = arith.remsi %add3A_119, %rem3A : i32
        %dma_start3A = arith.constant 0 : i32
        %dma_start3A_153 = tpu.memref_slice %arg7[%rem3A_152, %dma_start3A] : memref<6x128xi32, #tpu.memory_space<vmem>> -> memref<1x128xi32, #tpu.memory_space<vmem>>
        %dma_start3A_154 = tpu.memref_squeeze %dma_start3A_153 : memref<1x128xi32, #tpu.memory_space<vmem>> -> memref<128xi32, #tpu.memory_space<vmem>>
        %dma_start3A_155 = arith.constant 0 : i32
        %dma_start3A_156 = arith.constant 0 : i32
        %dma_start3A_157 = tpu.memref_slice %arg11[%dma_start3A_155, %dma_start3A_156] : memref<10000x128xf32, #tpu.memory_space<vmem_shared>> -> memref<10000x128xf32, #tpu.memory_space<vmem_shared>>
        tpu.enqueue_indirect_dma source(%arg9 : memref<128x128xf32, #tpu.memory_space<vmem>>) target(%dma_start3A_157 : memref<10000x128xf32, #tpu.memory_space<vmem_shared>>) offsets(%dma_start3A_154 : memref<128xi32, #tpu.memory_space<vmem>>) semaphore(%arg19 : memref<!tpu.dma_semaphore, #tpu.memory_space<semaphore_mem>>) {add = true}
        %add3A_158 = arith.constant 3 : i32
        %add3A_159 = arith.addi %add3A_119, %add3A_158 : i32
        %lt3A_160 = arith.cmpi slt, %add3A_159, %add3A_26 : i32
        %convert_element_type3A_161 = arith.extui %lt3A_160 : i1 to i32
        %cond3A_162 = arith.constant 0 : i32
        %cond3A_163 = arith.cmpi ne, %convert_element_type3A_161, %cond3A_162 : i32
        scf.if %cond3A_163 {
          %add3A_170 = arith.constant 3 : i32
          %add3A_171 = arith.addi %add3A_119, %add3A_170 : i32
          %mul3A_172 = arith.constant 128 : i32
          %mul3A_173 = arith.muli %add3A_171, %mul3A_172 : i32
          %add3A_174 = arith.addi %mul3A_28, %mul3A_173 : i32
          %mul3A_175 = arith.constant 128 : i32
          %mul3A_176 = arith.muli %add3A_171, %mul3A_175 : i32
          %add3A_177 = arith.addi %mul3A_28, %mul3A_176 : i32
          %rem3A_178 = arith.constant 6 : i32
          %rem3A_179 = arith.remsi %add3A_171, %rem3A_178 : i32
          %dma_start3A_180 = arith.constant 1 : i32
          %dma_start3A_181 = arith.constant 0 : i32
          %dma_start3A_182 = tpu.memref_slice %arg6[%dma_start3A_180, %dma_start3A_181] : memref<3x128xi32, #tpu.memory_space<vmem>> -> memref<1x128xi32, #tpu.memory_space<vmem>>
          %dma_start3A_183 = tpu.memref_squeeze %dma_start3A_182 : memref<1x128xi32, #tpu.memory_space<vmem>> -> memref<128xi32, #tpu.memory_space<vmem>>
          %dma_start3A_184 = tpu.memref_slice %arg3[%add3A_174] : memref<320000xi32, #tpu.memory_space<hbm>> -> memref<128xi32, #tpu.memory_space<hbm>>
          %dma_start3A_185 = arith.constant 0 : i32
          %dma_start3A_186 = tpu.memref_slice %arg6[%dma_start3A_180, %dma_start3A_185] : memref<3x128xi32, #tpu.memory_space<vmem>> -> memref<1x128xi32, #tpu.memory_space<vmem>>
          %dma_start3A_187 = tpu.memref_squeeze %dma_start3A_186 : memref<1x128xi32, #tpu.memory_space<vmem>> -> memref<128xi32, #tpu.memory_space<vmem>>
          %dma_start3A_188 = tpu.memref_slice %arg3[%add3A_174] : memref<320000xi32, #tpu.memory_space<hbm>> -> memref<128xi32, #tpu.memory_space<hbm>>
          tpu.enqueue_dma source(%dma_start3A_188 : memref<128xi32, #tpu.memory_space<hbm>>) target(%dma_start3A_187 : memref<128xi32, #tpu.memory_space<vmem>>) target_semaphore(%arg16 : memref<!tpu.dma_semaphore, #tpu.memory_space<semaphore_mem>>)
          %dma_start3A_189 = arith.constant 0 : i32
          %dma_start3A_190 = tpu.memref_slice %arg7[%rem3A_179, %dma_start3A_189] : memref<6x128xi32, #tpu.memory_space<vmem>> -> memref<1x128xi32, #tpu.memory_space<vmem>>
          %dma_start3A_191 = tpu.memref_squeeze %dma_start3A_190 : memref<1x128xi32, #tpu.memory_space<vmem>> -> memref<128xi32, #tpu.memory_space<vmem>>
          %dma_start3A_192 = tpu.memref_slice %arg4[%add3A_177] : memref<320000xi32, #tpu.memory_space<hbm>> -> memref<128xi32, #tpu.memory_space<hbm>>
          %dma_start3A_193 = arith.constant 0 : i32
          %dma_start3A_194 = tpu.memref_slice %arg7[%rem3A_179, %dma_start3A_193] : memref<6x128xi32, #tpu.memory_space<vmem>> -> memref<1x128xi32, #tpu.memory_space<vmem>>
          %dma_start3A_195 = tpu.memref_squeeze %dma_start3A_194 : memref<1x128xi32, #tpu.memory_space<vmem>> -> memref<128xi32, #tpu.memory_space<vmem>>
          %dma_start3A_196 = tpu.memref_slice %arg4[%add3A_177] : memref<320000xi32, #tpu.memory_space<hbm>> -> memref<128xi32, #tpu.memory_space<hbm>>
          tpu.enqueue_dma source(%dma_start3A_196 : memref<128xi32, #tpu.memory_space<hbm>>) target(%dma_start3A_195 : memref<128xi32, #tpu.memory_space<vmem>>) target_semaphore(%arg16 : memref<!tpu.dma_semaphore, #tpu.memory_space<semaphore_mem>>)
        } else {
        }
        %add3A_164 = arith.constant 2 : i32
        %add3A_165 = arith.addi %add3A_119, %add3A_164 : i32
        %lt3A_166 = arith.cmpi slt, %add3A_165, %add3A_26 : i32
        %convert_element_type3A_167 = arith.extui %lt3A_166 : i1 to i32
        %cond3A_168 = arith.constant 0 : i32
        %cond3A_169 = arith.cmpi ne, %convert_element_type3A_167, %cond3A_168 : i32
        scf.if %cond3A_169 {
          %add3A_170 = arith.constant 2 : i32
          %add3A_171 = arith.addi %add3A_119, %add3A_170 : i32
          %mul3A_172 = arith.constant 128 : i32
          %mul3A_173 = arith.muli %add3A_171, %mul3A_172 : i32
          %add3A_174 = arith.addi %mul3A_28, %mul3A_173 : i32
          %mul3A_175 = arith.constant 128 : i32
          %mul3A_176 = arith.muli %add3A_171, %mul3A_175 : i32
          %add3A_177 = arith.addi %mul3A_28, %mul3A_176 : i32
          %rem3A_178 = arith.constant 6 : i32
          %rem3A_179 = arith.remsi %add3A_171, %rem3A_178 : i32
          %dma_wait3A_180 = arith.constant 0 : i32
          %dma_wait3A_181 = arith.constant 0 : i32
          %dma_wait3A_182 = tpu.memref_slice %arg6[%dma_wait3A_180, %dma_wait3A_181] : memref<3x128xi32, #tpu.memory_space<vmem>> -> memref<1x128xi32, #tpu.memory_space<vmem>>
          %dma_wait3A_183 = tpu.memref_squeeze %dma_wait3A_182 : memref<1x128xi32, #tpu.memory_space<vmem>> -> memref<128xi32, #tpu.memory_space<vmem>>
          %dma_wait3A_184 = tpu.memref_slice %arg3[%add3A_174] : memref<320000xi32, #tpu.memory_space<hbm>> -> memref<128xi32, #tpu.memory_space<hbm>>
          %dma_wait3A_185 = arith.constant 0 : i32
          %dma_wait3A_186 = tpu.memref_slice %arg6[%dma_wait3A_180, %dma_wait3A_185] : memref<3x128xi32, #tpu.memory_space<vmem>> -> memref<1x128xi32, #tpu.memory_space<vmem>>
          %dma_wait3A_187 = tpu.memref_squeeze %dma_wait3A_186 : memref<1x128xi32, #tpu.memory_space<vmem>> -> memref<128xi32, #tpu.memory_space<vmem>>
          %dma_wait3A_188 = tpu.memref_slice %arg3[%add3A_174] : memref<320000xi32, #tpu.memory_space<hbm>> -> memref<128xi32, #tpu.memory_space<hbm>>
          tpu.wait_dma2 semaphore(%arg15 : memref<!tpu.dma_semaphore, #tpu.memory_space<semaphore_mem>>) src(%dma_wait3A_188 : memref<128xi32, #tpu.memory_space<hbm>>) dst(%dma_wait3A_187 : memref<128xi32, #tpu.memory_space<vmem>>)
          %dma_wait3A_189 = arith.constant 0 : i32
          %dma_wait3A_190 = tpu.memref_slice %arg7[%rem3A_179, %dma_wait3A_189] : memref<6x128xi32, #tpu.memory_space<vmem>> -> memref<1x128xi32, #tpu.memory_space<vmem>>
          %dma_wait3A_191 = tpu.memref_squeeze %dma_wait3A_190 : memref<1x128xi32, #tpu.memory_space<vmem>> -> memref<128xi32, #tpu.memory_space<vmem>>
          %dma_wait3A_192 = tpu.memref_slice %arg4[%add3A_177] : memref<320000xi32, #tpu.memory_space<hbm>> -> memref<128xi32, #tpu.memory_space<hbm>>
          %dma_wait3A_193 = arith.constant 0 : i32
          %dma_wait3A_194 = tpu.memref_slice %arg7[%rem3A_179, %dma_wait3A_193] : memref<6x128xi32, #tpu.memory_space<vmem>> -> memref<1x128xi32, #tpu.memory_space<vmem>>
          %dma_wait3A_195 = tpu.memref_squeeze %dma_wait3A_194 : memref<1x128xi32, #tpu.memory_space<vmem>> -> memref<128xi32, #tpu.memory_space<vmem>>
          %dma_wait3A_196 = tpu.memref_slice %arg4[%add3A_177] : memref<320000xi32, #tpu.memory_space<hbm>> -> memref<128xi32, #tpu.memory_space<hbm>>
          tpu.wait_dma2 semaphore(%arg15 : memref<!tpu.dma_semaphore, #tpu.memory_space<semaphore_mem>>) src(%dma_wait3A_196 : memref<128xi32, #tpu.memory_space<hbm>>) dst(%dma_wait3A_195 : memref<128xi32, #tpu.memory_space<vmem>>)
          %add3A_197 = arith.constant 2 : i32
          %add3A_198 = arith.addi %add3A_119, %add3A_197 : i32
          %dma_start3A_199 = arith.constant 0 : i32
          %dma_start3A_200 = arith.constant 0 : i32
          %dma_start3A_201 = tpu.memref_slice %arg6[%dma_start3A_199, %dma_start3A_200] : memref<3x128xi32, #tpu.memory_space<vmem>> -> memref<1x128xi32, #tpu.memory_space<vmem>>
          %dma_start3A_202 = tpu.memref_squeeze %dma_start3A_201 : memref<1x128xi32, #tpu.memory_space<vmem>> -> memref<128xi32, #tpu.memory_space<vmem>>
          %dma_start3A_203 = arith.constant 0 : i32
          %dma_start3A_204 = arith.constant 0 : i32
          %dma_start3A_205 = tpu.memref_slice %arg2[%dma_start3A_203, %dma_start3A_204] : memref<10000x128xf32, #tpu.memory_space<hbm>> -> memref<10000x128xf32, #tpu.memory_space<hbm>>
          tpu.enqueue_indirect_dma source(%dma_start3A_205 : memref<10000x128xf32, #tpu.memory_space<hbm>>) target(%arg8 : memref<128x128xf32, #tpu.memory_space<vmem>>) offsets(%dma_start3A_202 : memref<128xi32, #tpu.memory_space<vmem>>) semaphore(%arg12 : memref<!tpu.dma_semaphore, #tpu.memory_space<semaphore_mem>>)
        } else {
        }
      } else {
      }
      %mul3A_131 = arith.constant 3 : i32
      %mul3A_132 = arith.muli %add3A_103, %mul3A_131 : i32
      %add3A_133 = arith.constant 2 : i32
      %add3A_134 = arith.addi %mul3A_132, %add3A_133 : i32
      %ge3A_135 = arith.constant 1 : i32
      %ge3A_136 = arith.cmpi sge, %add3A_134, %ge3A_135 : i32
      %le3A_137 = arith.cmpi sle, %add3A_134, %add3A_26 : i32
      %and3A_138 = arith.andi %ge3A_136, %le3A_137 : i1
      %convert_element_type3A_139 = arith.extui %and3A_138 : i1 to i32
      %cond3A_140 = arith.constant 0 : i32
      %cond3A_141 = arith.cmpi ne, %convert_element_type3A_139, %cond3A_140 : i32
      scf.if %cond3A_141 {
        %sub3A = arith.constant 1 : i32
        %sub3A_146 = arith.subi %add3A_134, %sub3A : i32
        %rem3A = arith.constant 6 : i32
        %rem3A_147 = arith.remsi %sub3A_146, %rem3A : i32
        %dma_wait3A = arith.constant 0 : i32
        %dma_wait3A_148 = tpu.memref_slice %arg7[%rem3A_147, %dma_wait3A] : memref<6x128xi32, #tpu.memory_space<vmem>> -> memref<1x128xi32, #tpu.memory_space<vmem>>
        %dma_wait3A_149 = tpu.memref_squeeze %dma_wait3A_148 : memref<1x128xi32, #tpu.memory_space<vmem>> -> memref<128xi32, #tpu.memory_space<vmem>>
        %dma_wait3A_150 = arith.constant 0 : i32
        %dma_wait3A_151 = arith.constant 0 : i32
        %dma_wait3A_152 = tpu.memref_slice %arg11[%dma_wait3A_150, %dma_wait3A_151] : memref<10000x128xf32, #tpu.memory_space<vmem_shared>> -> memref<10000x128xf32, #tpu.memory_space<vmem_shared>>
        tpu.wait_indirect_dma semaphore(%arg19 : memref<!tpu.dma_semaphore, #tpu.memory_space<semaphore_mem>>) src(%arg9 : memref<128x128xf32, #tpu.memory_space<vmem>>) dst(%dma_wait3A_152 : memref<10000x128xf32, #tpu.memory_space<vmem_shared>>)
      } else {
      }
      %lt3A_142 = arith.cmpi slt, %add3A_134, %add3A_26 : i32
      %convert_element_type3A_143 = arith.extui %lt3A_142 : i1 to i32
      %cond3A_144 = arith.constant 0 : i32
      %cond3A_145 = arith.cmpi ne, %convert_element_type3A_143, %cond3A_144 : i32
      scf.if %cond3A_145 {
        %dma_wait3A = arith.constant 2 : i32
        %dma_wait3A_146 = arith.constant 0 : i32
        %dma_wait3A_147 = tpu.memref_slice %arg6[%dma_wait3A, %dma_wait3A_146] : memref<3x128xi32, #tpu.memory_space<vmem>> -> memref<1x128xi32, #tpu.memory_space<vmem>>
        %dma_wait3A_148 = tpu.memref_squeeze %dma_wait3A_147 : memref<1x128xi32, #tpu.memory_space<vmem>> -> memref<128xi32, #tpu.memory_space<vmem>>
        %dma_wait3A_149 = arith.constant 0 : i32
        %dma_wait3A_150 = arith.constant 0 : i32
        %dma_wait3A_151 = tpu.memref_slice %arg2[%dma_wait3A_149, %dma_wait3A_150] : memref<10000x128xf32, #tpu.memory_space<hbm>> -> memref<10000x128xf32, #tpu.memory_space<hbm>>
        tpu.wait_indirect_dma semaphore(%arg14 : memref<!tpu.dma_semaphore, #tpu.memory_space<semaphore_mem>>) src(%dma_wait3A_151 : memref<10000x128xf32, #tpu.memory_space<hbm>>) dst(%arg10 : memref<128x128xf32, #tpu.memory_space<vmem>>)
        %rem3A = arith.constant 6 : i32
        %rem3A_152 = arith.remsi %add3A_134, %rem3A : i32
        %dma_start3A = arith.constant 0 : i32
        %dma_start3A_153 = tpu.memref_slice %arg7[%rem3A_152, %dma_start3A] : memref<6x128xi32, #tpu.memory_space<vmem>> -> memref<1x128xi32, #tpu.memory_space<vmem>>
        %dma_start3A_154 = tpu.memref_squeeze %dma_start3A_153 : memref<1x128xi32, #tpu.memory_space<vmem>> -> memref<128xi32, #tpu.memory_space<vmem>>
        %dma_start3A_155 = arith.constant 0 : i32
        %dma_start3A_156 = arith.constant 0 : i32
        %dma_start3A_157 = tpu.memref_slice %arg11[%dma_start3A_155, %dma_start3A_156] : memref<10000x128xf32, #tpu.memory_space<vmem_shared>> -> memref<10000x128xf32, #tpu.memory_space<vmem_shared>>
        tpu.enqueue_indirect_dma source(%arg10 : memref<128x128xf32, #tpu.memory_space<vmem>>) target(%dma_start3A_157 : memref<10000x128xf32, #tpu.memory_space<vmem_shared>>) offsets(%dma_start3A_154 : memref<128xi32, #tpu.memory_space<vmem>>) semaphore(%arg20 : memref<!tpu.dma_semaphore, #tpu.memory_space<semaphore_mem>>) {add = true}
        %add3A_158 = arith.constant 3 : i32
        %add3A_159 = arith.addi %add3A_134, %add3A_158 : i32
        %lt3A_160 = arith.cmpi slt, %add3A_159, %add3A_26 : i32
        %convert_element_type3A_161 = arith.extui %lt3A_160 : i1 to i32
        %cond3A_162 = arith.constant 0 : i32
        %cond3A_163 = arith.cmpi ne, %convert_element_type3A_161, %cond3A_162 : i32
        scf.if %cond3A_163 {
          %add3A_170 = arith.constant 3 : i32
          %add3A_171 = arith.addi %add3A_134, %add3A_170 : i32
          %mul3A_172 = arith.constant 128 : i32
          %mul3A_173 = arith.muli %add3A_171, %mul3A_172 : i32
          %add3A_174 = arith.addi %mul3A_28, %mul3A_173 : i32
          %mul3A_175 = arith.constant 128 : i32
          %mul3A_176 = arith.muli %add3A_171, %mul3A_175 : i32
          %add3A_177 = arith.addi %mul3A_28, %mul3A_176 : i32
          %rem3A_178 = arith.constant 6 : i32
          %rem3A_179 = arith.remsi %add3A_171, %rem3A_178 : i32
          %dma_start3A_180 = arith.constant 2 : i32
          %dma_start3A_181 = arith.constant 0 : i32
          %dma_start3A_182 = tpu.memref_slice %arg6[%dma_start3A_180, %dma_start3A_181] : memref<3x128xi32, #tpu.memory_space<vmem>> -> memref<1x128xi32, #tpu.memory_space<vmem>>
          %dma_start3A_183 = tpu.memref_squeeze %dma_start3A_182 : memref<1x128xi32, #tpu.memory_space<vmem>> -> memref<128xi32, #tpu.memory_space<vmem>>
          %dma_start3A_184 = tpu.memref_slice %arg3[%add3A_174] : memref<320000xi32, #tpu.memory_space<hbm>> -> memref<128xi32, #tpu.memory_space<hbm>>
          %dma_start3A_185 = arith.constant 0 : i32
          %dma_start3A_186 = tpu.memref_slice %arg6[%dma_start3A_180, %dma_start3A_185] : memref<3x128xi32, #tpu.memory_space<vmem>> -> memref<1x128xi32, #tpu.memory_space<vmem>>
          %dma_start3A_187 = tpu.memref_squeeze %dma_start3A_186 : memref<1x128xi32, #tpu.memory_space<vmem>> -> memref<128xi32, #tpu.memory_space<vmem>>
          %dma_start3A_188 = tpu.memref_slice %arg3[%add3A_174] : memref<320000xi32, #tpu.memory_space<hbm>> -> memref<128xi32, #tpu.memory_space<hbm>>
          tpu.enqueue_dma source(%dma_start3A_188 : memref<128xi32, #tpu.memory_space<hbm>>) target(%dma_start3A_187 : memref<128xi32, #tpu.memory_space<vmem>>) target_semaphore(%arg17 : memref<!tpu.dma_semaphore, #tpu.memory_space<semaphore_mem>>)
          %dma_start3A_189 = arith.constant 0 : i32
          %dma_start3A_190 = tpu.memref_slice %arg7[%rem3A_179, %dma_start3A_189] : memref<6x128xi32, #tpu.memory_space<vmem>> -> memref<1x128xi32, #tpu.memory_space<vmem>>
          %dma_start3A_191 = tpu.memref_squeeze %dma_start3A_190 : memref<1x128xi32, #tpu.memory_space<vmem>> -> memref<128xi32, #tpu.memory_space<vmem>>
          %dma_start3A_192 = tpu.memref_slice %arg4[%add3A_177] : memref<320000xi32, #tpu.memory_space<hbm>> -> memref<128xi32, #tpu.memory_space<hbm>>
          %dma_start3A_193 = arith.constant 0 : i32
          %dma_start3A_194 = tpu.memref_slice %arg7[%rem3A_179, %dma_start3A_193] : memref<6x128xi32, #tpu.memory_space<vmem>> -> memref<1x128xi32, #tpu.memory_space<vmem>>
          %dma_start3A_195 = tpu.memref_squeeze %dma_start3A_194 : memref<1x128xi32, #tpu.memory_space<vmem>> -> memref<128xi32, #tpu.memory_space<vmem>>
          %dma_start3A_196 = tpu.memref_slice %arg4[%add3A_177] : memref<320000xi32, #tpu.memory_space<hbm>> -> memref<128xi32, #tpu.memory_space<hbm>>
          tpu.enqueue_dma source(%dma_start3A_196 : memref<128xi32, #tpu.memory_space<hbm>>) target(%dma_start3A_195 : memref<128xi32, #tpu.memory_space<vmem>>) target_semaphore(%arg17 : memref<!tpu.dma_semaphore, #tpu.memory_space<semaphore_mem>>)
        } else {
        }
        %add3A_164 = arith.constant 2 : i32
        %add3A_165 = arith.addi %add3A_134, %add3A_164 : i32
        %lt3A_166 = arith.cmpi slt, %add3A_165, %add3A_26 : i32
        %convert_element_type3A_167 = arith.extui %lt3A_166 : i1 to i32
        %cond3A_168 = arith.constant 0 : i32
        %cond3A_169 = arith.cmpi ne, %convert_element_type3A_167, %cond3A_168 : i32
        scf.if %cond3A_169 {
          %add3A_170 = arith.constant 2 : i32
          %add3A_171 = arith.addi %add3A_134, %add3A_170 : i32
          %mul3A_172 = arith.constant 128 : i32
          %mul3A_173 = arith.muli %add3A_171, %mul3A_172 : i32
          %add3A_174 = arith.addi %mul3A_28, %mul3A_173 : i32
          %mul3A_175 = arith.constant 128 : i32
          %mul3A_176 = arith.muli %add3A_171, %mul3A_175 : i32
          %add3A_177 = arith.addi %mul3A_28, %mul3A_176 : i32
          %rem3A_178 = arith.constant 6 : i32
          %rem3A_179 = arith.remsi %add3A_171, %rem3A_178 : i32
          %dma_wait3A_180 = arith.constant 1 : i32
          %dma_wait3A_181 = arith.constant 0 : i32
          %dma_wait3A_182 = tpu.memref_slice %arg6[%dma_wait3A_180, %dma_wait3A_181] : memref<3x128xi32, #tpu.memory_space<vmem>> -> memref<1x128xi32, #tpu.memory_space<vmem>>
          %dma_wait3A_183 = tpu.memref_squeeze %dma_wait3A_182 : memref<1x128xi32, #tpu.memory_space<vmem>> -> memref<128xi32, #tpu.memory_space<vmem>>
          %dma_wait3A_184 = tpu.memref_slice %arg3[%add3A_174] : memref<320000xi32, #tpu.memory_space<hbm>> -> memref<128xi32, #tpu.memory_space<hbm>>
          %dma_wait3A_185 = arith.constant 0 : i32
          %dma_wait3A_186 = tpu.memref_slice %arg6[%dma_wait3A_180, %dma_wait3A_185] : memref<3x128xi32, #tpu.memory_space<vmem>> -> memref<1x128xi32, #tpu.memory_space<vmem>>
          %dma_wait3A_187 = tpu.memref_squeeze %dma_wait3A_186 : memref<1x128xi32, #tpu.memory_space<vmem>> -> memref<128xi32, #tpu.memory_space<vmem>>
          %dma_wait3A_188 = tpu.memref_slice %arg3[%add3A_174] : memref<320000xi32, #tpu.memory_space<hbm>> -> memref<128xi32, #tpu.memory_space<hbm>>
          tpu.wait_dma2 semaphore(%arg16 : memref<!tpu.dma_semaphore, #tpu.memory_space<semaphore_mem>>) src(%dma_wait3A_188 : memref<128xi32, #tpu.memory_space<hbm>>) dst(%dma_wait3A_187 : memref<128xi32, #tpu.memory_space<vmem>>)
          %dma_wait3A_189 = arith.constant 0 : i32
          %dma_wait3A_190 = tpu.memref_slice %arg7[%rem3A_179, %dma_wait3A_189] : memref<6x128xi32, #tpu.memory_space<vmem>> -> memref<1x128xi32, #tpu.memory_space<vmem>>
          %dma_wait3A_191 = tpu.memref_squeeze %dma_wait3A_190 : memref<1x128xi32, #tpu.memory_space<vmem>> -> memref<128xi32, #tpu.memory_space<vmem>>
          %dma_wait3A_192 = tpu.memref_slice %arg4[%add3A_177] : memref<320000xi32, #tpu.memory_space<hbm>> -> memref<128xi32, #tpu.memory_space<hbm>>
          %dma_wait3A_193 = arith.constant 0 : i32
          %dma_wait3A_194 = tpu.memref_slice %arg7[%rem3A_179, %dma_wait3A_193] : memref<6x128xi32, #tpu.memory_space<vmem>> -> memref<1x128xi32, #tpu.memory_space<vmem>>
          %dma_wait3A_195 = tpu.memref_squeeze %dma_wait3A_194 : memref<1x128xi32, #tpu.memory_space<vmem>> -> memref<128xi32, #tpu.memory_space<vmem>>
          %dma_wait3A_196 = tpu.memref_slice %arg4[%add3A_177] : memref<320000xi32, #tpu.memory_space<hbm>> -> memref<128xi32, #tpu.memory_space<hbm>>
          tpu.wait_dma2 semaphore(%arg16 : memref<!tpu.dma_semaphore, #tpu.memory_space<semaphore_mem>>) src(%dma_wait3A_196 : memref<128xi32, #tpu.memory_space<hbm>>) dst(%dma_wait3A_195 : memref<128xi32, #tpu.memory_space<vmem>>)
          %add3A_197 = arith.constant 2 : i32
          %add3A_198 = arith.addi %add3A_134, %add3A_197 : i32
          %dma_start3A_199 = arith.constant 1 : i32
          %dma_start3A_200 = arith.constant 0 : i32
          %dma_start3A_201 = tpu.memref_slice %arg6[%dma_start3A_199, %dma_start3A_200] : memref<3x128xi32, #tpu.memory_space<vmem>> -> memref<1x128xi32, #tpu.memory_space<vmem>>
          %dma_start3A_202 = tpu.memref_squeeze %dma_start3A_201 : memref<1x128xi32, #tpu.memory_space<vmem>> -> memref<128xi32, #tpu.memory_space<vmem>>
          %dma_start3A_203 = arith.constant 0 : i32
          %dma_start3A_204 = arith.constant 0 : i32
          %dma_start3A_205 = tpu.memref_slice %arg2[%dma_start3A_203, %dma_start3A_204] : memref<10000x128xf32, #tpu.memory_space<hbm>> -> memref<10000x128xf32, #tpu.memory_space<hbm>>
          tpu.enqueue_indirect_dma source(%dma_start3A_205 : memref<10000x128xf32, #tpu.memory_space<hbm>>) target(%arg9 : memref<128x128xf32, #tpu.memory_space<vmem>>) offsets(%dma_start3A_202 : memref<128xi32, #tpu.memory_space<vmem>>) semaphore(%arg13 : memref<!tpu.dma_semaphore, #tpu.memory_space<semaphore_mem>>)
        } else {
        }
      } else {
      }
    }
    %scan3A_57 = arith.constant 27 : i32
    %barrier3A_58 = arith.constant 0 : index
    tpu.barrier barrier_id(%barrier3A_58)
    %add3A_59 = arith.constant 0 : i32
    %add3A_60 = arith.addi %multiple_of3A, %add3A_59 : i32
    %multiple_of3A_61 = tpu.assume_multiple %add3A_60, 8 : i32
    %mul3A_62 = arith.constant 10000 : i32
    %mul3A_63 = arith.muli %arg0, %mul3A_62 : i32
    %add3A_64 = arith.addi %mul3A_63, %multiple_of3A_61 : i32
    %multiple_of3A_65 = tpu.assume_multiple %add3A_64, 8 : i32
    "tpu.region"() ({
      %run_scoped3A = tpu.sem_alloc : memref<!tpu.dma_semaphore, #tpu.memory_space<semaphore_mem>>
      %dma_start3A = arith.constant 0 : i32
      %dma_start3A_99 = tpu.memref_slice %arg5[%multiple_of3A_65, %dma_start3A] : memref<20000x128xf32, #tpu.memory_space<hbm>> -> memref<128x128xf32, #tpu.memory_space<hbm>>
      %dma_start3A_100 = arith.constant 0 : i32
      %dma_start3A_101 = tpu.memref_slice %arg11[%multiple_of3A_61, %dma_start3A_100] : memref<10000x128xf32, #tpu.memory_space<vmem_shared>> -> memref<128x128xf32, #tpu.memory_space<vmem_shared>>
      tpu.enqueue_dma source(%dma_start3A_101 : memref<128x128xf32, #tpu.memory_space<vmem_shared>>) target(%dma_start3A_99 : memref<128x128xf32, #tpu.memory_space<hbm>>) target_semaphore(%run_scoped3A : memref<!tpu.dma_semaphore, #tpu.memory_space<semaphore_mem>>)
      %dma_wait3A = arith.constant 0 : i32
      %dma_wait3A_102 = tpu.memref_slice %arg5[%multiple_of3A_65, %dma_wait3A] : memref<20000x128xf32, #tpu.memory_space<hbm>> -> memref<128x128xf32, #tpu.memory_space<hbm>>
      %dma_wait3A_103 = arith.constant 0 : i32
      %dma_wait3A_104 = tpu.memref_slice %arg11[%multiple_of3A_61, %dma_wait3A_103] : memref<10000x128xf32, #tpu.memory_space<vmem_shared>> -> memref<128x128xf32, #tpu.memory_space<vmem_shared>>
      tpu.wait_dma2 semaphore(%run_scoped3A : memref<!tpu.dma_semaphore, #tpu.memory_space<semaphore_mem>>) src(%dma_wait3A_104 : memref<128x128xf32, #tpu.memory_space<vmem_shared>>) dst(%dma_wait3A_102 : memref<128x128xf32, #tpu.memory_space<hbm>>)
      tpu.yield
    }) : () -> ()
    %add3A_66 = arith.constant 128 : i32
    %add3A_67 = arith.addi %multiple_of3A, %add3A_66 : i32
    %multiple_of3A_68 = tpu.assume_multiple %add3A_67, 8 : i32
    %mul3A_69 = arith.constant 10000 : i32
    %mul3A_70 = arith.muli %arg0, %mul3A_69 : i32
    %add3A_71 = arith.addi %mul3A_70, %multiple_of3A_68 : i32
    %multiple_of3A_72 = tpu.assume_multiple %add3A_71, 8 : i32
    "tpu.region"() ({
      %run_scoped3A = tpu.sem_alloc : memref<!tpu.dma_semaphore, #tpu.memory_space<semaphore_mem>>
      %dma_start3A = arith.constant 0 : i32
      %dma_start3A_99 = tpu.memref_slice %arg5[%multiple_of3A_72, %dma_start3A] : memref<20000x128xf32, #tpu.memory_space<hbm>> -> memref<128x128xf32, #tpu.memory_space<hbm>>
      %dma_start3A_100 = arith.constant 0 : i32
      %dma_start3A_101 = tpu.memref_slice %arg11[%multiple_of3A_68, %dma_start3A_100] : memref<10000x128xf32, #tpu.memory_space<vmem_shared>> -> memref<128x128xf32, #tpu.memory_space<vmem_shared>>
      tpu.enqueue_dma source(%dma_start3A_101 : memref<128x128xf32, #tpu.memory_space<vmem_shared>>) target(%dma_start3A_99 : memref<128x128xf32, #tpu.memory_space<hbm>>) target_semaphore(%run_scoped3A : memref<!tpu.dma_semaphore, #tpu.memory_space<semaphore_mem>>)
      %dma_wait3A = arith.constant 0 : i32
      %dma_wait3A_102 = tpu.memref_slice %arg5[%multiple_of3A_72, %dma_wait3A] : memref<20000x128xf32, #tpu.memory_space<hbm>> -> memref<128x128xf32, #tpu.memory_space<hbm>>
      %dma_wait3A_103 = arith.constant 0 : i32
      %dma_wait3A_104 = tpu.memref_slice %arg11[%multiple_of3A_68, %dma_wait3A_103] : memref<10000x128xf32, #tpu.memory_space<vmem_shared>> -> memref<128x128xf32, #tpu.memory_space<vmem_shared>>
      tpu.wait_dma2 semaphore(%run_scoped3A : memref<!tpu.dma_semaphore, #tpu.memory_space<semaphore_mem>>) src(%dma_wait3A_104 : memref<128x128xf32, #tpu.memory_space<vmem_shared>>) dst(%dma_wait3A_102 : memref<128x128xf32, #tpu.memory_space<hbm>>)
      tpu.yield
    }) : () -> ()
    %add3A_73 = arith.constant 256 : i32
    %add3A_74 = arith.addi %multiple_of3A, %add3A_73 : i32
    %multiple_of3A_75 = tpu.assume_multiple %add3A_74, 8 : i32
    %mul3A_76 = arith.constant 10000 : i32
    %mul3A_77 = arith.muli %arg0, %mul3A_76 : i32
    %add3A_78 = arith.addi %mul3A_77, %multiple_of3A_75 : i32
    %multiple_of3A_79 = tpu.assume_multiple %add3A_78, 8 : i32
    "tpu.region"() ({
      %run_scoped3A = tpu.sem_alloc : memref<!tpu.dma_semaphore, #tpu.memory_space<semaphore_mem>>
      %dma_start3A = arith.constant 0 : i32
      %dma_start3A_99 = tpu.memref_slice %arg5[%multiple_of3A_79, %dma_start3A] : memref<20000x128xf32, #tpu.memory_space<hbm>> -> memref<128x128xf32, #tpu.memory_space<hbm>>
      %dma_start3A_100 = arith.constant 0 : i32
      %dma_start3A_101 = tpu.memref_slice %arg11[%multiple_of3A_75, %dma_start3A_100] : memref<10000x128xf32, #tpu.memory_space<vmem_shared>> -> memref<128x128xf32, #tpu.memory_space<vmem_shared>>
      tpu.enqueue_dma source(%dma_start3A_101 : memref<128x128xf32, #tpu.memory_space<vmem_shared>>) target(%dma_start3A_99 : memref<128x128xf32, #tpu.memory_space<hbm>>) target_semaphore(%run_scoped3A : memref<!tpu.dma_semaphore, #tpu.memory_space<semaphore_mem>>)
      %dma_wait3A = arith.constant 0 : i32
      %dma_wait3A_102 = tpu.memref_slice %arg5[%multiple_of3A_79, %dma_wait3A] : memref<20000x128xf32, #tpu.memory_space<hbm>> -> memref<128x128xf32, #tpu.memory_space<hbm>>
      %dma_wait3A_103 = arith.constant 0 : i32
      %dma_wait3A_104 = tpu.memref_slice %arg11[%multiple_of3A_75, %dma_wait3A_103] : memref<10000x128xf32, #tpu.memory_space<vmem_shared>> -> memref<128x128xf32, #tpu.memory_space<vmem_shared>>
      tpu.wait_dma2 semaphore(%run_scoped3A : memref<!tpu.dma_semaphore, #tpu.memory_space<semaphore_mem>>) src(%dma_wait3A_104 : memref<128x128xf32, #tpu.memory_space<vmem_shared>>) dst(%dma_wait3A_102 : memref<128x128xf32, #tpu.memory_space<hbm>>)
      tpu.yield
    }) : () -> ()
    %add3A_80 = arith.constant 384 : i32
    %add3A_81 = arith.addi %multiple_of3A, %add3A_80 : i32
    %multiple_of3A_82 = tpu.assume_multiple %add3A_81, 8 : i32
    %mul3A_83 = arith.constant 10000 : i32
    %mul3A_84 = arith.muli %arg0, %mul3A_83 : i32
    %add3A_85 = arith.addi %mul3A_84, %multiple_of3A_82 : i32
    %multiple_of3A_86 = tpu.assume_multiple %add3A_85, 8 : i32
    "tpu.region"() ({
      %run_scoped3A = tpu.sem_alloc : memref<!tpu.dma_semaphore, #tpu.memory_space<semaphore_mem>>
      %dma_start3A = arith.constant 0 : i32
      %dma_start3A_99 = tpu.memref_slice %arg5[%multiple_of3A_86, %dma_start3A] : memref<20000x128xf32, #tpu.memory_space<hbm>> -> memref<128x128xf32, #tpu.memory_space<hbm>>
      %dma_start3A_100 = arith.constant 0 : i32
      %dma_start3A_101 = tpu.memref_slice %arg11[%multiple_of3A_82, %dma_start3A_100] : memref<10000x128xf32, #tpu.memory_space<vmem_shared>> -> memref<128x128xf32, #tpu.memory_space<vmem_shared>>
      tpu.enqueue_dma source(%dma_start3A_101 : memref<128x128xf32, #tpu.memory_space<vmem_shared>>) target(%dma_start3A_99 : memref<128x128xf32, #tpu.memory_space<hbm>>) target_semaphore(%run_scoped3A : memref<!tpu.dma_semaphore, #tpu.memory_space<semaphore_mem>>)
      %dma_wait3A = arith.constant 0 : i32
      %dma_wait3A_102 = tpu.memref_slice %arg5[%multiple_of3A_86, %dma_wait3A] : memref<20000x128xf32, #tpu.memory_space<hbm>> -> memref<128x128xf32, #tpu.memory_space<hbm>>
      %dma_wait3A_103 = arith.constant 0 : i32
      %dma_wait3A_104 = tpu.memref_slice %arg11[%multiple_of3A_82, %dma_wait3A_103] : memref<10000x128xf32, #tpu.memory_space<vmem_shared>> -> memref<128x128xf32, #tpu.memory_space<vmem_shared>>
      tpu.wait_dma2 semaphore(%run_scoped3A : memref<!tpu.dma_semaphore, #tpu.memory_space<semaphore_mem>>) src(%dma_wait3A_104 : memref<128x128xf32, #tpu.memory_space<vmem_shared>>) dst(%dma_wait3A_102 : memref<128x128xf32, #tpu.memory_space<hbm>>)
      tpu.yield
    }) : () -> ()
    %add3A_87 = arith.constant 512 : i32
    %add3A_88 = arith.addi %multiple_of3A, %add3A_87 : i32
    %multiple_of3A_89 = tpu.assume_multiple %add3A_88, 8 : i32
    %mul3A_90 = arith.constant 10000 : i32
    %mul3A_91 = arith.muli %arg0, %mul3A_90 : i32
    %add3A_92 = arith.addi %mul3A_91, %multiple_of3A_89 : i32
    %multiple_of3A_93 = tpu.assume_multiple %add3A_92, 8 : i32
    "tpu.region"() ({
      %run_scoped3A = tpu.sem_alloc : memref<!tpu.dma_semaphore, #tpu.memory_space<semaphore_mem>>
      %dma_start3A = arith.constant 0 : i32
      %dma_start3A_99 = tpu.memref_slice %arg5[%multiple_of3A_93, %dma_start3A] : memref<20000x128xf32, #tpu.memory_space<hbm>> -> memref<112x128xf32, #tpu.memory_space<hbm>>
      %dma_start3A_100 = arith.constant 0 : i32
      %dma_start3A_101 = tpu.memref_slice %arg11[%multiple_of3A_89, %dma_start3A_100] : memref<10000x128xf32, #tpu.memory_space<vmem_shared>> -> memref<112x128xf32, #tpu.memory_space<vmem_shared>>
      tpu.enqueue_dma source(%dma_start3A_101 : memref<112x128xf32, #tpu.memory_space<vmem_shared>>) target(%dma_start3A_99 : memref<112x128xf32, #tpu.memory_space<hbm>>) target_semaphore(%run_scoped3A : memref<!tpu.dma_semaphore, #tpu.memory_space<semaphore_mem>>)
      %dma_wait3A = arith.constant 0 : i32
      %dma_wait3A_102 = tpu.memref_slice %arg5[%multiple_of3A_93, %dma_wait3A] : memref<20000x128xf32, #tpu.memory_space<hbm>> -> memref<112x128xf32, #tpu.memory_space<hbm>>
      %dma_wait3A_103 = arith.constant 0 : i32
      %dma_wait3A_104 = tpu.memref_slice %arg11[%multiple_of3A_89, %dma_wait3A_103] : memref<10000x128xf32, #tpu.memory_space<vmem_shared>> -> memref<112x128xf32, #tpu.memory_space<vmem_shared>>
      tpu.wait_dma2 semaphore(%run_scoped3A : memref<!tpu.dma_semaphore, #tpu.memory_space<semaphore_mem>>) src(%dma_wait3A_104 : memref<112x128xf32, #tpu.memory_space<vmem_shared>>) dst(%dma_wait3A_102 : memref<112x128xf32, #tpu.memory_space<hbm>>)
      tpu.yield
    }) : () -> ()
    %eq3A_94 = arith.constant 0 : i32
    %eq3A_95 = arith.cmpi eq, %arg1, %eq3A_94 : i32
    %convert_element_type3A_96 = arith.extui %eq3A_95 : i1 to i32
    %cond3A_97 = arith.constant 0 : i32
    %cond3A_98 = arith.cmpi ne, %convert_element_type3A_96, %cond3A_97 : i32
    scf.if %cond3A_98 {
      %multiple_of3A_99 = arith.constant 9984 : i32
      %multiple_of3A_100 = tpu.assume_multiple %multiple_of3A_99, 8 : i32
      %mul3A_101 = arith.constant 10000 : i32
      %mul3A_102 = arith.muli %arg0, %mul3A_101 : i32
      %add3A_103 = arith.addi %mul3A_102, %multiple_of3A_100 : i32
      %multiple_of3A_104 = tpu.assume_multiple %add3A_103, 8 : i32
      "tpu.region"() ({
        %run_scoped3A = tpu.sem_alloc : memref<!tpu.dma_semaphore, #tpu.memory_space<semaphore_mem>>
        %dma_start3A = arith.constant 0 : i32
        %dma_start3A_105 = tpu.memref_slice %arg5[%multiple_of3A_104, %dma_start3A] : memref<20000x128xf32, #tpu.memory_space<hbm>> -> memref<16x128xf32, #tpu.memory_space<hbm>>
        %dma_start3A_106 = arith.constant 0 : i32
        %dma_start3A_107 = tpu.memref_slice %arg11[%multiple_of3A_100, %dma_start3A_106] : memref<10000x128xf32, #tpu.memory_space<vmem_shared>> -> memref<16x128xf32, #tpu.memory_space<vmem_shared>>
        tpu.enqueue_dma source(%dma_start3A_107 : memref<16x128xf32, #tpu.memory_space<vmem_shared>>) target(%dma_start3A_105 : memref<16x128xf32, #tpu.memory_space<hbm>>) target_semaphore(%run_scoped3A : memref<!tpu.dma_semaphore, #tpu.memory_space<semaphore_mem>>)
        %dma_wait3A = arith.constant 0 : i32
        %dma_wait3A_108 = tpu.memref_slice %arg5[%multiple_of3A_104, %dma_wait3A] : memref<20000x128xf32, #tpu.memory_space<hbm>> -> memref<16x128xf32, #tpu.memory_space<hbm>>
        %dma_wait3A_109 = arith.constant 0 : i32
        %dma_wait3A_110 = tpu.memref_slice %arg11[%multiple_of3A_100, %dma_wait3A_109] : memref<10000x128xf32, #tpu.memory_space<vmem_shared>> -> memref<16x128xf32, #tpu.memory_space<vmem_shared>>
        tpu.wait_dma2 semaphore(%run_scoped3A : memref<!tpu.dma_semaphore, #tpu.memory_space<semaphore_mem>>) src(%dma_wait3A_110 : memref<16x128xf32, #tpu.memory_space<vmem_shared>>) dst(%dma_wait3A_108 : memref<16x128xf32, #tpu.memory_space<hbm>>)
        tpu.yield
      }) : () -> ()
    } else {
    }
    return
  }
}

#map = affine_map<(d0, d1) -> (0, 0)>
#map1 = affine_map<(d0, d1) -> (0)>
module attributes {stable_mosaic.version = 14 : i64} {
  func.func @_seg_sum_body(%arg0: i32, %arg1: i32, %arg2: memref<10000x128xf32, #tpu.memory_space<hbm>>, %arg3: memref<320000xi32, #tpu.memory_space<hbm>>, %arg4: memref<320000xi32, #tpu.memory_space<hbm>>, %arg5: memref<20000x128xf32, #tpu.memory_space<hbm>>, %arg6: memref<3x128xi32, #tpu.memory_space<vmem>>, %arg7: memref<6x128xi32, #tpu.memory_space<vmem>>, %arg8: memref<128x128xf32, #tpu.memory_space<vmem>>, %arg9: memref<128x128xf32, #tpu.memory_space<vmem>>, %arg10: memref<128x128xf32, #tpu.memory_space<vmem>>, %arg11: memref<10000x128xf32, #tpu.memory_space<vmem_shared>>, %arg12: memref<!tpu.dma_semaphore, #tpu.memory_space<semaphore_mem>>, %arg13: memref<!tpu.dma_semaphore, #tpu.memory_space<semaphore_mem>>, %arg14: memref<!tpu.dma_semaphore, #tpu.memory_space<semaphore_mem>>, %arg15: memref<!tpu.dma_semaphore, #tpu.memory_space<semaphore_mem>>, %arg16: memref<!tpu.dma_semaphore, #tpu.memory_space<semaphore_mem>>, %arg17: memref<!tpu.dma_semaphore, #tpu.memory_space<semaphore_mem>>, %arg18: memref<!tpu.dma_semaphore, #tpu.memory_space<semaphore_mem>>, %arg19: memref<!tpu.dma_semaphore, #tpu.memory_space<semaphore_mem>>, %arg20: memref<!tpu.dma_semaphore, #tpu.memory_space<semaphore_mem>>) attributes {dimension_semantics = [#tpu.dimension_semantics<core_parallel>, #tpu.dimension_semantics<subcore_parallel>], iteration_bounds = array<i64: 2, 16>, scalar_prefetch = 0 : i64, scratch_operands = 15 : i64, tpu.core_type = #tpu.core_type<sc_vector_subcore>, window_params = [{transform_indices = #map}, {transform_indices = #map1}, {transform_indices = #map1}, {transform_indices = #map}]} {
    %scan3A = arith.constant 0 : i32
    %scan3A_0 = arith.constant 128 : i32
    %scan3A_1 = arith.addi %scan3A, %scan3A_0 : i32
    %scan3A_2 = arith.constant 1 : i32
    scf.for %scan3A_99 = %scan3A to %scan3A_1 step %scan3A_2  : i32 {
      %mul3A_100 = arith.constant 1 : i32
      %mul3A_101 = arith.muli %scan3A_99, %mul3A_100 : i32
      %add3A_102 = arith.constant 0 : i32
      %add3A_103 = arith.addi %add3A_102, %mul3A_101 : i32
      %scan3A_104 = arith.constant 0 : i32
      %scan3A_105 = arith.constant 8 : i32
      %scan3A_106 = arith.addi %scan3A_104, %scan3A_105 : i32
      %scan3A_107 = arith.constant 1 : i32
      scf.for %scan3A_109 = %scan3A_104 to %scan3A_106 step %scan3A_107  : i32 {
        %mul3A_110 = arith.constant 1 : i32
        %mul3A_111 = arith.muli %scan3A_109, %mul3A_110 : i32
        %add3A_112 = arith.constant 0 : i32
        %add3A_113 = arith.addi %add3A_112, %mul3A_111 : i32
        %broadcast_in_dim3A = arith.constant 0.000000e+00 : f32
        %broadcast_in_dim3A_114 = vector.broadcast %broadcast_in_dim3A : f32 to vector<16xf32>
        %mul3A_115 = arith.constant 16 : i32
        %mul3A_116 = arith.muli %add3A_113, %mul3A_115 : i32
        %swap3A = arith.index_cast %add3A_103 : i32 to index
        %swap3A_117 = arith.index_cast %mul3A_116 : i32 to index
        %swap3A_118 = tpu.vector_load %arg8[%swap3A, %swap3A_117] {strides = array<i32>} : memref<128x128xf32, #tpu.memory_space<vmem>>, vector<1x16xf32>,
        %swap3A_119 = vector.shape_cast %swap3A_118 : vector<1x16xf32> to vector<16xf32>
        %swap3A_120 = vector.shape_cast %broadcast_in_dim3A_114 : vector<16xf32> to vector<1x16xf32>
        tpu.vector_store %arg8[%swap3A, %swap3A_117], %swap3A_120 {strides = array<i32>} : memref<128x128xf32, #tpu.memory_space<vmem>>, vector<1x16xf32>,
      }
      %scan3A_108 = arith.constant 8 : i32
    }
    %scan3A_3 = arith.constant 128 : i32
    %mul3A = arith.constant 624 : i32
    %mul3A_4 = arith.muli %arg1, %mul3A : i32
    %multiple_of3A = tpu.assume_multiple %mul3A_4, 8 : i32
    %add3A = arith.constant 0 : i32
    %add3A_5 = arith.addi %multiple_of3A, %add3A : i32
    "tpu.region"() ({
      %run_scoped3A = tpu.sem_alloc : memref<!tpu.dma_semaphore, #tpu.memory_space<semaphore_mem>>
      %dma_start3A = arith.constant 0 : i32
      %dma_start3A_99 = arith.constant 0 : i32
      %dma_start3A_100 = tpu.memref_slice %arg8[%dma_start3A, %dma_start3A_99] : memref<128x128xf32, #tpu.memory_space<vmem>> -> memref<128x128xf32, #tpu.memory_space<vmem>>
      %dma_start3A_101 = arith.constant 0 : i32
      %dma_start3A_102 = tpu.memref_slice %arg11[%add3A_5, %dma_start3A_101] : memref<10000x128xf32, #tpu.memory_space<vmem_shared>> -> memref<128x128xf32, #tpu.memory_space<vmem_shared>>
      %dma_start3A_103 = arith.constant 0 : i32
      %dma_start3A_104 = tpu.memref_slice %arg11[%add3A_5, %dma_start3A_103] : memref<10000x128xf32, #tpu.memory_space<vmem_shared>> -> memref<128x128xf32, #tpu.memory_space<vmem_shared>>
      %dma_start3A_105 = arith.constant 0 : i32
      %dma_start3A_106 = arith.constant 0 : i32
      %dma_start3A_107 = tpu.memref_slice %arg8[%dma_start3A_105, %dma_start3A_106] : memref<128x128xf32, #tpu.memory_space<vmem>> -> memref<128x128xf32, #tpu.memory_space<vmem>>
      tpu.enqueue_dma source(%dma_start3A_107 : memref<128x128xf32, #tpu.memory_space<vmem>>) target(%dma_start3A_104 : memref<128x128xf32, #tpu.memory_space<vmem_shared>>) target_semaphore(%run_scoped3A : memref<!tpu.dma_semaphore, #tpu.memory_space<semaphore_mem>>)
      %dma_wait3A = arith.constant 0 : i32
      %dma_wait3A_108 = arith.constant 0 : i32
      %dma_wait3A_109 = tpu.memref_slice %arg8[%dma_wait3A, %dma_wait3A_108] : memref<128x128xf32, #tpu.memory_space<vmem>> -> memref<128x128xf32, #tpu.memory_space<vmem>>
      %dma_wait3A_110 = arith.constant 0 : i32
      %dma_wait3A_111 = tpu.memref_slice %arg11[%add3A_5, %dma_wait3A_110] : memref<10000x128xf32, #tpu.memory_space<vmem_shared>> -> memref<128x128xf32, #tpu.memory_space<vmem_shared>>
      %dma_wait3A_112 = arith.constant 0 : i32
      %dma_wait3A_113 = tpu.memref_slice %arg11[%add3A_5, %dma_wait3A_112] : memref<10000x128xf32, #tpu.memory_space<vmem_shared>> -> memref<128x128xf32, #tpu.memory_space<vmem_shared>>
      %dma_wait3A_114 = arith.constant 0 : i32
      %dma_wait3A_115 = arith.constant 0 : i32
      %dma_wait3A_116 = tpu.memref_slice %arg8[%dma_wait3A_114, %dma_wait3A_115] : memref<128x128xf32, #tpu.memory_space<vmem>> -> memref<128x128xf32, #tpu.memory_space<vmem>>
      tpu.wait_dma2 semaphore(%run_scoped3A : memref<!tpu.dma_semaphore, #tpu.memory_space<semaphore_mem>>) src(%dma_wait3A_116 : memref<128x128xf32, #tpu.memory_space<vmem>>) dst(%dma_wait3A_113 : memref<128x128xf32, #tpu.memory_space<vmem_shared>>)
      tpu.yield
    }) : () -> ()
    %add3A_6 = arith.constant 128 : i32
    %add3A_7 = arith.addi %multiple_of3A, %add3A_6 : i32
    "tpu.region"() ({
      %run_scoped3A = tpu.sem_alloc : memref<!tpu.dma_semaphore, #tpu.memory_space<semaphore_mem>>
      %dma_start3A = arith.constant 0 : i32
      %dma_start3A_99 = arith.constant 0 : i32
      %dma_start3A_100 = tpu.memref_slice %arg8[%dma_start3A, %dma_start3A_99] : memref<128x128xf32, #tpu.memory_space<vmem>> -> memref<128x128xf32, #tpu.memory_space<vmem>>
      %dma_start3A_101 = arith.constant 0 : i32
      %dma_start3A_102 = tpu.memref_slice %arg11[%add3A_7, %dma_start3A_101] : memref<10000x128xf32, #tpu.memory_space<vmem_shared>> -> memref<128x128xf32, #tpu.memory_space<vmem_shared>>
      %dma_start3A_103 = arith.constant 0 : i32
      %dma_start3A_104 = tpu.memref_slice %arg11[%add3A_7, %dma_start3A_103] : memref<10000x128xf32, #tpu.memory_space<vmem_shared>> -> memref<128x128xf32, #tpu.memory_space<vmem_shared>>
      %dma_start3A_105 = arith.constant 0 : i32
      %dma_start3A_106 = arith.constant 0 : i32
      %dma_start3A_107 = tpu.memref_slice %arg8[%dma_start3A_105, %dma_start3A_106] : memref<128x128xf32, #tpu.memory_space<vmem>> -> memref<128x128xf32, #tpu.memory_space<vmem>>
      tpu.enqueue_dma source(%dma_start3A_107 : memref<128x128xf32, #tpu.memory_space<vmem>>) target(%dma_start3A_104 : memref<128x128xf32, #tpu.memory_space<vmem_shared>>) target_semaphore(%run_scoped3A : memref<!tpu.dma_semaphore, #tpu.memory_space<semaphore_mem>>)
      %dma_wait3A = arith.constant 0 : i32
      %dma_wait3A_108 = arith.constant 0 : i32
      %dma_wait3A_109 = tpu.memref_slice %arg8[%dma_wait3A, %dma_wait3A_108] : memref<128x128xf32, #tpu.memory_space<vmem>> -> memref<128x128xf32, #tpu.memory_space<vmem>>
      %dma_wait3A_110 = arith.constant 0 : i32
      %dma_wait3A_111 = tpu.memref_slice %arg11[%add3A_7, %dma_wait3A_110] : memref<10000x128xf32, #tpu.memory_space<vmem_shared>> -> memref<128x128xf32, #tpu.memory_space<vmem_shared>>
      %dma_wait3A_112 = arith.constant 0 : i32
      %dma_wait3A_113 = tpu.memref_slice %arg11[%add3A_7, %dma_wait3A_112] : memref<10000x128xf32, #tpu.memory_space<vmem_shared>> -> memref<128x128xf32, #tpu.memory_space<vmem_shared>>
      %dma_wait3A_114 = arith.constant 0 : i32
      %dma_wait3A_115 = arith.constant 0 : i32
      %dma_wait3A_116 = tpu.memref_slice %arg8[%dma_wait3A_114, %dma_wait3A_115] : memref<128x128xf32, #tpu.memory_space<vmem>> -> memref<128x128xf32, #tpu.memory_space<vmem>>
      tpu.wait_dma2 semaphore(%run_scoped3A : memref<!tpu.dma_semaphore, #tpu.memory_space<semaphore_mem>>) src(%dma_wait3A_116 : memref<128x128xf32, #tpu.memory_space<vmem>>) dst(%dma_wait3A_113 : memref<128x128xf32, #tpu.memory_space<vmem_shared>>)
      tpu.yield
    }) : () -> ()
    %add3A_8 = arith.constant 256 : i32
    %add3A_9 = arith.addi %multiple_of3A, %add3A_8 : i32
    "tpu.region"() ({
      %run_scoped3A = tpu.sem_alloc : memref<!tpu.dma_semaphore, #tpu.memory_space<semaphore_mem>>
      %dma_start3A = arith.constant 0 : i32
      %dma_start3A_99 = arith.constant 0 : i32
      %dma_start3A_100 = tpu.memref_slice %arg8[%dma_start3A, %dma_start3A_99] : memref<128x128xf32, #tpu.memory_space<vmem>> -> memref<128x128xf32, #tpu.memory_space<vmem>>
      %dma_start3A_101 = arith.constant 0 : i32
      %dma_start3A_102 = tpu.memref_slice %arg11[%add3A_9, %dma_start3A_101] : memref<10000x128xf32, #tpu.memory_space<vmem_shared>> -> memref<128x128xf32, #tpu.memory_space<vmem_shared>>
      %dma_start3A_103 = arith.constant 0 : i32
      %dma_start3A_104 = tpu.memref_slice %arg11[%add3A_9, %dma_start3A_103] : memref<10000x128xf32, #tpu.memory_space<vmem_shared>> -> memref<128x128xf32, #tpu.memory_space<vmem_shared>>
      %dma_start3A_105 = arith.constant 0 : i32
      %dma_start3A_106 = arith.constant 0 : i32
      %dma_start3A_107 = tpu.memref_slice %arg8[%dma_start3A_105, %dma_start3A_106] : memref<128x128xf32, #tpu.memory_space<vmem>> -> memref<128x128xf32, #tpu.memory_space<vmem>>
      tpu.enqueue_dma source(%dma_start3A_107 : memref<128x128xf32, #tpu.memory_space<vmem>>) target(%dma_start3A_104 : memref<128x128xf32, #tpu.memory_space<vmem_shared>>) target_semaphore(%run_scoped3A : memref<!tpu.dma_semaphore, #tpu.memory_space<semaphore_mem>>)
      %dma_wait3A = arith.constant 0 : i32
      %dma_wait3A_108 = arith.constant 0 : i32
      %dma_wait3A_109 = tpu.memref_slice %arg8[%dma_wait3A, %dma_wait3A_108] : memref<128x128xf32, #tpu.memory_space<vmem>> -> memref<128x128xf32, #tpu.memory_space<vmem>>
      %dma_wait3A_110 = arith.constant 0 : i32
      %dma_wait3A_111 = tpu.memref_slice %arg11[%add3A_9, %dma_wait3A_110] : memref<10000x128xf32, #tpu.memory_space<vmem_shared>> -> memref<128x128xf32, #tpu.memory_space<vmem_shared>>
      %dma_wait3A_112 = arith.constant 0 : i32
      %dma_wait3A_113 = tpu.memref_slice %arg11[%add3A_9, %dma_wait3A_112] : memref<10000x128xf32, #tpu.memory_space<vmem_shared>> -> memref<128x128xf32, #tpu.memory_space<vmem_shared>>
      %dma_wait3A_114 = arith.constant 0 : i32
      %dma_wait3A_115 = arith.constant 0 : i32
      %dma_wait3A_116 = tpu.memref_slice %arg8[%dma_wait3A_114, %dma_wait3A_115] : memref<128x128xf32, #tpu.memory_space<vmem>> -> memref<128x128xf32, #tpu.memory_space<vmem>>
      tpu.wait_dma2 semaphore(%run_scoped3A : memref<!tpu.dma_semaphore, #tpu.memory_space<semaphore_mem>>) src(%dma_wait3A_116 : memref<128x128xf32, #tpu.memory_space<vmem>>) dst(%dma_wait3A_113 : memref<128x128xf32, #tpu.memory_space<vmem_shared>>)
      tpu.yield
    }) : () -> ()
    %add3A_10 = arith.constant 384 : i32
    %add3A_11 = arith.addi %multiple_of3A, %add3A_10 : i32
    "tpu.region"() ({
      %run_scoped3A = tpu.sem_alloc : memref<!tpu.dma_semaphore, #tpu.memory_space<semaphore_mem>>
      %dma_start3A = arith.constant 0 : i32
      %dma_start3A_99 = arith.constant 0 : i32
      %dma_start3A_100 = tpu.memref_slice %arg8[%dma_start3A, %dma_start3A_99] : memref<128x128xf32, #tpu.memory_space<vmem>> -> memref<128x128xf32, #tpu.memory_space<vmem>>
      %dma_start3A_101 = arith.constant 0 : i32
      %dma_start3A_102 = tpu.memref_slice %arg11[%add3A_11, %dma_start3A_101] : memref<10000x128xf32, #tpu.memory_space<vmem_shared>> -> memref<128x128xf32, #tpu.memory_space<vmem_shared>>
      %dma_start3A_103 = arith.constant 0 : i32
      %dma_start3A_104 = tpu.memref_slice %arg11[%add3A_11, %dma_start3A_103] : memref<10000x128xf32, #tpu.memory_space<vmem_shared>> -> memref<128x128xf32, #tpu.memory_space<vmem_shared>>
      %dma_start3A_105 = arith.constant 0 : i32
      %dma_start3A_106 = arith.constant 0 : i32
      %dma_start3A_107 = tpu.memref_slice %arg8[%dma_start3A_105, %dma_start3A_106] : memref<128x128xf32, #tpu.memory_space<vmem>> -> memref<128x128xf32, #tpu.memory_space<vmem>>
      tpu.enqueue_dma source(%dma_start3A_107 : memref<128x128xf32, #tpu.memory_space<vmem>>) target(%dma_start3A_104 : memref<128x128xf32, #tpu.memory_space<vmem_shared>>) target_semaphore(%run_scoped3A : memref<!tpu.dma_semaphore, #tpu.memory_space<semaphore_mem>>)
      %dma_wait3A = arith.constant 0 : i32
      %dma_wait3A_108 = arith.constant 0 : i32
      %dma_wait3A_109 = tpu.memref_slice %arg8[%dma_wait3A, %dma_wait3A_108] : memref<128x128xf32, #tpu.memory_space<vmem>> -> memref<128x128xf32, #tpu.memory_space<vmem>>
      %dma_wait3A_110 = arith.constant 0 : i32
      %dma_wait3A_111 = tpu.memref_slice %arg11[%add3A_11, %dma_wait3A_110] : memref<10000x128xf32, #tpu.memory_space<vmem_shared>> -> memref<128x128xf32, #tpu.memory_space<vmem_shared>>
      %dma_wait3A_112 = arith.constant 0 : i32
      %dma_wait3A_113 = tpu.memref_slice %arg11[%add3A_11, %dma_wait3A_112] : memref<10000x128xf32, #tpu.memory_space<vmem_shared>> -> memref<128x128xf32, #tpu.memory_space<vmem_shared>>
      %dma_wait3A_114 = arith.constant 0 : i32
      %dma_wait3A_115 = arith.constant 0 : i32
      %dma_wait3A_116 = tpu.memref_slice %arg8[%dma_wait3A_114, %dma_wait3A_115] : memref<128x128xf32, #tpu.memory_space<vmem>> -> memref<128x128xf32, #tpu.memory_space<vmem>>
      tpu.wait_dma2 semaphore(%run_scoped3A : memref<!tpu.dma_semaphore, #tpu.memory_space<semaphore_mem>>) src(%dma_wait3A_116 : memref<128x128xf32, #tpu.memory_space<vmem>>) dst(%dma_wait3A_113 : memref<128x128xf32, #tpu.memory_space<vmem_shared>>)
      tpu.yield
    }) : () -> ()
    %add3A_12 = arith.constant 512 : i32
    %add3A_13 = arith.addi %multiple_of3A, %add3A_12 : i32
    "tpu.region"() ({
      %run_scoped3A = tpu.sem_alloc : memref<!tpu.dma_semaphore, #tpu.memory_space<semaphore_mem>>
      %dma_start3A = arith.constant 0 : i32
      %dma_start3A_99 = arith.constant 0 : i32
      %dma_start3A_100 = tpu.memref_slice %arg8[%dma_start3A, %dma_start3A_99] : memref<128x128xf32, #tpu.memory_space<vmem>> -> memref<112x128xf32, #tpu.memory_space<vmem>>
      %dma_start3A_101 = arith.constant 0 : i32
      %dma_start3A_102 = tpu.memref_slice %arg11[%add3A_13, %dma_start3A_101] : memref<10000x128xf32, #tpu.memory_space<vmem_shared>> -> memref<112x128xf32, #tpu.memory_space<vmem_shared>>
      %dma_start3A_103 = arith.constant 0 : i32
      %dma_start3A_104 = tpu.memref_slice %arg11[%add3A_13, %dma_start3A_103] : memref<10000x128xf32, #tpu.memory_space<vmem_shared>> -> memref<112x128xf32, #tpu.memory_space<vmem_shared>>
      %dma_start3A_105 = arith.constant 0 : i32
      %dma_start3A_106 = arith.constant 0 : i32
      %dma_start3A_107 = tpu.memref_slice %arg8[%dma_start3A_105, %dma_start3A_106] : memref<128x128xf32, #tpu.memory_space<vmem>> -> memref<112x128xf32, #tpu.memory_space<vmem>>
      tpu.enqueue_dma source(%dma_start3A_107 : memref<112x128xf32, #tpu.memory_space<vmem>>) target(%dma_start3A_104 : memref<112x128xf32, #tpu.memory_space<vmem_shared>>) target_semaphore(%run_scoped3A : memref<!tpu.dma_semaphore, #tpu.memory_space<semaphore_mem>>)
      %dma_wait3A = arith.constant 0 : i32
      %dma_wait3A_108 = arith.constant 0 : i32
      %dma_wait3A_109 = tpu.memref_slice %arg8[%dma_wait3A, %dma_wait3A_108] : memref<128x128xf32, #tpu.memory_space<vmem>> -> memref<112x128xf32, #tpu.memory_space<vmem>>
      %dma_wait3A_110 = arith.constant 0 : i32
      %dma_wait3A_111 = tpu.memref_slice %arg11[%add3A_13, %dma_wait3A_110] : memref<10000x128xf32, #tpu.memory_space<vmem_shared>> -> memref<112x128xf32, #tpu.memory_space<vmem_shared>>
      %dma_wait3A_112 = arith.constant 0 : i32
      %dma_wait3A_113 = tpu.memref_slice %arg11[%add3A_13, %dma_wait3A_112] : memref<10000x128xf32, #tpu.memory_space<vmem_shared>> -> memref<112x128xf32, #tpu.memory_space<vmem_shared>>
      %dma_wait3A_114 = arith.constant 0 : i32
      %dma_wait3A_115 = arith.constant 0 : i32
      %dma_wait3A_116 = tpu.memref_slice %arg8[%dma_wait3A_114, %dma_wait3A_115] : memref<128x128xf32, #tpu.memory_space<vmem>> -> memref<112x128xf32, #tpu.memory_space<vmem>>
      tpu.wait_dma2 semaphore(%run_scoped3A : memref<!tpu.dma_semaphore, #tpu.memory_space<semaphore_mem>>) src(%dma_wait3A_116 : memref<112x128xf32, #tpu.memory_space<vmem>>) dst(%dma_wait3A_113 : memref<112x128xf32, #tpu.memory_space<vmem_shared>>)
      tpu.yield
    }) : () -> ()
    %eq3A = arith.constant 0 : i32
    %eq3A_14 = arith.cmpi eq, %arg1, %eq3A : i32
    %convert_element_type3A = arith.extui %eq3A_14 : i1 to i32
    %cond3A = arith.constant 0 : i32
    %cond3A_15 = arith.cmpi ne, %convert_element_type3A, %cond3A : i32
    scf.if %cond3A_15 {
      %multiple_of3A_99 = arith.constant 9984 : i32
      %multiple_of3A_100 = tpu.assume_multiple %multiple_of3A_99, 8 : i32
      "tpu.region"() ({
        %run_scoped3A = tpu.sem_alloc : memref<!tpu.dma_semaphore, #tpu.memory_space<semaphore_mem>>
        %dma_start3A = arith.constant 0 : i32
        %dma_start3A_101 = arith.constant 0 : i32
        %dma_start3A_102 = tpu.memref_slice %arg8[%dma_start3A, %dma_start3A_101] : memref<128x128xf32, #tpu.memory_space<vmem>> -> memref<16x128xf32, #tpu.memory_space<vmem>>
        %dma_start3A_103 = arith.constant 0 : i32
        %dma_start3A_104 = tpu.memref_slice %arg11[%multiple_of3A_100, %dma_start3A_103] : memref<10000x128xf32, #tpu.memory_space<vmem_shared>> -> memref<16x128xf32, #tpu.memory_space<vmem_shared>>
        %dma_start3A_105 = arith.constant 0 : i32
        %dma_start3A_106 = tpu.memref_slice %arg11[%multiple_of3A_100, %dma_start3A_105] : memref<10000x128xf32, #tpu.memory_space<vmem_shared>> -> memref<16x128xf32, #tpu.memory_space<vmem_shared>>
        %dma_start3A_107 = arith.constant 0 : i32
        %dma_start3A_108 = arith.constant 0 : i32
        %dma_start3A_109 = tpu.memref_slice %arg8[%dma_start3A_107, %dma_start3A_108] : memref<128x128xf32, #tpu.memory_space<vmem>> -> memref<16x128xf32, #tpu.memory_space<vmem>>
        tpu.enqueue_dma source(%dma_start3A_109 : memref<16x128xf32, #tpu.memory_space<vmem>>) target(%dma_start3A_106 : memref<16x128xf32, #tpu.memory_space<vmem_shared>>) target_semaphore(%run_scoped3A : memref<!tpu.dma_semaphore, #tpu.memory_space<semaphore_mem>>)
        %dma_wait3A = arith.constant 0 : i32
        %dma_wait3A_110 = arith.constant 0 : i32
        %dma_wait3A_111 = tpu.memref_slice %arg8[%dma_wait3A, %dma_wait3A_110] : memref<128x128xf32, #tpu.memory_space<vmem>> -> memref<16x128xf32, #tpu.memory_space<vmem>>
        %dma_wait3A_112 = arith.constant 0 : i32
        %dma_wait3A_113 = tpu.memref_slice %arg11[%multiple_of3A_100, %dma_wait3A_112] : memref<10000x128xf32, #tpu.memory_space<vmem_shared>> -> memref<16x128xf32, #tpu.memory_space<vmem_shared>>
        %dma_wait3A_114 = arith.constant 0 : i32
        %dma_wait3A_115 = tpu.memref_slice %arg11[%multiple_of3A_100, %dma_wait3A_114] : memref<10000x128xf32, #tpu.memory_space<vmem_shared>> -> memref<16x128xf32, #tpu.memory_space<vmem_shared>>
        %dma_wait3A_116 = arith.constant 0 : i32
        %dma_wait3A_117 = arith.constant 0 : i32
        %dma_wait3A_118 = tpu.memref_slice %arg8[%dma_wait3A_116, %dma_wait3A_117] : memref<128x128xf32, #tpu.memory_space<vmem>> -> memref<16x128xf32, #tpu.memory_space<vmem>>
        tpu.wait_dma2 semaphore(%run_scoped3A : memref<!tpu.dma_semaphore, #tpu.memory_space<semaphore_mem>>) src(%dma_wait3A_118 : memref<16x128xf32, #tpu.memory_space<vmem>>) dst(%dma_wait3A_115 : memref<16x128xf32, #tpu.memory_space<vmem_shared>>)
        tpu.yield
      }) : () -> ()
    } else {
    }
    %mul3A_16 = arith.constant 1250 : i32
    %mul3A_17 = arith.muli %arg0, %mul3A_16 : i32
    %mul3A_18 = arith.constant 78 : i32
    %mul3A_19 = arith.muli %arg1, %mul3A_18 : i32
    %add3A_20 = arith.addi %mul3A_17, %mul3A_19 : i32
    %min3A = arith.constant 2 : i32
    %min3A_21 = arith.minsi %arg1, %min3A : i32
    %add3A_22 = arith.addi %add3A_20, %min3A_21 : i32
    %lt3A = arith.constant 2 : i32
    %lt3A_23 = arith.cmpi slt, %arg1, %lt3A : i32
    %jit3A = arith.constant 1 : i32
    %jit3A_24 = arith.constant 0 : i32
    %select_n3A = arith.select %lt3A_23, %jit3A, %jit3A_24 : i32
    %add3A_25 = arith.constant 78 : i32
    %add3A_26 = arith.addi %add3A_25, %select_n3A : i32
    %mul3A_27 = arith.constant 128 : i32
    %mul3A_28 = arith.muli %add3A_22, %mul3A_27 : i32
    %gt3A = arith.constant 0 : i32
    %gt3A_29 = arith.cmpi sgt, %add3A_26, %gt3A : i32
    %convert_element_type3A_30 = arith.extui %gt3A_29 : i1 to i32
    %cond3A_31 = arith.constant 0 : i32
    %cond3A_32 = arith.cmpi ne, %convert_element_type3A_30, %cond3A_31 : i32
    scf.if %cond3A_32 {
      %add3A_99 = arith.constant 0 : i32
      %add3A_100 = arith.addi %mul3A_28, %add3A_99 : i32
      %add3A_101 = arith.constant 0 : i32
      %add3A_102 = arith.addi %mul3A_28, %add3A_101 : i32
      %rem3A = arith.constant 0 : i32
      %rem3A_103 = arith.constant 6 : i32
      %rem3A_104 = arith.remsi %rem3A, %rem3A_103 : i32
      %dma_start3A = arith.constant 0 : i32
      %dma_start3A_105 = arith.constant 0 : i32
      %dma_start3A_106 = tpu.memref_slice %arg6[%dma_start3A, %dma_start3A_105] : memref<3x128xi32, #tpu.memory_space<vmem>> -> memref<1x128xi32, #tpu.memory_space<vmem>>
      %dma_start3A_107 = tpu.memref_squeeze %dma_start3A_106 : memref<1x128xi32, #tpu.memory_space<vmem>> -> memref<128xi32, #tpu.memory_space<vmem>>
      %dma_start3A_108 = tpu.memref_slice %arg3[%add3A_100] : memref<320000xi32, #tpu.memory_space<hbm>> -> memref<128xi32, #tpu.memory_space<hbm>>
      %dma_start3A_109 = arith.constant 0 : i32
      %dma_start3A_110 = tpu.memref_slice %arg6[%dma_start3A, %dma_start3A_109] : memref<3x128xi32, #tpu.memory_space<vmem>> -> memref<1x128xi32, #tpu.memory_space<vmem>>
      %dma_start3A_111 = tpu.memref_squeeze %dma_start3A_110 : memref<1x128xi32, #tpu.memory_space<vmem>> -> memref<128xi32, #tpu.memory_space<vmem>>
      %dma_start3A_112 = tpu.memref_slice %arg3[%add3A_100] : memref<320000xi32, #tpu.memory_space<hbm>> -> memref<128xi32, #tpu.memory_space<hbm>>
      tpu.enqueue_dma source(%dma_start3A_112 : memref<128xi32, #tpu.memory_space<hbm>>) target(%dma_start3A_111 : memref<128xi32, #tpu.memory_space<vmem>>) target_semaphore(%arg15 : memref<!tpu.dma_semaphore, #tpu.memory_space<semaphore_mem>>)
      %dma_start3A_113 = arith.constant 0 : i32
      %dma_start3A_114 = tpu.memref_slice %arg7[%rem3A_104, %dma_start3A_113] : memref<6x128xi32, #tpu.memory_space<vmem>> -> memref<1x128xi32, #tpu.memory_space<vmem>>
      %dma_start3A_115 = tpu.memref_squeeze %dma_start3A_114 : memref<1x128xi32, #tpu.memory_space<vmem>> -> memref<128xi32, #tpu.memory_space<vmem>>
      %dma_start3A_116 = tpu.memref_slice %arg4[%add3A_102] : memref<320000xi32, #tpu.memory_space<hbm>> -> memref<128xi32, #tpu.memory_space<hbm>>
      %dma_start3A_117 = arith.constant 0 : i32
      %dma_start3A_118 = tpu.memref_slice %arg7[%rem3A_104, %dma_start3A_117] : memref<6x128xi32, #tpu.memory_space<vmem>> -> memref<1x128xi32, #tpu.memory_space<vmem>>
      %dma_start3A_119 = tpu.memref_squeeze %dma_start3A_118 : memref<1x128xi32, #tpu.memory_space<vmem>> -> memref<128xi32, #tpu.memory_space<vmem>>
      %dma_start3A_120 = tpu.memref_slice %arg4[%add3A_102] : memref<320000xi32, #tpu.memory_space<hbm>> -> memref<128xi32, #tpu.memory_space<hbm>>
      tpu.enqueue_dma source(%dma_start3A_120 : memref<128xi32, #tpu.memory_space<hbm>>) target(%dma_start3A_119 : memref<128xi32, #tpu.memory_space<vmem>>) target_semaphore(%arg15 : memref<!tpu.dma_semaphore, #tpu.memory_space<semaphore_mem>>)
    } else {
    }
    %gt3A_33 = arith.constant 1 : i32
    %gt3A_34 = arith.cmpi sgt, %add3A_26, %gt3A_33 : i32
    %convert_element_type3A_35 = arith.extui %gt3A_34 : i1 to i32
    %cond3A_36 = arith.constant 0 : i32
    %cond3A_37 = arith.cmpi ne, %convert_element_type3A_35, %cond3A_36 : i32
    scf.if %cond3A_37 {
      %add3A_99 = arith.constant 128 : i32
      %add3A_100 = arith.addi %mul3A_28, %add3A_99 : i32
      %add3A_101 = arith.constant 128 : i32
      %add3A_102 = arith.addi %mul3A_28, %add3A_101 : i32
      %rem3A = arith.constant 1 : i32
      %rem3A_103 = arith.constant 6 : i32
      %rem3A_104 = arith.remsi %rem3A, %rem3A_103 : i32
      %dma_start3A = arith.constant 1 : i32
      %dma_start3A_105 = arith.constant 0 : i32
      %dma_start3A_106 = tpu.memref_slice %arg6[%dma_start3A, %dma_start3A_105] : memref<3x128xi32, #tpu.memory_space<vmem>> -> memref<1x128xi32, #tpu.memory_space<vmem>>
      %dma_start3A_107 = tpu.memref_squeeze %dma_start3A_106 : memref<1x128xi32, #tpu.memory_space<vmem>> -> memref<128xi32, #tpu.memory_space<vmem>>
      %dma_start3A_108 = tpu.memref_slice %arg3[%add3A_100] : memref<320000xi32, #tpu.memory_space<hbm>> -> memref<128xi32, #tpu.memory_space<hbm>>
      %dma_start3A_109 = arith.constant 0 : i32
      %dma_start3A_110 = tpu.memref_slice %arg6[%dma_start3A, %dma_start3A_109] : memref<3x128xi32, #tpu.memory_space<vmem>> -> memref<1x128xi32, #tpu.memory_space<vmem>>
      %dma_start3A_111 = tpu.memref_squeeze %dma_start3A_110 : memref<1x128xi32, #tpu.memory_space<vmem>> -> memref<128xi32, #tpu.memory_space<vmem>>
      %dma_start3A_112 = tpu.memref_slice %arg3[%add3A_100] : memref<320000xi32, #tpu.memory_space<hbm>> -> memref<128xi32, #tpu.memory_space<hbm>>
      tpu.enqueue_dma source(%dma_start3A_112 : memref<128xi32, #tpu.memory_space<hbm>>) target(%dma_start3A_111 : memref<128xi32, #tpu.memory_space<vmem>>) target_semaphore(%arg16 : memref<!tpu.dma_semaphore, #tpu.memory_space<semaphore_mem>>)
      %dma_start3A_113 = arith.constant 0 : i32
      %dma_start3A_114 = tpu.memref_slice %arg7[%rem3A_104, %dma_start3A_113] : memref<6x128xi32, #tpu.memory_space<vmem>> -> memref<1x128xi32, #tpu.memory_space<vmem>>
      %dma_start3A_115 = tpu.memref_squeeze %dma_start3A_114 : memref<1x128xi32, #tpu.memory_space<vmem>> -> memref<128xi32, #tpu.memory_space<vmem>>
      %dma_start3A_116 = tpu.memref_slice %arg4[%add3A_102] : memref<320000xi32, #tpu.memory_space<hbm>> -> memref<128xi32, #tpu.memory_space<hbm>>
      %dma_start3A_117 = arith.constant 0 : i32
      %dma_start3A_118 = tpu.memref_slice %arg7[%rem3A_104, %dma_start3A_117] : memref<6x128xi32, #tpu.memory_space<vmem>> -> memref<1x128xi32, #tpu.memory_space<vmem>>
      %dma_start3A_119 = tpu.memref_squeeze %dma_start3A_118 : memref<1x128xi32, #tpu.memory_space<vmem>> -> memref<128xi32, #tpu.memory_space<vmem>>
      %dma_start3A_120 = tpu.memref_slice %arg4[%add3A_102] : memref<320000xi32, #tpu.memory_space<hbm>> -> memref<128xi32, #tpu.memory_space<hbm>>
      tpu.enqueue_dma source(%dma_start3A_120 : memref<128xi32, #tpu.memory_space<hbm>>) target(%dma_start3A_119 : memref<128xi32, #tpu.memory_space<vmem>>) target_semaphore(%arg16 : memref<!tpu.dma_semaphore, #tpu.memory_space<semaphore_mem>>)
    } else {
    }
    %gt3A_38 = arith.constant 2 : i32
    %gt3A_39 = arith.cmpi sgt, %add3A_26, %gt3A_38 : i32
    %convert_element_type3A_40 = arith.extui %gt3A_39 : i1 to i32
    %cond3A_41 = arith.constant 0 : i32
    %cond3A_42 = arith.cmpi ne, %convert_element_type3A_40, %cond3A_41 : i32
    scf.if %cond3A_42 {
      %add3A_99 = arith.constant 256 : i32
      %add3A_100 = arith.addi %mul3A_28, %add3A_99 : i32
      %add3A_101 = arith.constant 256 : i32
      %add3A_102 = arith.addi %mul3A_28, %add3A_101 : i32
      %rem3A = arith.constant 2 : i32
      %rem3A_103 = arith.constant 6 : i32
      %rem3A_104 = arith.remsi %rem3A, %rem3A_103 : i32
      %dma_start3A = arith.constant 2 : i32
      %dma_start3A_105 = arith.constant 0 : i32
      %dma_start3A_106 = tpu.memref_slice %arg6[%dma_start3A, %dma_start3A_105] : memref<3x128xi32, #tpu.memory_space<vmem>> -> memref<1x128xi32, #tpu.memory_space<vmem>>
      %dma_start3A_107 = tpu.memref_squeeze %dma_start3A_106 : memref<1x128xi32, #tpu.memory_space<vmem>> -> memref<128xi32, #tpu.memory_space<vmem>>
      %dma_start3A_108 = tpu.memref_slice %arg3[%add3A_100] : memref<320000xi32, #tpu.memory_space<hbm>> -> memref<128xi32, #tpu.memory_space<hbm>>
      %dma_start3A_109 = arith.constant 0 : i32
      %dma_start3A_110 = tpu.memref_slice %arg6[%dma_start3A, %dma_start3A_109] : memref<3x128xi32, #tpu.memory_space<vmem>> -> memref<1x128xi32, #tpu.memory_space<vmem>>
      %dma_start3A_111 = tpu.memref_squeeze %dma_start3A_110 : memref<1x128xi32, #tpu.memory_space<vmem>> -> memref<128xi32, #tpu.memory_space<vmem>>
      %dma_start3A_112 = tpu.memref_slice %arg3[%add3A_100] : memref<320000xi32, #tpu.memory_space<hbm>> -> memref<128xi32, #tpu.memory_space<hbm>>
      tpu.enqueue_dma source(%dma_start3A_112 : memref<128xi32, #tpu.memory_space<hbm>>) target(%dma_start3A_111 : memref<128xi32, #tpu.memory_space<vmem>>) target_semaphore(%arg17 : memref<!tpu.dma_semaphore, #tpu.memory_space<semaphore_mem>>)
      %dma_start3A_113 = arith.constant 0 : i32
      %dma_start3A_114 = tpu.memref_slice %arg7[%rem3A_104, %dma_start3A_113] : memref<6x128xi32, #tpu.memory_space<vmem>> -> memref<1x128xi32, #tpu.memory_space<vmem>>
      %dma_start3A_115 = tpu.memref_squeeze %dma_start3A_114 : memref<1x128xi32, #tpu.memory_space<vmem>> -> memref<128xi32, #tpu.memory_space<vmem>>
      %dma_start3A_116 = tpu.memref_slice %arg4[%add3A_102] : memref<320000xi32, #tpu.memory_space<hbm>> -> memref<128xi32, #tpu.memory_space<hbm>>
      %dma_start3A_117 = arith.constant 0 : i32
      %dma_start3A_118 = tpu.memref_slice %arg7[%rem3A_104, %dma_start3A_117] : memref<6x128xi32, #tpu.memory_space<vmem>> -> memref<1x128xi32, #tpu.memory_space<vmem>>
      %dma_start3A_119 = tpu.memref_squeeze %dma_start3A_118 : memref<1x128xi32, #tpu.memory_space<vmem>> -> memref<128xi32, #tpu.memory_space<vmem>>
      %dma_start3A_120 = tpu.memref_slice %arg4[%add3A_102] : memref<320000xi32, #tpu.memory_space<hbm>> -> memref<128xi32, #tpu.memory_space<hbm>>
      tpu.enqueue_dma source(%dma_start3A_120 : memref<128xi32, #tpu.memory_space<hbm>>) target(%dma_start3A_119 : memref<128xi32, #tpu.memory_space<vmem>>) target_semaphore(%arg17 : memref<!tpu.dma_semaphore, #tpu.memory_space<semaphore_mem>>)
    } else {
    }
    %gt3A_43 = arith.constant 0 : i32
    %gt3A_44 = arith.cmpi sgt, %add3A_26, %gt3A_43 : i32
    %convert_element_type3A_45 = arith.extui %gt3A_44 : i1 to i32
    %cond3A_46 = arith.constant 0 : i32
    %cond3A_47 = arith.cmpi ne, %convert_element_type3A_45, %cond3A_46 : i32
    scf.if %cond3A_47 {
      %add3A_99 = arith.constant 0 : i32
      %add3A_100 = arith.addi %mul3A_28, %add3A_99 : i32
      %add3A_101 = arith.constant 0 : i32
      %add3A_102 = arith.addi %mul3A_28, %add3A_101 : i32
      %rem3A = arith.constant 0 : i32
      %rem3A_103 = arith.constant 6 : i32
      %rem3A_104 = arith.remsi %rem3A, %rem3A_103 : i32
      %dma_wait3A = arith.constant 0 : i32
      %dma_wait3A_105 = arith.constant 0 : i32
      %dma_wait3A_106 = tpu.memref_slice %arg6[%dma_wait3A, %dma_wait3A_105] : memref<3x128xi32, #tpu.memory_space<vmem>> -> memref<1x128xi32, #tpu.memory_space<vmem>>
      %dma_wait3A_107 = tpu.memref_squeeze %dma_wait3A_106 : memref<1x128xi32, #tpu.memory_space<vmem>> -> memref<128xi32, #tpu.memory_space<vmem>>
      %dma_wait3A_108 = tpu.memref_slice %arg3[%add3A_100] : memref<320000xi32, #tpu.memory_space<hbm>> -> memref<128xi32, #tpu.memory_space<hbm>>
      %dma_wait3A_109 = arith.constant 0 : i32
      %dma_wait3A_110 = tpu.memref_slice %arg6[%dma_wait3A, %dma_wait3A_109] : memref<3x128xi32, #tpu.memory_space<vmem>> -> memref<1x128xi32, #tpu.memory_space<vmem>>
      %dma_wait3A_111 = tpu.memref_squeeze %dma_wait3A_110 : memref<1x128xi32, #tpu.memory_space<vmem>> -> memref<128xi32, #tpu.memory_space<vmem>>
      %dma_wait3A_112 = tpu.memref_slice %arg3[%add3A_100] : memref<320000xi32, #tpu.memory_space<hbm>> -> memref<128xi32, #tpu.memory_space<hbm>>
      tpu.wait_dma2 semaphore(%arg15 : memref<!tpu.dma_semaphore, #tpu.memory_space<semaphore_mem>>) src(%dma_wait3A_112 : memref<128xi32, #tpu.memory_space<hbm>>) dst(%dma_wait3A_111 : memref<128xi32, #tpu.memory_space<vmem>>)
      %dma_wait3A_113 = arith.constant 0 : i32
      %dma_wait3A_114 = tpu.memref_slice %arg7[%rem3A_104, %dma_wait3A_113] : memref<6x128xi32, #tpu.memory_space<vmem>> -> memref<1x128xi32, #tpu.memory_space<vmem>>
      %dma_wait3A_115 = tpu.memref_squeeze %dma_wait3A_114 : memref<1x128xi32, #tpu.memory_space<vmem>> -> memref<128xi32, #tpu.memory_space<vmem>>
      %dma_wait3A_116 = tpu.memref_slice %arg4[%add3A_102] : memref<320000xi32, #tpu.memory_space<hbm>> -> memref<128xi32, #tpu.memory_space<hbm>>
      %dma_wait3A_117 = arith.constant 0 : i32
      %dma_wait3A_118 = tpu.memref_slice %arg7[%rem3A_104, %dma_wait3A_117] : memref<6x128xi32, #tpu.memory_space<vmem>> -> memref<1x128xi32, #tpu.memory_space<vmem>>
      %dma_wait3A_119 = tpu.memref_squeeze %dma_wait3A_118 : memref<1x128xi32, #tpu.memory_space<vmem>> -> memref<128xi32, #tpu.memory_space<vmem>>
      %dma_wait3A_120 = tpu.memref_slice %arg4[%add3A_102] : memref<320000xi32, #tpu.memory_space<hbm>> -> memref<128xi32, #tpu.memory_space<hbm>>
      tpu.wait_dma2 semaphore(%arg15 : memref<!tpu.dma_semaphore, #tpu.memory_space<semaphore_mem>>) src(%dma_wait3A_120 : memref<128xi32, #tpu.memory_space<hbm>>) dst(%dma_wait3A_119 : memref<128xi32, #tpu.memory_space<vmem>>)
      %dma_start3A = arith.constant 0 : i32
      %dma_start3A_121 = arith.constant 0 : i32
      %dma_start3A_122 = tpu.memref_slice %arg6[%dma_start3A, %dma_start3A_121] : memref<3x128xi32, #tpu.memory_space<vmem>> -> memref<1x128xi32, #tpu.memory_space<vmem>>
      %dma_start3A_123 = tpu.memref_squeeze %dma_start3A_122 : memref<1x128xi32, #tpu.memory_space<vmem>> -> memref<128xi32, #tpu.memory_space<vmem>>
      %dma_start3A_124 = arith.constant 0 : i32
      %dma_start3A_125 = arith.constant 0 : i32
      %dma_start3A_126 = tpu.memref_slice %arg2[%dma_start3A_124, %dma_start3A_125] : memref<10000x128xf32, #tpu.memory_space<hbm>> -> memref<10000x128xf32, #tpu.memory_space<hbm>>
      tpu.enqueue_indirect_dma source(%dma_start3A_126 : memref<10000x128xf32, #tpu.memory_space<hbm>>) target(%arg8 : memref<128x128xf32, #tpu.memory_space<vmem>>) offsets(%dma_start3A_123 : memref<128xi32, #tpu.memory_space<vmem>>) semaphore(%arg12 : memref<!tpu.dma_semaphore, #tpu.memory_space<semaphore_mem>>)
    } else {
    }
    %gt3A_48 = arith.constant 1 : i32
    %gt3A_49 = arith.cmpi sgt, %add3A_26, %gt3A_48 : i32
    %convert_element_type3A_50 = arith.extui %gt3A_49 : i1 to i32
    %cond3A_51 = arith.constant 0 : i32
    %cond3A_52 = arith.cmpi ne, %convert_element_type3A_50, %cond3A_51 : i32
    scf.if %cond3A_52 {
      %add3A_99 = arith.constant 128 : i32
      %add3A_100 = arith.addi %mul3A_28, %add3A_99 : i32
      %add3A_101 = arith.constant 128 : i32
      %add3A_102 = arith.addi %mul3A_28, %add3A_101 : i32
      %rem3A = arith.constant 1 : i32
      %rem3A_103 = arith.constant 6 : i32
      %rem3A_104 = arith.remsi %rem3A, %rem3A_103 : i32
      %dma_wait3A = arith.constant 1 : i32
      %dma_wait3A_105 = arith.constant 0 : i32
      %dma_wait3A_106 = tpu.memref_slice %arg6[%dma_wait3A, %dma_wait3A_105] : memref<3x128xi32, #tpu.memory_space<vmem>> -> memref<1x128xi32, #tpu.memory_space<vmem>>
      %dma_wait3A_107 = tpu.memref_squeeze %dma_wait3A_106 : memref<1x128xi32, #tpu.memory_space<vmem>> -> memref<128xi32, #tpu.memory_space<vmem>>
      %dma_wait3A_108 = tpu.memref_slice %arg3[%add3A_100] : memref<320000xi32, #tpu.memory_space<hbm>> -> memref<128xi32, #tpu.memory_space<hbm>>
      %dma_wait3A_109 = arith.constant 0 : i32
      %dma_wait3A_110 = tpu.memref_slice %arg6[%dma_wait3A, %dma_wait3A_109] : memref<3x128xi32, #tpu.memory_space<vmem>> -> memref<1x128xi32, #tpu.memory_space<vmem>>
      %dma_wait3A_111 = tpu.memref_squeeze %dma_wait3A_110 : memref<1x128xi32, #tpu.memory_space<vmem>> -> memref<128xi32, #tpu.memory_space<vmem>>
      %dma_wait3A_112 = tpu.memref_slice %arg3[%add3A_100] : memref<320000xi32, #tpu.memory_space<hbm>> -> memref<128xi32, #tpu.memory_space<hbm>>
      tpu.wait_dma2 semaphore(%arg16 : memref<!tpu.dma_semaphore, #tpu.memory_space<semaphore_mem>>) src(%dma_wait3A_112 : memref<128xi32, #tpu.memory_space<hbm>>) dst(%dma_wait3A_111 : memref<128xi32, #tpu.memory_space<vmem>>)
      %dma_wait3A_113 = arith.constant 0 : i32
      %dma_wait3A_114 = tpu.memref_slice %arg7[%rem3A_104, %dma_wait3A_113] : memref<6x128xi32, #tpu.memory_space<vmem>> -> memref<1x128xi32, #tpu.memory_space<vmem>>
      %dma_wait3A_115 = tpu.memref_squeeze %dma_wait3A_114 : memref<1x128xi32, #tpu.memory_space<vmem>> -> memref<128xi32, #tpu.memory_space<vmem>>
      %dma_wait3A_116 = tpu.memref_slice %arg4[%add3A_102] : memref<320000xi32, #tpu.memory_space<hbm>> -> memref<128xi32, #tpu.memory_space<hbm>>
      %dma_wait3A_117 = arith.constant 0 : i32
      %dma_wait3A_118 = tpu.memref_slice %arg7[%rem3A_104, %dma_wait3A_117] : memref<6x128xi32, #tpu.memory_space<vmem>> -> memref<1x128xi32, #tpu.memory_space<vmem>>
      %dma_wait3A_119 = tpu.memref_squeeze %dma_wait3A_118 : memref<1x128xi32, #tpu.memory_space<vmem>> -> memref<128xi32, #tpu.memory_space<vmem>>
      %dma_wait3A_120 = tpu.memref_slice %arg4[%add3A_102] : memref<320000xi32, #tpu.memory_space<hbm>> -> memref<128xi32, #tpu.memory_space<hbm>>
      tpu.wait_dma2 semaphore(%arg16 : memref<!tpu.dma_semaphore, #tpu.memory_space<semaphore_mem>>) src(%dma_wait3A_120 : memref<128xi32, #tpu.memory_space<hbm>>) dst(%dma_wait3A_119 : memref<128xi32, #tpu.memory_space<vmem>>)
      %dma_start3A = arith.constant 1 : i32
      %dma_start3A_121 = arith.constant 0 : i32
      %dma_start3A_122 = tpu.memref_slice %arg6[%dma_start3A, %dma_start3A_121] : memref<3x128xi32, #tpu.memory_space<vmem>> -> memref<1x128xi32, #tpu.memory_space<vmem>>
      %dma_start3A_123 = tpu.memref_squeeze %dma_start3A_122 : memref<1x128xi32, #tpu.memory_space<vmem>> -> memref<128xi32, #tpu.memory_space<vmem>>
      %dma_start3A_124 = arith.constant 0 : i32
      %dma_start3A_125 = arith.constant 0 : i32
      %dma_start3A_126 = tpu.memref_slice %arg2[%dma_start3A_124, %dma_start3A_125] : memref<10000x128xf32, #tpu.memory_space<hbm>> -> memref<10000x128xf32, #tpu.memory_space<hbm>>
      tpu.enqueue_indirect_dma source(%dma_start3A_126 : memref<10000x128xf32, #tpu.memory_space<hbm>>) target(%arg9 : memref<128x128xf32, #tpu.memory_space<vmem>>) offsets(%dma_start3A_123 : memref<128xi32, #tpu.memory_space<vmem>>) semaphore(%arg13 : memref<!tpu.dma_semaphore, #tpu.memory_space<semaphore_mem>>)
    } else {
    }
    %barrier3A = arith.constant 0 : index
    tpu.barrier barrier_id(%barrier3A)
    %scan3A_53 = arith.constant 0 : i32
    %scan3A_54 = arith.constant 27 : i32
    %scan3A_55 = arith.addi %scan3A_53, %scan3A_54 : i32
    %scan3A_56 = arith.constant 1 : i32
    scf.for %scan3A_99 = %scan3A_53 to %scan3A_55 step %scan3A_56  : i32 {
      %mul3A_100 = arith.constant 1 : i32
      %mul3A_101 = arith.muli %scan3A_99, %mul3A_100 : i32
      %add3A_102 = arith.constant 0 : i32
      %add3A_103 = arith.addi %add3A_102, %mul3A_101 : i32
      %mul3A_104 = arith.constant 3 : i32
      %mul3A_105 = arith.muli %add3A_103, %mul3A_104 : i32
      %add3A_106 = arith.constant 0 : i32
      %add3A_107 = arith.addi %mul3A_105, %add3A_106 : i32
      %ge3A = arith.constant 1 : i32
      %ge3A_108 = arith.cmpi sge, %add3A_107, %ge3A : i32
      %le3A = arith.cmpi sle, %add3A_107, %add3A_26 : i32
      %and3A = arith.andi %ge3A_108, %le3A : i1
      %convert_element_type3A_109 = arith.extui %and3A : i1 to i32
      %cond3A_110 = arith.constant 0 : i32
      %cond3A_111 = arith.cmpi ne, %convert_element_type3A_109, %cond3A_110 : i32
      scf.if %cond3A_111 {
        %sub3A = arith.constant 1 : i32
        %sub3A_146 = arith.subi %add3A_107, %sub3A : i32
        %rem3A = arith.constant 6 : i32
        %rem3A_147 = arith.remsi %sub3A_146, %rem3A : i32
        %dma_wait3A = arith.constant 0 : i32
        %dma_wait3A_148 = tpu.memref_slice %arg7[%rem3A_147, %dma_wait3A] : memref<6x128xi32, #tpu.memory_space<vmem>> -> memref<1x128xi32, #tpu.memory_space<vmem>>
        %dma_wait3A_149 = tpu.memref_squeeze %dma_wait3A_148 : memref<1x128xi32, #tpu.memory_space<vmem>> -> memref<128xi32, #tpu.memory_space<vmem>>
        %dma_wait3A_150 = arith.constant 0 : i32
        %dma_wait3A_151 = arith.constant 0 : i32
        %dma_wait3A_152 = tpu.memref_slice %arg11[%dma_wait3A_150, %dma_wait3A_151] : memref<10000x128xf32, #tpu.memory_space<vmem_shared>> -> memref<10000x128xf32, #tpu.memory_space<vmem_shared>>
        tpu.wait_indirect_dma semaphore(%arg20 : memref<!tpu.dma_semaphore, #tpu.memory_space<semaphore_mem>>) src(%arg10 : memref<128x128xf32, #tpu.memory_space<vmem>>) dst(%dma_wait3A_152 : memref<10000x128xf32, #tpu.memory_space<vmem_shared>>)
      } else {
      }
      %lt3A_112 = arith.cmpi slt, %add3A_107, %add3A_26 : i32
      %convert_element_type3A_113 = arith.extui %lt3A_112 : i1 to i32
      %cond3A_114 = arith.constant 0 : i32
      %cond3A_115 = arith.cmpi ne, %convert_element_type3A_113, %cond3A_114 : i32
      scf.if %cond3A_115 {
        %dma_wait3A = arith.constant 0 : i32
        %dma_wait3A_146 = arith.constant 0 : i32
        %dma_wait3A_147 = tpu.memref_slice %arg6[%dma_wait3A, %dma_wait3A_146] : memref<3x128xi32, #tpu.memory_space<vmem>> -> memref<1x128xi32, #tpu.memory_space<vmem>>
        %dma_wait3A_148 = tpu.memref_squeeze %dma_wait3A_147 : memref<1x128xi32, #tpu.memory_space<vmem>> -> memref<128xi32, #tpu.memory_space<vmem>>
        %dma_wait3A_149 = arith.constant 0 : i32
        %dma_wait3A_150 = arith.constant 0 : i32
        %dma_wait3A_151 = tpu.memref_slice %arg2[%dma_wait3A_149, %dma_wait3A_150] : memref<10000x128xf32, #tpu.memory_space<hbm>> -> memref<10000x128xf32, #tpu.memory_space<hbm>>
        tpu.wait_indirect_dma semaphore(%arg12 : memref<!tpu.dma_semaphore, #tpu.memory_space<semaphore_mem>>) src(%dma_wait3A_151 : memref<10000x128xf32, #tpu.memory_space<hbm>>) dst(%arg8 : memref<128x128xf32, #tpu.memory_space<vmem>>)
        %rem3A = arith.constant 6 : i32
        %rem3A_152 = arith.remsi %add3A_107, %rem3A : i32
        %dma_start3A = arith.constant 0 : i32
        %dma_start3A_153 = tpu.memref_slice %arg7[%rem3A_152, %dma_start3A] : memref<6x128xi32, #tpu.memory_space<vmem>> -> memref<1x128xi32, #tpu.memory_space<vmem>>
        %dma_start3A_154 = tpu.memref_squeeze %dma_start3A_153 : memref<1x128xi32, #tpu.memory_space<vmem>> -> memref<128xi32, #tpu.memory_space<vmem>>
        %dma_start3A_155 = arith.constant 0 : i32
        %dma_start3A_156 = arith.constant 0 : i32
        %dma_start3A_157 = tpu.memref_slice %arg11[%dma_start3A_155, %dma_start3A_156] : memref<10000x128xf32, #tpu.memory_space<vmem_shared>> -> memref<10000x128xf32, #tpu.memory_space<vmem_shared>>
        tpu.enqueue_indirect_dma source(%arg8 : memref<128x128xf32, #tpu.memory_space<vmem>>) target(%dma_start3A_157 : memref<10000x128xf32, #tpu.memory_space<vmem_shared>>) offsets(%dma_start3A_154 : memref<128xi32, #tpu.memory_space<vmem>>) semaphore(%arg18 : memref<!tpu.dma_semaphore, #tpu.memory_space<semaphore_mem>>) {add = true}
        %add3A_158 = arith.constant 3 : i32
        %add3A_159 = arith.addi %add3A_107, %add3A_158 : i32
        %lt3A_160 = arith.cmpi slt, %add3A_159, %add3A_26 : i32
        %convert_element_type3A_161 = arith.extui %lt3A_160 : i1 to i32
        %cond3A_162 = arith.constant 0 : i32
        %cond3A_163 = arith.cmpi ne, %convert_element_type3A_161, %cond3A_162 : i32
        scf.if %cond3A_163 {
          %add3A_170 = arith.constant 3 : i32
          %add3A_171 = arith.addi %add3A_107, %add3A_170 : i32
          %mul3A_172 = arith.constant 128 : i32
          %mul3A_173 = arith.muli %add3A_171, %mul3A_172 : i32
          %add3A_174 = arith.addi %mul3A_28, %mul3A_173 : i32
          %mul3A_175 = arith.constant 128 : i32
          %mul3A_176 = arith.muli %add3A_171, %mul3A_175 : i32
          %add3A_177 = arith.addi %mul3A_28, %mul3A_176 : i32
          %rem3A_178 = arith.constant 6 : i32
          %rem3A_179 = arith.remsi %add3A_171, %rem3A_178 : i32
          %dma_start3A_180 = arith.constant 0 : i32
          %dma_start3A_181 = arith.constant 0 : i32
          %dma_start3A_182 = tpu.memref_slice %arg6[%dma_start3A_180, %dma_start3A_181] : memref<3x128xi32, #tpu.memory_space<vmem>> -> memref<1x128xi32, #tpu.memory_space<vmem>>
          %dma_start3A_183 = tpu.memref_squeeze %dma_start3A_182 : memref<1x128xi32, #tpu.memory_space<vmem>> -> memref<128xi32, #tpu.memory_space<vmem>>
          %dma_start3A_184 = tpu.memref_slice %arg3[%add3A_174] : memref<320000xi32, #tpu.memory_space<hbm>> -> memref<128xi32, #tpu.memory_space<hbm>>
          %dma_start3A_185 = arith.constant 0 : i32
          %dma_start3A_186 = tpu.memref_slice %arg6[%dma_start3A_180, %dma_start3A_185] : memref<3x128xi32, #tpu.memory_space<vmem>> -> memref<1x128xi32, #tpu.memory_space<vmem>>
          %dma_start3A_187 = tpu.memref_squeeze %dma_start3A_186 : memref<1x128xi32, #tpu.memory_space<vmem>> -> memref<128xi32, #tpu.memory_space<vmem>>
          %dma_start3A_188 = tpu.memref_slice %arg3[%add3A_174] : memref<320000xi32, #tpu.memory_space<hbm>> -> memref<128xi32, #tpu.memory_space<hbm>>
          tpu.enqueue_dma source(%dma_start3A_188 : memref<128xi32, #tpu.memory_space<hbm>>) target(%dma_start3A_187 : memref<128xi32, #tpu.memory_space<vmem>>) target_semaphore(%arg15 : memref<!tpu.dma_semaphore, #tpu.memory_space<semaphore_mem>>)
          %dma_start3A_189 = arith.constant 0 : i32
          %dma_start3A_190 = tpu.memref_slice %arg7[%rem3A_179, %dma_start3A_189] : memref<6x128xi32, #tpu.memory_space<vmem>> -> memref<1x128xi32, #tpu.memory_space<vmem>>
          %dma_start3A_191 = tpu.memref_squeeze %dma_start3A_190 : memref<1x128xi32, #tpu.memory_space<vmem>> -> memref<128xi32, #tpu.memory_space<vmem>>
          %dma_start3A_192 = tpu.memref_slice %arg4[%add3A_177] : memref<320000xi32, #tpu.memory_space<hbm>> -> memref<128xi32, #tpu.memory_space<hbm>>
          %dma_start3A_193 = arith.constant 0 : i32
          %dma_start3A_194 = tpu.memref_slice %arg7[%rem3A_179, %dma_start3A_193] : memref<6x128xi32, #tpu.memory_space<vmem>> -> memref<1x128xi32, #tpu.memory_space<vmem>>
          %dma_start3A_195 = tpu.memref_squeeze %dma_start3A_194 : memref<1x128xi32, #tpu.memory_space<vmem>> -> memref<128xi32, #tpu.memory_space<vmem>>
          %dma_start3A_196 = tpu.memref_slice %arg4[%add3A_177] : memref<320000xi32, #tpu.memory_space<hbm>> -> memref<128xi32, #tpu.memory_space<hbm>>
          tpu.enqueue_dma source(%dma_start3A_196 : memref<128xi32, #tpu.memory_space<hbm>>) target(%dma_start3A_195 : memref<128xi32, #tpu.memory_space<vmem>>) target_semaphore(%arg15 : memref<!tpu.dma_semaphore, #tpu.memory_space<semaphore_mem>>)
        } else {
        }
        %add3A_164 = arith.constant 2 : i32
        %add3A_165 = arith.addi %add3A_107, %add3A_164 : i32
        %lt3A_166 = arith.cmpi slt, %add3A_165, %add3A_26 : i32
        %convert_element_type3A_167 = arith.extui %lt3A_166 : i1 to i32
        %cond3A_168 = arith.constant 0 : i32
        %cond3A_169 = arith.cmpi ne, %convert_element_type3A_167, %cond3A_168 : i32
        scf.if %cond3A_169 {
          %add3A_170 = arith.constant 2 : i32
          %add3A_171 = arith.addi %add3A_107, %add3A_170 : i32
          %mul3A_172 = arith.constant 128 : i32
          %mul3A_173 = arith.muli %add3A_171, %mul3A_172 : i32
          %add3A_174 = arith.addi %mul3A_28, %mul3A_173 : i32
          %mul3A_175 = arith.constant 128 : i32
          %mul3A_176 = arith.muli %add3A_171, %mul3A_175 : i32
          %add3A_177 = arith.addi %mul3A_28, %mul3A_176 : i32
          %rem3A_178 = arith.constant 6 : i32
          %rem3A_179 = arith.remsi %add3A_171, %rem3A_178 : i32
          %dma_wait3A_180 = arith.constant 2 : i32
          %dma_wait3A_181 = arith.constant 0 : i32
          %dma_wait3A_182 = tpu.memref_slice %arg6[%dma_wait3A_180, %dma_wait3A_181] : memref<3x128xi32, #tpu.memory_space<vmem>> -> memref<1x128xi32, #tpu.memory_space<vmem>>
          %dma_wait3A_183 = tpu.memref_squeeze %dma_wait3A_182 : memref<1x128xi32, #tpu.memory_space<vmem>> -> memref<128xi32, #tpu.memory_space<vmem>>
          %dma_wait3A_184 = tpu.memref_slice %arg3[%add3A_174] : memref<320000xi32, #tpu.memory_space<hbm>> -> memref<128xi32, #tpu.memory_space<hbm>>
          %dma_wait3A_185 = arith.constant 0 : i32
          %dma_wait3A_186 = tpu.memref_slice %arg6[%dma_wait3A_180, %dma_wait3A_185] : memref<3x128xi32, #tpu.memory_space<vmem>> -> memref<1x128xi32, #tpu.memory_space<vmem>>
          %dma_wait3A_187 = tpu.memref_squeeze %dma_wait3A_186 : memref<1x128xi32, #tpu.memory_space<vmem>> -> memref<128xi32, #tpu.memory_space<vmem>>
          %dma_wait3A_188 = tpu.memref_slice %arg3[%add3A_174] : memref<320000xi32, #tpu.memory_space<hbm>> -> memref<128xi32, #tpu.memory_space<hbm>>
          tpu.wait_dma2 semaphore(%arg17 : memref<!tpu.dma_semaphore, #tpu.memory_space<semaphore_mem>>) src(%dma_wait3A_188 : memref<128xi32, #tpu.memory_space<hbm>>) dst(%dma_wait3A_187 : memref<128xi32, #tpu.memory_space<vmem>>)
          %dma_wait3A_189 = arith.constant 0 : i32
          %dma_wait3A_190 = tpu.memref_slice %arg7[%rem3A_179, %dma_wait3A_189] : memref<6x128xi32, #tpu.memory_space<vmem>> -> memref<1x128xi32, #tpu.memory_space<vmem>>
          %dma_wait3A_191 = tpu.memref_squeeze %dma_wait3A_190 : memref<1x128xi32, #tpu.memory_space<vmem>> -> memref<128xi32, #tpu.memory_space<vmem>>
          %dma_wait3A_192 = tpu.memref_slice %arg4[%add3A_177] : memref<320000xi32, #tpu.memory_space<hbm>> -> memref<128xi32, #tpu.memory_space<hbm>>
          %dma_wait3A_193 = arith.constant 0 : i32
          %dma_wait3A_194 = tpu.memref_slice %arg7[%rem3A_179, %dma_wait3A_193] : memref<6x128xi32, #tpu.memory_space<vmem>> -> memref<1x128xi32, #tpu.memory_space<vmem>>
          %dma_wait3A_195 = tpu.memref_squeeze %dma_wait3A_194 : memref<1x128xi32, #tpu.memory_space<vmem>> -> memref<128xi32, #tpu.memory_space<vmem>>
          %dma_wait3A_196 = tpu.memref_slice %arg4[%add3A_177] : memref<320000xi32, #tpu.memory_space<hbm>> -> memref<128xi32, #tpu.memory_space<hbm>>
          tpu.wait_dma2 semaphore(%arg17 : memref<!tpu.dma_semaphore, #tpu.memory_space<semaphore_mem>>) src(%dma_wait3A_196 : memref<128xi32, #tpu.memory_space<hbm>>) dst(%dma_wait3A_195 : memref<128xi32, #tpu.memory_space<vmem>>)
          %add3A_197 = arith.constant 2 : i32
          %add3A_198 = arith.addi %add3A_107, %add3A_197 : i32
          %dma_start3A_199 = arith.constant 2 : i32
          %dma_start3A_200 = arith.constant 0 : i32
          %dma_start3A_201 = tpu.memref_slice %arg6[%dma_start3A_199, %dma_start3A_200] : memref<3x128xi32, #tpu.memory_space<vmem>> -> memref<1x128xi32, #tpu.memory_space<vmem>>
          %dma_start3A_202 = tpu.memref_squeeze %dma_start3A_201 : memref<1x128xi32, #tpu.memory_space<vmem>> -> memref<128xi32, #tpu.memory_space<vmem>>
          %dma_start3A_203 = arith.constant 0 : i32
          %dma_start3A_204 = arith.constant 0 : i32
          %dma_start3A_205 = tpu.memref_slice %arg2[%dma_start3A_203, %dma_start3A_204] : memref<10000x128xf32, #tpu.memory_space<hbm>> -> memref<10000x128xf32, #tpu.memory_space<hbm>>
          tpu.enqueue_indirect_dma source(%dma_start3A_205 : memref<10000x128xf32, #tpu.memory_space<hbm>>) target(%arg10 : memref<128x128xf32, #tpu.memory_space<vmem>>) offsets(%dma_start3A_202 : memref<128xi32, #tpu.memory_space<vmem>>) semaphore(%arg14 : memref<!tpu.dma_semaphore, #tpu.memory_space<semaphore_mem>>)
        } else {
        }
      } else {
      }
      %mul3A_116 = arith.constant 3 : i32
      %mul3A_117 = arith.muli %add3A_103, %mul3A_116 : i32
      %add3A_118 = arith.constant 1 : i32
      %add3A_119 = arith.addi %mul3A_117, %add3A_118 : i32
      %ge3A_120 = arith.constant 1 : i32
      %ge3A_121 = arith.cmpi sge, %add3A_119, %ge3A_120 : i32
      %le3A_122 = arith.cmpi sle, %add3A_119, %add3A_26 : i32
      %and3A_123 = arith.andi %ge3A_121, %le3A_122 : i1
      %convert_element_type3A_124 = arith.extui %and3A_123 : i1 to i32
      %cond3A_125 = arith.constant 0 : i32
      %cond3A_126 = arith.cmpi ne, %convert_element_type3A_124, %cond3A_125 : i32
      scf.if %cond3A_126 {
        %sub3A = arith.constant 1 : i32
        %sub3A_146 = arith.subi %add3A_119, %sub3A : i32
        %rem3A = arith.constant 6 : i32
        %rem3A_147 = arith.remsi %sub3A_146, %rem3A : i32
        %dma_wait3A = arith.constant 0 : i32
        %dma_wait3A_148 = tpu.memref_slice %arg7[%rem3A_147, %dma_wait3A] : memref<6x128xi32, #tpu.memory_space<vmem>> -> memref<1x128xi32, #tpu.memory_space<vmem>>
        %dma_wait3A_149 = tpu.memref_squeeze %dma_wait3A_148 : memref<1x128xi32, #tpu.memory_space<vmem>> -> memref<128xi32, #tpu.memory_space<vmem>>
        %dma_wait3A_150 = arith.constant 0 : i32
        %dma_wait3A_151 = arith.constant 0 : i32
        %dma_wait3A_152 = tpu.memref_slice %arg11[%dma_wait3A_150, %dma_wait3A_151] : memref<10000x128xf32, #tpu.memory_space<vmem_shared>> -> memref<10000x128xf32, #tpu.memory_space<vmem_shared>>
        tpu.wait_indirect_dma semaphore(%arg18 : memref<!tpu.dma_semaphore, #tpu.memory_space<semaphore_mem>>) src(%arg8 : memref<128x128xf32, #tpu.memory_space<vmem>>) dst(%dma_wait3A_152 : memref<10000x128xf32, #tpu.memory_space<vmem_shared>>)
      } else {
      }
      %lt3A_127 = arith.cmpi slt, %add3A_119, %add3A_26 : i32
      %convert_element_type3A_128 = arith.extui %lt3A_127 : i1 to i32
      %cond3A_129 = arith.constant 0 : i32
      %cond3A_130 = arith.cmpi ne, %convert_element_type3A_128, %cond3A_129 : i32
      scf.if %cond3A_130 {
        %dma_wait3A = arith.constant 1 : i32
        %dma_wait3A_146 = arith.constant 0 : i32
        %dma_wait3A_147 = tpu.memref_slice %arg6[%dma_wait3A, %dma_wait3A_146] : memref<3x128xi32, #tpu.memory_space<vmem>> -> memref<1x128xi32, #tpu.memory_space<vmem>>
        %dma_wait3A_148 = tpu.memref_squeeze %dma_wait3A_147 : memref<1x128xi32, #tpu.memory_space<vmem>> -> memref<128xi32, #tpu.memory_space<vmem>>
        %dma_wait3A_149 = arith.constant 0 : i32
        %dma_wait3A_150 = arith.constant 0 : i32
        %dma_wait3A_151 = tpu.memref_slice %arg2[%dma_wait3A_149, %dma_wait3A_150] : memref<10000x128xf32, #tpu.memory_space<hbm>> -> memref<10000x128xf32, #tpu.memory_space<hbm>>
        tpu.wait_indirect_dma semaphore(%arg13 : memref<!tpu.dma_semaphore, #tpu.memory_space<semaphore_mem>>) src(%dma_wait3A_151 : memref<10000x128xf32, #tpu.memory_space<hbm>>) dst(%arg9 : memref<128x128xf32, #tpu.memory_space<vmem>>)
        %rem3A = arith.constant 6 : i32
        %rem3A_152 = arith.remsi %add3A_119, %rem3A : i32
        %dma_start3A = arith.constant 0 : i32
        %dma_start3A_153 = tpu.memref_slice %arg7[%rem3A_152, %dma_start3A] : memref<6x128xi32, #tpu.memory_space<vmem>> -> memref<1x128xi32, #tpu.memory_space<vmem>>
        %dma_start3A_154 = tpu.memref_squeeze %dma_start3A_153 : memref<1x128xi32, #tpu.memory_space<vmem>> -> memref<128xi32, #tpu.memory_space<vmem>>
        %dma_start3A_155 = arith.constant 0 : i32
        %dma_start3A_156 = arith.constant 0 : i32
        %dma_start3A_157 = tpu.memref_slice %arg11[%dma_start3A_155, %dma_start3A_156] : memref<10000x128xf32, #tpu.memory_space<vmem_shared>> -> memref<10000x128xf32, #tpu.memory_space<vmem_shared>>
        tpu.enqueue_indirect_dma source(%arg9 : memref<128x128xf32, #tpu.memory_space<vmem>>) target(%dma_start3A_157 : memref<10000x128xf32, #tpu.memory_space<vmem_shared>>) offsets(%dma_start3A_154 : memref<128xi32, #tpu.memory_space<vmem>>) semaphore(%arg19 : memref<!tpu.dma_semaphore, #tpu.memory_space<semaphore_mem>>) {add = true}
        %add3A_158 = arith.constant 3 : i32
        %add3A_159 = arith.addi %add3A_119, %add3A_158 : i32
        %lt3A_160 = arith.cmpi slt, %add3A_159, %add3A_26 : i32
        %convert_element_type3A_161 = arith.extui %lt3A_160 : i1 to i32
        %cond3A_162 = arith.constant 0 : i32
        %cond3A_163 = arith.cmpi ne, %convert_element_type3A_161, %cond3A_162 : i32
        scf.if %cond3A_163 {
          %add3A_170 = arith.constant 3 : i32
          %add3A_171 = arith.addi %add3A_119, %add3A_170 : i32
          %mul3A_172 = arith.constant 128 : i32
          %mul3A_173 = arith.muli %add3A_171, %mul3A_172 : i32
          %add3A_174 = arith.addi %mul3A_28, %mul3A_173 : i32
          %mul3A_175 = arith.constant 128 : i32
          %mul3A_176 = arith.muli %add3A_171, %mul3A_175 : i32
          %add3A_177 = arith.addi %mul3A_28, %mul3A_176 : i32
          %rem3A_178 = arith.constant 6 : i32
          %rem3A_179 = arith.remsi %add3A_171, %rem3A_178 : i32
          %dma_start3A_180 = arith.constant 1 : i32
          %dma_start3A_181 = arith.constant 0 : i32
          %dma_start3A_182 = tpu.memref_slice %arg6[%dma_start3A_180, %dma_start3A_181] : memref<3x128xi32, #tpu.memory_space<vmem>> -> memref<1x128xi32, #tpu.memory_space<vmem>>
          %dma_start3A_183 = tpu.memref_squeeze %dma_start3A_182 : memref<1x128xi32, #tpu.memory_space<vmem>> -> memref<128xi32, #tpu.memory_space<vmem>>
          %dma_start3A_184 = tpu.memref_slice %arg3[%add3A_174] : memref<320000xi32, #tpu.memory_space<hbm>> -> memref<128xi32, #tpu.memory_space<hbm>>
          %dma_start3A_185 = arith.constant 0 : i32
          %dma_start3A_186 = tpu.memref_slice %arg6[%dma_start3A_180, %dma_start3A_185] : memref<3x128xi32, #tpu.memory_space<vmem>> -> memref<1x128xi32, #tpu.memory_space<vmem>>
          %dma_start3A_187 = tpu.memref_squeeze %dma_start3A_186 : memref<1x128xi32, #tpu.memory_space<vmem>> -> memref<128xi32, #tpu.memory_space<vmem>>
          %dma_start3A_188 = tpu.memref_slice %arg3[%add3A_174] : memref<320000xi32, #tpu.memory_space<hbm>> -> memref<128xi32, #tpu.memory_space<hbm>>
          tpu.enqueue_dma source(%dma_start3A_188 : memref<128xi32, #tpu.memory_space<hbm>>) target(%dma_start3A_187 : memref<128xi32, #tpu.memory_space<vmem>>) target_semaphore(%arg16 : memref<!tpu.dma_semaphore, #tpu.memory_space<semaphore_mem>>)
          %dma_start3A_189 = arith.constant 0 : i32
          %dma_start3A_190 = tpu.memref_slice %arg7[%rem3A_179, %dma_start3A_189] : memref<6x128xi32, #tpu.memory_space<vmem>> -> memref<1x128xi32, #tpu.memory_space<vmem>>
          %dma_start3A_191 = tpu.memref_squeeze %dma_start3A_190 : memref<1x128xi32, #tpu.memory_space<vmem>> -> memref<128xi32, #tpu.memory_space<vmem>>
          %dma_start3A_192 = tpu.memref_slice %arg4[%add3A_177] : memref<320000xi32, #tpu.memory_space<hbm>> -> memref<128xi32, #tpu.memory_space<hbm>>
          %dma_start3A_193 = arith.constant 0 : i32
          %dma_start3A_194 = tpu.memref_slice %arg7[%rem3A_179, %dma_start3A_193] : memref<6x128xi32, #tpu.memory_space<vmem>> -> memref<1x128xi32, #tpu.memory_space<vmem>>
          %dma_start3A_195 = tpu.memref_squeeze %dma_start3A_194 : memref<1x128xi32, #tpu.memory_space<vmem>> -> memref<128xi32, #tpu.memory_space<vmem>>
          %dma_start3A_196 = tpu.memref_slice %arg4[%add3A_177] : memref<320000xi32, #tpu.memory_space<hbm>> -> memref<128xi32, #tpu.memory_space<hbm>>
          tpu.enqueue_dma source(%dma_start3A_196 : memref<128xi32, #tpu.memory_space<hbm>>) target(%dma_start3A_195 : memref<128xi32, #tpu.memory_space<vmem>>) target_semaphore(%arg16 : memref<!tpu.dma_semaphore, #tpu.memory_space<semaphore_mem>>)
        } else {
        }
        %add3A_164 = arith.constant 2 : i32
        %add3A_165 = arith.addi %add3A_119, %add3A_164 : i32
        %lt3A_166 = arith.cmpi slt, %add3A_165, %add3A_26 : i32
        %convert_element_type3A_167 = arith.extui %lt3A_166 : i1 to i32
        %cond3A_168 = arith.constant 0 : i32
        %cond3A_169 = arith.cmpi ne, %convert_element_type3A_167, %cond3A_168 : i32
        scf.if %cond3A_169 {
          %add3A_170 = arith.constant 2 : i32
          %add3A_171 = arith.addi %add3A_119, %add3A_170 : i32
          %mul3A_172 = arith.constant 128 : i32
          %mul3A_173 = arith.muli %add3A_171, %mul3A_172 : i32
          %add3A_174 = arith.addi %mul3A_28, %mul3A_173 : i32
          %mul3A_175 = arith.constant 128 : i32
          %mul3A_176 = arith.muli %add3A_171, %mul3A_175 : i32
          %add3A_177 = arith.addi %mul3A_28, %mul3A_176 : i32
          %rem3A_178 = arith.constant 6 : i32
          %rem3A_179 = arith.remsi %add3A_171, %rem3A_178 : i32
          %dma_wait3A_180 = arith.constant 0 : i32
          %dma_wait3A_181 = arith.constant 0 : i32
          %dma_wait3A_182 = tpu.memref_slice %arg6[%dma_wait3A_180, %dma_wait3A_181] : memref<3x128xi32, #tpu.memory_space<vmem>> -> memref<1x128xi32, #tpu.memory_space<vmem>>
          %dma_wait3A_183 = tpu.memref_squeeze %dma_wait3A_182 : memref<1x128xi32, #tpu.memory_space<vmem>> -> memref<128xi32, #tpu.memory_space<vmem>>
          %dma_wait3A_184 = tpu.memref_slice %arg3[%add3A_174] : memref<320000xi32, #tpu.memory_space<hbm>> -> memref<128xi32, #tpu.memory_space<hbm>>
          %dma_wait3A_185 = arith.constant 0 : i32
          %dma_wait3A_186 = tpu.memref_slice %arg6[%dma_wait3A_180, %dma_wait3A_185] : memref<3x128xi32, #tpu.memory_space<vmem>> -> memref<1x128xi32, #tpu.memory_space<vmem>>
          %dma_wait3A_187 = tpu.memref_squeeze %dma_wait3A_186 : memref<1x128xi32, #tpu.memory_space<vmem>> -> memref<128xi32, #tpu.memory_space<vmem>>
          %dma_wait3A_188 = tpu.memref_slice %arg3[%add3A_174] : memref<320000xi32, #tpu.memory_space<hbm>> -> memref<128xi32, #tpu.memory_space<hbm>>
          tpu.wait_dma2 semaphore(%arg15 : memref<!tpu.dma_semaphore, #tpu.memory_space<semaphore_mem>>) src(%dma_wait3A_188 : memref<128xi32, #tpu.memory_space<hbm>>) dst(%dma_wait3A_187 : memref<128xi32, #tpu.memory_space<vmem>>)
          %dma_wait3A_189 = arith.constant 0 : i32
          %dma_wait3A_190 = tpu.memref_slice %arg7[%rem3A_179, %dma_wait3A_189] : memref<6x128xi32, #tpu.memory_space<vmem>> -> memref<1x128xi32, #tpu.memory_space<vmem>>
          %dma_wait3A_191 = tpu.memref_squeeze %dma_wait3A_190 : memref<1x128xi32, #tpu.memory_space<vmem>> -> memref<128xi32, #tpu.memory_space<vmem>>
          %dma_wait3A_192 = tpu.memref_slice %arg4[%add3A_177] : memref<320000xi32, #tpu.memory_space<hbm>> -> memref<128xi32, #tpu.memory_space<hbm>>
          %dma_wait3A_193 = arith.constant 0 : i32
          %dma_wait3A_194 = tpu.memref_slice %arg7[%rem3A_179, %dma_wait3A_193] : memref<6x128xi32, #tpu.memory_space<vmem>> -> memref<1x128xi32, #tpu.memory_space<vmem>>
          %dma_wait3A_195 = tpu.memref_squeeze %dma_wait3A_194 : memref<1x128xi32, #tpu.memory_space<vmem>> -> memref<128xi32, #tpu.memory_space<vmem>>
          %dma_wait3A_196 = tpu.memref_slice %arg4[%add3A_177] : memref<320000xi32, #tpu.memory_space<hbm>> -> memref<128xi32, #tpu.memory_space<hbm>>
          tpu.wait_dma2 semaphore(%arg15 : memref<!tpu.dma_semaphore, #tpu.memory_space<semaphore_mem>>) src(%dma_wait3A_196 : memref<128xi32, #tpu.memory_space<hbm>>) dst(%dma_wait3A_195 : memref<128xi32, #tpu.memory_space<vmem>>)
          %add3A_197 = arith.constant 2 : i32
          %add3A_198 = arith.addi %add3A_119, %add3A_197 : i32
          %dma_start3A_199 = arith.constant 0 : i32
          %dma_start3A_200 = arith.constant 0 : i32
          %dma_start3A_201 = tpu.memref_slice %arg6[%dma_start3A_199, %dma_start3A_200] : memref<3x128xi32, #tpu.memory_space<vmem>> -> memref<1x128xi32, #tpu.memory_space<vmem>>
          %dma_start3A_202 = tpu.memref_squeeze %dma_start3A_201 : memref<1x128xi32, #tpu.memory_space<vmem>> -> memref<128xi32, #tpu.memory_space<vmem>>
          %dma_start3A_203 = arith.constant 0 : i32
          %dma_start3A_204 = arith.constant 0 : i32
          %dma_start3A_205 = tpu.memref_slice %arg2[%dma_start3A_203, %dma_start3A_204] : memref<10000x128xf32, #tpu.memory_space<hbm>> -> memref<10000x128xf32, #tpu.memory_space<hbm>>
          tpu.enqueue_indirect_dma source(%dma_start3A_205 : memref<10000x128xf32, #tpu.memory_space<hbm>>) target(%arg8 : memref<128x128xf32, #tpu.memory_space<vmem>>) offsets(%dma_start3A_202 : memref<128xi32, #tpu.memory_space<vmem>>) semaphore(%arg12 : memref<!tpu.dma_semaphore, #tpu.memory_space<semaphore_mem>>)
        } else {
        }
      } else {
      }
      %mul3A_131 = arith.constant 3 : i32
      %mul3A_132 = arith.muli %add3A_103, %mul3A_131 : i32
      %add3A_133 = arith.constant 2 : i32
      %add3A_134 = arith.addi %mul3A_132, %add3A_133 : i32
      %ge3A_135 = arith.constant 1 : i32
      %ge3A_136 = arith.cmpi sge, %add3A_134, %ge3A_135 : i32
      %le3A_137 = arith.cmpi sle, %add3A_134, %add3A_26 : i32
      %and3A_138 = arith.andi %ge3A_136, %le3A_137 : i1
      %convert_element_type3A_139 = arith.extui %and3A_138 : i1 to i32
      %cond3A_140 = arith.constant 0 : i32
      %cond3A_141 = arith.cmpi ne, %convert_element_type3A_139, %cond3A_140 : i32
      scf.if %cond3A_141 {
        %sub3A = arith.constant 1 : i32
        %sub3A_146 = arith.subi %add3A_134, %sub3A : i32
        %rem3A = arith.constant 6 : i32
        %rem3A_147 = arith.remsi %sub3A_146, %rem3A : i32
        %dma_wait3A = arith.constant 0 : i32
        %dma_wait3A_148 = tpu.memref_slice %arg7[%rem3A_147, %dma_wait3A] : memref<6x128xi32, #tpu.memory_space<vmem>> -> memref<1x128xi32, #tpu.memory_space<vmem>>
        %dma_wait3A_149 = tpu.memref_squeeze %dma_wait3A_148 : memref<1x128xi32, #tpu.memory_space<vmem>> -> memref<128xi32, #tpu.memory_space<vmem>>
        %dma_wait3A_150 = arith.constant 0 : i32
        %dma_wait3A_151 = arith.constant 0 : i32
        %dma_wait3A_152 = tpu.memref_slice %arg11[%dma_wait3A_150, %dma_wait3A_151] : memref<10000x128xf32, #tpu.memory_space<vmem_shared>> -> memref<10000x128xf32, #tpu.memory_space<vmem_shared>>
        tpu.wait_indirect_dma semaphore(%arg19 : memref<!tpu.dma_semaphore, #tpu.memory_space<semaphore_mem>>) src(%arg9 : memref<128x128xf32, #tpu.memory_space<vmem>>) dst(%dma_wait3A_152 : memref<10000x128xf32, #tpu.memory_space<vmem_shared>>)
      } else {
      }
      %lt3A_142 = arith.cmpi slt, %add3A_134, %add3A_26 : i32
      %convert_element_type3A_143 = arith.extui %lt3A_142 : i1 to i32
      %cond3A_144 = arith.constant 0 : i32
      %cond3A_145 = arith.cmpi ne, %convert_element_type3A_143, %cond3A_144 : i32
      scf.if %cond3A_145 {
        %dma_wait3A = arith.constant 2 : i32
        %dma_wait3A_146 = arith.constant 0 : i32
        %dma_wait3A_147 = tpu.memref_slice %arg6[%dma_wait3A, %dma_wait3A_146] : memref<3x128xi32, #tpu.memory_space<vmem>> -> memref<1x128xi32, #tpu.memory_space<vmem>>
        %dma_wait3A_148 = tpu.memref_squeeze %dma_wait3A_147 : memref<1x128xi32, #tpu.memory_space<vmem>> -> memref<128xi32, #tpu.memory_space<vmem>>
        %dma_wait3A_149 = arith.constant 0 : i32
        %dma_wait3A_150 = arith.constant 0 : i32
        %dma_wait3A_151 = tpu.memref_slice %arg2[%dma_wait3A_149, %dma_wait3A_150] : memref<10000x128xf32, #tpu.memory_space<hbm>> -> memref<10000x128xf32, #tpu.memory_space<hbm>>
        tpu.wait_indirect_dma semaphore(%arg14 : memref<!tpu.dma_semaphore, #tpu.memory_space<semaphore_mem>>) src(%dma_wait3A_151 : memref<10000x128xf32, #tpu.memory_space<hbm>>) dst(%arg10 : memref<128x128xf32, #tpu.memory_space<vmem>>)
        %rem3A = arith.constant 6 : i32
        %rem3A_152 = arith.remsi %add3A_134, %rem3A : i32
        %dma_start3A = arith.constant 0 : i32
        %dma_start3A_153 = tpu.memref_slice %arg7[%rem3A_152, %dma_start3A] : memref<6x128xi32, #tpu.memory_space<vmem>> -> memref<1x128xi32, #tpu.memory_space<vmem>>
        %dma_start3A_154 = tpu.memref_squeeze %dma_start3A_153 : memref<1x128xi32, #tpu.memory_space<vmem>> -> memref<128xi32, #tpu.memory_space<vmem>>
        %dma_start3A_155 = arith.constant 0 : i32
        %dma_start3A_156 = arith.constant 0 : i32
        %dma_start3A_157 = tpu.memref_slice %arg11[%dma_start3A_155, %dma_start3A_156] : memref<10000x128xf32, #tpu.memory_space<vmem_shared>> -> memref<10000x128xf32, #tpu.memory_space<vmem_shared>>
        tpu.enqueue_indirect_dma source(%arg10 : memref<128x128xf32, #tpu.memory_space<vmem>>) target(%dma_start3A_157 : memref<10000x128xf32, #tpu.memory_space<vmem_shared>>) offsets(%dma_start3A_154 : memref<128xi32, #tpu.memory_space<vmem>>) semaphore(%arg20 : memref<!tpu.dma_semaphore, #tpu.memory_space<semaphore_mem>>) {add = true}
        %add3A_158 = arith.constant 3 : i32
        %add3A_159 = arith.addi %add3A_134, %add3A_158 : i32
        %lt3A_160 = arith.cmpi slt, %add3A_159, %add3A_26 : i32
        %convert_element_type3A_161 = arith.extui %lt3A_160 : i1 to i32
        %cond3A_162 = arith.constant 0 : i32
        %cond3A_163 = arith.cmpi ne, %convert_element_type3A_161, %cond3A_162 : i32
        scf.if %cond3A_163 {
          %add3A_170 = arith.constant 3 : i32
          %add3A_171 = arith.addi %add3A_134, %add3A_170 : i32
          %mul3A_172 = arith.constant 128 : i32
          %mul3A_173 = arith.muli %add3A_171, %mul3A_172 : i32
          %add3A_174 = arith.addi %mul3A_28, %mul3A_173 : i32
          %mul3A_175 = arith.constant 128 : i32
          %mul3A_176 = arith.muli %add3A_171, %mul3A_175 : i32
          %add3A_177 = arith.addi %mul3A_28, %mul3A_176 : i32
          %rem3A_178 = arith.constant 6 : i32
          %rem3A_179 = arith.remsi %add3A_171, %rem3A_178 : i32
          %dma_start3A_180 = arith.constant 2 : i32
          %dma_start3A_181 = arith.constant 0 : i32
          %dma_start3A_182 = tpu.memref_slice %arg6[%dma_start3A_180, %dma_start3A_181] : memref<3x128xi32, #tpu.memory_space<vmem>> -> memref<1x128xi32, #tpu.memory_space<vmem>>
          %dma_start3A_183 = tpu.memref_squeeze %dma_start3A_182 : memref<1x128xi32, #tpu.memory_space<vmem>> -> memref<128xi32, #tpu.memory_space<vmem>>
          %dma_start3A_184 = tpu.memref_slice %arg3[%add3A_174] : memref<320000xi32, #tpu.memory_space<hbm>> -> memref<128xi32, #tpu.memory_space<hbm>>
          %dma_start3A_185 = arith.constant 0 : i32
          %dma_start3A_186 = tpu.memref_slice %arg6[%dma_start3A_180, %dma_start3A_185] : memref<3x128xi32, #tpu.memory_space<vmem>> -> memref<1x128xi32, #tpu.memory_space<vmem>>
          %dma_start3A_187 = tpu.memref_squeeze %dma_start3A_186 : memref<1x128xi32, #tpu.memory_space<vmem>> -> memref<128xi32, #tpu.memory_space<vmem>>
          %dma_start3A_188 = tpu.memref_slice %arg3[%add3A_174] : memref<320000xi32, #tpu.memory_space<hbm>> -> memref<128xi32, #tpu.memory_space<hbm>>
          tpu.enqueue_dma source(%dma_start3A_188 : memref<128xi32, #tpu.memory_space<hbm>>) target(%dma_start3A_187 : memref<128xi32, #tpu.memory_space<vmem>>) target_semaphore(%arg17 : memref<!tpu.dma_semaphore, #tpu.memory_space<semaphore_mem>>)
          %dma_start3A_189 = arith.constant 0 : i32
          %dma_start3A_190 = tpu.memref_slice %arg7[%rem3A_179, %dma_start3A_189] : memref<6x128xi32, #tpu.memory_space<vmem>> -> memref<1x128xi32, #tpu.memory_space<vmem>>
          %dma_start3A_191 = tpu.memref_squeeze %dma_start3A_190 : memref<1x128xi32, #tpu.memory_space<vmem>> -> memref<128xi32, #tpu.memory_space<vmem>>
          %dma_start3A_192 = tpu.memref_slice %arg4[%add3A_177] : memref<320000xi32, #tpu.memory_space<hbm>> -> memref<128xi32, #tpu.memory_space<hbm>>
          %dma_start3A_193 = arith.constant 0 : i32
          %dma_start3A_194 = tpu.memref_slice %arg7[%rem3A_179, %dma_start3A_193] : memref<6x128xi32, #tpu.memory_space<vmem>> -> memref<1x128xi32, #tpu.memory_space<vmem>>
          %dma_start3A_195 = tpu.memref_squeeze %dma_start3A_194 : memref<1x128xi32, #tpu.memory_space<vmem>> -> memref<128xi32, #tpu.memory_space<vmem>>
          %dma_start3A_196 = tpu.memref_slice %arg4[%add3A_177] : memref<320000xi32, #tpu.memory_space<hbm>> -> memref<128xi32, #tpu.memory_space<hbm>>
          tpu.enqueue_dma source(%dma_start3A_196 : memref<128xi32, #tpu.memory_space<hbm>>) target(%dma_start3A_195 : memref<128xi32, #tpu.memory_space<vmem>>) target_semaphore(%arg17 : memref<!tpu.dma_semaphore, #tpu.memory_space<semaphore_mem>>)
        } else {
        }
        %add3A_164 = arith.constant 2 : i32
        %add3A_165 = arith.addi %add3A_134, %add3A_164 : i32
        %lt3A_166 = arith.cmpi slt, %add3A_165, %add3A_26 : i32
        %convert_element_type3A_167 = arith.extui %lt3A_166 : i1 to i32
        %cond3A_168 = arith.constant 0 : i32
        %cond3A_169 = arith.cmpi ne, %convert_element_type3A_167, %cond3A_168 : i32
        scf.if %cond3A_169 {
          %add3A_170 = arith.constant 2 : i32
          %add3A_171 = arith.addi %add3A_134, %add3A_170 : i32
          %mul3A_172 = arith.constant 128 : i32
          %mul3A_173 = arith.muli %add3A_171, %mul3A_172 : i32
          %add3A_174 = arith.addi %mul3A_28, %mul3A_173 : i32
          %mul3A_175 = arith.constant 128 : i32
          %mul3A_176 = arith.muli %add3A_171, %mul3A_175 : i32
          %add3A_177 = arith.addi %mul3A_28, %mul3A_176 : i32
          %rem3A_178 = arith.constant 6 : i32
          %rem3A_179 = arith.remsi %add3A_171, %rem3A_178 : i32
          %dma_wait3A_180 = arith.constant 1 : i32
          %dma_wait3A_181 = arith.constant 0 : i32
          %dma_wait3A_182 = tpu.memref_slice %arg6[%dma_wait3A_180, %dma_wait3A_181] : memref<3x128xi32, #tpu.memory_space<vmem>> -> memref<1x128xi32, #tpu.memory_space<vmem>>
          %dma_wait3A_183 = tpu.memref_squeeze %dma_wait3A_182 : memref<1x128xi32, #tpu.memory_space<vmem>> -> memref<128xi32, #tpu.memory_space<vmem>>
          %dma_wait3A_184 = tpu.memref_slice %arg3[%add3A_174] : memref<320000xi32, #tpu.memory_space<hbm>> -> memref<128xi32, #tpu.memory_space<hbm>>
          %dma_wait3A_185 = arith.constant 0 : i32
          %dma_wait3A_186 = tpu.memref_slice %arg6[%dma_wait3A_180, %dma_wait3A_185] : memref<3x128xi32, #tpu.memory_space<vmem>> -> memref<1x128xi32, #tpu.memory_space<vmem>>
          %dma_wait3A_187 = tpu.memref_squeeze %dma_wait3A_186 : memref<1x128xi32, #tpu.memory_space<vmem>> -> memref<128xi32, #tpu.memory_space<vmem>>
          %dma_wait3A_188 = tpu.memref_slice %arg3[%add3A_174] : memref<320000xi32, #tpu.memory_space<hbm>> -> memref<128xi32, #tpu.memory_space<hbm>>
          tpu.wait_dma2 semaphore(%arg16 : memref<!tpu.dma_semaphore, #tpu.memory_space<semaphore_mem>>) src(%dma_wait3A_188 : memref<128xi32, #tpu.memory_space<hbm>>) dst(%dma_wait3A_187 : memref<128xi32, #tpu.memory_space<vmem>>)
          %dma_wait3A_189 = arith.constant 0 : i32
          %dma_wait3A_190 = tpu.memref_slice %arg7[%rem3A_179, %dma_wait3A_189] : memref<6x128xi32, #tpu.memory_space<vmem>> -> memref<1x128xi32, #tpu.memory_space<vmem>>
          %dma_wait3A_191 = tpu.memref_squeeze %dma_wait3A_190 : memref<1x128xi32, #tpu.memory_space<vmem>> -> memref<128xi32, #tpu.memory_space<vmem>>
          %dma_wait3A_192 = tpu.memref_slice %arg4[%add3A_177] : memref<320000xi32, #tpu.memory_space<hbm>> -> memref<128xi32, #tpu.memory_space<hbm>>
          %dma_wait3A_193 = arith.constant 0 : i32
          %dma_wait3A_194 = tpu.memref_slice %arg7[%rem3A_179, %dma_wait3A_193] : memref<6x128xi32, #tpu.memory_space<vmem>> -> memref<1x128xi32, #tpu.memory_space<vmem>>
          %dma_wait3A_195 = tpu.memref_squeeze %dma_wait3A_194 : memref<1x128xi32, #tpu.memory_space<vmem>> -> memref<128xi32, #tpu.memory_space<vmem>>
          %dma_wait3A_196 = tpu.memref_slice %arg4[%add3A_177] : memref<320000xi32, #tpu.memory_space<hbm>> -> memref<128xi32, #tpu.memory_space<hbm>>
          tpu.wait_dma2 semaphore(%arg16 : memref<!tpu.dma_semaphore, #tpu.memory_space<semaphore_mem>>) src(%dma_wait3A_196 : memref<128xi32, #tpu.memory_space<hbm>>) dst(%dma_wait3A_195 : memref<128xi32, #tpu.memory_space<vmem>>)
          %add3A_197 = arith.constant 2 : i32
          %add3A_198 = arith.addi %add3A_134, %add3A_197 : i32
          %dma_start3A_199 = arith.constant 1 : i32
          %dma_start3A_200 = arith.constant 0 : i32
          %dma_start3A_201 = tpu.memref_slice %arg6[%dma_start3A_199, %dma_start3A_200] : memref<3x128xi32, #tpu.memory_space<vmem>> -> memref<1x128xi32, #tpu.memory_space<vmem>>
          %dma_start3A_202 = tpu.memref_squeeze %dma_start3A_201 : memref<1x128xi32, #tpu.memory_space<vmem>> -> memref<128xi32, #tpu.memory_space<vmem>>
          %dma_start3A_203 = arith.constant 0 : i32
          %dma_start3A_204 = arith.constant 0 : i32
          %dma_start3A_205 = tpu.memref_slice %arg2[%dma_start3A_203, %dma_start3A_204] : memref<10000x128xf32, #tpu.memory_space<hbm>> -> memref<10000x128xf32, #tpu.memory_space<hbm>>
          tpu.enqueue_indirect_dma source(%dma_start3A_205 : memref<10000x128xf32, #tpu.memory_space<hbm>>) target(%arg9 : memref<128x128xf32, #tpu.memory_space<vmem>>) offsets(%dma_start3A_202 : memref<128xi32, #tpu.memory_space<vmem>>) semaphore(%arg13 : memref<!tpu.dma_semaphore, #tpu.memory_space<semaphore_mem>>)
        } else {
        }
      } else {
      }
    }
    %scan3A_57 = arith.constant 27 : i32
    %barrier3A_58 = arith.constant 0 : index
    tpu.barrier barrier_id(%barrier3A_58)
    %add3A_59 = arith.constant 0 : i32
    %add3A_60 = arith.addi %multiple_of3A, %add3A_59 : i32
    %multiple_of3A_61 = tpu.assume_multiple %add3A_60, 8 : i32
    %mul3A_62 = arith.constant 10000 : i32
    %mul3A_63 = arith.muli %arg0, %mul3A_62 : i32
    %add3A_64 = arith.addi %mul3A_63, %multiple_of3A_61 : i32
    %multiple_of3A_65 = tpu.assume_multiple %add3A_64, 8 : i32
    "tpu.region"() ({
      %run_scoped3A = tpu.sem_alloc : memref<!tpu.dma_semaphore, #tpu.memory_space<semaphore_mem>>
      %dma_start3A = arith.constant 0 : i32
      %dma_start3A_99 = tpu.memref_slice %arg5[%multiple_of3A_65, %dma_start3A] : memref<20000x128xf32, #tpu.memory_space<hbm>> -> memref<128x128xf32, #tpu.memory_space<hbm>>
      %dma_start3A_100 = arith.constant 0 : i32
      %dma_start3A_101 = tpu.memref_slice %arg11[%multiple_of3A_61, %dma_start3A_100] : memref<10000x128xf32, #tpu.memory_space<vmem_shared>> -> memref<128x128xf32, #tpu.memory_space<vmem_shared>>
      tpu.enqueue_dma source(%dma_start3A_101 : memref<128x128xf32, #tpu.memory_space<vmem_shared>>) target(%dma_start3A_99 : memref<128x128xf32, #tpu.memory_space<hbm>>) target_semaphore(%run_scoped3A : memref<!tpu.dma_semaphore, #tpu.memory_space<semaphore_mem>>)
      %dma_wait3A = arith.constant 0 : i32
      %dma_wait3A_102 = tpu.memref_slice %arg5[%multiple_of3A_65, %dma_wait3A] : memref<20000x128xf32, #tpu.memory_space<hbm>> -> memref<128x128xf32, #tpu.memory_space<hbm>>
      %dma_wait3A_103 = arith.constant 0 : i32
      %dma_wait3A_104 = tpu.memref_slice %arg11[%multiple_of3A_61, %dma_wait3A_103] : memref<10000x128xf32, #tpu.memory_space<vmem_shared>> -> memref<128x128xf32, #tpu.memory_space<vmem_shared>>
      tpu.wait_dma2 semaphore(%run_scoped3A : memref<!tpu.dma_semaphore, #tpu.memory_space<semaphore_mem>>) src(%dma_wait3A_104 : memref<128x128xf32, #tpu.memory_space<vmem_shared>>) dst(%dma_wait3A_102 : memref<128x128xf32, #tpu.memory_space<hbm>>)
      tpu.yield
    }) : () -> ()
    %add3A_66 = arith.constant 128 : i32
    %add3A_67 = arith.addi %multiple_of3A, %add3A_66 : i32
    %multiple_of3A_68 = tpu.assume_multiple %add3A_67, 8 : i32
    %mul3A_69 = arith.constant 10000 : i32
    %mul3A_70 = arith.muli %arg0, %mul3A_69 : i32
    %add3A_71 = arith.addi %mul3A_70, %multiple_of3A_68 : i32
    %multiple_of3A_72 = tpu.assume_multiple %add3A_71, 8 : i32
    "tpu.region"() ({
      %run_scoped3A = tpu.sem_alloc : memref<!tpu.dma_semaphore, #tpu.memory_space<semaphore_mem>>
      %dma_start3A = arith.constant 0 : i32
      %dma_start3A_99 = tpu.memref_slice %arg5[%multiple_of3A_72, %dma_start3A] : memref<20000x128xf32, #tpu.memory_space<hbm>> -> memref<128x128xf32, #tpu.memory_space<hbm>>
      %dma_start3A_100 = arith.constant 0 : i32
      %dma_start3A_101 = tpu.memref_slice %arg11[%multiple_of3A_68, %dma_start3A_100] : memref<10000x128xf32, #tpu.memory_space<vmem_shared>> -> memref<128x128xf32, #tpu.memory_space<vmem_shared>>
      tpu.enqueue_dma source(%dma_start3A_101 : memref<128x128xf32, #tpu.memory_space<vmem_shared>>) target(%dma_start3A_99 : memref<128x128xf32, #tpu.memory_space<hbm>>) target_semaphore(%run_scoped3A : memref<!tpu.dma_semaphore, #tpu.memory_space<semaphore_mem>>)
      %dma_wait3A = arith.constant 0 : i32
      %dma_wait3A_102 = tpu.memref_slice %arg5[%multiple_of3A_72, %dma_wait3A] : memref<20000x128xf32, #tpu.memory_space<hbm>> -> memref<128x128xf32, #tpu.memory_space<hbm>>
      %dma_wait3A_103 = arith.constant 0 : i32
      %dma_wait3A_104 = tpu.memref_slice %arg11[%multiple_of3A_68, %dma_wait3A_103] : memref<10000x128xf32, #tpu.memory_space<vmem_shared>> -> memref<128x128xf32, #tpu.memory_space<vmem_shared>>
      tpu.wait_dma2 semaphore(%run_scoped3A : memref<!tpu.dma_semaphore, #tpu.memory_space<semaphore_mem>>) src(%dma_wait3A_104 : memref<128x128xf32, #tpu.memory_space<vmem_shared>>) dst(%dma_wait3A_102 : memref<128x128xf32, #tpu.memory_space<hbm>>)
      tpu.yield
    }) : () -> ()
    %add3A_73 = arith.constant 256 : i32
    %add3A_74 = arith.addi %multiple_of3A, %add3A_73 : i32
    %multiple_of3A_75 = tpu.assume_multiple %add3A_74, 8 : i32
    %mul3A_76 = arith.constant 10000 : i32
    %mul3A_77 = arith.muli %arg0, %mul3A_76 : i32
    %add3A_78 = arith.addi %mul3A_77, %multiple_of3A_75 : i32
    %multiple_of3A_79 = tpu.assume_multiple %add3A_78, 8 : i32
    "tpu.region"() ({
      %run_scoped3A = tpu.sem_alloc : memref<!tpu.dma_semaphore, #tpu.memory_space<semaphore_mem>>
      %dma_start3A = arith.constant 0 : i32
      %dma_start3A_99 = tpu.memref_slice %arg5[%multiple_of3A_79, %dma_start3A] : memref<20000x128xf32, #tpu.memory_space<hbm>> -> memref<128x128xf32, #tpu.memory_space<hbm>>
      %dma_start3A_100 = arith.constant 0 : i32
      %dma_start3A_101 = tpu.memref_slice %arg11[%multiple_of3A_75, %dma_start3A_100] : memref<10000x128xf32, #tpu.memory_space<vmem_shared>> -> memref<128x128xf32, #tpu.memory_space<vmem_shared>>
      tpu.enqueue_dma source(%dma_start3A_101 : memref<128x128xf32, #tpu.memory_space<vmem_shared>>) target(%dma_start3A_99 : memref<128x128xf32, #tpu.memory_space<hbm>>) target_semaphore(%run_scoped3A : memref<!tpu.dma_semaphore, #tpu.memory_space<semaphore_mem>>)
      %dma_wait3A = arith.constant 0 : i32
      %dma_wait3A_102 = tpu.memref_slice %arg5[%multiple_of3A_79, %dma_wait3A] : memref<20000x128xf32, #tpu.memory_space<hbm>> -> memref<128x128xf32, #tpu.memory_space<hbm>>
      %dma_wait3A_103 = arith.constant 0 : i32
      %dma_wait3A_104 = tpu.memref_slice %arg11[%multiple_of3A_75, %dma_wait3A_103] : memref<10000x128xf32, #tpu.memory_space<vmem_shared>> -> memref<128x128xf32, #tpu.memory_space<vmem_shared>>
      tpu.wait_dma2 semaphore(%run_scoped3A : memref<!tpu.dma_semaphore, #tpu.memory_space<semaphore_mem>>) src(%dma_wait3A_104 : memref<128x128xf32, #tpu.memory_space<vmem_shared>>) dst(%dma_wait3A_102 : memref<128x128xf32, #tpu.memory_space<hbm>>)
      tpu.yield
    }) : () -> ()
    %add3A_80 = arith.constant 384 : i32
    %add3A_81 = arith.addi %multiple_of3A, %add3A_80 : i32
    %multiple_of3A_82 = tpu.assume_multiple %add3A_81, 8 : i32
    %mul3A_83 = arith.constant 10000 : i32
    %mul3A_84 = arith.muli %arg0, %mul3A_83 : i32
    %add3A_85 = arith.addi %mul3A_84, %multiple_of3A_82 : i32
    %multiple_of3A_86 = tpu.assume_multiple %add3A_85, 8 : i32
    "tpu.region"() ({
      %run_scoped3A = tpu.sem_alloc : memref<!tpu.dma_semaphore, #tpu.memory_space<semaphore_mem>>
      %dma_start3A = arith.constant 0 : i32
      %dma_start3A_99 = tpu.memref_slice %arg5[%multiple_of3A_86, %dma_start3A] : memref<20000x128xf32, #tpu.memory_space<hbm>> -> memref<128x128xf32, #tpu.memory_space<hbm>>
      %dma_start3A_100 = arith.constant 0 : i32
      %dma_start3A_101 = tpu.memref_slice %arg11[%multiple_of3A_82, %dma_start3A_100] : memref<10000x128xf32, #tpu.memory_space<vmem_shared>> -> memref<128x128xf32, #tpu.memory_space<vmem_shared>>
      tpu.enqueue_dma source(%dma_start3A_101 : memref<128x128xf32, #tpu.memory_space<vmem_shared>>) target(%dma_start3A_99 : memref<128x128xf32, #tpu.memory_space<hbm>>) target_semaphore(%run_scoped3A : memref<!tpu.dma_semaphore, #tpu.memory_space<semaphore_mem>>)
      %dma_wait3A = arith.constant 0 : i32
      %dma_wait3A_102 = tpu.memref_slice %arg5[%multiple_of3A_86, %dma_wait3A] : memref<20000x128xf32, #tpu.memory_space<hbm>> -> memref<128x128xf32, #tpu.memory_space<hbm>>
      %dma_wait3A_103 = arith.constant 0 : i32
      %dma_wait3A_104 = tpu.memref_slice %arg11[%multiple_of3A_82, %dma_wait3A_103] : memref<10000x128xf32, #tpu.memory_space<vmem_shared>> -> memref<128x128xf32, #tpu.memory_space<vmem_shared>>
      tpu.wait_dma2 semaphore(%run_scoped3A : memref<!tpu.dma_semaphore, #tpu.memory_space<semaphore_mem>>) src(%dma_wait3A_104 : memref<128x128xf32, #tpu.memory_space<vmem_shared>>) dst(%dma_wait3A_102 : memref<128x128xf32, #tpu.memory_space<hbm>>)
      tpu.yield
    }) : () -> ()
    %add3A_87 = arith.constant 512 : i32
    %add3A_88 = arith.addi %multiple_of3A, %add3A_87 : i32
    %multiple_of3A_89 = tpu.assume_multiple %add3A_88, 8 : i32
    %mul3A_90 = arith.constant 10000 : i32
    %mul3A_91 = arith.muli %arg0, %mul3A_90 : i32
    %add3A_92 = arith.addi %mul3A_91, %multiple_of3A_89 : i32
    %multiple_of3A_93 = tpu.assume_multiple %add3A_92, 8 : i32
    "tpu.region"() ({
      %run_scoped3A = tpu.sem_alloc : memref<!tpu.dma_semaphore, #tpu.memory_space<semaphore_mem>>
      %dma_start3A = arith.constant 0 : i32
      %dma_start3A_99 = tpu.memref_slice %arg5[%multiple_of3A_93, %dma_start3A] : memref<20000x128xf32, #tpu.memory_space<hbm>> -> memref<112x128xf32, #tpu.memory_space<hbm>>
      %dma_start3A_100 = arith.constant 0 : i32
      %dma_start3A_101 = tpu.memref_slice %arg11[%multiple_of3A_89, %dma_start3A_100] : memref<10000x128xf32, #tpu.memory_space<vmem_shared>> -> memref<112x128xf32, #tpu.memory_space<vmem_shared>>
      tpu.enqueue_dma source(%dma_start3A_101 : memref<112x128xf32, #tpu.memory_space<vmem_shared>>) target(%dma_start3A_99 : memref<112x128xf32, #tpu.memory_space<hbm>>) target_semaphore(%run_scoped3A : memref<!tpu.dma_semaphore, #tpu.memory_space<semaphore_mem>>)
      %dma_wait3A = arith.constant 0 : i32
      %dma_wait3A_102 = tpu.memref_slice %arg5[%multiple_of3A_93, %dma_wait3A] : memref<20000x128xf32, #tpu.memory_space<hbm>> -> memref<112x128xf32, #tpu.memory_space<hbm>>
      %dma_wait3A_103 = arith.constant 0 : i32
      %dma_wait3A_104 = tpu.memref_slice %arg11[%multiple_of3A_89, %dma_wait3A_103] : memref<10000x128xf32, #tpu.memory_space<vmem_shared>> -> memref<112x128xf32, #tpu.memory_space<vmem_shared>>
      tpu.wait_dma2 semaphore(%run_scoped3A : memref<!tpu.dma_semaphore, #tpu.memory_space<semaphore_mem>>) src(%dma_wait3A_104 : memref<112x128xf32, #tpu.memory_space<vmem_shared>>) dst(%dma_wait3A_102 : memref<112x128xf32, #tpu.memory_space<hbm>>)
      tpu.yield
    }) : () -> ()
    %eq3A_94 = arith.constant 0 : i32
    %eq3A_95 = arith.cmpi eq, %arg1, %eq3A_94 : i32
    %convert_element_type3A_96 = arith.extui %eq3A_95 : i1 to i32
    %cond3A_97 = arith.constant 0 : i32
    %cond3A_98 = arith.cmpi ne, %convert_element_type3A_96, %cond3A_97 : i32
    scf.if %cond3A_98 {
      %multiple_of3A_99 = arith.constant 9984 : i32
      %multiple_of3A_100 = tpu.assume_multiple %multiple_of3A_99, 8 : i32
      %mul3A_101 = arith.constant 10000 : i32
      %mul3A_102 = arith.muli %arg0, %mul3A_101 : i32
      %add3A_103 = arith.addi %mul3A_102, %multiple_of3A_100 : i32
      %multiple_of3A_104 = tpu.assume_multiple %add3A_103, 8 : i32
      "tpu.region"() ({
        %run_scoped3A = tpu.sem_alloc : memref<!tpu.dma_semaphore, #tpu.memory_space<semaphore_mem>>
        %dma_start3A = arith.constant 0 : i32
        %dma_start3A_105 = tpu.memref_slice %arg5[%multiple_of3A_104, %dma_start3A] : memref<20000x128xf32, #tpu.memory_space<hbm>> -> memref<16x128xf32, #tpu.memory_space<hbm>>
        %dma_start3A_106 = arith.constant 0 : i32
        %dma_start3A_107 = tpu.memref_slice %arg11[%multiple_of3A_100, %dma_start3A_106] : memref<10000x128xf32, #tpu.memory_space<vmem_shared>> -> memref<16x128xf32, #tpu.memory_space<vmem_shared>>
        tpu.enqueue_dma source(%dma_start3A_107 : memref<16x128xf32, #tpu.memory_space<vmem_shared>>) target(%dma_start3A_105 : memref<16x128xf32, #tpu.memory_space<hbm>>) target_semaphore(%run_scoped3A : memref<!tpu.dma_semaphore, #tpu.memory_space<semaphore_mem>>)
        %dma_wait3A = arith.constant 0 : i32
        %dma_wait3A_108 = tpu.memref_slice %arg5[%multiple_of3A_104, %dma_wait3A] : memref<20000x128xf32, #tpu.memory_space<hbm>> -> memref<16x128xf32, #tpu.memory_space<hbm>>
        %dma_wait3A_109 = arith.constant 0 : i32
        %dma_wait3A_110 = tpu.memref_slice %arg11[%multiple_of3A_100, %dma_wait3A_109] : memref<10000x128xf32, #tpu.memory_space<vmem_shared>> -> memref<16x128xf32, #tpu.memory_space<vmem_shared>>
        tpu.wait_dma2 semaphore(%run_scoped3A : memref<!tpu.dma_semaphore, #tpu.memory_space<semaphore_mem>>) src(%dma_wait3A_110 : memref<16x128xf32, #tpu.memory_space<vmem_shared>>) dst(%dma_wait3A_108 : memref<16x128xf32, #tpu.memory_space<hbm>>)
        tpu.yield
      }) : () -> ()
    } else {
    }
    return
  }
}

module attributes {stable_mosaic.version = 14 : i64} {
  func.func @_gru_body(%arg0: i32, %arg1: memref<2000x128xf32, #tpu.memory_space<vmem>>, %arg2: memref<2000x128xf32, #tpu.memory_space<vmem>>, %arg3: memref<2000x128xf32, #tpu.memory_space<vmem>>, %arg4: memref<128x128xf32, #tpu.memory_space<vmem>>, %arg5: memref<384x128xf32, #tpu.memory_space<vmem>>, %arg6: memref<384x128xf32, #tpu.memory_space<vmem>>, %arg7: memref<384xf32, #tpu.memory_space<vmem>>, %arg8: memref<384xf32, #tpu.memory_space<vmem>>, %arg9: memref<2000x128xf32, #tpu.memory_space<vmem>>) attributes {dimension_semantics = [#tpu.dimension_semantics<arbitrary>], iteration_bounds = array<i64: 5>, scalar_prefetch = 0 : i64, scratch_operands = 0 : i64, tpu.core_type = #tpu.core_type<tc>, window_params = [{transform_indices = @transform_0, window_bounds = array<i64: 2000, 128>}, {transform_indices = @transform_1, window_bounds = array<i64: 2000, 128>}, {transform_indices = @transform_2, window_bounds = array<i64: 2000, 128>}, {pipeline_mode = #tpu.pipeline_mode<synchronous>, transform_indices = @transform_3, window_bounds = array<i64: 128, 128>}, {pipeline_mode = #tpu.pipeline_mode<synchronous>, transform_indices = @transform_4, window_bounds = array<i64: 384, 128>}, {pipeline_mode = #tpu.pipeline_mode<synchronous>, transform_indices = @transform_5, window_bounds = array<i64: 384, 128>}, {pipeline_mode = #tpu.pipeline_mode<synchronous>, transform_indices = @transform_6, window_bounds = array<i64: 384>}, {pipeline_mode = #tpu.pipeline_mode<synchronous>, transform_indices = @transform_7, window_bounds = array<i64: 384>}, {transform_indices = @transform_8, window_bounds = array<i64: 2000, 128>}]} {
    %get3A = arith.constant 0 : index
    %get3A_0 = arith.constant 0 : index
    %get3A_1 = vector.load %arg1[%get3A, %get3A_0] : memref<2000x128xf32, #tpu.memory_space<vmem>>, vector<2000x128xf32>
    %get3A_2 = arith.constant 0 : index
    %get3A_3 = arith.constant 0 : index
    %get3A_4 = vector.load %arg2[%get3A_2, %get3A_3] : memref<2000x128xf32, #tpu.memory_space<vmem>>, vector<2000x128xf32>
    %add3A = arith.addf %get3A_1, %get3A_4 : vector<2000x128xf32>
    %get3A_5 = arith.constant 0 : index
    %get3A_6 = arith.constant 0 : index
    %get3A_7 = vector.load %arg4[%get3A_5, %get3A_6] : memref<128x128xf32, #tpu.memory_space<vmem>>, vector<128x128xf32>
    %dot_general3A = arith.constant dense<0.000000e+00> : vector<2000x128xf32>
    %dot_general3A_8 = tpu.matmul %add3A, %get3A_7, %dot_general3A {dimension_numbers = #tpu.dot_dimension_numbers<[1], [0], [0], [1], [0, 0, 1, 1], [], []>, transpose_lhs_hint = false} : vector<2000x128xf32>, vector<128x128xf32>, vector<2000x128xf32> -> vector<2000x128xf32>
    %get3A_9 = arith.constant 0 : index
    %get3A_10 = arith.constant 0 : index
    %get3A_11 = vector.load %arg3[%get3A_9, %get3A_10] : memref<2000x128xf32, #tpu.memory_space<vmem>>, vector<2000x128xf32>
    %get3A_12 = arith.constant 0 : index
    %get3A_13 = arith.constant 0 : index
    %get3A_14 = vector.load %arg5[%get3A_12, %get3A_13] : memref<384x128xf32, #tpu.memory_space<vmem>>, vector<384x128xf32>
    %dot_general3A_15 = arith.constant dense<0.000000e+00> : vector<2000x384xf32>
    %dot_general3A_16 = tpu.matmul %dot_general3A_8, %get3A_14, %dot_general3A_15 {dimension_numbers = #tpu.dot_dimension_numbers<[1], [1], [0], [0], [0, 0, 1, 0], [], []>, transpose_lhs_hint = false} : vector<2000x128xf32>, vector<384x128xf32>, vector<2000x384xf32> -> vector<2000x384xf32>
    %get3A_17 = arith.constant 0 : index
    %get3A_18 = vector.load %arg7[%get3A_17] : memref<384xf32, #tpu.memory_space<vmem>>, vector<384xf32>
    %broadcast_in_dim3A = vector.shape_cast %get3A_18 : vector<384xf32> to vector<1x384xf32>
    %add3A_19 = vector.broadcast %broadcast_in_dim3A : vector<1x384xf32> to vector<2000x384xf32>
    %add3A_20 = arith.addf %dot_general3A_16, %add3A_19 : vector<2000x384xf32>
    %get3A_21 = arith.constant 0 : index
    %get3A_22 = arith.constant 0 : index
    %get3A_23 = vector.load %arg6[%get3A_21, %get3A_22] : memref<384x128xf32, #tpu.memory_space<vmem>>, vector<384x128xf32>
    %dot_general3A_24 = arith.constant dense<0.000000e+00> : vector<2000x384xf32>
    %dot_general3A_25 = tpu.matmul %get3A_11, %get3A_23, %dot_general3A_24 {dimension_numbers = #tpu.dot_dimension_numbers<[1], [1], [0], [0], [0, 0, 1, 0], [], []>, transpose_lhs_hint = false} : vector<2000x128xf32>, vector<384x128xf32>, vector<2000x384xf32> -> vector<2000x384xf32>
    %get3A_26 = arith.constant 0 : index
    %get3A_27 = vector.load %arg8[%get3A_26] : memref<384xf32, #tpu.memory_space<vmem>>, vector<384xf32>
    %broadcast_in_dim3A_28 = vector.shape_cast %get3A_27 : vector<384xf32> to vector<1x384xf32>
    %add3A_29 = vector.broadcast %broadcast_in_dim3A_28 : vector<1x384xf32> to vector<2000x384xf32>
    %add3A_30 = arith.addf %dot_general3A_25, %add3A_29 : vector<2000x384xf32>
    %slice3A = vector.extract_strided_slice %add3A_20 {offsets = [0, 0], sizes = [2000, 128], strides = [1, 1]} : vector<2000x384xf32> to vector<2000x128xf32>
    %slice3A_31 = vector.extract_strided_slice %add3A_30 {offsets = [0, 0], sizes = [2000, 128], strides = [1, 1]} : vector<2000x384xf32> to vector<2000x128xf32>
    %add3A_32 = arith.addf %slice3A, %slice3A_31 : vector<2000x128xf32>
    %logistic3A = arith.negf %add3A_32 : vector<2000x128xf32>
    %logistic3A_33 = math.exp %logistic3A : vector<2000x128xf32>
    %logistic3A_34 = arith.constant 1.000000e+00 : f32
    %logistic3A_35 = vector.broadcast %logistic3A_34 : f32 to vector<2000x128xf32>
    %logistic3A_36 = arith.addf %logistic3A_35, %logistic3A_33 : vector<2000x128xf32>
    %logistic3A_37 = arith.divf %logistic3A_35, %logistic3A_36 : vector<2000x128xf32>
    %slice3A_38 = vector.extract_strided_slice %add3A_20 {offsets = [0, 128], sizes = [2000, 128], strides = [1, 1]} : vector<2000x384xf32> to vector<2000x128xf32>
    %slice3A_39 = vector.extract_strided_slice %add3A_30 {offsets = [0, 128], sizes = [2000, 128], strides = [1, 1]} : vector<2000x384xf32> to vector<2000x128xf32>
    %add3A_40 = arith.addf %slice3A_38, %slice3A_39 : vector<2000x128xf32>
    %logistic3A_41 = arith.negf %add3A_40 : vector<2000x128xf32>
    %logistic3A_42 = math.exp %logistic3A_41 : vector<2000x128xf32>
    %logistic3A_43 = arith.constant 1.000000e+00 : f32
    %logistic3A_44 = vector.broadcast %logistic3A_43 : f32 to vector<2000x128xf32>
    %logistic3A_45 = arith.addf %logistic3A_44, %logistic3A_42 : vector<2000x128xf32>
    %logistic3A_46 = arith.divf %logistic3A_44, %logistic3A_45 : vector<2000x128xf32>
    %slice3A_47 = vector.extract_strided_slice %add3A_20 {offsets = [0, 256], sizes = [2000, 128], strides = [1, 1]} : vector<2000x384xf32> to vector<2000x128xf32>
    %slice3A_48 = vector.extract_strided_slice %add3A_30 {offsets = [0, 256], sizes = [2000, 128], strides = [1, 1]} : vector<2000x384xf32> to vector<2000x128xf32>
    %mul3A = arith.mulf %logistic3A_37, %slice3A_48 : vector<2000x128xf32>
    %add3A_49 = arith.addf %slice3A_47, %mul3A : vector<2000x128xf32>
    %tanh3A = math.tanh %add3A_49 : vector<2000x128xf32>
    %sub3A = arith.constant 1.000000e+00 : f32
    %sub3A_50 = vector.broadcast %sub3A : f32 to vector<2000x128xf32>
    %sub3A_51 = arith.subf %sub3A_50, %logistic3A_46 : vector<2000x128xf32>
    %mul3A_52 = arith.mulf %sub3A_51, %tanh3A : vector<2000x128xf32>
    %mul3A_53 = arith.mulf %logistic3A_46, %get3A_11 : vector<2000x128xf32>
    %add3A_54 = arith.addf %mul3A_52, %mul3A_53 : vector<2000x128xf32>
    %swap3A = arith.constant 0 : index
    %swap3A_55 = arith.constant 0 : index
    %swap3A_56 = vector.load %arg9[%swap3A, %swap3A_55] : memref<2000x128xf32, #tpu.memory_space<vmem>>, vector<2000x128xf32>
    tpu.vector_store %arg9[%swap3A, %swap3A_55], %add3A_54 {strides = array<i32>} : memref<2000x128xf32, #tpu.memory_space<vmem>>, vector<2000x128xf32>,
    return
  }
  func.func @transform_0(%arg0: i32) -> (i32, i32) {
    %c0_i32 = arith.constant 0 : i32
    %c0_i32_0 = arith.constant 0 : i32
    return %arg0, %c0_i32 : i32, i32
  }
  func.func @transform_1(%arg0: i32) -> (i32, i32) {
    %add3A = arith.constant 5 : i32
    %add3A_0 = arith.addi %arg0, %add3A : i32
    %c0_i32 = arith.constant 0 : i32
    %c0_i32_1 = arith.constant 0 : i32
    return %add3A_0, %c0_i32 : i32, i32
  }
  func.func @transform_2(%arg0: i32) -> (i32, i32) {
    %c0_i32 = arith.constant 0 : i32
    %c0_i32_0 = arith.constant 0 : i32
    return %arg0, %c0_i32 : i32, i32
  }
  func.func @transform_3(%arg0: i32) -> (i32, i32) {
    %c0_i32 = arith.constant 0 : i32
    %c0_i32_0 = arith.constant 0 : i32
    %c0_i32_1 = arith.constant 0 : i32
    return %c0_i32, %c0_i32_0 : i32, i32
  }
  func.func @transform_4(%arg0: i32) -> (i32, i32) {
    %c0_i32 = arith.constant 0 : i32
    %c0_i32_0 = arith.constant 0 : i32
    %c0_i32_1 = arith.constant 0 : i32
    return %c0_i32, %c0_i32_0 : i32, i32
  }
  func.func @transform_5(%arg0: i32) -> (i32, i32) {
    %c0_i32 = arith.constant 0 : i32
    %c0_i32_0 = arith.constant 0 : i32
    %c0_i32_1 = arith.constant 0 : i32
    return %c0_i32, %c0_i32_0 : i32, i32
  }
  func.func @transform_6(%arg0: i32) -> i32 {
    %c0_i32 = arith.constant 0 : i32
    %c0_i32_0 = arith.constant 0 : i32
    return %c0_i32 : i32
  }
  func.func @transform_7(%arg0: i32) -> i32 {
    %c0_i32 = arith.constant 0 : i32
    %c0_i32_0 = arith.constant 0 : i32
    return %c0_i32 : i32
  }
  func.func @transform_8(%arg0: i32) -> (i32, i32) {
    %c0_i32 = arith.constant 0 : i32
    %c0_i32_0 = arith.constant 0 : i32
    return %arg0, %c0_i32 : i32, i32
  }
}

module attributes {stable_mosaic.version = 14 : i64} {
  func.func @_gru_tail_body(%arg0: i32, %arg1: memref<2000x128xf32, #tpu.memory_space<vmem>>, %arg2: memref<2000x128xf32, #tpu.memory_space<vmem>>, %arg3: memref<2000x128xf32, #tpu.memory_space<vmem>>, %arg4: memref<128x128xf32, #tpu.memory_space<vmem>>, %arg5: memref<384x128xf32, #tpu.memory_space<vmem>>, %arg6: memref<384x128xf32, #tpu.memory_space<vmem>>, %arg7: memref<384xf32, #tpu.memory_space<vmem>>, %arg8: memref<384xf32, #tpu.memory_space<vmem>>, %arg9: memref<128x128xf32, #tpu.memory_space<vmem>>, %arg10: memref<128xf32, #tpu.memory_space<vmem>>, %arg11: memref<128xf32, #tpu.memory_space<vmem>>, %arg12: memref<128xf32, #tpu.memory_space<vmem>>, %arg13: memref<1x10000xi32, #tpu.memory_space<vmem>>, %arg14: memref<10x128xf32, #tpu.memory_space<vmem>>, %arg15: memref<10xf32, #tpu.memory_space<vmem>>, %arg16: memref<64x10xf32, #tpu.memory_space<vmem>>, %arg17: memref<10000x128xf32, #tpu.memory_space<vmem>>, %arg18: memref<2x128xf32, #tpu.memory_space<vmem>>) attributes {dimension_semantics = [#tpu.dimension_semantics<arbitrary>], iteration_bounds = array<i64: 6>, scalar_prefetch = 0 : i64, scratch_operands = 2 : i64, tpu.core_type = #tpu.core_type<tc>, window_params = [{transform_indices = @transform_0, window_bounds = array<i64: 2000, 128>}, {transform_indices = @transform_1, window_bounds = array<i64: 2000, 128>}, {transform_indices = @transform_2, window_bounds = array<i64: 2000, 128>}, {pipeline_mode = #tpu.pipeline_mode<synchronous>, transform_indices = @transform_3, window_bounds = array<i64: 128, 128>}, {pipeline_mode = #tpu.pipeline_mode<synchronous>, transform_indices = @transform_4, window_bounds = array<i64: 384, 128>}, {pipeline_mode = #tpu.pipeline_mode<synchronous>, transform_indices = @transform_5, window_bounds = array<i64: 384, 128>}, {pipeline_mode = #tpu.pipeline_mode<synchronous>, transform_indices = @transform_6, window_bounds = array<i64: 384>}, {pipeline_mode = #tpu.pipeline_mode<synchronous>, transform_indices = @transform_7, window_bounds = array<i64: 384>}, {pipeline_mode = #tpu.pipeline_mode<synchronous>, transform_indices = @transform_8, window_bounds = array<i64: 128, 128>}, {pipeline_mode = #tpu.pipeline_mode<synchronous>, transform_indices = @transform_9, window_bounds = array<i64: 128>}, {pipeline_mode = #tpu.pipeline_mode<synchronous>, transform_indices = @transform_10, window_bounds = array<i64: 128>}, {pipeline_mode = #tpu.pipeline_mode<synchronous>, transform_indices = @transform_11, window_bounds = array<i64: 128>}, {pipeline_mode = #tpu.pipeline_mode<synchronous>, transform_indices = @transform_12, window_bounds = array<i64: 1, 10000>}, {pipeline_mode = #tpu.pipeline_mode<synchronous>, transform_indices = @transform_13, window_bounds = array<i64: 10, 128>}, {pipeline_mode = #tpu.pipeline_mode<synchronous>, transform_indices = @transform_14, window_bounds = array<i64: 10>}, {pipeline_mode = #tpu.pipeline_mode<synchronous>, transform_indices = @transform_15, window_bounds = array<i64: 64, 10>}]} {
    %lt3A = arith.constant 5 : i32
    %lt3A_0 = arith.cmpi slt, %arg0, %lt3A : i32
    %convert_element_type3A = arith.extui %lt3A_0 : i1 to i32
    %cond3A = arith.constant 0 : i32
    %cond3A_1 = arith.cmpi ne, %convert_element_type3A, %cond3A : i32
    scf.if %cond3A_1 {
      %get3A = arith.constant 0 : index
      %get3A_6 = arith.constant 0 : index
      %get3A_7 = vector.load %arg1[%get3A, %get3A_6] : memref<2000x128xf32, #tpu.memory_space<vmem>>, vector<2000x128xf32>
      %get3A_8 = arith.constant 0 : index
      %get3A_9 = arith.constant 0 : index
      %get3A_10 = vector.load %arg2[%get3A_8, %get3A_9] : memref<2000x128xf32, #tpu.memory_space<vmem>>, vector<2000x128xf32>
      %add3A = arith.addf %get3A_7, %get3A_10 : vector<2000x128xf32>
      %get3A_11 = arith.constant 0 : index
      %get3A_12 = arith.constant 0 : index
      %get3A_13 = vector.load %arg4[%get3A_11, %get3A_12] : memref<128x128xf32, #tpu.memory_space<vmem>>, vector<128x128xf32>
      %dot_general3A = arith.constant dense<0.000000e+00> : vector<2000x128xf32>
      %dot_general3A_14 = tpu.matmul %add3A, %get3A_13, %dot_general3A {dimension_numbers = #tpu.dot_dimension_numbers<[1], [0], [0], [1], [0, 0, 1, 1], [], []>, transpose_lhs_hint = false} : vector<2000x128xf32>, vector<128x128xf32>, vector<2000x128xf32> -> vector<2000x128xf32>
      %get3A_15 = arith.constant 0 : index
      %get3A_16 = arith.constant 0 : index
      %get3A_17 = vector.load %arg3[%get3A_15, %get3A_16] : memref<2000x128xf32, #tpu.memory_space<vmem>>, vector<2000x128xf32>
      %get3A_18 = arith.constant 0 : index
      %get3A_19 = arith.constant 0 : index
      %get3A_20 = vector.load %arg5[%get3A_18, %get3A_19] : memref<384x128xf32, #tpu.memory_space<vmem>>, vector<384x128xf32>
      %dot_general3A_21 = arith.constant dense<0.000000e+00> : vector<2000x384xf32>
      %dot_general3A_22 = tpu.matmul %dot_general3A_14, %get3A_20, %dot_general3A_21 {dimension_numbers = #tpu.dot_dimension_numbers<[1], [1], [0], [0], [0, 0, 1, 0], [], []>, transpose_lhs_hint = false} : vector<2000x128xf32>, vector<384x128xf32>, vector<2000x384xf32> -> vector<2000x384xf32>
      %get3A_23 = arith.constant 0 : index
      %get3A_24 = vector.load %arg7[%get3A_23] : memref<384xf32, #tpu.memory_space<vmem>>, vector<384xf32>
      %broadcast_in_dim3A = vector.shape_cast %get3A_24 : vector<384xf32> to vector<1x384xf32>
      %add3A_25 = vector.broadcast %broadcast_in_dim3A : vector<1x384xf32> to vector<2000x384xf32>
      %add3A_26 = arith.addf %dot_general3A_22, %add3A_25 : vector<2000x384xf32>
      %get3A_27 = arith.constant 0 : index
      %get3A_28 = arith.constant 0 : index
      %get3A_29 = vector.load %arg6[%get3A_27, %get3A_28] : memref<384x128xf32, #tpu.memory_space<vmem>>, vector<384x128xf32>
      %dot_general3A_30 = arith.constant dense<0.000000e+00> : vector<2000x384xf32>
      %dot_general3A_31 = tpu.matmul %get3A_17, %get3A_29, %dot_general3A_30 {dimension_numbers = #tpu.dot_dimension_numbers<[1], [1], [0], [0], [0, 0, 1, 0], [], []>, transpose_lhs_hint = false} : vector<2000x128xf32>, vector<384x128xf32>, vector<2000x384xf32> -> vector<2000x384xf32>
      %get3A_32 = arith.constant 0 : index
      %get3A_33 = vector.load %arg8[%get3A_32] : memref<384xf32, #tpu.memory_space<vmem>>, vector<384xf32>
      %broadcast_in_dim3A_34 = vector.shape_cast %get3A_33 : vector<384xf32> to vector<1x384xf32>
      %add3A_35 = vector.broadcast %broadcast_in_dim3A_34 : vector<1x384xf32> to vector<2000x384xf32>
      %add3A_36 = arith.addf %dot_general3A_31, %add3A_35 : vector<2000x384xf32>
      %slice3A = vector.extract_strided_slice %add3A_26 {offsets = [0, 0], sizes = [2000, 128], strides = [1, 1]} : vector<2000x384xf32> to vector<2000x128xf32>
      %slice3A_37 = vector.extract_strided_slice %add3A_36 {offsets = [0, 0], sizes = [2000, 128], strides = [1, 1]} : vector<2000x384xf32> to vector<2000x128xf32>
      %add3A_38 = arith.addf %slice3A, %slice3A_37 : vector<2000x128xf32>
      %logistic3A = arith.negf %add3A_38 : vector<2000x128xf32>
      %logistic3A_39 = math.exp %logistic3A : vector<2000x128xf32>
      %logistic3A_40 = arith.constant 1.000000e+00 : f32
      %logistic3A_41 = vector.broadcast %logistic3A_40 : f32 to vector<2000x128xf32>
      %logistic3A_42 = arith.addf %logistic3A_41, %logistic3A_39 : vector<2000x128xf32>
      %logistic3A_43 = arith.divf %logistic3A_41, %logistic3A_42 : vector<2000x128xf32>
      %slice3A_44 = vector.extract_strided_slice %add3A_26 {offsets = [0, 128], sizes = [2000, 128], strides = [1, 1]} : vector<2000x384xf32> to vector<2000x128xf32>
      %slice3A_45 = vector.extract_strided_slice %add3A_36 {offsets = [0, 128], sizes = [2000, 128], strides = [1, 1]} : vector<2000x384xf32> to vector<2000x128xf32>
      %add3A_46 = arith.addf %slice3A_44, %slice3A_45 : vector<2000x128xf32>
      %logistic3A_47 = arith.negf %add3A_46 : vector<2000x128xf32>
      %logistic3A_48 = math.exp %logistic3A_47 : vector<2000x128xf32>
      %logistic3A_49 = arith.constant 1.000000e+00 : f32
      %logistic3A_50 = vector.broadcast %logistic3A_49 : f32 to vector<2000x128xf32>
      %logistic3A_51 = arith.addf %logistic3A_50, %logistic3A_48 : vector<2000x128xf32>
      %logistic3A_52 = arith.divf %logistic3A_50, %logistic3A_51 : vector<2000x128xf32>
      %slice3A_53 = vector.extract_strided_slice %add3A_26 {offsets = [0, 256], sizes = [2000, 128], strides = [1, 1]} : vector<2000x384xf32> to vector<2000x128xf32>
      %slice3A_54 = vector.extract_strided_slice %add3A_36 {offsets = [0, 256], sizes = [2000, 128], strides = [1, 1]} : vector<2000x384xf32> to vector<2000x128xf32>
      %mul3A = arith.mulf %logistic3A_43, %slice3A_54 : vector<2000x128xf32>
      %add3A_55 = arith.addf %slice3A_53, %mul3A : vector<2000x128xf32>
      %tanh3A = math.tanh %add3A_55 : vector<2000x128xf32>
      %sub3A = arith.constant 1.000000e+00 : f32
      %sub3A_56 = vector.broadcast %sub3A : f32 to vector<2000x128xf32>
      %sub3A_57 = arith.subf %sub3A_56, %logistic3A_52 : vector<2000x128xf32>
      %mul3A_58 = arith.mulf %sub3A_57, %tanh3A : vector<2000x128xf32>
      %mul3A_59 = arith.mulf %logistic3A_52, %get3A_17 : vector<2000x128xf32>
      %add3A_60 = arith.addf %mul3A_58, %mul3A_59 : vector<2000x128xf32>
      %get3A_61 = arith.constant 0 : index
      %get3A_62 = arith.constant 0 : index
      %get3A_63 = vector.load %arg9[%get3A_61, %get3A_62] : memref<128x128xf32, #tpu.memory_space<vmem>>, vector<128x128xf32>
      %dot_general3A_64 = arith.constant dense<0.000000e+00> : vector<2000x128xf32>
      %dot_general3A_65 = tpu.matmul %add3A_60, %get3A_63, %dot_general3A_64 {dimension_numbers = #tpu.dot_dimension_numbers<[1], [1], [0], [0], [0, 0, 1, 0], [], []>, transpose_lhs_hint = false} : vector<2000x128xf32>, vector<128x128xf32>, vector<2000x128xf32> -> vector<2000x128xf32>
      %get3A_66 = arith.constant 0 : index
      %get3A_67 = vector.load %arg10[%get3A_66] : memref<128xf32, #tpu.memory_space<vmem>>, vector<128xf32>
      %broadcast_in_dim3A_68 = vector.shape_cast %get3A_67 : vector<128xf32> to vector<1x128xf32>
      %add3A_69 = vector.broadcast %broadcast_in_dim3A_68 : vector<1x128xf32> to vector<2000x128xf32>
      %add3A_70 = arith.addf %dot_general3A_65, %add3A_69 : vector<2000x128xf32>
      %mul3A_71 = arith.constant 2000 : i32
      %mul3A_72 = arith.muli %arg0, %mul3A_71 : i32
      %multiple_of3A = tpu.assume_multiple %mul3A_72, 8 : i32
      %swap3A = arith.index_cast %multiple_of3A : i32 to index
      %swap3A_73 = arith.constant 0 : index
      %swap3A_74 = vector.load %arg17[%swap3A, %swap3A_73] : memref<10000x128xf32, #tpu.memory_space<vmem>>, vector<2000x128xf32>
      tpu.vector_store %arg17[%swap3A, %swap3A_73], %add3A_70 {strides = array<i32>} : memref<10000x128xf32, #tpu.memory_space<vmem>>, vector<2000x128xf32>,
      %reduce_sum3A = arith.constant dense<0.000000e+00> : vector<128xf32>
      %reduce_sum3A_75 = vector.multi_reduction <add>, %add3A_70, %reduce_sum3A [0] : vector<2000x128xf32> to vector<128xf32>
      %mul3A_76 = arith.mulf %add3A_70, %add3A_70 : vector<2000x128xf32>
      %reduce_sum3A_77 = arith.constant dense<0.000000e+00> : vector<128xf32>
      %reduce_sum3A_78 = vector.multi_reduction <add>, %mul3A_76, %reduce_sum3A_77 [0] : vector<2000x128xf32> to vector<128xf32>
      %stack3A = vector.shape_cast %reduce_sum3A_75 : vector<128xf32> to vector<1x128xf32>
      %stack3A_79 = vector.shape_cast %reduce_sum3A_78 : vector<128xf32> to vector<1x128xf32>
      %stack3A_80 = tpu.concatenate %stack3A, %stack3A_79 in 0 : vector<1x128xf32>, vector<1x128xf32> -> vector<2x128xf32>
      %eq3A_81 = arith.constant 0 : i32
      %eq3A_82 = arith.cmpi eq, %arg0, %eq3A_81 : i32
      %convert_element_type3A_83 = arith.extui %eq3A_82 : i1 to i32
      %cond3A_84 = arith.constant 0 : i32
      %cond3A_85 = arith.cmpi ne, %convert_element_type3A_83, %cond3A_84 : i32
      scf.if %cond3A_85 {
        %swap3A_90 = arith.constant 0 : index
        %swap3A_91 = arith.constant 0 : index
        %swap3A_92 = vector.load %arg18[%swap3A_90, %swap3A_91] : memref<2x128xf32, #tpu.memory_space<vmem>>, vector<2x128xf32>
        tpu.vector_store %arg18[%swap3A_90, %swap3A_91], %stack3A_80 {strides = array<i32>} : memref<2x128xf32, #tpu.memory_space<vmem>>, vector<2x128xf32>,
      } else {
      }
      %ne3A = arith.constant 0 : i32
      %ne3A_86 = arith.cmpi ne, %arg0, %ne3A : i32
      %convert_element_type3A_87 = arith.extui %ne3A_86 : i1 to i32
      %cond3A_88 = arith.constant 0 : i32
      %cond3A_89 = arith.cmpi ne, %convert_element_type3A_87, %cond3A_88 : i32
      scf.if %cond3A_89 {
        %get3A_90 = arith.constant 0 : index
        %get3A_91 = arith.constant 0 : index
        %get3A_92 = vector.load %arg18[%get3A_90, %get3A_91] : memref<2x128xf32, #tpu.memory_space<vmem>>, vector<2x128xf32>
        %add3A_93 = arith.addf %get3A_92, %stack3A_80 : vector<2x128xf32>
        %swap3A_94 = arith.constant 0 : index
        %swap3A_95 = arith.constant 0 : index
        %swap3A_96 = vector.load %arg18[%swap3A_94, %swap3A_95] : memref<2x128xf32, #tpu.memory_space<vmem>>, vector<2x128xf32>
        tpu.vector_store %arg18[%swap3A_94, %swap3A_95], %add3A_93 {strides = array<i32>} : memref<2x128xf32, #tpu.memory_space<vmem>>, vector<2x128xf32>,
      } else {
      }
    } else {
    }
    %eq3A = arith.constant 5 : i32
    %eq3A_2 = arith.cmpi eq, %arg0, %eq3A : i32
    %convert_element_type3A_3 = arith.extui %eq3A_2 : i1 to i32
    %cond3A_4 = arith.constant 0 : i32
    %cond3A_5 = arith.cmpi ne, %convert_element_type3A_3, %cond3A_4 : i32
    scf.if %cond3A_5 {
      %get3A = arith.constant 0 : index
      %get3A_6 = arith.constant 0 : index
      %get3A_7 = vector.load %arg18[%get3A, %get3A_6] : memref<2x128xf32, #tpu.memory_space<vmem>>, vector<1x128xf32>
      %get3A_8 = vector.shape_cast %get3A_7 : vector<1x128xf32> to vector<128xf32>
      %div3A = arith.constant 1.000000e+04 : f32
      %div3A_9 = vector.broadcast %div3A : f32 to vector<128xf32>
      %div3A_10 = arith.divf %get3A_8, %div3A_9 : vector<128xf32>
      %get3A_11 = arith.constant 1 : index
      %get3A_12 = arith.constant 0 : index
      %get3A_13 = vector.load %arg18[%get3A_11, %get3A_12] : memref<2x128xf32, #tpu.memory_space<vmem>>, vector<1x128xf32>
      %get3A_14 = vector.shape_cast %get3A_13 : vector<1x128xf32> to vector<128xf32>
      %div3A_15 = arith.constant 1.000000e+04 : f32
      %div3A_16 = vector.broadcast %div3A_15 : f32 to vector<128xf32>
      %div3A_17 = arith.divf %get3A_14, %div3A_16 : vector<128xf32>
      %mul3A = arith.mulf %div3A_10, %div3A_10 : vector<128xf32>
      %sub3A = arith.subf %div3A_17, %mul3A : vector<128xf32>
      %get3A_18 = arith.constant 0 : index
      %get3A_19 = vector.load %arg11[%get3A_18] : memref<128xf32, #tpu.memory_space<vmem>>, vector<128xf32>
      %add3A = arith.constant 9.99999974E-6 : f32
      %add3A_20 = vector.broadcast %add3A : f32 to vector<128xf32>
      %add3A_21 = arith.addf %sub3A, %add3A_20 : vector<128xf32>
      %rsqrt3A = math.rsqrt %add3A_21 : vector<128xf32>
      %mul3A_22 = arith.mulf %get3A_19, %rsqrt3A : vector<128xf32>
      %get3A_23 = arith.constant 0 : index
      %get3A_24 = arith.constant 0 : index
      %get3A_25 = vector.load %arg17[%get3A_23, %get3A_24] : memref<10000x128xf32, #tpu.memory_space<vmem>>, vector<10000x128xf32>
      %broadcast_in_dim3A = vector.shape_cast %div3A_10 : vector<128xf32> to vector<1x128xf32>
      %sub3A_26 = vector.broadcast %broadcast_in_dim3A : vector<1x128xf32> to vector<10000x128xf32>
      %sub3A_27 = arith.subf %get3A_25, %sub3A_26 : vector<10000x128xf32>
      %broadcast_in_dim3A_28 = vector.shape_cast %mul3A_22 : vector<128xf32> to vector<1x128xf32>
      %mul3A_29 = vector.broadcast %broadcast_in_dim3A_28 : vector<1x128xf32> to vector<10000x128xf32>
      %mul3A_30 = arith.mulf %sub3A_27, %mul3A_29 : vector<10000x128xf32>
      %get3A_31 = arith.constant 0 : index
      %get3A_32 = vector.load %arg12[%get3A_31] : memref<128xf32, #tpu.memory_space<vmem>>, vector<128xf32>
      %broadcast_in_dim3A_33 = vector.shape_cast %get3A_32 : vector<128xf32> to vector<1x128xf32>
      %add3A_34 = vector.broadcast %broadcast_in_dim3A_33 : vector<1x128xf32> to vector<10000x128xf32>
      %add3A_35 = arith.addf %mul3A_30, %add3A_34 : vector<10000x128xf32>
      %max3A = arith.constant 0.000000e+00 : f32
      %max3A_36 = vector.broadcast %max3A : f32 to vector<10000x128xf32>
      %max3A_37 = arith.maximumf %add3A_35, %max3A_36 : vector<10000x128xf32>
      %get3A_38 = arith.constant 0 : index
      %get3A_39 = arith.constant 0 : index
      %get3A_40 = vector.load %arg13[%get3A_38, %get3A_39] : memref<1x10000xi32, #tpu.memory_space<vmem>>, vector<1x10000xi32>
      %get3A_41 = vector.shape_cast %get3A_40 : vector<1x10000xi32> to vector<10000xi32>
      %broadcast_in_dim3A_42 = vector.shape_cast %get3A_41 : vector<10000xi32> to vector<10000x1xi32>
      %iota3A = tpu.iota {dimensions = array<i32: 1>} : vector<10000x64xi32>
      %eq3A_43 = vector.broadcast %broadcast_in_dim3A_42 : vector<10000x1xi32> to vector<10000x64xi32>
      %eq3A_44 = arith.cmpi eq, %eq3A_43, %iota3A : vector<10000x64xi32>
      %convert_element_type3A_45 = arith.extui %eq3A_44 : vector<10000x64xi1> to vector<10000x64xi32>
      %convert_element_type3A_46 = arith.sitofp %convert_element_type3A_45 : vector<10000x64xi32> to vector<10000x64xf32>
      %dot_general3A = arith.constant dense<0.000000e+00> : vector<64x128xf32>
      %dot_general3A_47 = tpu.matmul %convert_element_type3A_46, %max3A_37, %dot_general3A {dimension_numbers = #tpu.dot_dimension_numbers<[0], [0], [1], [1], [0, 1, 1, 1], [], []>, transpose_lhs_hint = false} : vector<10000x64xf32>, vector<10000x128xf32>, vector<64x128xf32> -> vector<64x128xf32>
      %reduce_sum3A = arith.constant dense<0.000000e+00> : vector<64xf32>
      %reduce_sum3A_48 = vector.multi_reduction <add>, %convert_element_type3A_46, %reduce_sum3A [0] : vector<10000x64xf32> to vector<64xf32>
      %max3A_49 = arith.constant 1.000000e+00 : f32
      %max3A_50 = vector.broadcast %max3A_49 : f32 to vector<64xf32>
      %max3A_51 = arith.maximumf %reduce_sum3A_48, %max3A_50 : vector<64xf32>
      %broadcast_in_dim3A_52 = vector.shape_cast %max3A_51 : vector<64xf32> to vector<64x1xf32>
      %div3A_53 = vector.broadcast %broadcast_in_dim3A_52 : vector<64x1xf32> to vector<64x128xf32>
      %div3A_54 = arith.divf %dot_general3A_47, %div3A_53 : vector<64x128xf32>
      %get3A_55 = arith.constant 0 : index
      %get3A_56 = arith.constant 0 : index
      %get3A_57 = vector.load %arg14[%get3A_55, %get3A_56] : memref<10x128xf32, #tpu.memory_space<vmem>>, vector<10x128xf32>
      %dot_general3A_58 = arith.constant dense<0.000000e+00> : vector<64x10xf32>
      %dot_general3A_59 = tpu.matmul %div3A_54, %get3A_57, %dot_general3A_58 {dimension_numbers = #tpu.dot_dimension_numbers<[1], [1], [0], [0], [0, 0, 1, 0], [], []>, transpose_lhs_hint = false} : vector<64x128xf32>, vector<10x128xf32>, vector<64x10xf32> -> vector<64x10xf32>
      %get3A_60 = arith.constant 0 : index
      %get3A_61 = vector.load %arg15[%get3A_60] : memref<10xf32, #tpu.memory_space<vmem>>, vector<10xf32>
      %broadcast_in_dim3A_62 = vector.shape_cast %get3A_61 : vector<10xf32> to vector<1x10xf32>
      %add3A_63 = vector.broadcast %broadcast_in_dim3A_62 : vector<1x10xf32> to vector<64x10xf32>
      %add3A_64 = arith.addf %dot_general3A_59, %add3A_63 : vector<64x10xf32>
      %reduce_max3A = arith.constant dense<0xFF800000> : vector<64xf32>
      %reduce_max3A_65 = vector.multi_reduction <maximumf>, %add3A_64, %reduce_max3A [1] : vector<64x10xf32> to vector<64xf32>
      %broadcast_in_dim3A_66 = vector.shape_cast %reduce_max3A_65 : vector<64xf32> to vector<64x1xf32>
      %sub3A_67 = vector.broadcast %broadcast_in_dim3A_66 : vector<64x1xf32> to vector<64x10xf32>
      %sub3A_68 = arith.subf %add3A_64, %sub3A_67 : vector<64x10xf32>
      %exp3A = math.exp %sub3A_68 : vector<64x10xf32>
      %reduce_sum3A_69 = arith.constant dense<0.000000e+00> : vector<64xf32>
      %reduce_sum3A_70 = vector.multi_reduction <add>, %exp3A, %reduce_sum3A_69 [1] : vector<64x10xf32> to vector<64xf32>
      %broadcast_in_dim3A_71 = vector.shape_cast %reduce_sum3A_70 : vector<64xf32> to vector<64x1xf32>
      %log3A = math.log %broadcast_in_dim3A_71 : vector<64x1xf32>
      %sub3A_72 = vector.broadcast %log3A : vector<64x1xf32> to vector<64x10xf32>
      %sub3A_73 = arith.subf %sub3A_68, %sub3A_72 : vector<64x10xf32>
      %swap3A = arith.constant 0 : index
      %swap3A_74 = arith.constant 0 : index
      %swap3A_75 = vector.load %arg16[%swap3A, %swap3A_74] : memref<64x10xf32, #tpu.memory_space<vmem>>, vector<64x10xf32>
      tpu.vector_store %arg16[%swap3A, %swap3A_74], %sub3A_73 {strides = array<i32>} : memref<64x10xf32, #tpu.memory_space<vmem>>, vector<64x10xf32>,
    } else {
    }
    return
  }
  func.func @transform_0(%arg0: i32) -> (i32, i32) {
    %min3A = arith.constant 4 : i32
    %min3A_0 = arith.minsi %arg0, %min3A : i32
    %c0_i32 = arith.constant 0 : i32
    %c0_i32_1 = arith.constant 0 : i32
    return %min3A_0, %c0_i32 : i32, i32
  }
  func.func @transform_1(%arg0: i32) -> (i32, i32) {
    %min3A = arith.constant 4 : i32
    %min3A_0 = arith.minsi %arg0, %min3A : i32
    %add3A = arith.constant 5 : i32
    %add3A_1 = arith.addi %min3A_0, %add3A : i32
    %c0_i32 = arith.constant 0 : i32
    %c0_i32_2 = arith.constant 0 : i32
    return %add3A_1, %c0_i32 : i32, i32
  }
  func.func @transform_2(%arg0: i32) -> (i32, i32) {
    %min3A = arith.constant 4 : i32
    %min3A_0 = arith.minsi %arg0, %min3A : i32
    %c0_i32 = arith.constant 0 : i32
    %c0_i32_1 = arith.constant 0 : i32
    return %min3A_0, %c0_i32 : i32, i32
  }
  func.func @transform_3(%arg0: i32) -> (i32, i32) {
    %c0_i32 = arith.constant 0 : i32
    %c0_i32_0 = arith.constant 0 : i32
    %c0_i32_1 = arith.constant 0 : i32
    return %c0_i32, %c0_i32_0 : i32, i32
  }
  func.func @transform_4(%arg0: i32) -> (i32, i32) {
    %c0_i32 = arith.constant 0 : i32
    %c0_i32_0 = arith.constant 0 : i32
    %c0_i32_1 = arith.constant 0 : i32
    return %c0_i32, %c0_i32_0 : i32, i32
  }
  func.func @transform_5(%arg0: i32) -> (i32, i32) {
    %c0_i32 = arith.constant 0 : i32
    %c0_i32_0 = arith.constant 0 : i32
    %c0_i32_1 = arith.constant 0 : i32
    return %c0_i32, %c0_i32_0 : i32, i32
  }
  func.func @transform_6(%arg0: i32) -> i32 {
    %c0_i32 = arith.constant 0 : i32
    %c0_i32_0 = arith.constant 0 : i32
    return %c0_i32 : i32
  }
  func.func @transform_7(%arg0: i32) -> i32 {
    %c0_i32 = arith.constant 0 : i32
    %c0_i32_0 = arith.constant 0 : i32
    return %c0_i32 : i32
  }
  func.func @transform_8(%arg0: i32) -> (i32, i32) {
    %c0_i32 = arith.constant 0 : i32
    %c0_i32_0 = arith.constant 0 : i32
    %c0_i32_1 = arith.constant 0 : i32
    return %c0_i32, %c0_i32_0 : i32, i32
  }
  func.func @transform_9(%arg0: i32) -> i32 {
    %c0_i32 = arith.constant 0 : i32
    %c0_i32_0 = arith.constant 0 : i32
    return %c0_i32 : i32
  }
  func.func @transform_10(%arg0: i32) -> i32 {
    %c0_i32 = arith.constant 0 : i32
    %c0_i32_0 = arith.constant 0 : i32
    return %c0_i32 : i32
  }
  func.func @transform_11(%arg0: i32) -> i32 {
    %c0_i32 = arith.constant 0 : i32
    %c0_i32_0 = arith.constant 0 : i32
    return %c0_i32 : i32
  }
  func.func @transform_12(%arg0: i32) -> (i32, i32) {
    %c0_i32 = arith.constant 0 : i32
    %c0_i32_0 = arith.constant 0 : i32
    %c0_i32_1 = arith.constant 0 : i32
    return %c0_i32, %c0_i32_0 : i32, i32
  }
  func.func @transform_13(%arg0: i32) -> (i32, i32) {
    %c0_i32 = arith.constant 0 : i32
    %c0_i32_0 = arith.constant 0 : i32
    %c0_i32_1 = arith.constant 0 : i32
    return %c0_i32, %c0_i32_0 : i32, i32
  }
  func.func @transform_14(%arg0: i32) -> i32 {
    %c0_i32 = arith.constant 0 : i32
    %c0_i32_0 = arith.constant 0 : i32
    return %c0_i32 : i32
  }
  func.func @transform_15(%arg0: i32) -> (i32, i32) {
    %c0_i32 = arith.constant 0 : i32
    %c0_i32_0 = arith.constant 0 : i32
    %c0_i32_1 = arith.constant 0 : i32
    return %c0_i32, %c0_i32_0 : i32, i32
  }
}

</mosaic_0001>

<sc_bundles>
// kernel: kernel.11.cloned.1.call-start
scs
__scs_entry_jumppad:
0x0: {  	(pc) =	sbr.rel $0x88, $3  }
0x1: {  	(tag) =	ssettag $0x0;
	lr =	simm.s32 $0x1  }
0x2: {  	[smem:$0x3F93] =	sst lr;
	_ =	strace $0xD0000000  }
0x3: {  	_ = 	snop  }
0x4: {  	_ = 	snop  }
0x5: {  	_ = 	snop  }
0x6: {  	_ = 	snop  }
0x7: {  	_ = 	snop  }
__scs_overlays_trampoline_lowered:
0x8: {  	[smem:$0x3FA2] =	sst s0  }
0x9: {  	[smem:$0x3FA3] =	sst s1  }
0xa: {  	[smem:$0x3FA4] =	sst s2  }
0xb: {  	[smem:$0x3FA5] =	sst s3  }
0xc: {  	[smem:$0x3FA6] =	sst s4  }
0xd: {  	[smem:$0x3FA7] =	sst s5  }
0xe: {  	[smem:$0x3FA8] =	sst s6  }
0xf: {  	[smem:$0x3FA9] =	sst s7  }
0x10: {  	[smem:$0x3FAA] =	sst s8  }
0x11: {  	[smem:$0x3FAB] =	sst s9;
	s0 =	simm.s32 @!p0 $0x0  }
0x12: {  	s1 =	sld [smem:$0x3F91];
	s0 =	simm.s32 @p0 $0x1  }
0x13: {  	[smem:$0x3FAC] =	sst s0;
	s0 =	simm.s32 @!p1 $0x0  }
0x14: {  	s2 =	sld [smem:$0x3F90];
	s0 =	simm.s32 @p1 $0x1  }
0x15: {  	[smem:$0x3FAD] =	sst s0;
	s0 =	simm.s32 @!p2 $0x0  }
0x16: {  	s3 =	sld [smem:$0x3FDB];
	s0 =	simm.s32 @p2 $0x1  }
0x17: {  	s4 =	simm.s32 $0x1BF5;
	[smem:$0x3FAF] =	sst s0  }
0x18: {  	s0 =	sld [smem:$0x3F92];
	_ =	swait.ge [sflag:s4], $0x0  }
0x19: {  	s7 =	sld [smem:$0x3F93]  }
0x1a: {  	s8 =	sadd.s32 $0xFFFFE003, lr  }
0x1b: {  	s9 =	sadd.s32 $0xFFFFFEF7, lr;
	s5 =	simm.s32 $0xFFFFFFFF;
	p2 =	slt.u32 s8, $0xFFFFF086  }
0x1c: {  	p1 =	slt.u32 s9, $0xF7A;
	s5 =	simm.s32 @!p2 $0x0  }
0x1d: {  	s5 =	simm.s32 @p1 $0x1;
	p0 =	seq.s32 s7, s2  }
0x1e: {  	s7 =	smul.u32 @!p0 $0xF7A, s2;
	p2 =	seq.s32 @!p0 s5, $0x0  }
0x1f: {  	s9 =	smul.u32 $0xF7A, s1;
	s8 =	simm.s32 @!p0 $0x1BF5;
	p2 =	por !p2, p0  }
0x20: {  	[sflag:s8] =	ssyncset.s32 @!p0 $0xFFFFF086;
	s6 =	sadd.s32 @!p0 s3, s7;
	s7 =	simm.s32 @!p0 $0x108  }
0x21: {  	s3 =	sadd.s32 s3, s9;
	s6 =	sadd.s32 @!p0 $0x88, s6;
	s7 =	simm.s32 @p2 $0x1082  }
0x22: {  	[simem:s7], [sflag:s8] =	dma.local @!p0 [hbm:s6], $0xF7A  }
0x23: {  	s9 =	sor.u32 $0xD0000000, s2;
	s6 =	simm.s32 $0x108;
	_ =	swait.ge @!p0 [sflag:s8], $0x0  }
0x24: {  	s3 =	sadd.s32 $0x88, s3;
	s6 =	simm.s32 @!p1 $0x1082;
	[sflag:s4] =	ssyncset.s32 $0xFFFFF086  }
0x25: {  	[simem:s6], [sflag:s4] =	dma.local [hbm:s3], $0xF7A  }
0x26: {  	[smem:$0x3F93] =	sst s1;
	(tag) =	ssettag s2;
	_ =	strace s9  }
0x27: {  	s1 =	sld [smem:$0x3FA3]  }
0x28: {  	s2 =	sld [smem:$0x3FA4]  }
0x29: {  	s4 =	sld [smem:$0x3FA6]  }
0x2a: {  	p0 =	seq.s32 s5, $0x0;
	s5 =	sld [smem:$0x3FA7]  }
0x2b: {  	s6 =	sld [smem:$0x3FA8]  }
0x2c: {  	s7 =	sld [smem:$0x3FA9]  }
0x2d: {  	s3 =	simm.s32 $0x108;
	s8 =	sld [smem:$0x3FAA]  }
0x2e: {  	s3 =	simm.s32 @!p0 $0x1082;
	s9 =	sld [smem:$0x3FAB]  }
0x2f: {  	lr =	sadd.s32 s0, s3;
	s0 =	sld [smem:$0x3FA2]  }
0x30: {  	s3 =	sld [smem:$0x3FA5]  }
0x31: {  	[smem:$0x3FAE] =	sst s10  }
0x32: {  	s10 =	sld [smem:$0x3FAC];
	_ =	sdelay $0x3  }
0x33: {  	p0 =	seq.s32 s10, $0x1;
	s10 =	sld [smem:$0x3FAE];
	_ =	sdelay $0x3  }
0x34: {  	[smem:$0x3FAE] =	sst s10  }
0x35: {  	s10 =	sld [smem:$0x3FAD];
	_ =	sdelay $0x3  }
0x36: {  	p1 =	seq.s32 s10, $0x1;
	s10 =	sld [smem:$0x3FAE];
	_ =	sdelay $0x3  }
0x37: {  	[smem:$0x3FAE] =	sst s10  }
0x38: {  	s10 =	sld [smem:$0x3FAF]  }
0x39: {  	_ = 	snop;
	(pc) =	sbr.ind lr, $3  }
0x3a: {  	_ = 	snop  }
0x3b: {  	_ = 	snop  }
0x3c: {  	p2 =	seq.s32 s10, $0x1;
	s10 =	sld [smem:$0x3FAE]  }
0x3d: {  	_ =	shalt  }
0x3e: {  	_ =	shalt  }
0x3f: {  	_ =	shalt  }
0x40: {  	_ =	shalt  }
0x41: {  	_ =	shalt  }
0x42: {  	_ =	shalt  }
0x43: {  	_ =	shalt  }
0x44: {  	_ =	shalt  }
0x45: {  	_ =	shalt  }
0x46: {  	_ =	shalt  }
0x47: {  	_ =	shalt  }
0x48: {  	_ =	shalt  }
0x49: {  	_ =	shalt  }
0x4a: {  	_ =	shalt  }
0x4b: {  	_ =	shalt  }
0x4c: {  	_ =	shalt  }
0x4d: {  	_ =	shalt  }
0x4e: {  	_ =	shalt  }
0x4f: {  	_ =	shalt  }
0x50: {  	_ =	shalt  }
0x51: {  	_ =	shalt  }
0x52: {  	_ =	shalt  }
0x53: {  	_ =	shalt  }
0x54: {  	_ =	shalt  }
0x55: {  	_ =	shalt  }
0x56: {  	_ =	shalt  }
0x57: {  	_ =	shalt  }
0x58: {  	_ =	shalt  }
0x59: {  	_ =	shalt  }
0x5a: {  	_ =	shalt  }
0x5b: {  	_ =	shalt  }
0x5c: {  	_ =	shalt  }
0x5d: {  	_ =	shalt  }
0x5e: {  	_ =	shalt  }
0x5f: {  	_ =	shalt  }
0x60: {  	_ =	shalt  }
0x61: {  	_ =	shalt  }
0x62: {  	_ =	shalt  }
0x63: {  	_ =	shalt  }
0x64: {  	_ =	shalt  }
0x65: {  	_ =	shalt  }
0x66: {  	_ =	shalt  }
0x67: {  	_ =	shalt  }
0x68: {  	_ =	shalt  }
0x69: {  	_ =	shalt  }
0x6a: {  	_ =	shalt  }
0x6b: {  	_ =	shalt  }
0x6c: {  	_ =	shalt  }
0x6d: {  	_ =	shalt  }
0x6e: {  	_ =	shalt  }
0x6f: {  	_ =	shalt  }
0x70: {  	_ =	shalt  }
0x71: {  	_ =	shalt  }
0x72: {  	_ =	shalt  }
0x73: {  	_ =	shalt  }
0x74: {  	_ =	shalt  }
0x75: {  	_ =	shalt  }
0x76: {  	_ =	shalt  }
0x77: {  	_ =	shalt  }
0x78: {  	_ =	shalt  }
0x79: {  	_ =	shalt  }
0x7a: {  	_ =	shalt  }
0x7b: {  	_ =	shalt  }
0x7c: {  	_ =	shalt  }
0x7d: {  	_ =	shalt  }
0x7e: {  	_ =	shalt  }
0x7f: {  	_ =	shalt  }
0x80: {  	_ =	shalt  }
0x81: {  	_ =	shalt  }
0x82: {  	_ =	shalt  }
0x83: {  	_ =	shalt  }
0x84: {  	_ =	shalt  }
0x85: {  	_ =	shalt  }
0x86: {  	_ =	shalt  }
0x87: {  	_ =	shalt  }
.Lfunc_end0:
.L_simem_size_0:
called_computation.1_lowered:
.L_overlay_start_0:
0x88: {  	s2 =	sld [smem:$0x3FD9]  }
0x89: {  	s3 =	sld [smem:$0x3FFE];
	_ =	sdelay $0x1  }
0x8a: {  	s1 =	srdreg.scid  }
0x8b: {  	s0 =	sand.u32 $0x1, s1  }
0x8c: {  	s16 =	sshll.u32 s0, $0xA;
	s2 =	sadd.s32 s3, s2  }
0x8d: {  	s2 =	sadd.s32 s2, s16  }
0x8e: {  	[smem:$0x3FBA] =	sst s2  }
0x8f: {  	_ = 	snop  }
0x90: {  	(tm) =	ssettm $0x1  }
0x91: {  	s17 =	sld [smem:$0x3FFB];
	_ =	sdelay $0x3  }
0x92: {  	_ =	strace s17  }
0x93: {  	s2 =	sld [smem:$0x3FFC];
	_ =	sdelay $0x3  }
0x94: {  	_ =	strace s2  }
0x95: {  	s2 =	sld [smem:$0x3FFD];
	_ =	sdelay $0x3  }
0x96: {  	_ =	strace s2  }
0x97: {  	_ =	strace $0x8FFFFFFF  }
0x98: {  	s18 =	sld [smem:$0x3FDB];
	_ =	sdelay $0x1  }
0x99: {  	s19 =	simm.s32 $_scs_section_size  }
0x9a: {  	s4 =	simm.s32 $_size__tile_overlayer_lowered;
	s5 =	simm.s32 $_tile_overlayer_lowered  }
0x9b: {  	s22 =	simm.s32 $0x1BFF;
	s21 =	sshll.u32 s5, $0x1;
	s2 =	sadd.s32 s19, s18  }
0x9c: {  	s6 =	simm.s32 $0x0;
	s20 =	sshll.u32 s4, $0x1;
	s4 =	sadd.s32 s21, s2  }
0x9d: {  	[timem:s6], [sflag:s22] =	dma.local [hbm:s4], s20  }
0x9e: {  	_ =	swait.ge [sflag:s22], s20  }
0x9f: {  	s3 =	ssub.s32 $0x0, s20;
	[sflag:s22] =	ssyncset.done $0x0  }
0xa0: {  	[sflag:s22] =	ssyncadd.s32 s3;
	_ =	sdelay $0x1  }
0xa1: {  	s23 =	simm.s32 $0x1B8B  }
0xa2: {  	_ =	swait.ge [sflag:s23], $0x1  }
0xa3: {  	[sflag:s23] =	ssyncset.done $0x0  }
0xa4: {  	s25 =	simm.s32 $0x1B8E;
	s24 =	sld [smem:$0x3FFE];
	[sflag:s23] =	ssyncadd.s32 $0xFFFFFFFF  }
0xa5: {  	s26 =	simm.s32 $execute0_lowered;
	[smem:$0x3FD2] =	sst s25  }
0xa6: {  	s4 =	sshll.u32 s26, $0x1;
	_ =	strace $0x80000049;
	[dreg:$0x1] =	wrdreg $0xFFFFFFFF  }
0xa7: {  	s28 =	simm.s32 $_size_execute0_lowered;
	s2 =	sadd.s32 s2, s4;
	[dreg:$0x0] =	wrdreg $0x0  }
0xa8: {  	s4 =	sshll.u32 s28, $0x1;
	[dreg:$0x2] =	wrdreg s2  }
0xa9: {  	[dreg:$0x3] =	wrdreg s4  }
0xaa: {  	[dreg:$0x4] =	wrdreg $0xC0  }
0xab: {  	_ =	task [dreg:s6], $0x5FFFF  }
0xac: {  	[dreg:$0x1] =	wrdreg $0xFFFFFFFF  }
0xad: {  	[dreg:$0x0] =	wrdreg $0x60  }
0xae: {  	[dreg:$0x2] =	wrdreg s24  }
0xaf: {  	[dreg:$0x3] =	wrdreg $0xC6000  }
0xb0: {  	[dreg:$0x4] =	wrdreg $0x9  }
0xb1: {  	_ =	task.clear_ibuf [dreg:s6], $0x5FFFF;
	_ =	strace $0x90000049  }
0xb2: {  	s29 =	simm.s32 $0x9;
	_ =	strace $0x8000004B  }
0xb3: {  	_ =	swait.ge [sflag:s29], $0x1  }
0xb4: {  	[sflag:s29] =	ssyncadd.s32 $0xFFFFFFFF  }
0xb5: {  	_ =	strace $0x9000004B  }
0xb6: {  	_ =	sfence  }
0xb7: {  	s30 =	sld [smem:$0x0];
	_ =	sdelay $0x2  }
0xb8: {  	s31 =	sshll.u32 s1, $0xD;
	s1 =	sshrl.u32 s1, $0x2  }
0xb9: {  	s3 =	sand.u32 $0x4000, s31;
	s1 =	sadd.s32 s1, s30  }
0xba: {  	s0 =	sor.u32 s3, s0;
	s1 =	sshll.u32 s1, $0x11  }
0xbb: {  	s0 =	sor.u32 s1, s0  }
0xbc: {  	s0 =	sadd.s32 $0x8F2B, s0  }
0xbd: {  	[sflag:s0] =	ssyncadd.remote.s32 $0x1  }
0xbe: {  	_ =	sfence.sel $0xFFFF  }
0xbf: {  	[dreg:$0x0] =	wrdreg $0xFFFFFFFF;
	(pc) =	sbr.abs _section_cstart, $3  }
0xc0: {  	[dreg:$0x1] =	wrdreg $0xFFFFFFFF  }
0xc1: {  	_ =	task.clear_ibuf [dreg:s6], $0x2FFFF;
	_ =	strace $0x9FFFFFFF  }
0xc2: {  	(tm) =	ssettm $0x7FFFFFFF  }
0xc3: {  	_ =	shalt  }
tec
execute0_lowered:
.L_overlay_start_1:
0x0: {  	(tag) =	ssettag $0x1  }
0x1: {  	s5 =	rddreg [dreg:$0x0]  }
0x2: {  	s1 =	rddreg [dreg:$0x1];
	s2 =	simm.s32 $0x0;
	s4 =	srdreg.scid  }
0x3: {  	s23 =	stileid.u32;
	[smem:$0x7FF] =	sst s2;
	s3 =	sadd.s32 $0x17000, s5  }
0x4: {  	s0 =	sadd.s32 $0xD200, s5;
	s13 =	sand.u32 $0x1, s4;
	s6 =	smul.u32 $0x4E000, s23  }
0x5: {  	s4 =	sadd.s32 $0x3400, s5;
	s14 =	smul.u32 $0x270, s23;
	s12 =	sadd.s32 $0x3E200, s5  }
0x6: {  	s10 =	smul.u32 $0x4E, s23;
	s19 =	smin.u32 s23, $0x2;
	p0 =	slt.u32 s23, $0x2  }
0x7: {  	_ =	strace $0x8000004A;
	s7 =	ssub.s32 $0x2, s13;
	s9 =	smul.u32 $0x4E2, s13  }
0x8: {  	s21 =	sshrl.u32 s7, $0x1;
	s6 =	sshrl.u32 s6, $0x2;
	s15 =	sadd.s32 $0x80, s14  }
0x9: {  	s16 =	sadd.s32 $0x100, s14;
	s17 =	sadd.s32 $0x180, s14;
	s18 =	sadd.s32 $0x200, s14  }
0xa: {  	s11 =	ssub.s32 s7, s21;
	s5 =	sadd.s32 s6, s1;
	s22 =	sshll.u32 s15, $0x7  }
0xb: {  	s24 =	sshll.u32 s16, $0x7;
	s8 =	sshll.u32 s17, $0x7;
	s10 =	sadd.s32 s10, s9  }
0xc: {  	s9 =	simm.s32 $0x4F;
	s20 =	sshll.u32 s18, $0x7;
	s21 =	smul.u32 $0x2710, s13  }
0xd: {  	s6 =	sadd.s32 s22, s1;
	s29 =	sadd.s32 s8, s1;
	s19 =	sadd.s32 s19, s10  }
0xe: {  	s9 =	simm.s32 @!p0 $0x4E;
	s31 =	sadd.s32 s20, s1;
	s20 =	sshll.u32 s19, $0x4  }
0xf: {  	s25 =	sadd.s32 $0xFFFFFFFE, s9;
	s26 =	sadd.s32 $0xFFFFFFFD, s9;
	[dreg:$0xc] =	wrdreg s31  }
0x10: {  	s10 =	sadd.s32 $0xFFFFFFFC, s9;
	s14 =	sadd.s32 s14, s21;
	[dreg:$0x5] =	wrdreg s25  }
0x11: {  	s15 =	sadd.s32 s21, s15;
	s22 =	sadd.s32 s21, s16;
	[dreg:$0x8] =	wrdreg s26  }
0x12: {  	s7 =	sadd.s32 s0, s20;
	s8 =	sadd.s32 s4, s20;
	[dreg:$0xb] =	wrdreg s10  }
0x13: {  	s14 =	sshll.u32 s14, $0x4;
	s15 =	sshll.u32 s15, $0x4;
	[dreg:$0xd] =	wrdreg s7  }
0x14: {  	s25 =	sadd.s32 s21, s17;
	s14 =	sadd.s32 s12, s14;
	[dreg:$0xe] =	wrdreg s8  }
0x15: {  	s10 =	sadd.s32 $0x40, s20;
	s19 =	sadd.s32 s12, s15;
	[dreg:$0xf] =	wrdreg s14  }
0x16: {  	s17 =	sshll.u32 s25, $0x4;
	s25 =	sadd.s32 $0x30, s8;
	[dreg:$0x10] =	wrdreg s19  }
0x17: {  	s26 =	sadd.s32 s21, s18;
	s16 =	sadd.s32 s10, s0;
	[dreg:$0x4] =	wrdreg s25  }
0x18: {  	s18 =	sshll.u32 s26, $0x4;
	s19 =	sadd.s32 s12, s17;
	[dreg:$0x6] =	wrdreg s16  }
0x19: {  	s26 =	sadd.s32 $0x50, s20;
	s21 =	sadd.s32 s12, s18;
	[dreg:$0x12] =	wrdreg s19  }
0x1a: {  	s14 =	sshll.u32 s22, $0x4;
	s22 =	sadd.s32 $0x30, s7;
	[dreg:$0x13] =	wrdreg s21  }
0x1b: {  	s7 =	sadd.s32 s26, s0;
	[dreg:$0x3] =	wrdreg s22  }
0x1c: {  	s8 =	sadd.s32 s26, s4;
	[dreg:$0x9] =	wrdreg s7  }
0x1d: {  	s28 =	simm.s32 $0x4;
	s26 =	smax.u32 s11, $0x1;
	[dreg:$0xa] =	wrdreg s8  }
0x1e: {  	s17 =	sadd.s32 $0x10, s20;
	s14 =	sadd.s32 s12, s14;
	[dreg:$0x1a] =	wrdreg s26  }
0x1f: {  	s30 =	simm.s32 $0x5;
	s18 =	sadd.s32 s0, s17;
	[dreg:$0x11] =	wrdreg s14  }
0x20: {  	s20 =	sadd.s32 $0x20, s20;
	s19 =	sadd.s32 s4, s17;
	[dreg:$0x14] =	wrdreg s18  }
0x21: {  	s13 =	smul.u32 $0x138800, s13;
	s0 =	sadd.s32 s0, s20;
	[dreg:$0x15] =	wrdreg s19  }
0x22: {  	p1 =	sne.s32 s23, $0x0;
	s21 =	sadd.s32 s4, s20;
	[dreg:$0x16] =	wrdreg s0  }
0x23: {  	s13 =	sshrl.u32 s13, $0x3;
	s22 =	sadd.s32 s10, s4;
	[dreg:$0x17] =	wrdreg s21  }
0x24: {  	s12 =	sadd.s32 s12, s13;
	s13 =	sadd.s32 $0x138000, s1;
	[dreg:$0x7] =	wrdreg s22  }
0x25: {  	s25 =	sadd.s32 $0x27000, s12;
	s0 =	simm.s32 @!p1 $0x0;
	[dreg:$0x18] =	wrdreg s13  }
0x26: {  	s24 =	sadd.s32 s24, s1;
	[dreg:$0x19] =	wrdreg s25;
	s0 =	simm.s32 @p1 $0x1  }
0x27: {  	v0 =	vimm.f32 $0.0e+00;
	s26 =	simm.s32 $0xA;
	s25 =	simm.s32 $0x600;
	[smem:$0x7FD] =	sst s0  }
.LBB2_1:
0x28: {  	s0 =	simm.s32 $0x0;
	s4 =	simm.s32 $0x200  }
.LBB2_2:
0x29: {  	p0 =	sne.s32 s4, $0xFE00;
	[tilespmem:s0+$0x670] =	vst v0  }
0x2a: {  	[tilespmem:s0+$0x600] =	vst v0  }
0x2b: {  	[tilespmem:s0+$0x610] =	vst v0  }
.Ltmp0:
0x2c: {  	[tilespmem:s0+$0x620] =	vst v0;
	(pc) =	sbr.rel @p0 .LBB2_2-.Ltmp0, $4  }
0x2d: {  	[tilespmem:s0+$0x630] =	vst v0  }
0x2e: {  	[tilespmem:s0+$0x640] =	vst v0  }
0x2f: {  	[tilespmem:s0+$0x650] =	vst v0  }
0x30: {  	[tilespmem:s0+$0x660] =	vst v0;
	s0 =	sshra.s32 s4, $0x2;
	s4 =	sadd.s32 $0x200, s4  }
0x31: {  	[tilespmem:s0+$0x670] =	vst v0  }
0x32: {  	[tilespmem:s0+$0x600] =	vst v0  }
0x33: {  	[tilespmem:s0+$0x610] =	vst v0  }
0x34: {  	[tilespmem:s0+$0x620] =	vst v0  }
0x35: {  	[tilespmem:s0+$0x630] =	vst v0  }
0x36: {  	[tilespmem:s0+$0x640] =	vst v0  }
0x37: {  	[tilespmem:s0+$0x650] =	vst v0  }
0x38: {  	[tilespmem:s0+$0x660] =	vst v0  }
0x39: {  	[spmem:s5] =	stream.linear.scatter [tilespmem:s25], [sflag:$0xA], $0x4000, $0x38;
	[tilespmem:$0x1FE80] =	vst v63  }
0x3a: {  	_ =	swait.ge [sflag:s26], $0x4000  }
0x3b: {  	[sflag:s26] =	ssyncset.done $0x0  }
0x3c: {  	[sflag:s26] =	ssyncadd.s32 $0xFFFFC000  }
0x3d: {  	[spmem:s6] =	stream.linear.scatter [tilespmem:s25], [sflag:$0xA], $0x4000, $0x38;
	[tilespmem:$0x1FE80] =	vst v63  }
0x3e: {  	_ =	swait.ge [sflag:s26], $0x4000  }
0x3f: {  	[sflag:s26] =	ssyncset.done $0x0  }
0x40: {  	[sflag:s26] =	ssyncadd.s32 $0xFFFFC000  }
0x41: {  	[spmem:s24] =	stream.linear.scatter [tilespmem:s25], [sflag:$0xA], $0x4000, $0x38;
	[tilespmem:$0x1FE80] =	vst v63  }
0x42: {  	_ =	swait.ge [sflag:s26], $0x4000  }
0x43: {  	[sflag:s26] =	ssyncset.done $0x0  }
0x44: {  	[sflag:s26] =	ssyncadd.s32 $0xFFFFC000  }
0x45: {  	[spmem:s29] =	stream.linear.scatter [tilespmem:s25], [sflag:$0xA], $0x4000, $0x38;
	[tilespmem:$0x1FE80] =	vst v63  }
0x46: {  	_ =	swait.ge [sflag:s26], $0x4000  }
0x47: {  	[sflag:s26] =	ssyncset.done $0x0  }
0x48: {  	[sflag:s26] =	ssyncadd.s32 $0xFFFFC000  }
0x49: {  	[spmem:s31] =	stream.linear.scatter [tilespmem:s25], [sflag:$0xA], $0x3800, $0x38;
	[tilespmem:$0x1FE80] =	vst v63  }
0x4a: {  	_ =	swait.ge [sflag:s26], $0x3800  }
0x4b: {  	[sflag:s26] =	ssyncset.done $0x0  }
0x4c: {  	s0 =	simm.s32 @!p1 $0x600;
	[sflag:s26] =	ssyncadd.s32 $0xFFFFC800  }
0x4d: {  	[spmem:s13] =	stream.linear.scatter @!p1 [tilespmem:s0], [sflag:$0xA], $0x800, $0x38;
	[tilespmem:$0x1FE80] =	vst v63  }
0x4e: {  	s0 =	simm.s32 @!p1 $0xA  }
0x4f: {  	_ =	swait.ge @!p1 [sflag:s0], $0x800  }
0x50: {  	[sflag:s0] =	ssyncset.done @!p1 $0x0  }
0x51: {  	s4 =	rddreg [dreg:$0xd];
	[sflag:s0] =	ssyncadd.s32 @!p1 $0xFFFFF800;
	s0 =	simm.s32 $0x0  }
0x52: {  	[tilespmem:s0], [sflag:$0x4] =	stream.linear.gather [hbm4b:s4+s0], $0x80, $0x38;
	[tilespmem:$0x1FE80] =	vst v63  }
0x53: {  	s15 =	simm.s32 $0x200;
	s14 =	rddreg [dreg:$0xe]  }
0x54: {  	[tilespmem:s15], [sflag:$0x4] =	stream.linear.gather [hbm4b:s14+s0], $0x80, $0x38;
	[tilespmem:$0x1FE80] =	vst v63  }
0x55: {  	s17 =	simm.s32 $0x80;
	s16 =	rddreg [dreg:$0x14]  }
0x56: {  	[tilespmem:s17], [sflag:$0x5] =	stream.linear.gather [hbm4b:s16+s0], $0x80, $0x38;
	[tilespmem:$0x1FE80] =	vst v63  }
0x57: {  	s19 =	simm.s32 $0x280;
	s18 =	rddreg [dreg:$0x15]  }
0x58: {  	[tilespmem:s19], [sflag:$0x5] =	stream.linear.gather [hbm4b:s18+s0], $0x80, $0x38;
	[tilespmem:$0x1FE80] =	vst v63  }
0x59: {  	s21 =	simm.s32 $0x100;
	s20 =	rddreg [dreg:$0x16]  }
0x5a: {  	[tilespmem:s21], [sflag:$0x6] =	stream.linear.gather [hbm4b:s20+s0], $0x80, $0x38;
	[tilespmem:$0x1FE80] =	vst v63  }
0x5b: {  	s10 =	smov.u32 s24;
	s24 =	simm.s32 $0x300;
	s23 =	rddreg [dreg:$0x17]  }
0x5c: {  	[tilespmem:s24], [sflag:$0x6] =	stream.linear.gather [hbm4b:s23+s0], $0x80, $0x38;
	[tilespmem:$0x1FE80] =	vst v63  }
0x5d: {  	_ =	swait.ge [sflag:s28], $0x80  }
0x5e: {  	[sflag:s28] =	ssyncset.done $0x0  }
0x5f: {  	[sflag:s28] =	ssyncadd.s32 $0xFFFFFF80  }
0x60: {  	_ =	swait.ge [sflag:s28], $0x80  }
0x61: {  	[sflag:s28] =	ssyncset.done $0x0  }
0x62: {  	p0 =	sle.u32 s9, $0x0;
	[sflag:s28] =	ssyncadd.s32 $0xFFFFFF80  }
0x63: {  	[tilespmem:s25], [sflag:$0x1] =	stream.indirect.gather [hbm4b:s3+s17], $0x80, s0, s17, $0xb8;
	[tilespmem:$0x1FE80] =	vst v63  }
0x64: {  	s0 =	smul.u32 @!p0 $0xAB, s0  }
0x65: {  	s7 =	smov.u32 s5;
	_ =	swait.ge [sflag:s30], $0x80  }
0x66: {  	s8 =	smov.u32 s6;
	[sflag:s30] =	ssyncset.done $0x0;
	s0 =	sshrl.u32 @!p0 s0, $0xA  }
0x67: {  	s22 =	smov.u32 s29;
	[sflag:s30] =	ssyncadd.s32 $0xFFFFFF80;
	s0 =	sand.u32 @!p0 $0x3F, s0  }
0x68: {  	p3 =	por $0x1, $0x1;
	_ =	swait.ge [sflag:s30], $0x80;
	s0 =	smul.u32 @!p0 $0x6, s0  }
0x69: {  	s12 =	simm.s32 $0x1;
	p4 =	sle.u32 s9, $0x3;
	[sflag:s30] =	ssyncset.done $0x0  }
0x6a: {  	s29 =	simm.s32 $0x4600;
	[sflag:s30] =	ssyncadd.s32 $0xFFFFFF80;
	s0 =	ssub.s32 @!p0 $0x0, s0  }
0x6b: {  	[tilespmem:s29], [sflag:$0x2] =	stream.indirect.gather [hbm4b:s3+s17], $0x80, s17, s17, $0xb8;
	[tilespmem:$0x1FE80] =	vst v63  }
0x6c: {  	p2 =	sle.u32 @!p0 s9, $0x3;
	s11 =	simm.s32 @!p3 $0x9;
	s0 =	sand.u32 @!p0 $0xFF, s0  }
0x6d: {  	s31 =	simm.s32 $0x30;
	s4 =	simm.s32 @!p0 $0x3;
	s0 =	sshll.u32 @!p0 s0, $0x7  }
0x6e: {  	[bflag:$0x0] =	sbarrier.arrive $0xFFFF;
	s0 =	sadd.s32 @!p0 $0x200, s0;
	p0 =	por p0, p0  }
0x6f: {  	p1 =	sle.u32 s9, $0x1;
	_ =	swait.ge @!p3 [sflag:s11], $0x4000;
	p2 =	por p2, p0  }
0x70: {  	[sflag:s11] =	ssyncset.done @!p3 $0x0;
	s13 =	simm.s32 @!p0 $0x1;
	s4 =	smul.u32 @!p2 $0xAB, s4  }
0x71: {  	s14 =	simm.s32 @!p0 $0x600;
	[sflag:s11] =	ssyncadd.s32 @!p3 $0xFFFFC000;
	s11 =	smul.u32 @!p1 $0xAB, s12  }
0x72: {  	s12 =	simm.s32 @!p0 $0x80;
	_ =	swait.ge @!p0 [sflag:s13], $0x4000;
	s4 =	sshrl.u32 @!p2 s4, $0xA  }
0x73: {  	s15 =	rddreg [dreg:$0x5];
	[sflag:s13] =	ssyncset.done @!p0 $0x0;
	s4 =	sand.u32 @!p2 $0x3F, s4  }
0x74: {  	s16 =	rddreg [dreg:$0x3];
	[sflag:s13] =	ssyncadd.s32 @!p0 $0xFFFFC000;
	s4 =	smul.u32 @!p2 $0x6, s4  }
0x75: {  	[spmem:s1] =	stream.indirect.scatter.add.f32 @!p0 [tilespmem:s14], [sflag:$0x7], $0x80, s0, s12, $0xb8;
	[tilespmem:$0x1FE80] =	vst v63  }
0x76: {  	s13 =	rddreg [dreg:$0x4];
	p3 =	sle.u32 @!p0 s15, $0x0;
	s0 =	sadd.s32 @!p2 $0x0, s16  }
0x77: {  	s12 =	simm.s32 @!p2 $0x0;
	p3 =	por p3, p0;
	s4 =	ssub.s32 @!p2 $0x3, s4  }
0x78: {  	[tilespmem:s12], [sflag:$0x4] =	stream.linear.gather @!p2 [hbm4b:s0+s12], $0x80, $0x38;
	[tilespmem:$0x1FE80] =	vst v63  }
0x79: {  	s14 =	simm.s32 @!p0 $0x7;
	s0 =	sshrl.u32 @!p1 s11, $0xA;
	s4 =	sand.u32 @!p2 $0xFF, s4  }
0x7a: {  	p1 =	por p1, p1;
	s11 =	sadd.s32 @!p2 $0x0, s13;
	s4 =	sshll.u32 @!p2 s4, $0x7  }
0x7b: {  	s13 =	simm.s32 @!p3 $0x6;
	s0 =	sand.u32 @!p1 $0x3F, s0;
	s4 =	sadd.s32 @!p2 $0x200, s4  }
0x7c: {  	[tilespmem:s4], [sflag:$0x4] =	stream.linear.gather @!p2 [hbm4b:s11+s12], $0x80, $0x38;
	[tilespmem:$0x1FE80] =	vst v63  }
0x7d: {  	s0 =	smul.u32 @!p1 $0x6, s0;
	p2 =	sle.u32 @!p1 s9, $0x4;
	_ =	swait.ge @!p3 [sflag:s13], $0x80  }
0x7e: {  	s4 =	simm.s32 @!p1 $0x4;
	p2 =	por p2, p1;
	[sflag:s13] =	ssyncset.done @!p3 $0x0  }
0x7f: {  	s0 =	ssub.s32 @!p1 $0x1, s0;
	s4 =	smul.u32 @!p2 $0xAB, s4;
	[sflag:s13] =	ssyncadd.s32 @!p3 $0xFFFFFF80  }
0x80: {  	s11 =	simm.s32 @!p3 $0x8600;
	s12 =	simm.s32 @!p3 $0x80;
	_ =	swait.ge @!p3 [sflag:s13], $0x80  }
0x81: {  	s0 =	sand.u32 @!p1 $0xFF, s0;
	s4 =	sshrl.u32 @!p2 s4, $0xA;
	[sflag:s13] =	ssyncset.done @!p3 $0x0  }
0x82: {  	s4 =	sand.u32 @!p2 $0x3F, s4;
	[sflag:s13] =	ssyncadd.s32 @!p3 $0xFFFFFF80;
	s13 =	simm.s32 @!p3 $0x100  }
0x83: {  	[tilespmem:s11], [sflag:$0x3] =	stream.indirect.gather @!p3 [hbm4b:s3+s12], $0x80, s13, s12, $0xb8;
	[tilespmem:$0x1FE80] =	vst v63  }
0x84: {  	s0 =	sshll.u32 @!p1 s0, $0x7;
	s4 =	smul.u32 @!p2 $0x6, s4;
	_ =	swait.ge @!p0 [sflag:s14], $0x4000  }
0x85: {  	s0 =	sadd.s32 @!p1 $0x200, s0;
	s11 =	simm.s32 @!p1 $0x2;
	[sflag:s14] =	ssyncset.done @!p0 $0x0  }
0x86: {  	s12 =	simm.s32 $0x2;
	s4 =	ssub.s32 @!p2 $0x4, s4;
	[sflag:s14] =	ssyncadd.s32 @!p0 $0xFFFFC000  }
0x87: {  	p0 =	sle.u32 s9, $0x2;
	s14 =	simm.s32 @!p1 $0x80;
	_ =	swait.ge @!p1 [sflag:s11], $0x4000  }
0x88: {  	s12 =	smul.u32 @!p0 $0xAB, s12;
	[sflag:s11] =	ssyncset.done @!p1 $0x0;
	s13 =	rddreg [dreg:$0x6]  }
0x89: {  	s15 =	rddreg [dreg:$0x8];
	[sflag:s11] =	ssyncadd.s32 @!p1 $0xFFFFC000;
	s11 =	simm.s32 @!p1 $0x4600  }
0x8a: {  	s13 =	sadd.s32 @!p2 $0x0, s13;
	p3 =	sle.u32 @!p1 s15, $0x0;
	s12 =	sshrl.u32 @!p0 s12, $0xA  }
0x8b: {  	[spmem:s1] =	stream.indirect.scatter.add.f32 @!p1 [tilespmem:s11], [sflag:$0x8], $0x80, s0, s14, $0xb8;
	[tilespmem:$0x1FE80] =	vst v63  }
0x8c: {  	s0 =	sand.u32 @!p2 $0xFF, s4;
	s4 =	rddreg [dreg:$0x7];
	s11 =	simm.s32 @!p2 $0x80  }
0x8d: {  	s14 =	simm.s32 @!p2 $0x0;
	p1 =	por p3, p1;
	s12 =	sand.u32 @!p0 $0x3F, s12  }
0x8e: {  	p3 =	sle.u32 @!p0 s9, $0x5;
	s0 =	sshll.u32 @!p2 s0, $0x7;
	s12 =	smul.u32 @!p0 $0x6, s12  }
0x8f: {  	[tilespmem:s11], [sflag:$0x5] =	stream.linear.gather @!p2 [hbm4b:s13+s14], $0x80, $0x38;
	[tilespmem:$0x1FE80] =	vst v63  }
0x90: {  	s4 =	sadd.s32 @!p2 $0x0, s4;
	s16 =	simm.s32 @!p1 $0x0;
	s11 =	simm.s32 @!p0 $0x5  }
0x91: {  	s0 =	sadd.s32 @!p2 $0x200, s0;
	s13 =	simm.s32 @!p1 $0x4;
	s12 =	ssub.s32 @!p0 $0x2, s12  }
0x92: {  	[tilespmem:s0], [sflag:$0x5] =	stream.linear.gather @!p2 [hbm4b:s4+s14], $0x80, $0x38;
	[tilespmem:$0x1FE80] =	vst v63  }
0x93: {  	p2 =	por p3, p0;
	s0 =	simm.s32 $0x3;
	_ =	swait.ge @!p1 [sflag:s13], $0x80  }
0x94: {  	s4 =	simm.s32 $0x6;
	p3 =	slt.u32 s9, $0x2;
	[sflag:s13] =	ssyncset.done @!p1 $0x0  }
0x95: {  	s14 =	simm.s32 @!p1 $0x600;
	s11 =	smul.u32 @!p2 $0xAB, s11;
	[sflag:s13] =	ssyncadd.s32 @!p1 $0xFFFFFF80  }
0x96: {  	s12 =	sand.u32 @!p0 $0xFF, s12;
	s15 =	simm.s32 @!p3 $0x8;
	_ =	swait.ge @!p1 [sflag:s13], $0x80  }
0x97: {  	s12 =	sshll.u32 @!p0 s12, $0x7;
	s11 =	sshrl.u32 @!p2 s11, $0xA;
	[sflag:s13] =	ssyncset.done @!p1 $0x0  }
0x98: {  	s11 =	sand.u32 @!p2 $0x3F, s11;
	[sflag:s13] =	ssyncadd.s32 @!p1 $0xFFFFFF80;
	s13 =	simm.s32 @!p1 $0x80  }
0x99: {  	[tilespmem:s14], [sflag:$0x1] =	stream.indirect.gather @!p1 [hbm4b:s3+s13], $0x80, s16, s13, $0xb8;
	[tilespmem:$0x1FE80] =	vst v63  }
0x9a: {  	s12 =	sadd.s32 @!p0 $0x200, s12;
	s11 =	smul.u32 @!p2 $0x6, s11;
	_ =	swait.ge @!p3 [sflag:s15], $0x4000  }
0x9b: {  	s13 =	smul.u32 @!p4 $0xAB, s0;
	s14 =	simm.s32 @!p0 $0x3;
	[sflag:s15] =	ssyncset.done @!p3 $0x0  }
0x9c: {  	s16 =	simm.s32 @!p0 $0x80;
	s11 =	ssub.s32 @!p2 $0x5, s11;
	[sflag:s15] =	ssyncadd.s32 @!p3 $0xFFFFC000  }
0x9d: {  	p1 =	sle.u32 s9, $0x4;
	s11 =	sand.u32 @!p2 $0xFF, s11;
	_ =	swait.ge @!p0 [sflag:s14], $0x4000  }
0x9e: {  	p5 =	por p1, p1;
	s11 =	sshll.u32 @!p2 s11, $0x7;
	[sflag:s14] =	ssyncset.done @!p0 $0x0  }
0x9f: {  	s15 =	simm.s32 @!p0 $0x8600;
	s11 =	sadd.s32 @!p2 $0x200, s11;
	[sflag:s14] =	ssyncadd.s32 @!p0 $0xFFFFC000  }
0xa0: {  	[spmem:s1] =	stream.indirect.scatter.add.f32 @!p0 [tilespmem:s15], [sflag:$0x9], $0x80, s12, s16, $0xb8;
	[tilespmem:$0x1FE80] =	vst v63  }
0xa1: {  	p3 =	sle.u32 @!p4 s9, $0x6;
	s14 =	rddreg [dreg:$0x9];
	s12 =	sshrl.u32 @!p4 s13, $0xA  }
0xa2: {  	s13 =	simm.s32 $0x4;
	s15 =	simm.s32 @!p2 $0x100;
	s14 =	sadd.s32 @!p2 $0x0, s14  }
0xa3: {  	s16 =	simm.s32 @!p2 $0x0;
	s12 =	sand.u32 @!p4 $0x3F, s12;
	s13 =	smul.u32 @!p1 $0xAB, s13  }
0xa4: {  	[tilespmem:s15], [sflag:$0x6] =	stream.linear.gather @!p2 [hbm4b:s14+s16], $0x80, $0x38;
	[tilespmem:$0x1FE80] =	vst v63  }
0xa5: {  	s18 =	rddreg [dreg:$0xb];
	s12 =	smul.u32 @!p4 $0x6, s12;
	s13 =	sshrl.u32 @!p1 s13, $0xA  }
0xa6: {  	s14 =	rddreg [dreg:$0xa];
	p1 =	por p4, p4;
	s13 =	sand.u32 @!p5 $0x3F, s13  }
0xa7: {  	s12 =	ssub.s32 @!p4 $0x3, s12;
	s17 =	smul.u32 @!p5 $0x6, s13;
	s13 =	sadd.s32 @!p2 $0x0, s14  }
0xa8: {  	[tilespmem:s11], [sflag:$0x6] =	stream.linear.gather @!p2 [hbm4b:s13+s16], $0x80, $0x38;
	[tilespmem:$0x1FE80] =	vst v63  }
0xa9: {  	s15 =	simm.s32 $0x30;
	s5 =	simm.s32 @!p1 $0x0;
	s11 =	sand.u32 @!p4 $0xFF, s12  }
0xaa: {  	s5 =	simm.s32 @p1 $0x1;
	s11 =	sshll.u32 @!p4 s11, $0x7;
	s12 =	ssub.s32 @!p5 $0x4, s17  }
0xab: {  	p2 =	sle.u32 @!p0 s18, $0x0;
	s17 =	sadd.s32 @!p4 $0x200, s11;
	s11 =	sand.u32 @!p5 $0xFF, s12  }
0xac: {  	s13 =	simm.s32 @!p4 $0x6;
	p0 =	por p2, p0;
	s11 =	sshll.u32 @!p5 s11, $0x7  }
0xad: {  	[smem:$0x7FC] =	sst s5;
	s14 =	sadd.s32 @!p5 $0x200, s11;
	s11 =	simm.s32 @!p0 $0x5  }
.LBB2_4:
0xae: {  	s5 =	simm.s32 @!p5 $0x0  }
0xaf: {  	s5 =	simm.s32 @p5 $0x1  }
0xb0: {  	s16 =	smov.u32 s4;
	s4 =	sadd.s32 $0x3, s4;
	[smem:$0x7F9] =	sst s5  }
0xb1: {  	p2 =	sne.s32 s4, $0x51;
	_ =	swait.ge @!p0 [sflag:s11], $0x80  }
0xb2: {  	s15 =	sadd.s32 $0x30, s15;
	s5 =	simm.s32 @!p2 $0x0;
	s21 =	sld [smem:$0x7FC]  }
0xb3: {  	s12 =	simm.s32 @!p0 $0x80;
	s5 =	simm.s32 @p2 $0x1;
	[sflag:s11] =	ssyncset.done @!p0 $0x0  }
0xb4: {  	s20 =	simm.s32 @!p0 $0x4600;
	[smem:$0x7FB] =	sst s5;
	[sflag:s11] =	ssyncadd.s32 @!p0 $0xFFFFFF80  }
0xb5: {  	p2 =	seq.s32 s0, $0x0;
	_ =	swait.ge @!p0 [sflag:s11], $0x80;
	p1 =	seq.s32 s21, $0x1  }
0xb6: {  	[sflag:s11] =	ssyncset.done @!p0 $0x0;
	s21 =	sadd.s32 @!p5 $0x4, s0;
	s18 =	simm.s32 @!p1 $0x80  }
0xb7: {  	s19 =	simm.s32 @!p1 $0x600;
	[sflag:s11] =	ssyncadd.s32 @!p0 $0xFFFFFF80;
	s11 =	sadd.s32 $0x2, s0  }
0xb8: {  	[tilespmem:s20], [sflag:$0x2] =	stream.indirect.gather @!p0 [hbm4b:s3+s12], $0x80, s12, s12, $0xb8;
	[tilespmem:$0x1FE80] =	vst v63  }
0xb9: {  	p3 =	por p3, p1;
	s12 =	simm.s32 @!p2 $0x9;
	s20 =	simm.s32 @!p1 $0x1  }
0xba: {  	p0 =	sge.u32 @!p5 s21, s9;
	p4 =	sge.u32 s11, s9;
	s24 =	smul.u32 @!p3 $0xAB, s13  }
0xbb: {  	_ =	swait.ge @!p2 [sflag:s12], $0x4000;
	p0 =	por p0, p5;
	s5 =	smul.u32 @!p4 $0xAB, s11  }
0xbc: {  	[sflag:s12] =	ssyncset.done @!p2 $0x0;
	s23 =	smul.u32 @!p0 $0xAB, s21;
	s24 =	sshrl.u32 @!p3 s24, $0xA  }
0xbd: {  	[sflag:s12] =	ssyncadd.s32 @!p2 $0xFFFFC000;
	s12 =	sadd.s32 @!p4 $0x5, s0;
	s24 =	sand.u32 @!p3 $0x3F, s24  }
0xbe: {  	s5 =	sshrl.u32 @!p4 s5, $0xA;
	_ =	swait.ge @!p1 [sflag:s20], $0x4000;
	s23 =	sshrl.u32 @!p0 s23, $0xA  }
0xbf: {  	p5 =	sge.u32 @!p4 s12, s9;
	[sflag:s20] =	ssyncset.done @!p1 $0x0;
	s23 =	sand.u32 @!p0 $0x3F, s23  }
0xc0: {  	s29 =	rddreg [dreg:$0x3];
	[sflag:s20] =	ssyncadd.s32 @!p1 $0xFFFFC000;
	s23 =	smul.u32 @!p0 $0x6, s23  }
0xc1: {  	[spmem:s1] =	stream.indirect.scatter.add.f32 @!p1 [tilespmem:s19], [sflag:$0x7], $0x80, s17, s18, $0xb8;
	[tilespmem:$0x1FE80] =	vst v63  }
0xc2: {  	s6 =	rddreg [dreg:$0x4];
	p6 =	por p5, p4;
	s17 =	smul.u32 @!p3 $0x6, s24  }
0xc3: {  	s20 =	rddreg [dreg:$0x5];
	s19 =	sadd.s32 @!p3 s31, s29;
	s21 =	ssub.s32 @!p0 s21, s23  }
0xc4: {  	s18 =	sand.u32 @!p0 $0xFF, s21;
	s21 =	simm.s32 @!p3 $0x0;
	s13 =	ssub.s32 @!p3 s13, s17  }
0xc5: {  	[tilespmem:s21], [sflag:$0x4] =	stream.linear.gather @!p3 [hbm4b:s19+s21], $0x80, $0x38;
	[tilespmem:$0x1FE80] =	vst v63  }
0xc6: {  	p5 =	sge.u32 s16, s9;
	p2 =	sge.u32 @!p1 s0, s20;
	s17 =	sand.u32 @!p3 $0xFF, s13  }
0xc7: {  	s6 =	sadd.s32 @!p3 s31, s6;
	p2 =	por p2, p1;
	s17 =	sshll.u32 @!p3 s17, $0x7  }
0xc8: {  	s20 =	smul.u32 @!p6 $0xAB, s12;
	s23 =	simm.s32 @!p2 $0x6;
	s17 =	sadd.s32 @!p3 $0x200, s17  }
0xc9: {  	[tilespmem:s17], [sflag:$0x4] =	stream.linear.gather @!p3 [hbm4b:s6+s21], $0x80, $0x38;
	[tilespmem:$0x1FE80] =	vst v63  }
0xca: {  	s19 =	sshrl.u32 @!p6 s20, $0xA;
	s20 =	smul.u32 @!p5 $0xAB, s16;
	_ =	swait.ge @!p2 [sflag:s23], $0x80  }
0xcb: {  	s19 =	sand.u32 @!p6 $0x3F, s19;
	s6 =	simm.s32 @!p2 $0x8600;
	[sflag:s23] =	ssyncset.done @!p2 $0x0  }
0xcc: {  	s17 =	smul.u32 @!p6 $0x6, s19;
	s19 =	sshrl.u32 @!p5 s20, $0xA;
	[sflag:s23] =	ssyncadd.s32 @!p2 $0xFFFFFF80  }
0xcd: {  	s20 =	simm.s32 @!p2 $0x80;
	s21 =	simm.s32 @!p1 $0x7;
	_ =	swait.ge @!p2 [sflag:s23], $0x80  }
0xce: {  	s19 =	sand.u32 @!p5 $0x3F, s19;
	s12 =	ssub.s32 @!p6 s12, s17;
	[sflag:s23] =	ssyncset.done @!p2 $0x0  }
0xcf: {  	s17 =	smul.u32 @!p5 $0x6, s19;
	s19 =	simm.s32 @!p2 $0x100;
	[sflag:s23] =	ssyncadd.s32 @!p2 $0xFFFFFF80  }
0xd0: {  	[tilespmem:s6], [sflag:$0x3] =	stream.indirect.gather @!p2 [hbm4b:s3+s20], $0x80, s19, s20, $0xb8;
	[tilespmem:$0x1FE80] =	vst v63  }
0xd1: {  	s13 =	sadd.s32 @!p5 $0x3, s16;
	s6 =	ssub.s32 @!p5 s16, s17;
	_ =	swait.ge @!p1 [sflag:s21], $0x4000  }
0xd2: {  	s6 =	sand.u32 @!p5 $0xFF, s6;
	[sflag:s21] =	ssyncset.done @!p1 $0x0;
	s23 =	sld [smem:$0x7F9]  }
0xd3: {  	s6 =	sshll.u32 @!p5 s6, $0x7;
	[sflag:s21] =	ssyncadd.s32 @!p1 $0xFFFFC000;
	p1 =	sge.u32 @!p5 s13, s9  }
0xd4: {  	s5 =	sand.u32 @!p4 $0x3F, s5;
	s17 =	sadd.s32 @!p5 $0x200, s6;
	s6 =	simm.s32 @!p1 $0x0  }
0xd5: {  	s5 =	smul.u32 @!p4 $0x6, s5;
	s6 =	simm.s32 @p1 $0x1;
	p1 =	seq.s32 s23, $0x1  }
0xd6: {  	s18 =	sshll.u32 @!p0 s18, $0x7;
	[smem:$0x7FA] =	sst s6;
	s6 =	simm.s32 @!p1 $0x2  }
0xd7: {  	s24 =	simm.s32 @!p0 $0x80;
	s18 =	sadd.s32 @!p0 $0x200, s18;
	_ =	swait.ge @!p1 [sflag:s6], $0x4000  }
0xd8: {  	s23 =	simm.s32 @!p1 $0x80;
	[sflag:s6] =	ssyncset.done @!p1 $0x0;
	s20 =	rddreg [dreg:$0x6]  }
0xd9: {  	s29 =	rddreg [dreg:$0x8];
	[sflag:s6] =	ssyncadd.s32 @!p1 $0xFFFFC000;
	s6 =	simm.s32 @!p1 $0x4600  }
0xda: {  	[spmem:s1] =	stream.indirect.scatter.add.f32 @!p1 [tilespmem:s6], [sflag:$0x8], $0x80, s14, s23, $0xb8;
	[tilespmem:$0x1FE80] =	vst v63  }
0xdb: {  	s19 =	sadd.s32 $0x1, s16;
	p2 =	sge.u32 @!p1 s0, s29;
	s6 =	sadd.s32 @!p0 s31, s20  }
0xdc: {  	s14 =	simm.s32 @!p0 $0x0;
	p2 =	por p2, p1;
	p1 =	por p5, p5  }
0xdd: {  	[tilespmem:s24], [sflag:$0x5] =	stream.linear.gather @!p0 [hbm4b:s6+s14], $0x80, $0x38;
	[tilespmem:$0x1FE80] =	vst v63  }
0xde: {  	p3 =	sge.u32 s19, s9;
	s21 =	rddreg [dreg:$0x7];
	s6 =	simm.s32 @!p1 $0x0  }
0xdf: {  	s21 =	sadd.s32 @!p0 s31, s21;
	s20 =	smul.u32 @!p3 $0xAB, s19;
	s6 =	simm.s32 @p1 $0x1  }
0xe0: {  	[tilespmem:s18], [sflag:$0x5] =	stream.linear.gather @!p0 [hbm4b:s21+s14], $0x80, $0x38;
	[tilespmem:$0x1FE80] =	vst v63  }
0xe1: {  	p5 =	por p3, p3;
	[smem:$0x7FC] =	sst s6;
	s14 =	simm.s32 @!p2 $0x4  }
0xe2: {  	s24 =	sld [smem:$0x7FA];
	s6 =	sshrl.u32 @!p3 s20, $0xA;
	_ =	swait.ge @!p2 [sflag:s14], $0x80  }
0xe3: {  	s5 =	ssub.s32 @!p4 s11, s5;
	s6 =	sand.u32 @!p5 $0x3F, s6;
	[sflag:s14] =	ssyncset.done @!p2 $0x0  }
0xe4: {  	s5 =	sand.u32 @!p4 $0xFF, s5;
	s6 =	smul.u32 @!p5 $0x6, s6;
	[sflag:s14] =	ssyncadd.s32 @!p2 $0xFFFFFF80  }
0xe5: {  	s18 =	simm.s32 @!p2 $0x600;
	p0 =	sgt.u32 s11, s9;
	_ =	swait.ge @!p2 [sflag:s14], $0x80  }
0xe6: {  	s11 =	simm.s32 @!p0 $0x8;
	s6 =	ssub.s32 @!p5 s19, s6;
	[sflag:s14] =	ssyncset.done @!p2 $0x0  }
0xe7: {  	s19 =	simm.s32 @!p2 $0x0;
	[sflag:s14] =	ssyncadd.s32 @!p2 $0xFFFFFF80;
	s14 =	simm.s32 @!p2 $0x80  }
0xe8: {  	[tilespmem:s18], [sflag:$0x1] =	stream.indirect.gather @!p2 [hbm4b:s3+s14], $0x80, s19, s14, $0xb8;
	[tilespmem:$0x1FE80] =	vst v63  }
0xe9: {  	s5 =	sshll.u32 @!p4 s5, $0x7;
	s6 =	sand.u32 @!p5 $0xFF, s6;
	_ =	swait.ge @!p0 [sflag:s11], $0x4000  }
0xea: {  	s12 =	sand.u32 @!p6 $0xFF, s12;
	s6 =	sshll.u32 @!p5 s6, $0x7;
	[sflag:s11] =	ssyncset.done @!p0 $0x0  }
0xeb: {  	s14 =	sadd.s32 @!p5 $0x200, s6;
	s6 =	simm.s32 @!p4 $0x3;
	[sflag:s11] =	ssyncadd.s32 @!p0 $0xFFFFC000  }
0xec: {  	s5 =	sadd.s32 @!p4 $0x200, s5;
	s12 =	sshll.u32 @!p6 s12, $0x7;
	_ =	swait.ge @!p4 [sflag:s6], $0x4000  }
0xed: {  	s12 =	sadd.s32 @!p6 $0x200, s12;
	s18 =	simm.s32 @!p4 $0x80;
	s19 =	rddreg [dreg:$0x9]  }
0xee: {  	s11 =	simm.s32 @!p4 $0x8600;
	[sflag:s6] =	ssyncset.done @!p4 $0x0;
	s29 =	sld [smem:$0x7FB]  }
0xef: {  	s20 =	rddreg [dreg:$0xa];
	[sflag:s6] =	ssyncadd.s32 @!p4 $0xFFFFC000;
	s6 =	simm.s32 @!p6 $0x100  }
0xf0: {  	[spmem:s1] =	stream.indirect.scatter.add.f32 @!p4 [tilespmem:s11], [sflag:$0x9], $0x80, s5, s18, $0xb8;
	[tilespmem:$0x1FE80] =	vst v63  }
0xf1: {  	s5 =	sadd.s32 @!p6 s31, s19;
	s18 =	rddreg [dreg:$0xb];
	p2 =	seq.s32 s29, $0x1  }
.Ltmp1:
0xf2: {  	s11 =	simm.s32 @!p6 $0x0;
	p0 =	sge.u32 @!p4 s0, s18;
	(pc) =	sbr.rel @p2 .LBB2_4-.Ltmp1, $4  }
0xf3: {  	[tilespmem:s6], [sflag:$0x6] =	stream.linear.gather @!p6 [hbm4b:s5+s11], $0x80, $0x38;
	[tilespmem:$0x1FE80] =	vst v63  }
0xf4: {  	p3 =	seq.s32 s24, $0x1;
	s5 =	sadd.s32 @!p6 s31, s20;
	p0 =	por p0, p4  }
0xf5: {  	[tilespmem:s12], [sflag:$0x6] =	stream.linear.gather @!p6 [hbm4b:s5+s11], $0x80, $0x38;
	[tilespmem:$0x1FE80] =	vst v63  }
0xf6: {  	s0 =	smov.u32 s16;
	s31 =	smov.u32 s15;
	s11 =	simm.s32 @!p0 $0x5  }
0xf7: {  	_ =	swait.ge @!p0 [sflag:s11], $0x80  }
0xf8: {  	[sflag:s11] =	ssyncset.done @!p0 $0x0  }
0xf9: {  	[sflag:s11] =	ssyncadd.s32 @!p0 $0xFFFFFF80  }
0xfa: {  	_ =	swait.ge @!p0 [sflag:s11], $0x80  }
0xfb: {  	[sflag:s11] =	ssyncset.done @!p0 $0x0  }
0xfc: {  	s4 =	simm.s32 @!p0 $0x80;
	s5 =	simm.s32 @!p0 $0x4600;
	[sflag:s11] =	ssyncadd.s32 @!p0 $0xFFFFFF80  }
0xfd: {  	[tilespmem:s5], [sflag:$0x2] =	stream.indirect.gather @!p0 [hbm4b:s3+s4], $0x80, s4, s4, $0xb8;
	[tilespmem:$0x1FE80] =	vst v63  }
0xfe: {  	p0 =	seq.s32 s0, $0x0  }
0xff: {  	s4 =	simm.s32 @!p0 $0x9  }
0x100: {  	_ =	swait.ge @!p0 [sflag:s4], $0x4000  }
0x101: {  	s6 =	sld [smem:$0x7FC];
	_ =	sdelay $0x2  }
0x102: {  	[sflag:s4] =	ssyncset.done @!p0 $0x0;
	p1 =	seq.s32 s6, $0x1  }
0x103: {  	[sflag:s4] =	ssyncadd.s32 @!p0 $0xFFFFC000;
	s4 =	simm.s32 @!p1 $0x1  }
0x104: {  	_ =	swait.ge @!p1 [sflag:s4], $0x4000  }
0x105: {  	s5 =	simm.s32 @!p1 $0x80;
	p0 =	por p3, p1;
	[sflag:s4] =	ssyncset.done @!p1 $0x0  }
0x106: {  	s6 =	simm.s32 @!p1 $0x600;
	[sflag:s4] =	ssyncadd.s32 @!p1 $0xFFFFC000;
	s4 =	smul.u32 @!p0 $0xAB, s13  }
0x107: {  	[spmem:s1] =	stream.indirect.scatter.add.f32 @!p1 [tilespmem:s6], [sflag:$0x7], $0x80, s17, s5, $0xb8;
	[tilespmem:$0x1FE80] =	vst v63  }
0x108: {  	s4 =	sshrl.u32 @!p0 s4, $0xA  }
0x109: {  	s5 =	rddreg [dreg:$0x3];
	s4 =	sand.u32 @!p0 $0x3F, s4  }
0x10a: {  	s11 =	simm.s32 @!p0 $0x0;
	s5 =	sadd.s32 @!p0 s31, s5;
	s4 =	smul.u32 @!p0 $0x6, s4  }
0x10b: {  	[tilespmem:s11], [sflag:$0x4] =	stream.linear.gather @!p0 [hbm4b:s5+s11], $0x80, $0x38;
	[tilespmem:$0x1FE80] =	vst v63  }
0x10c: {  	s4 =	ssub.s32 @!p0 s13, s4  }
0x10d: {  	s4 =	sand.u32 @!p0 $0xFF, s4  }
0x10e: {  	s6 =	rddreg [dreg:$0x4];
	s4 =	sshll.u32 @!p0 s4, $0x7  }
0x10f: {  	s6 =	sadd.s32 @!p0 s31, s6;
	s5 =	rddreg [dreg:$0x5];
	s4 =	sadd.s32 @!p0 $0x200, s4  }
0x110: {  	[tilespmem:s4], [sflag:$0x4] =	stream.linear.gather @!p0 [hbm4b:s6+s11], $0x80, $0x38;
	[tilespmem:$0x1FE80] =	vst v63  }
0x111: {  	p0 =	sge.u32 @!p1 s0, s5  }
0x112: {  	p0 =	por p0, p1  }
0x113: {  	s4 =	simm.s32 @!p0 $0x6  }
0x114: {  	_ =	swait.ge @!p0 [sflag:s4], $0x80  }
0x115: {  	[sflag:s4] =	ssyncset.done @!p0 $0x0  }
0x116: {  	[sflag:s4] =	ssyncadd.s32 @!p0 $0xFFFFFF80  }
0x117: {  	_ =	swait.ge @!p0 [sflag:s4], $0x80  }
0x118: {  	s5 =	sadd.s32 @!p5 $0x4, s0;
	s6 =	simm.s32 @!p0 $0x8600;
	[sflag:s4] =	ssyncset.done @!p0 $0x0  }
0x119: {  	s11 =	simm.s32 @!p0 $0x80;
	[sflag:s4] =	ssyncadd.s32 @!p0 $0xFFFFFF80;
	s4 =	simm.s32 @!p0 $0x100  }
0x11a: {  	[tilespmem:s6], [sflag:$0x3] =	stream.indirect.gather @!p0 [hbm4b:s3+s11], $0x80, s4, s11, $0xb8;
	[tilespmem:$0x1FE80] =	vst v63  }
0x11b: {  	p0 =	sge.u32 @!p5 s5, s9;
	s4 =	simm.s32 @!p1 $0x7  }
0x11c: {  	p0 =	por p0, p5;
	_ =	swait.ge @!p1 [sflag:s4], $0x4000  }
0x11d: {  	s6 =	smul.u32 @!p0 $0xAB, s5;
	[sflag:s4] =	ssyncset.done @!p1 $0x0  }
0x11e: {  	[sflag:s4] =	ssyncadd.s32 @!p1 $0xFFFFC000;
	s4 =	simm.s32 @!p5 $0x2  }
0x11f: {  	s6 =	sshrl.u32 @!p0 s6, $0xA;
	_ =	swait.ge @!p5 [sflag:s4], $0x4000  }
0x120: {  	s11 =	simm.s32 @!p5 $0x80;
	s6 =	sand.u32 @!p0 $0x3F, s6;
	[sflag:s4] =	ssyncset.done @!p5 $0x0  }
0x121: {  	s6 =	smul.u32 @!p0 $0x6, s6;
	[sflag:s4] =	ssyncadd.s32 @!p5 $0xFFFFC000;
	s4 =	simm.s32 @!p5 $0x4600  }
0x122: {  	[spmem:s1] =	stream.indirect.scatter.add.f32 @!p5 [tilespmem:s4], [sflag:$0x8], $0x80, s14, s11, $0xb8;
	[tilespmem:$0x1FE80] =	vst v63  }
0x123: {  	s4 =	rddreg [dreg:$0x6]  }
0x124: {  	s12 =	simm.s32 @!p0 $0x80;
	s11 =	rddreg [dreg:$0x7];
	s5 =	ssub.s32 @!p0 s5, s6  }
0x125: {  	s6 =	rddreg [dreg:$0x8];
	s4 =	sadd.s32 @!p0 s31, s4;
	s5 =	sand.u32 @!p0 $0xFF, s5  }
0x126: {  	p2 =	sge.u32 @!p5 s0, s6;
	s6 =	simm.s32 @!p0 $0x0;
	s5 =	sshll.u32 @!p0 s5, $0x7  }
0x127: {  	[tilespmem:s12], [sflag:$0x5] =	stream.linear.gather @!p0 [hbm4b:s4+s6], $0x80, $0x38;
	[tilespmem:$0x1FE80] =	vst v63  }
0x128: {  	p1 =	por p2, p5;
	s4 =	sadd.s32 @!p0 $0x200, s5;
	s5 =	sadd.s32 @!p0 s31, s11  }
0x129: {  	[tilespmem:s4], [sflag:$0x5] =	stream.linear.gather @!p0 [hbm4b:s5+s6], $0x80, $0x38;
	[tilespmem:$0x1FE80] =	vst v63  }
0x12a: {  	s4 =	simm.s32 @!p1 $0x4  }
0x12b: {  	_ =	swait.ge @!p1 [sflag:s4], $0x80  }
0x12c: {  	[sflag:s4] =	ssyncset.done @!p1 $0x0  }
0x12d: {  	[sflag:s4] =	ssyncadd.s32 @!p1 $0xFFFFFF80  }
0x12e: {  	s11 =	simm.s32 @!p1 $0x600;
	s5 =	sadd.s32 $0x2, s0;
	_ =	swait.ge @!p1 [sflag:s4], $0x80  }
0x12f: {  	s12 =	simm.s32 @!p1 $0x0;
	p0 =	sge.u32 s5, s9;
	[sflag:s4] =	ssyncset.done @!p1 $0x0  }
0x130: {  	s6 =	smul.u32 @!p0 $0xAB, s5;
	[sflag:s4] =	ssyncadd.s32 @!p1 $0xFFFFFF80;
	s4 =	simm.s32 @!p1 $0x80  }
0x131: {  	[tilespmem:s11], [sflag:$0x1] =	stream.indirect.gather @!p1 [hbm4b:s3+s4], $0x80, s12, s4, $0xb8;
	[tilespmem:$0x1FE80] =	vst v63  }
0x132: {  	s4 =	sshrl.u32 @!p0 s6, $0xA  }
0x133: {  	p1 =	sgt.u32 s5, s9;
	s4 =	sand.u32 @!p0 $0x3F, s4  }
0x134: {  	s6 =	simm.s32 @!p1 $0x8;
	s4 =	smul.u32 @!p0 $0x6, s4  }
0x135: {  	s11 =	sadd.s32 @!p0 $0x5, s0;
	_ =	swait.ge @!p1 [sflag:s6], $0x4000  }
0x136: {  	s12 =	simm.s32 @!p0 $0x8600;
	[sflag:s6] =	ssyncset.done @!p1 $0x0;
	s4 =	ssub.s32 @!p0 s5, s4  }
0x137: {  	[sflag:s6] =	ssyncadd.s32 @!p1 $0xFFFFC000;
	p1 =	sge.u32 @!p0 s11, s9;
	s5 =	simm.s32 @!p0 $0x3  }
0x138: {  	s4 =	sand.u32 @!p0 $0xFF, s4;
	p1 =	por p1, p0;
	_ =	swait.ge @!p0 [sflag:s5], $0x4000  }
0x139: {  	s4 =	sshll.u32 @!p0 s4, $0x7;
	s6 =	smul.u32 @!p1 $0xAB, s11;
	[sflag:s5] =	ssyncset.done @!p0 $0x0  }
0x13a: {  	s4 =	sadd.s32 @!p0 $0x200, s4;
	[sflag:s5] =	ssyncadd.s32 @!p0 $0xFFFFC000;
	s5 =	simm.s32 @!p0 $0x80  }
0x13b: {  	[spmem:s1] =	stream.indirect.scatter.add.f32 @!p0 [tilespmem:s12], [sflag:$0x9], $0x80, s4, s5, $0xb8;
	[tilespmem:$0x1FE80] =	vst v63  }
0x13c: {  	s4 =	sshrl.u32 @!p1 s6, $0xA  }
0x13d: {  	s5 =	rddreg [dreg:$0x9];
	s6 =	simm.s32 @!p1 $0x100;
	s4 =	sand.u32 @!p1 $0x3F, s4  }
0x13e: {  	s12 =	simm.s32 @!p1 $0x0;
	s5 =	sadd.s32 @!p1 s31, s5;
	s4 =	smul.u32 @!p1 $0x6, s4  }
0x13f: {  	[tilespmem:s6], [sflag:$0x6] =	stream.linear.gather @!p1 [hbm4b:s5+s12], $0x80, $0x38;
	[tilespmem:$0x1FE80] =	vst v63  }
0x140: {  	s4 =	ssub.s32 @!p1 s11, s4  }
0x141: {  	s4 =	sand.u32 @!p1 $0xFF, s4  }
0x142: {  	s5 =	rddreg [dreg:$0xa];
	s4 =	sshll.u32 @!p1 s4, $0x7  }
0x143: {  	s6 =	rddreg [dreg:$0xb];
	s5 =	sadd.s32 @!p1 s31, s5;
	s4 =	sadd.s32 @!p1 $0x200, s4  }
0x144: {  	[tilespmem:s4], [sflag:$0x6] =	stream.linear.gather @!p1 [hbm4b:s5+s12], $0x80, $0x38;
	[tilespmem:$0x1FE80] =	vst v63  }
0x145: {  	p1 =	sge.u32 @!p0 s0, s6  }
0x146: {  	p0 =	por p1, p0  }
0x147: {  	s0 =	simm.s32 @!p0 $0x5  }
0x148: {  	_ =	swait.ge @!p0 [sflag:s0], $0x80  }
0x149: {  	[sflag:s0] =	ssyncset.done @!p0 $0x0  }
0x14a: {  	[sflag:s0] =	ssyncadd.s32 @!p0 $0xFFFFFF80  }
0x14b: {  	_ =	swait.ge @!p0 [sflag:s0], $0x80  }
0x14c: {  	s11 =	stileid.u32;
	[sflag:s0] =	ssyncset.done @!p0 $0x0  }
0x14d: {  	s4 =	simm.s32 @!p0 $0x80;
	[sflag:s0] =	ssyncadd.s32 @!p0 $0xFFFFFF80;
	s0 =	simm.s32 @!p0 $0x4600  }
0x14e: {  	[tilespmem:s0], [sflag:$0x2] =	stream.indirect.gather @!p0 [hbm4b:s3+s4], $0x80, s4, s4, $0xb8;
	[tilespmem:$0x1FE80] =	vst v63  }
0x14f: {  	s0 =	sshll.u32 s11, $0x6;
	[bflag:$0x0] =	sbarrier.arrive $0xFFFF  }
0x150: {  	s12 =	sshrl.u32 s7, $0x3;
	s0 =	sor.u32 $0x1C0A, s0;
	s13 =	rddreg [dreg:$0xf]  }
0x151: {  	[hbm:s13], [sflag:s0] =	dma.local [spmem:s12], $0x800  }
0x152: {  	_ =	swait.ge [sflag:s26], $0x800  }
0x153: {  	[sflag:s26] =	ssyncset.done $0x0  }
0x154: {  	s14 =	sshrl.u32 s8, $0x3;
	s15 =	rddreg [dreg:$0x10];
	[sflag:s26] =	ssyncadd.s32 $0xFFFFF800  }
0x155: {  	[hbm:s15], [sflag:s0] =	dma.local [spmem:s14], $0x800  }
0x156: {  	_ =	swait.ge [sflag:s26], $0x800  }
0x157: {  	[sflag:s26] =	ssyncset.done $0x0  }
0x158: {  	s16 =	sshrl.u32 s10, $0x3;
	s17 =	rddreg [dreg:$0x11];
	[sflag:s26] =	ssyncadd.s32 $0xFFFFF800  }
0x159: {  	[hbm:s17], [sflag:s0] =	dma.local [spmem:s16], $0x800  }
0x15a: {  	_ =	swait.ge [sflag:s26], $0x800  }
0x15b: {  	[sflag:s26] =	ssyncset.done $0x0  }
0x15c: {  	s18 =	sshrl.u32 s22, $0x3;
	s19 =	rddreg [dreg:$0x12];
	[sflag:s26] =	ssyncadd.s32 $0xFFFFF800  }
0x15d: {  	[hbm:s19], [sflag:s0] =	dma.local [spmem:s18], $0x800  }
0x15e: {  	_ =	swait.ge [sflag:s26], $0x800  }
0x15f: {  	[sflag:s26] =	ssyncset.done $0x0;
	s31 =	rddreg [dreg:$0xc]  }
0x160: {  	s21 =	rddreg [dreg:$0x13];
	[sflag:s26] =	ssyncadd.s32 $0xFFFFF800;
	s20 =	sshrl.u32 s31, $0x3  }
0x161: {  	[hbm:s21], [sflag:s0] =	dma.local [spmem:s20], $0x700  }
0x162: {  	_ =	swait.ge [sflag:s26], $0x700  }
0x163: {  	s29 =	smov.u32 s22;
	s22 =	sld [smem:$0x7FD];
	_ =	sdelay $0x1  }
0x164: {  	s5 =	smov.u32 s7  }
0x165: {  	[sflag:s26] =	ssyncset.done $0x0;
	s13 =	rddreg [dreg:$0x18];
	p1 =	seq.s32 s22, $0x1  }
0x166: {  	s7 =	rddreg [dreg:$0x19];
	[sflag:s26] =	ssyncadd.s32 $0xFFFFF900;
	s4 =	sshrl.u32 @!p1 s13, $0x3  }
0x167: {  	[hbm:s7], [sflag:s0] =	dma.local @!p1 [spmem:s4], $0x100  }
0x168: {  	s0 =	simm.s32 @!p1 $0xA  }
0x169: {  	_ =	swait.ge @!p1 [sflag:s0], $0x100  }
0x16a: {  	s2 =	sadd.s32 $0x1, s2;
	s23 =	rddreg [dreg:$0x1a]  }
0x16b: {  	p0 =	sne.s32 s2, s23  }
.Ltmp2:
0x16c: {  	_ = 	snop;
	(pc) =	sbr.rel @p0 .LBB2_1-.Ltmp2, $3  }
0x16d: {  	_ =	sdelay $0x1  }
0x16e: {  	[sflag:s0] =	ssyncset.done @!p1 $0x0  }
0x16f: {  	s24 =	smov.u32 s10;
	s6 =	smov.u32 s8;
	[sflag:s0] =	ssyncadd.s32 @!p1 $0xFFFFFF00  }
0x170: {  	_ =	sfence.sel $0x180000  }
0x171: {  	[bflag:$0x0] =	sbarrier.arrive $0xFFFF  }
0x172: {  	_ =	strace $0x9000004A  }
0x173: {  	[bflag:$0x2] =	sbarrier.arrive $0xFFFF  }
0x174: {  	s0 =	rddreg [dreg:$0x2]  }
0x175: {  	s0 =	sadd.s32 @!p1 $0x100000, s0  }
0x176: {  	[sflag:s0] =	ssyncadd.tile.s32 @!p1 $0x1;
	_ =	shalt  }
.Lfunc_end2:
_tile_overlayer_lowered:
.L_overlay_start_2:
0x177: {  	(tag) =	ssettag $0x2  }
0x178: {  	s0 =	rddreg [dreg:$0x0];
	s2 =	stileid.u32  }
0x179: {  	s1 =	rddreg [dreg:$0x1];
	p0 =	sne.s32 s2, $0x0  }
0x17a: {  	s3 =	rddreg [dreg:$0x2];
	[bflag:$0x3] =	sbarrier.arrive $0xFFFF;
	s2 =	simm.s32 @!p0 $0x1C0A  }
0x17b: {  	[timem:s3], [sflag:s2] =	dma.local @!p0 [hbm:s0], s1  }
0x17c: {  	s0 =	simm.s32 @!p0 $0xA  }
0x17d: {  	_ =	swait.ge @!p0 [sflag:s0], s1  }
0x17e: {  	s1 =	ssub.s32 @!p0 $0x0, s1;
	[sflag:s0] =	ssyncset.done @!p0 $0x0  }
0x17f: {  	[sflag:s0] =	ssyncadd.s32 @!p0 s1  }
0x180: {  	[bflag:$0x3] =	sbarrier.arrive $0xFFFF  }
0x181: {  	_ =	shalt  }

// kernel: kernel.14.cloned.1.call-start
scs
__scs_entry_jumppad:
0x0: {  	(pc) =	sbr.rel $0x88, $3  }
0x1: {  	(tag) =	ssettag $0x0;
	lr =	simm.s32 $0x1  }
0x2: {  	[smem:$0x3F93] =	sst lr;
	_ =	strace $0xD0000000  }
0x3: {  	_ = 	snop  }
0x4: {  	_ = 	snop  }
0x5: {  	_ = 	snop  }
0x6: {  	_ = 	snop  }
0x7: {  	_ = 	snop  }
__scs_overlays_trampoline_lowered:
0x8: {  	[smem:$0x3FA2] =	sst s0  }
0x9: {  	[smem:$0x3FA3] =	sst s1  }
0xa: {  	[smem:$0x3FA4] =	sst s2  }
0xb: {  	[smem:$0x3FA5] =	sst s3  }
0xc: {  	[smem:$0x3FA6] =	sst s4  }
0xd: {  	[smem:$0x3FA7] =	sst s5  }
0xe: {  	[smem:$0x3FA8] =	sst s6  }
0xf: {  	[smem:$0x3FA9] =	sst s7  }
0x10: {  	[smem:$0x3FAA] =	sst s8  }
0x11: {  	[smem:$0x3FAB] =	sst s9;
	s0 =	simm.s32 @!p0 $0x0  }
0x12: {  	s1 =	sld [smem:$0x3F91];
	s0 =	simm.s32 @p0 $0x1  }
0x13: {  	[smem:$0x3FAC] =	sst s0;
	s0 =	simm.s32 @!p1 $0x0  }
0x14: {  	s2 =	sld [smem:$0x3F90];
	s0 =	simm.s32 @p1 $0x1  }
0x15: {  	[smem:$0x3FAD] =	sst s0;
	s0 =	simm.s32 @!p2 $0x0  }
0x16: {  	s3 =	sld [smem:$0x3FDB];
	s0 =	simm.s32 @p2 $0x1  }
0x17: {  	s4 =	simm.s32 $0x1BF5;
	[smem:$0x3FAF] =	sst s0  }
0x18: {  	s0 =	sld [smem:$0x3F92];
	_ =	swait.ge [sflag:s4], $0x0  }
0x19: {  	s7 =	sld [smem:$0x3F93]  }
0x1a: {  	s8 =	sadd.s32 $0xFFFFE003, lr  }
0x1b: {  	s9 =	sadd.s32 $0xFFFFFEF7, lr;
	s5 =	simm.s32 $0xFFFFFFFF;
	p2 =	slt.u32 s8, $0xFFFFF086  }
0x1c: {  	p1 =	slt.u32 s9, $0xF7A;
	s5 =	simm.s32 @!p2 $0x0  }
0x1d: {  	s5 =	simm.s32 @p1 $0x1;
	p0 =	seq.s32 s7, s2  }
0x1e: {  	s7 =	smul.u32 @!p0 $0xF7A, s2;
	p2 =	seq.s32 @!p0 s5, $0x0  }
0x1f: {  	s9 =	smul.u32 $0xF7A, s1;
	s8 =	simm.s32 @!p0 $0x1BF5;
	p2 =	por !p2, p0  }
0x20: {  	[sflag:s8] =	ssyncset.s32 @!p0 $0xFFFFF086;
	s6 =	sadd.s32 @!p0 s3, s7;
	s7 =	simm.s32 @!p0 $0x108  }
0x21: {  	s3 =	sadd.s32 s3, s9;
	s6 =	sadd.s32 @!p0 $0x88, s6;
	s7 =	simm.s32 @p2 $0x1082  }
0x22: {  	[simem:s7], [sflag:s8] =	dma.local @!p0 [hbm:s6], $0xF7A  }
0x23: {  	s9 =	sor.u32 $0xD0000000, s2;
	s6 =	simm.s32 $0x108;
	_ =	swait.ge @!p0 [sflag:s8], $0x0  }
0x24: {  	s3 =	sadd.s32 $0x88, s3;
	s6 =	simm.s32 @!p1 $0x1082;
	[sflag:s4] =	ssyncset.s32 $0xFFFFF086  }
0x25: {  	[simem:s6], [sflag:s4] =	dma.local [hbm:s3], $0xF7A  }
0x26: {  	[smem:$0x3F93] =	sst s1;
	(tag) =	ssettag s2;
	_ =	strace s9  }
0x27: {  	s1 =	sld [smem:$0x3FA3]  }
0x28: {  	s2 =	sld [smem:$0x3FA4]  }
0x29: {  	s4 =	sld [smem:$0x3FA6]  }
0x2a: {  	p0 =	seq.s32 s5, $0x0;
	s5 =	sld [smem:$0x3FA7]  }
0x2b: {  	s6 =	sld [smem:$0x3FA8]  }
0x2c: {  	s7 =	sld [smem:$0x3FA9]  }
0x2d: {  	s3 =	simm.s32 $0x108;
	s8 =	sld [smem:$0x3FAA]  }
0x2e: {  	s3 =	simm.s32 @!p0 $0x1082;
	s9 =	sld [smem:$0x3FAB]  }
0x2f: {  	lr =	sadd.s32 s0, s3;
	s0 =	sld [smem:$0x3FA2]  }
0x30: {  	s3 =	sld [smem:$0x3FA5]  }
0x31: {  	[smem:$0x3FAE] =	sst s10  }
0x32: {  	s10 =	sld [smem:$0x3FAC];
	_ =	sdelay $0x3  }
0x33: {  	p0 =	seq.s32 s10, $0x1;
	s10 =	sld [smem:$0x3FAE];
	_ =	sdelay $0x3  }
0x34: {  	[smem:$0x3FAE] =	sst s10  }
0x35: {  	s10 =	sld [smem:$0x3FAD];
	_ =	sdelay $0x3  }
0x36: {  	p1 =	seq.s32 s10, $0x1;
	s10 =	sld [smem:$0x3FAE];
	_ =	sdelay $0x3  }
0x37: {  	[smem:$0x3FAE] =	sst s10  }
0x38: {  	s10 =	sld [smem:$0x3FAF]  }
0x39: {  	_ = 	snop;
	(pc) =	sbr.ind lr, $3  }
0x3a: {  	_ = 	snop  }
0x3b: {  	_ = 	snop  }
0x3c: {  	p2 =	seq.s32 s10, $0x1;
	s10 =	sld [smem:$0x3FAE]  }
0x3d: {  	_ =	shalt  }
0x3e: {  	_ =	shalt  }
0x3f: {  	_ =	shalt  }
0x40: {  	_ =	shalt  }
0x41: {  	_ =	shalt  }
0x42: {  	_ =	shalt  }
0x43: {  	_ =	shalt  }
0x44: {  	_ =	shalt  }
0x45: {  	_ =	shalt  }
0x46: {  	_ =	shalt  }
0x47: {  	_ =	shalt  }
0x48: {  	_ =	shalt  }
0x49: {  	_ =	shalt  }
0x4a: {  	_ =	shalt  }
0x4b: {  	_ =	shalt  }
0x4c: {  	_ =	shalt  }
0x4d: {  	_ =	shalt  }
0x4e: {  	_ =	shalt  }
0x4f: {  	_ =	shalt  }
0x50: {  	_ =	shalt  }
0x51: {  	_ =	shalt  }
0x52: {  	_ =	shalt  }
0x53: {  	_ =	shalt  }
0x54: {  	_ =	shalt  }
0x55: {  	_ =	shalt  }
0x56: {  	_ =	shalt  }
0x57: {  	_ =	shalt  }
0x58: {  	_ =	shalt  }
0x59: {  	_ =	shalt  }
0x5a: {  	_ =	shalt  }
0x5b: {  	_ =	shalt  }
0x5c: {  	_ =	shalt  }
0x5d: {  	_ =	shalt  }
0x5e: {  	_ =	shalt  }
0x5f: {  	_ =	shalt  }
0x60: {  	_ =	shalt  }
0x61: {  	_ =	shalt  }
0x62: {  	_ =	shalt  }
0x63: {  	_ =	shalt  }
0x64: {  	_ =	shalt  }
0x65: {  	_ =	shalt  }
0x66: {  	_ =	shalt  }
0x67: {  	_ =	shalt  }
0x68: {  	_ =	shalt  }
0x69: {  	_ =	shalt  }
0x6a: {  	_ =	shalt  }
0x6b: {  	_ =	shalt  }
0x6c: {  	_ =	shalt  }
0x6d: {  	_ =	shalt  }
0x6e: {  	_ =	shalt  }
0x6f: {  	_ =	shalt  }
0x70: {  	_ =	shalt  }
0x71: {  	_ =	shalt  }
0x72: {  	_ =	shalt  }
0x73: {  	_ =	shalt  }
0x74: {  	_ =	shalt  }
0x75: {  	_ =	shalt  }
0x76: {  	_ =	shalt  }
0x77: {  	_ =	shalt  }
0x78: {  	_ =	shalt  }
0x79: {  	_ =	shalt  }
0x7a: {  	_ =	shalt  }
0x7b: {  	_ =	shalt  }
0x7c: {  	_ =	shalt  }
0x7d: {  	_ =	shalt  }
0x7e: {  	_ =	shalt  }
0x7f: {  	_ =	shalt  }
0x80: {  	_ =	shalt  }
0x81: {  	_ =	shalt  }
0x82: {  	_ =	shalt  }
0x83: {  	_ =	shalt  }
0x84: {  	_ =	shalt  }
0x85: {  	_ =	shalt  }
0x86: {  	_ =	shalt  }
0x87: {  	_ =	shalt  }
.Lfunc_end0:
.L_simem_size_0:
called_computation.2_lowered:
.L_overlay_start_0:
0x88: {  	s2 =	sld [smem:$0x3FD9]  }
0x89: {  	s3 =	sld [smem:$0x3FFE];
	_ =	sdelay $0x1  }
0x8a: {  	s1 =	srdreg.scid  }
0x8b: {  	s0 =	sand.u32 $0x1, s1  }
0x8c: {  	s16 =	sshll.u32 s0, $0xA;
	s2 =	sadd.s32 s3, s2  }
0x8d: {  	s2 =	sadd.s32 s2, s16  }
0x8e: {  	[smem:$0x3FBA] =	sst s2  }
0x8f: {  	_ = 	snop  }
0x90: {  	(tm) =	ssettm $0x1  }
0x91: {  	s17 =	sld [smem:$0x3FFB];
	_ =	sdelay $0x3  }
0x92: {  	_ =	strace s17  }
0x93: {  	s2 =	sld [smem:$0x3FFC];
	_ =	sdelay $0x3  }
0x94: {  	_ =	strace s2  }
0x95: {  	s2 =	sld [smem:$0x3FFD];
	_ =	sdelay $0x3  }
0x96: {  	_ =	strace s2  }
0x97: {  	_ =	strace $0x8FFFFFFF  }
0x98: {  	s18 =	sld [smem:$0x3FDB];
	_ =	sdelay $0x1  }
0x99: {  	s19 =	simm.s32 $_scs_section_size  }
0x9a: {  	s4 =	simm.s32 $_size__tile_overlayer_lowered;
	s5 =	simm.s32 $_tile_overlayer_lowered  }
0x9b: {  	s22 =	simm.s32 $0x1BFF;
	s21 =	sshll.u32 s5, $0x1;
	s2 =	sadd.s32 s19, s18  }
0x9c: {  	s6 =	simm.s32 $0x0;
	s20 =	sshll.u32 s4, $0x1;
	s4 =	sadd.s32 s21, s2  }
0x9d: {  	[timem:s6], [sflag:s22] =	dma.local [hbm:s4], s20  }
0x9e: {  	_ =	swait.ge [sflag:s22], s20  }
0x9f: {  	s3 =	ssub.s32 $0x0, s20;
	[sflag:s22] =	ssyncset.done $0x0  }
0xa0: {  	[sflag:s22] =	ssyncadd.s32 s3;
	_ =	sdelay $0x1  }
0xa1: {  	s23 =	simm.s32 $0x1B8B  }
0xa2: {  	_ =	swait.ge [sflag:s23], $0x1  }
0xa3: {  	[sflag:s23] =	ssyncset.done $0x0  }
0xa4: {  	s25 =	simm.s32 $0x1B8E;
	s24 =	sld [smem:$0x3FFE];
	[sflag:s23] =	ssyncadd.s32 $0xFFFFFFFF  }
0xa5: {  	s26 =	simm.s32 $execute0_lowered;
	[smem:$0x3FD2] =	sst s25  }
0xa6: {  	s4 =	sshll.u32 s26, $0x1;
	_ =	strace $0x8000004C;
	[dreg:$0x1] =	wrdreg $0xFFFFFFFF  }
0xa7: {  	s28 =	simm.s32 $_size_execute0_lowered;
	s2 =	sadd.s32 s2, s4;
	[dreg:$0x0] =	wrdreg $0x0  }
0xa8: {  	s4 =	sshll.u32 s28, $0x1;
	[dreg:$0x2] =	wrdreg s2  }
0xa9: {  	[dreg:$0x3] =	wrdreg s4  }
0xaa: {  	[dreg:$0x4] =	wrdreg $0xC0  }
0xab: {  	_ =	task [dreg:s6], $0x5FFFF  }
0xac: {  	[dreg:$0x1] =	wrdreg $0xFFFFFFFF  }
0xad: {  	[dreg:$0x0] =	wrdreg $0x60  }
0xae: {  	[dreg:$0x2] =	wrdreg s24  }
0xaf: {  	[dreg:$0x3] =	wrdreg $0xC6000  }
0xb0: {  	[dreg:$0x4] =	wrdreg $0x9  }
0xb1: {  	_ =	task.clear_ibuf [dreg:s6], $0x5FFFF;
	_ =	strace $0x9000004C  }
0xb2: {  	s29 =	simm.s32 $0x9;
	_ =	strace $0x8000004E  }
0xb3: {  	_ =	swait.ge [sflag:s29], $0x1  }
0xb4: {  	[sflag:s29] =	ssyncadd.s32 $0xFFFFFFFF  }
0xb5: {  	_ =	strace $0x9000004E  }
0xb6: {  	_ =	sfence  }
0xb7: {  	s30 =	sld [smem:$0x0];
	_ =	sdelay $0x2  }
0xb8: {  	s31 =	sshll.u32 s1, $0xD;
	s1 =	sshrl.u32 s1, $0x2  }
0xb9: {  	s3 =	sand.u32 $0x4000, s31;
	s1 =	sadd.s32 s1, s30  }
0xba: {  	s0 =	sor.u32 s3, s0;
	s1 =	sshll.u32 s1, $0x11  }
0xbb: {  	s0 =	sor.u32 s1, s0  }
0xbc: {  	s0 =	sadd.s32 $0x8F2B, s0  }
0xbd: {  	[sflag:s0] =	ssyncadd.remote.s32 $0x1  }
0xbe: {  	_ =	sfence.sel $0xFFFF  }
0xbf: {  	[dreg:$0x0] =	wrdreg $0xFFFFFFFF;
	(pc) =	sbr.abs _section_cstart, $3  }
0xc0: {  	[dreg:$0x1] =	wrdreg $0xFFFFFFFF  }
0xc1: {  	_ =	task.clear_ibuf [dreg:s6], $0x2FFFF;
	_ =	strace $0x9FFFFFFF  }
0xc2: {  	(tm) =	ssettm $0x7FFFFFFF  }
0xc3: {  	_ =	shalt  }
tec
execute0_lowered:
.L_overlay_start_1:
0x0: {  	(tag) =	ssettag $0x1  }
0x1: {  	s5 =	rddreg [dreg:$0x0]  }
0x2: {  	s1 =	rddreg [dreg:$0x1];
	s2 =	simm.s32 $0x0;
	s4 =	srdreg.scid  }
0x3: {  	s23 =	stileid.u32;
	[smem:$0x7FF] =	sst s2;
	s3 =	sadd.s32 $0x17000, s5  }
0x4: {  	s0 =	sadd.s32 $0xD200, s5;
	s13 =	sand.u32 $0x1, s4;
	s6 =	smul.u32 $0x4E000, s23  }
0x5: {  	s4 =	sadd.s32 $0x3400, s5;
	s14 =	smul.u32 $0x270, s23;
	s12 =	sadd.s32 $0x3E200, s5  }
0x6: {  	s10 =	smul.u32 $0x4E, s23;
	s19 =	smin.u32 s23, $0x2;
	p0 =	slt.u32 s23, $0x2  }
0x7: {  	_ =	strace $0x8000004D;
	s7 =	ssub.s32 $0x2, s13;
	s9 =	smul.u32 $0x4E2, s13  }
0x8: {  	s21 =	sshrl.u32 s7, $0x1;
	s6 =	sshrl.u32 s6, $0x2;
	s15 =	sadd.s32 $0x80, s14  }
0x9: {  	s16 =	sadd.s32 $0x100, s14;
	s17 =	sadd.s32 $0x180, s14;
	s18 =	sadd.s32 $0x200, s14  }
0xa: {  	s11 =	ssub.s32 s7, s21;
	s5 =	sadd.s32 s6, s1;
	s22 =	sshll.u32 s15, $0x7  }
0xb: {  	s24 =	sshll.u32 s16, $0x7;
	s8 =	sshll.u32 s17, $0x7;
	s10 =	sadd.s32 s10, s9  }
0xc: {  	s9 =	simm.s32 $0x4F;
	s20 =	sshll.u32 s18, $0x7;
	s21 =	smul.u32 $0x2710, s13  }
0xd: {  	s6 =	sadd.s32 s22, s1;
	s29 =	sadd.s32 s8, s1;
	s19 =	sadd.s32 s19, s10  }
0xe: {  	s9 =	simm.s32 @!p0 $0x4E;
	s31 =	sadd.s32 s20, s1;
	s20 =	sshll.u32 s19, $0x4  }
0xf: {  	s25 =	sadd.s32 $0xFFFFFFFE, s9;
	s26 =	sadd.s32 $0xFFFFFFFD, s9;
	[dreg:$0xc] =	wrdreg s31  }
0x10: {  	s10 =	sadd.s32 $0xFFFFFFFC, s9;
	s14 =	sadd.s32 s14, s21;
	[dreg:$0x5] =	wrdreg s25  }
0x11: {  	s15 =	sadd.s32 s21, s15;
	s22 =	sadd.s32 s21, s16;
	[dreg:$0x8] =	wrdreg s26  }
0x12: {  	s7 =	sadd.s32 s0, s20;
	s8 =	sadd.s32 s4, s20;
	[dreg:$0xb] =	wrdreg s10  }
0x13: {  	s14 =	sshll.u32 s14, $0x4;
	s15 =	sshll.u32 s15, $0x4;
	[dreg:$0xd] =	wrdreg s7  }
0x14: {  	s25 =	sadd.s32 s21, s17;
	s14 =	sadd.s32 s12, s14;
	[dreg:$0xe] =	wrdreg s8  }
0x15: {  	s10 =	sadd.s32 $0x40, s20;
	s19 =	sadd.s32 s12, s15;
	[dreg:$0xf] =	wrdreg s14  }
0x16: {  	s17 =	sshll.u32 s25, $0x4;
	s25 =	sadd.s32 $0x30, s8;
	[dreg:$0x10] =	wrdreg s19  }
0x17: {  	s26 =	sadd.s32 s21, s18;
	s16 =	sadd.s32 s10, s0;
	[dreg:$0x4] =	wrdreg s25  }
0x18: {  	s18 =	sshll.u32 s26, $0x4;
	s19 =	sadd.s32 s12, s17;
	[dreg:$0x6] =	wrdreg s16  }
0x19: {  	s26 =	sadd.s32 $0x50, s20;
	s21 =	sadd.s32 s12, s18;
	[dreg:$0x12] =	wrdreg s19  }
0x1a: {  	s14 =	sshll.u32 s22, $0x4;
	s22 =	sadd.s32 $0x30, s7;
	[dreg:$0x13] =	wrdreg s21  }
0x1b: {  	s7 =	sadd.s32 s26, s0;
	[dreg:$0x3] =	wrdreg s22  }
0x1c: {  	s8 =	sadd.s32 s26, s4;
	[dreg:$0x9] =	wrdreg s7  }
0x1d: {  	s28 =	simm.s32 $0x4;
	s26 =	smax.u32 s11, $0x1;
	[dreg:$0xa] =	wrdreg s8  }
0x1e: {  	s17 =	sadd.s32 $0x10, s20;
	s14 =	sadd.s32 s12, s14;
	[dreg:$0x1a] =	wrdreg s26  }
0x1f: {  	s30 =	simm.s32 $0x5;
	s18 =	sadd.s32 s0, s17;
	[dreg:$0x11] =	wrdreg s14  }
0x20: {  	s20 =	sadd.s32 $0x20, s20;
	s19 =	sadd.s32 s4, s17;
	[dreg:$0x14] =	wrdreg s18  }
0x21: {  	s13 =	smul.u32 $0x138800, s13;
	s0 =	sadd.s32 s0, s20;
	[dreg:$0x15] =	wrdreg s19  }
0x22: {  	p1 =	sne.s32 s23, $0x0;
	s21 =	sadd.s32 s4, s20;
	[dreg:$0x16] =	wrdreg s0  }
0x23: {  	s13 =	sshrl.u32 s13, $0x3;
	s22 =	sadd.s32 s10, s4;
	[dreg:$0x17] =	wrdreg s21  }
0x24: {  	s12 =	sadd.s32 s12, s13;
	s13 =	sadd.s32 $0x138000, s1;
	[dreg:$0x7] =	wrdreg s22  }
0x25: {  	s25 =	sadd.s32 $0x27000, s12;
	s0 =	simm.s32 @!p1 $0x0;
	[dreg:$0x18] =	wrdreg s13  }
0x26: {  	s24 =	sadd.s32 s24, s1;
	[dreg:$0x19] =	wrdreg s25;
	s0 =	simm.s32 @p1 $0x1  }
0x27: {  	v0 =	vimm.f32 $0.0e+00;
	s26 =	simm.s32 $0xA;
	s25 =	simm.s32 $0x600;
	[smem:$0x7FD] =	sst s0  }
.LBB2_1:
0x28: {  	s0 =	simm.s32 $0x0;
	s4 =	simm.s32 $0x200  }
.LBB2_2:
0x29: {  	p0 =	sne.s32 s4, $0xFE00;
	[tilespmem:s0+$0x670] =	vst v0  }
0x2a: {  	[tilespmem:s0+$0x600] =	vst v0  }
0x2b: {  	[tilespmem:s0+$0x610] =	vst v0  }
.Ltmp0:
0x2c: {  	[tilespmem:s0+$0x620] =	vst v0;
	(pc) =	sbr.rel @p0 .LBB2_2-.Ltmp0, $4  }
0x2d: {  	[tilespmem:s0+$0x630] =	vst v0  }
0x2e: {  	[tilespmem:s0+$0x640] =	vst v0  }
0x2f: {  	[tilespmem:s0+$0x650] =	vst v0  }
0x30: {  	[tilespmem:s0+$0x660] =	vst v0;
	s0 =	sshra.s32 s4, $0x2;
	s4 =	sadd.s32 $0x200, s4  }
0x31: {  	[tilespmem:s0+$0x670] =	vst v0  }
0x32: {  	[tilespmem:s0+$0x600] =	vst v0  }
0x33: {  	[tilespmem:s0+$0x610] =	vst v0  }
0x34: {  	[tilespmem:s0+$0x620] =	vst v0  }
0x35: {  	[tilespmem:s0+$0x630] =	vst v0  }
0x36: {  	[tilespmem:s0+$0x640] =	vst v0  }
0x37: {  	[tilespmem:s0+$0x650] =	vst v0  }
0x38: {  	[tilespmem:s0+$0x660] =	vst v0  }
0x39: {  	[spmem:s5] =	stream.linear.scatter [tilespmem:s25], [sflag:$0xA], $0x4000, $0x38;
	[tilespmem:$0x1FE80] =	vst v63  }
0x3a: {  	_ =	swait.ge [sflag:s26], $0x4000  }
0x3b: {  	[sflag:s26] =	ssyncset.done $0x0  }
0x3c: {  	[sflag:s26] =	ssyncadd.s32 $0xFFFFC000  }
0x3d: {  	[spmem:s6] =	stream.linear.scatter [tilespmem:s25], [sflag:$0xA], $0x4000, $0x38;
	[tilespmem:$0x1FE80] =	vst v63  }
0x3e: {  	_ =	swait.ge [sflag:s26], $0x4000  }
0x3f: {  	[sflag:s26] =	ssyncset.done $0x0  }
0x40: {  	[sflag:s26] =	ssyncadd.s32 $0xFFFFC000  }
0x41: {  	[spmem:s24] =	stream.linear.scatter [tilespmem:s25], [sflag:$0xA], $0x4000, $0x38;
	[tilespmem:$0x1FE80] =	vst v63  }
0x42: {  	_ =	swait.ge [sflag:s26], $0x4000  }
0x43: {  	[sflag:s26] =	ssyncset.done $0x0  }
0x44: {  	[sflag:s26] =	ssyncadd.s32 $0xFFFFC000  }
0x45: {  	[spmem:s29] =	stream.linear.scatter [tilespmem:s25], [sflag:$0xA], $0x4000, $0x38;
	[tilespmem:$0x1FE80] =	vst v63  }
0x46: {  	_ =	swait.ge [sflag:s26], $0x4000  }
0x47: {  	[sflag:s26] =	ssyncset.done $0x0  }
0x48: {  	[sflag:s26] =	ssyncadd.s32 $0xFFFFC000  }
0x49: {  	[spmem:s31] =	stream.linear.scatter [tilespmem:s25], [sflag:$0xA], $0x3800, $0x38;
	[tilespmem:$0x1FE80] =	vst v63  }
0x4a: {  	_ =	swait.ge [sflag:s26], $0x3800  }
0x4b: {  	[sflag:s26] =	ssyncset.done $0x0  }
0x4c: {  	s0 =	simm.s32 @!p1 $0x600;
	[sflag:s26] =	ssyncadd.s32 $0xFFFFC800  }
0x4d: {  	[spmem:s13] =	stream.linear.scatter @!p1 [tilespmem:s0], [sflag:$0xA], $0x800, $0x38;
	[tilespmem:$0x1FE80] =	vst v63  }
0x4e: {  	s0 =	simm.s32 @!p1 $0xA  }
0x4f: {  	_ =	swait.ge @!p1 [sflag:s0], $0x800  }
0x50: {  	[sflag:s0] =	ssyncset.done @!p1 $0x0  }
0x51: {  	s4 =	rddreg [dreg:$0xd];
	[sflag:s0] =	ssyncadd.s32 @!p1 $0xFFFFF800;
	s0 =	simm.s32 $0x0  }
0x52: {  	[tilespmem:s0], [sflag:$0x4] =	stream.linear.gather [hbm4b:s4+s0], $0x80, $0x38;
	[tilespmem:$0x1FE80] =	vst v63  }
0x53: {  	s15 =	simm.s32 $0x200;
	s14 =	rddreg [dreg:$0xe]  }
0x54: {  	[tilespmem:s15], [sflag:$0x4] =	stream.linear.gather [hbm4b:s14+s0], $0x80, $0x38;
	[tilespmem:$0x1FE80] =	vst v63  }
0x55: {  	s17 =	simm.s32 $0x80;
	s16 =	rddreg [dreg:$0x14]  }
0x56: {  	[tilespmem:s17], [sflag:$0x5] =	stream.linear.gather [hbm4b:s16+s0], $0x80, $0x38;
	[tilespmem:$0x1FE80] =	vst v63  }
0x57: {  	s19 =	simm.s32 $0x280;
	s18 =	rddreg [dreg:$0x15]  }
0x58: {  	[tilespmem:s19], [sflag:$0x5] =	stream.linear.gather [hbm4b:s18+s0], $0x80, $0x38;
	[tilespmem:$0x1FE80] =	vst v63  }
0x59: {  	s21 =	simm.s32 $0x100;
	s20 =	rddreg [dreg:$0x16]  }
0x5a: {  	[tilespmem:s21], [sflag:$0x6] =	stream.linear.gather [hbm4b:s20+s0], $0x80, $0x38;
	[tilespmem:$0x1FE80] =	vst v63  }
0x5b: {  	s10 =	smov.u32 s24;
	s24 =	simm.s32 $0x300;
	s23 =	rddreg [dreg:$0x17]  }
0x5c: {  	[tilespmem:s24], [sflag:$0x6] =	stream.linear.gather [hbm4b:s23+s0], $0x80, $0x38;
	[tilespmem:$0x1FE80] =	vst v63  }
0x5d: {  	_ =	swait.ge [sflag:s28], $0x80  }
0x5e: {  	[sflag:s28] =	ssyncset.done $0x0  }
0x5f: {  	[sflag:s28] =	ssyncadd.s32 $0xFFFFFF80  }
0x60: {  	_ =	swait.ge [sflag:s28], $0x80  }
0x61: {  	[sflag:s28] =	ssyncset.done $0x0  }
0x62: {  	p0 =	sle.u32 s9, $0x0;
	[sflag:s28] =	ssyncadd.s32 $0xFFFFFF80  }
0x63: {  	[tilespmem:s25], [sflag:$0x1] =	stream.indirect.gather [hbm4b:s3+s17], $0x80, s0, s17, $0xb8;
	[tilespmem:$0x1FE80] =	vst v63  }
0x64: {  	s0 =	smul.u32 @!p0 $0xAB, s0  }
0x65: {  	s7 =	smov.u32 s5;
	_ =	swait.ge [sflag:s30], $0x80  }
0x66: {  	s8 =	smov.u32 s6;
	[sflag:s30] =	ssyncset.done $0x0;
	s0 =	sshrl.u32 @!p0 s0, $0xA  }
0x67: {  	s22 =	smov.u32 s29;
	[sflag:s30] =	ssyncadd.s32 $0xFFFFFF80;
	s0 =	sand.u32 @!p0 $0x3F, s0  }
0x68: {  	p3 =	por $0x1, $0x1;
	_ =	swait.ge [sflag:s30], $0x80;
	s0 =	smul.u32 @!p0 $0x6, s0  }
0x69: {  	s12 =	simm.s32 $0x1;
	p4 =	sle.u32 s9, $0x3;
	[sflag:s30] =	ssyncset.done $0x0  }
0x6a: {  	s29 =	simm.s32 $0x4600;
	[sflag:s30] =	ssyncadd.s32 $0xFFFFFF80;
	s0 =	ssub.s32 @!p0 $0x0, s0  }
0x6b: {  	[tilespmem:s29], [sflag:$0x2] =	stream.indirect.gather [hbm4b:s3+s17], $0x80, s17, s17, $0xb8;
	[tilespmem:$0x1FE80] =	vst v63  }
0x6c: {  	p2 =	sle.u32 @!p0 s9, $0x3;
	s11 =	simm.s32 @!p3 $0x9;
	s0 =	sand.u32 @!p0 $0xFF, s0  }
0x6d: {  	s31 =	simm.s32 $0x30;
	s4 =	simm.s32 @!p0 $0x3;
	s0 =	sshll.u32 @!p0 s0, $0x7  }
0x6e: {  	[bflag:$0x0] =	sbarrier.arrive $0xFFFF;
	s0 =	sadd.s32 @!p0 $0x200, s0;
	p0 =	por p0, p0  }
0x6f: {  	p1 =	sle.u32 s9, $0x1;
	_ =	swait.ge @!p3 [sflag:s11], $0x4000;
	p2 =	por p2, p0  }
0x70: {  	[sflag:s11] =	ssyncset.done @!p3 $0x0;
	s13 =	simm.s32 @!p0 $0x1;
	s4 =	smul.u32 @!p2 $0xAB, s4  }
0x71: {  	s14 =	simm.s32 @!p0 $0x600;
	[sflag:s11] =	ssyncadd.s32 @!p3 $0xFFFFC000;
	s11 =	smul.u32 @!p1 $0xAB, s12  }
0x72: {  	s12 =	simm.s32 @!p0 $0x80;
	_ =	swait.ge @!p0 [sflag:s13], $0x4000;
	s4 =	sshrl.u32 @!p2 s4, $0xA  }
0x73: {  	s15 =	rddreg [dreg:$0x5];
	[sflag:s13] =	ssyncset.done @!p0 $0x0;
	s4 =	sand.u32 @!p2 $0x3F, s4  }
0x74: {  	s16 =	rddreg [dreg:$0x3];
	[sflag:s13] =	ssyncadd.s32 @!p0 $0xFFFFC000;
	s4 =	smul.u32 @!p2 $0x6, s4  }
0x75: {  	[spmem:s1] =	stream.indirect.scatter.add.f32 @!p0 [tilespmem:s14], [sflag:$0x7], $0x80, s0, s12, $0xb8;
	[tilespmem:$0x1FE80] =	vst v63  }
0x76: {  	s13 =	rddreg [dreg:$0x4];
	p3 =	sle.u32 @!p0 s15, $0x0;
	s0 =	sadd.s32 @!p2 $0x0, s16  }
0x77: {  	s12 =	simm.s32 @!p2 $0x0;
	p3 =	por p3, p0;
	s4 =	ssub.s32 @!p2 $0x3, s4  }
0x78: {  	[tilespmem:s12], [sflag:$0x4] =	stream.linear.gather @!p2 [hbm4b:s0+s12], $0x80, $0x38;
	[tilespmem:$0x1FE80] =	vst v63  }
0x79: {  	s14 =	simm.s32 @!p0 $0x7;
	s0 =	sshrl.u32 @!p1 s11, $0xA;
	s4 =	sand.u32 @!p2 $0xFF, s4  }
0x7a: {  	p1 =	por p1, p1;
	s11 =	sadd.s32 @!p2 $0x0, s13;
	s4 =	sshll.u32 @!p2 s4, $0x7  }
0x7b: {  	s13 =	simm.s32 @!p3 $0x6;
	s0 =	sand.u32 @!p1 $0x3F, s0;
	s4 =	sadd.s32 @!p2 $0x200, s4  }
0x7c: {  	[tilespmem:s4], [sflag:$0x4] =	stream.linear.gather @!p2 [hbm4b:s11+s12], $0x80, $0x38;
	[tilespmem:$0x1FE80] =	vst v63  }
0x7d: {  	s0 =	smul.u32 @!p1 $0x6, s0;
	p2 =	sle.u32 @!p1 s9, $0x4;
	_ =	swait.ge @!p3 [sflag:s13], $0x80  }
0x7e: {  	s4 =	simm.s32 @!p1 $0x4;
	p2 =	por p2, p1;
	[sflag:s13] =	ssyncset.done @!p3 $0x0  }
0x7f: {  	s0 =	ssub.s32 @!p1 $0x1, s0;
	s4 =	smul.u32 @!p2 $0xAB, s4;
	[sflag:s13] =	ssyncadd.s32 @!p3 $0xFFFFFF80  }
0x80: {  	s11 =	simm.s32 @!p3 $0x8600;
	s12 =	simm.s32 @!p3 $0x80;
	_ =	swait.ge @!p3 [sflag:s13], $0x80  }
0x81: {  	s0 =	sand.u32 @!p1 $0xFF, s0;
	s4 =	sshrl.u32 @!p2 s4, $0xA;
	[sflag:s13] =	ssyncset.done @!p3 $0x0  }
0x82: {  	s4 =	sand.u32 @!p2 $0x3F, s4;
	[sflag:s13] =	ssyncadd.s32 @!p3 $0xFFFFFF80;
	s13 =	simm.s32 @!p3 $0x100  }
0x83: {  	[tilespmem:s11], [sflag:$0x3] =	stream.indirect.gather @!p3 [hbm4b:s3+s12], $0x80, s13, s12, $0xb8;
	[tilespmem:$0x1FE80] =	vst v63  }
0x84: {  	s0 =	sshll.u32 @!p1 s0, $0x7;
	s4 =	smul.u32 @!p2 $0x6, s4;
	_ =	swait.ge @!p0 [sflag:s14], $0x4000  }
0x85: {  	s0 =	sadd.s32 @!p1 $0x200, s0;
	s11 =	simm.s32 @!p1 $0x2;
	[sflag:s14] =	ssyncset.done @!p0 $0x0  }
0x86: {  	s12 =	simm.s32 $0x2;
	s4 =	ssub.s32 @!p2 $0x4, s4;
	[sflag:s14] =	ssyncadd.s32 @!p0 $0xFFFFC000  }
0x87: {  	p0 =	sle.u32 s9, $0x2;
	s14 =	simm.s32 @!p1 $0x80;
	_ =	swait.ge @!p1 [sflag:s11], $0x4000  }
0x88: {  	s12 =	smul.u32 @!p0 $0xAB, s12;
	[sflag:s11] =	ssyncset.done @!p1 $0x0;
	s13 =	rddreg [dreg:$0x6]  }
0x89: {  	s15 =	rddreg [dreg:$0x8];
	[sflag:s11] =	ssyncadd.s32 @!p1 $0xFFFFC000;
	s11 =	simm.s32 @!p1 $0x4600  }
0x8a: {  	s13 =	sadd.s32 @!p2 $0x0, s13;
	p3 =	sle.u32 @!p1 s15, $0x0;
	s12 =	sshrl.u32 @!p0 s12, $0xA  }
0x8b: {  	[spmem:s1] =	stream.indirect.scatter.add.f32 @!p1 [tilespmem:s11], [sflag:$0x8], $0x80, s0, s14, $0xb8;
	[tilespmem:$0x1FE80] =	vst v63  }
0x8c: {  	s0 =	sand.u32 @!p2 $0xFF, s4;
	s4 =	rddreg [dreg:$0x7];
	s11 =	simm.s32 @!p2 $0x80  }
0x8d: {  	s14 =	simm.s32 @!p2 $0x0;
	p1 =	por p3, p1;
	s12 =	sand.u32 @!p0 $0x3F, s12  }
0x8e: {  	p3 =	sle.u32 @!p0 s9, $0x5;
	s0 =	sshll.u32 @!p2 s0, $0x7;
	s12 =	smul.u32 @!p0 $0x6, s12  }
0x8f: {  	[tilespmem:s11], [sflag:$0x5] =	stream.linear.gather @!p2 [hbm4b:s13+s14], $0x80, $0x38;
	[tilespmem:$0x1FE80] =	vst v63  }
0x90: {  	s4 =	sadd.s32 @!p2 $0x0, s4;
	s16 =	simm.s32 @!p1 $0x0;
	s11 =	simm.s32 @!p0 $0x5  }
0x91: {  	s0 =	sadd.s32 @!p2 $0x200, s0;
	s13 =	simm.s32 @!p1 $0x4;
	s12 =	ssub.s32 @!p0 $0x2, s12  }
0x92: {  	[tilespmem:s0], [sflag:$0x5] =	stream.linear.gather @!p2 [hbm4b:s4+s14], $0x80, $0x38;
	[tilespmem:$0x1FE80] =	vst v63  }
0x93: {  	p2 =	por p3, p0;
	s0 =	simm.s32 $0x3;
	_ =	swait.ge @!p1 [sflag:s13], $0x80  }
0x94: {  	s4 =	simm.s32 $0x6;
	p3 =	slt.u32 s9, $0x2;
	[sflag:s13] =	ssyncset.done @!p1 $0x0  }
0x95: {  	s14 =	simm.s32 @!p1 $0x600;
	s11 =	smul.u32 @!p2 $0xAB, s11;
	[sflag:s13] =	ssyncadd.s32 @!p1 $0xFFFFFF80  }
0x96: {  	s12 =	sand.u32 @!p0 $0xFF, s12;
	s15 =	simm.s32 @!p3 $0x8;
	_ =	swait.ge @!p1 [sflag:s13], $0x80  }
0x97: {  	s12 =	sshll.u32 @!p0 s12, $0x7;
	s11 =	sshrl.u32 @!p2 s11, $0xA;
	[sflag:s13] =	ssyncset.done @!p1 $0x0  }
0x98: {  	s11 =	sand.u32 @!p2 $0x3F, s11;
	[sflag:s13] =	ssyncadd.s32 @!p1 $0xFFFFFF80;
	s13 =	simm.s32 @!p1 $0x80  }
0x99: {  	[tilespmem:s14], [sflag:$0x1] =	stream.indirect.gather @!p1 [hbm4b:s3+s13], $0x80, s16, s13, $0xb8;
	[tilespmem:$0x1FE80] =	vst v63  }
0x9a: {  	s12 =	sadd.s32 @!p0 $0x200, s12;
	s11 =	smul.u32 @!p2 $0x6, s11;
	_ =	swait.ge @!p3 [sflag:s15], $0x4000  }
0x9b: {  	s13 =	smul.u32 @!p4 $0xAB, s0;
	s14 =	simm.s32 @!p0 $0x3;
	[sflag:s15] =	ssyncset.done @!p3 $0x0  }
0x9c: {  	s16 =	simm.s32 @!p0 $0x80;
	s11 =	ssub.s32 @!p2 $0x5, s11;
	[sflag:s15] =	ssyncadd.s32 @!p3 $0xFFFFC000  }
0x9d: {  	p1 =	sle.u32 s9, $0x4;
	s11 =	sand.u32 @!p2 $0xFF, s11;
	_ =	swait.ge @!p0 [sflag:s14], $0x4000  }
0x9e: {  	p5 =	por p1, p1;
	s11 =	sshll.u32 @!p2 s11, $0x7;
	[sflag:s14] =	ssyncset.done @!p0 $0x0  }
0x9f: {  	s15 =	simm.s32 @!p0 $0x8600;
	s11 =	sadd.s32 @!p2 $0x200, s11;
	[sflag:s14] =	ssyncadd.s32 @!p0 $0xFFFFC000  }
0xa0: {  	[spmem:s1] =	stream.indirect.scatter.add.f32 @!p0 [tilespmem:s15], [sflag:$0x9], $0x80, s12, s16, $0xb8;
	[tilespmem:$0x1FE80] =	vst v63  }
0xa1: {  	p3 =	sle.u32 @!p4 s9, $0x6;
	s14 =	rddreg [dreg:$0x9];
	s12 =	sshrl.u32 @!p4 s13, $0xA  }
0xa2: {  	s13 =	simm.s32 $0x4;
	s15 =	simm.s32 @!p2 $0x100;
	s14 =	sadd.s32 @!p2 $0x0, s14  }
0xa3: {  	s16 =	simm.s32 @!p2 $0x0;
	s12 =	sand.u32 @!p4 $0x3F, s12;
	s13 =	smul.u32 @!p1 $0xAB, s13  }
0xa4: {  	[tilespmem:s15], [sflag:$0x6] =	stream.linear.gather @!p2 [hbm4b:s14+s16], $0x80, $0x38;
	[tilespmem:$0x1FE80] =	vst v63  }
0xa5: {  	s18 =	rddreg [dreg:$0xb];
	s12 =	smul.u32 @!p4 $0x6, s12;
	s13 =	sshrl.u32 @!p1 s13, $0xA  }
0xa6: {  	s14 =	rddreg [dreg:$0xa];
	p1 =	por p4, p4;
	s13 =	sand.u32 @!p5 $0x3F, s13  }
0xa7: {  	s12 =	ssub.s32 @!p4 $0x3, s12;
	s17 =	smul.u32 @!p5 $0x6, s13;
	s13 =	sadd.s32 @!p2 $0x0, s14  }
0xa8: {  	[tilespmem:s11], [sflag:$0x6] =	stream.linear.gather @!p2 [hbm4b:s13+s16], $0x80, $0x38;
	[tilespmem:$0x1FE80] =	vst v63  }
0xa9: {  	s15 =	simm.s32 $0x30;
	s5 =	simm.s32 @!p1 $0x0;
	s11 =	sand.u32 @!p4 $0xFF, s12  }
0xaa: {  	s5 =	simm.s32 @p1 $0x1;
	s11 =	sshll.u32 @!p4 s11, $0x7;
	s12 =	ssub.s32 @!p5 $0x4, s17  }
0xab: {  	p2 =	sle.u32 @!p0 s18, $0x0;
	s17 =	sadd.s32 @!p4 $0x200, s11;
	s11 =	sand.u32 @!p5 $0xFF, s12  }
0xac: {  	s13 =	simm.s32 @!p4 $0x6;
	p0 =	por p2, p0;
	s11 =	sshll.u32 @!p5 s11, $0x7  }
0xad: {  	[smem:$0x7FC] =	sst s5;
	s14 =	sadd.s32 @!p5 $0x200, s11;
	s11 =	simm.s32 @!p0 $0x5  }
.LBB2_4:
0xae: {  	s5 =	simm.s32 @!p5 $0x0  }
0xaf: {  	s5 =	simm.s32 @p5 $0x1  }
0xb0: {  	s16 =	smov.u32 s4;
	s4 =	sadd.s32 $0x3, s4;
	[smem:$0x7F9] =	sst s5  }
0xb1: {  	p2 =	sne.s32 s4, $0x51;
	_ =	swait.ge @!p0 [sflag:s11], $0x80  }
0xb2: {  	s15 =	sadd.s32 $0x30, s15;
	s5 =	simm.s32 @!p2 $0x0;
	s21 =	sld [smem:$0x7FC]  }
0xb3: {  	s12 =	simm.s32 @!p0 $0x80;
	s5 =	simm.s32 @p2 $0x1;
	[sflag:s11] =	ssyncset.done @!p0 $0x0  }
0xb4: {  	s20 =	simm.s32 @!p0 $0x4600;
	[smem:$0x7FB] =	sst s5;
	[sflag:s11] =	ssyncadd.s32 @!p0 $0xFFFFFF80  }
0xb5: {  	p2 =	seq.s32 s0, $0x0;
	_ =	swait.ge @!p0 [sflag:s11], $0x80;
	p1 =	seq.s32 s21, $0x1  }
0xb6: {  	[sflag:s11] =	ssyncset.done @!p0 $0x0;
	s21 =	sadd.s32 @!p5 $0x4, s0;
	s18 =	simm.s32 @!p1 $0x80  }
0xb7: {  	s19 =	simm.s32 @!p1 $0x600;
	[sflag:s11] =	ssyncadd.s32 @!p0 $0xFFFFFF80;
	s11 =	sadd.s32 $0x2, s0  }
0xb8: {  	[tilespmem:s20], [sflag:$0x2] =	stream.indirect.gather @!p0 [hbm4b:s3+s12], $0x80, s12, s12, $0xb8;
	[tilespmem:$0x1FE80] =	vst v63  }
0xb9: {  	p3 =	por p3, p1;
	s12 =	simm.s32 @!p2 $0x9;
	s20 =	simm.s32 @!p1 $0x1  }
0xba: {  	p0 =	sge.u32 @!p5 s21, s9;
	p4 =	sge.u32 s11, s9;
	s24 =	smul.u32 @!p3 $0xAB, s13  }
0xbb: {  	_ =	swait.ge @!p2 [sflag:s12], $0x4000;
	p0 =	por p0, p5;
	s5 =	smul.u32 @!p4 $0xAB, s11  }
0xbc: {  	[sflag:s12] =	ssyncset.done @!p2 $0x0;
	s23 =	smul.u32 @!p0 $0xAB, s21;
	s24 =	sshrl.u32 @!p3 s24, $0xA  }
0xbd: {  	[sflag:s12] =	ssyncadd.s32 @!p2 $0xFFFFC000;
	s12 =	sadd.s32 @!p4 $0x5, s0;
	s24 =	sand.u32 @!p3 $0x3F, s24  }
0xbe: {  	s5 =	sshrl.u32 @!p4 s5, $0xA;
	_ =	swait.ge @!p1 [sflag:s20], $0x4000;
	s23 =	sshrl.u32 @!p0 s23, $0xA  }
0xbf: {  	p5 =	sge.u32 @!p4 s12, s9;
	[sflag:s20] =	ssyncset.done @!p1 $0x0;
	s23 =	sand.u32 @!p0 $0x3F, s23  }
0xc0: {  	s29 =	rddreg [dreg:$0x3];
	[sflag:s20] =	ssyncadd.s32 @!p1 $0xFFFFC000;
	s23 =	smul.u32 @!p0 $0x6, s23  }
0xc1: {  	[spmem:s1] =	stream.indirect.scatter.add.f32 @!p1 [tilespmem:s19], [sflag:$0x7], $0x80, s17, s18, $0xb8;
	[tilespmem:$0x1FE80] =	vst v63  }
0xc2: {  	s6 =	rddreg [dreg:$0x4];
	p6 =	por p5, p4;
	s17 =	smul.u32 @!p3 $0x6, s24  }
0xc3: {  	s20 =	rddreg [dreg:$0x5];
	s19 =	sadd.s32 @!p3 s31, s29;
	s21 =	ssub.s32 @!p0 s21, s23  }
0xc4: {  	s18 =	sand.u32 @!p0 $0xFF, s21;
	s21 =	simm.s32 @!p3 $0x0;
	s13 =	ssub.s32 @!p3 s13, s17  }
0xc5: {  	[tilespmem:s21], [sflag:$0x4] =	stream.linear.gather @!p3 [hbm4b:s19+s21], $0x80, $0x38;
	[tilespmem:$0x1FE80] =	vst v63  }
0xc6: {  	p5 =	sge.u32 s16, s9;
	p2 =	sge.u32 @!p1 s0, s20;
	s17 =	sand.u32 @!p3 $0xFF, s13  }
0xc7: {  	s6 =	sadd.s32 @!p3 s31, s6;
	p2 =	por p2, p1;
	s17 =	sshll.u32 @!p3 s17, $0x7  }
0xc8: {  	s20 =	smul.u32 @!p6 $0xAB, s12;
	s23 =	simm.s32 @!p2 $0x6;
	s17 =	sadd.s32 @!p3 $0x200, s17  }
0xc9: {  	[tilespmem:s17], [sflag:$0x4] =	stream.linear.gather @!p3 [hbm4b:s6+s21], $0x80, $0x38;
	[tilespmem:$0x1FE80] =	vst v63  }
0xca: {  	s19 =	sshrl.u32 @!p6 s20, $0xA;
	s20 =	smul.u32 @!p5 $0xAB, s16;
	_ =	swait.ge @!p2 [sflag:s23], $0x80  }
0xcb: {  	s19 =	sand.u32 @!p6 $0x3F, s19;
	s6 =	simm.s32 @!p2 $0x8600;
	[sflag:s23] =	ssyncset.done @!p2 $0x0  }
0xcc: {  	s17 =	smul.u32 @!p6 $0x6, s19;
	s19 =	sshrl.u32 @!p5 s20, $0xA;
	[sflag:s23] =	ssyncadd.s32 @!p2 $0xFFFFFF80  }
0xcd: {  	s20 =	simm.s32 @!p2 $0x80;
	s21 =	simm.s32 @!p1 $0x7;
	_ =	swait.ge @!p2 [sflag:s23], $0x80  }
0xce: {  	s19 =	sand.u32 @!p5 $0x3F, s19;
	s12 =	ssub.s32 @!p6 s12, s17;
	[sflag:s23] =	ssyncset.done @!p2 $0x0  }
0xcf: {  	s17 =	smul.u32 @!p5 $0x6, s19;
	s19 =	simm.s32 @!p2 $0x100;
	[sflag:s23] =	ssyncadd.s32 @!p2 $0xFFFFFF80  }
0xd0: {  	[tilespmem:s6], [sflag:$0x3] =	stream.indirect.gather @!p2 [hbm4b:s3+s20], $0x80, s19, s20, $0xb8;
	[tilespmem:$0x1FE80] =	vst v63  }
0xd1: {  	s13 =	sadd.s32 @!p5 $0x3, s16;
	s6 =	ssub.s32 @!p5 s16, s17;
	_ =	swait.ge @!p1 [sflag:s21], $0x4000  }
0xd2: {  	s6 =	sand.u32 @!p5 $0xFF, s6;
	[sflag:s21] =	ssyncset.done @!p1 $0x0;
	s23 =	sld [smem:$0x7F9]  }
0xd3: {  	s6 =	sshll.u32 @!p5 s6, $0x7;
	[sflag:s21] =	ssyncadd.s32 @!p1 $0xFFFFC000;
	p1 =	sge.u32 @!p5 s13, s9  }
0xd4: {  	s5 =	sand.u32 @!p4 $0x3F, s5;
	s17 =	sadd.s32 @!p5 $0x200, s6;
	s6 =	simm.s32 @!p1 $0x0  }
0xd5: {  	s5 =	smul.u32 @!p4 $0x6, s5;
	s6 =	simm.s32 @p1 $0x1;
	p1 =	seq.s32 s23, $0x1  }
0xd6: {  	s18 =	sshll.u32 @!p0 s18, $0x7;
	[smem:$0x7FA] =	sst s6;
	s6 =	simm.s32 @!p1 $0x2  }
0xd7: {  	s24 =	simm.s32 @!p0 $0x80;
	s18 =	sadd.s32 @!p0 $0x200, s18;
	_ =	swait.ge @!p1 [sflag:s6], $0x4000  }
0xd8: {  	s23 =	simm.s32 @!p1 $0x80;
	[sflag:s6] =	ssyncset.done @!p1 $0x0;
	s20 =	rddreg [dreg:$0x6]  }
0xd9: {  	s29 =	rddreg [dreg:$0x8];
	[sflag:s6] =	ssyncadd.s32 @!p1 $0xFFFFC000;
	s6 =	simm.s32 @!p1 $0x4600  }
0xda: {  	[spmem:s1] =	stream.indirect.scatter.add.f32 @!p1 [tilespmem:s6], [sflag:$0x8], $0x80, s14, s23, $0xb8;
	[tilespmem:$0x1FE80] =	vst v63  }
0xdb: {  	s19 =	sadd.s32 $0x1, s16;
	p2 =	sge.u32 @!p1 s0, s29;
	s6 =	sadd.s32 @!p0 s31, s20  }
0xdc: {  	s14 =	simm.s32 @!p0 $0x0;
	p2 =	por p2, p1;
	p1 =	por p5, p5  }
0xdd: {  	[tilespmem:s24], [sflag:$0x5] =	stream.linear.gather @!p0 [hbm4b:s6+s14], $0x80, $0x38;
	[tilespmem:$0x1FE80] =	vst v63  }
0xde: {  	p3 =	sge.u32 s19, s9;
	s21 =	rddreg [dreg:$0x7];
	s6 =	simm.s32 @!p1 $0x0  }
0xdf: {  	s21 =	sadd.s32 @!p0 s31, s21;
	s20 =	smul.u32 @!p3 $0xAB, s19;
	s6 =	simm.s32 @p1 $0x1  }
0xe0: {  	[tilespmem:s18], [sflag:$0x5] =	stream.linear.gather @!p0 [hbm4b:s21+s14], $0x80, $0x38;
	[tilespmem:$0x1FE80] =	vst v63  }
0xe1: {  	p5 =	por p3, p3;
	[smem:$0x7FC] =	sst s6;
	s14 =	simm.s32 @!p2 $0x4  }
0xe2: {  	s24 =	sld [smem:$0x7FA];
	s6 =	sshrl.u32 @!p3 s20, $0xA;
	_ =	swait.ge @!p2 [sflag:s14], $0x80  }
0xe3: {  	s5 =	ssub.s32 @!p4 s11, s5;
	s6 =	sand.u32 @!p5 $0x3F, s6;
	[sflag:s14] =	ssyncset.done @!p2 $0x0  }
0xe4: {  	s5 =	sand.u32 @!p4 $0xFF, s5;
	s6 =	smul.u32 @!p5 $0x6, s6;
	[sflag:s14] =	ssyncadd.s32 @!p2 $0xFFFFFF80  }
0xe5: {  	s18 =	simm.s32 @!p2 $0x600;
	p0 =	sgt.u32 s11, s9;
	_ =	swait.ge @!p2 [sflag:s14], $0x80  }
0xe6: {  	s11 =	simm.s32 @!p0 $0x8;
	s6 =	ssub.s32 @!p5 s19, s6;
	[sflag:s14] =	ssyncset.done @!p2 $0x0  }
0xe7: {  	s19 =	simm.s32 @!p2 $0x0;
	[sflag:s14] =	ssyncadd.s32 @!p2 $0xFFFFFF80;
	s14 =	simm.s32 @!p2 $0x80  }
0xe8: {  	[tilespmem:s18], [sflag:$0x1] =	stream.indirect.gather @!p2 [hbm4b:s3+s14], $0x80, s19, s14, $0xb8;
	[tilespmem:$0x1FE80] =	vst v63  }
0xe9: {  	s5 =	sshll.u32 @!p4 s5, $0x7;
	s6 =	sand.u32 @!p5 $0xFF, s6;
	_ =	swait.ge @!p0 [sflag:s11], $0x4000  }
0xea: {  	s12 =	sand.u32 @!p6 $0xFF, s12;
	s6 =	sshll.u32 @!p5 s6, $0x7;
	[sflag:s11] =	ssyncset.done @!p0 $0x0  }
0xeb: {  	s14 =	sadd.s32 @!p5 $0x200, s6;
	s6 =	simm.s32 @!p4 $0x3;
	[sflag:s11] =	ssyncadd.s32 @!p0 $0xFFFFC000  }
0xec: {  	s5 =	sadd.s32 @!p4 $0x200, s5;
	s12 =	sshll.u32 @!p6 s12, $0x7;
	_ =	swait.ge @!p4 [sflag:s6], $0x4000  }
0xed: {  	s12 =	sadd.s32 @!p6 $0x200, s12;
	s18 =	simm.s32 @!p4 $0x80;
	s19 =	rddreg [dreg:$0x9]  }
0xee: {  	s11 =	simm.s32 @!p4 $0x8600;
	[sflag:s6] =	ssyncset.done @!p4 $0x0;
	s29 =	sld [smem:$0x7FB]  }
0xef: {  	s20 =	rddreg [dreg:$0xa];
	[sflag:s6] =	ssyncadd.s32 @!p4 $0xFFFFC000;
	s6 =	simm.s32 @!p6 $0x100  }
0xf0: {  	[spmem:s1] =	stream.indirect.scatter.add.f32 @!p4 [tilespmem:s11], [sflag:$0x9], $0x80, s5, s18, $0xb8;
	[tilespmem:$0x1FE80] =	vst v63  }
0xf1: {  	s5 =	sadd.s32 @!p6 s31, s19;
	s18 =	rddreg [dreg:$0xb];
	p2 =	seq.s32 s29, $0x1  }
.Ltmp1:
0xf2: {  	s11 =	simm.s32 @!p6 $0x0;
	p0 =	sge.u32 @!p4 s0, s18;
	(pc) =	sbr.rel @p2 .LBB2_4-.Ltmp1, $4  }
0xf3: {  	[tilespmem:s6], [sflag:$0x6] =	stream.linear.gather @!p6 [hbm4b:s5+s11], $0x80, $0x38;
	[tilespmem:$0x1FE80] =	vst v63  }
0xf4: {  	p3 =	seq.s32 s24, $0x1;
	s5 =	sadd.s32 @!p6 s31, s20;
	p0 =	por p0, p4  }
0xf5: {  	[tilespmem:s12], [sflag:$0x6] =	stream.linear.gather @!p6 [hbm4b:s5+s11], $0x80, $0x38;
	[tilespmem:$0x1FE80] =	vst v63  }
0xf6: {  	s0 =	smov.u32 s16;
	s31 =	smov.u32 s15;
	s11 =	simm.s32 @!p0 $0x5  }
0xf7: {  	_ =	swait.ge @!p0 [sflag:s11], $0x80  }
0xf8: {  	[sflag:s11] =	ssyncset.done @!p0 $0x0  }
0xf9: {  	[sflag:s11] =	ssyncadd.s32 @!p0 $0xFFFFFF80  }
0xfa: {  	_ =	swait.ge @!p0 [sflag:s11], $0x80  }
0xfb: {  	[sflag:s11] =	ssyncset.done @!p0 $0x0  }
0xfc: {  	s4 =	simm.s32 @!p0 $0x80;
	s5 =	simm.s32 @!p0 $0x4600;
	[sflag:s11] =	ssyncadd.s32 @!p0 $0xFFFFFF80  }
0xfd: {  	[tilespmem:s5], [sflag:$0x2] =	stream.indirect.gather @!p0 [hbm4b:s3+s4], $0x80, s4, s4, $0xb8;
	[tilespmem:$0x1FE80] =	vst v63  }
0xfe: {  	p0 =	seq.s32 s0, $0x0  }
0xff: {  	s4 =	simm.s32 @!p0 $0x9  }
0x100: {  	_ =	swait.ge @!p0 [sflag:s4], $0x4000  }
0x101: {  	s6 =	sld [smem:$0x7FC];
	_ =	sdelay $0x2  }
0x102: {  	[sflag:s4] =	ssyncset.done @!p0 $0x0;
	p1 =	seq.s32 s6, $0x1  }
0x103: {  	[sflag:s4] =	ssyncadd.s32 @!p0 $0xFFFFC000;
	s4 =	simm.s32 @!p1 $0x1  }
0x104: {  	_ =	swait.ge @!p1 [sflag:s4], $0x4000  }
0x105: {  	s5 =	simm.s32 @!p1 $0x80;
	p0 =	por p3, p1;
	[sflag:s4] =	ssyncset.done @!p1 $0x0  }
0x106: {  	s6 =	simm.s32 @!p1 $0x600;
	[sflag:s4] =	ssyncadd.s32 @!p1 $0xFFFFC000;
	s4 =	smul.u32 @!p0 $0xAB, s13  }
0x107: {  	[spmem:s1] =	stream.indirect.scatter.add.f32 @!p1 [tilespmem:s6], [sflag:$0x7], $0x80, s17, s5, $0xb8;
	[tilespmem:$0x1FE80] =	vst v63  }
0x108: {  	s4 =	sshrl.u32 @!p0 s4, $0xA  }
0x109: {  	s5 =	rddreg [dreg:$0x3];
	s4 =	sand.u32 @!p0 $0x3F, s4  }
0x10a: {  	s11 =	simm.s32 @!p0 $0x0;
	s5 =	sadd.s32 @!p0 s31, s5;
	s4 =	smul.u32 @!p0 $0x6, s4  }
0x10b: {  	[tilespmem:s11], [sflag:$0x4] =	stream.linear.gather @!p0 [hbm4b:s5+s11], $0x80, $0x38;
	[tilespmem:$0x1FE80] =	vst v63  }
0x10c: {  	s4 =	ssub.s32 @!p0 s13, s4  }
0x10d: {  	s4 =	sand.u32 @!p0 $0xFF, s4  }
0x10e: {  	s6 =	rddreg [dreg:$0x4];
	s4 =	sshll.u32 @!p0 s4, $0x7  }
0x10f: {  	s6 =	sadd.s32 @!p0 s31, s6;
	s5 =	rddreg [dreg:$0x5];
	s4 =	sadd.s32 @!p0 $0x200, s4  }
0x110: {  	[tilespmem:s4], [sflag:$0x4] =	stream.linear.gather @!p0 [hbm4b:s6+s11], $0x80, $0x38;
	[tilespmem:$0x1FE80] =	vst v63  }
0x111: {  	p0 =	sge.u32 @!p1 s0, s5  }
0x112: {  	p0 =	por p0, p1  }
0x113: {  	s4 =	simm.s32 @!p0 $0x6  }
0x114: {  	_ =	swait.ge @!p0 [sflag:s4], $0x80  }
0x115: {  	[sflag:s4] =	ssyncset.done @!p0 $0x0  }
0x116: {  	[sflag:s4] =	ssyncadd.s32 @!p0 $0xFFFFFF80  }
0x117: {  	_ =	swait.ge @!p0 [sflag:s4], $0x80  }
0x118: {  	s5 =	sadd.s32 @!p5 $0x4, s0;
	s6 =	simm.s32 @!p0 $0x8600;
	[sflag:s4] =	ssyncset.done @!p0 $0x0  }
0x119: {  	s11 =	simm.s32 @!p0 $0x80;
	[sflag:s4] =	ssyncadd.s32 @!p0 $0xFFFFFF80;
	s4 =	simm.s32 @!p0 $0x100  }
0x11a: {  	[tilespmem:s6], [sflag:$0x3] =	stream.indirect.gather @!p0 [hbm4b:s3+s11], $0x80, s4, s11, $0xb8;
	[tilespmem:$0x1FE80] =	vst v63  }
0x11b: {  	p0 =	sge.u32 @!p5 s5, s9;
	s4 =	simm.s32 @!p1 $0x7  }
0x11c: {  	p0 =	por p0, p5;
	_ =	swait.ge @!p1 [sflag:s4], $0x4000  }
0x11d: {  	s6 =	smul.u32 @!p0 $0xAB, s5;
	[sflag:s4] =	ssyncset.done @!p1 $0x0  }
0x11e: {  	[sflag:s4] =	ssyncadd.s32 @!p1 $0xFFFFC000;
	s4 =	simm.s32 @!p5 $0x2  }
0x11f: {  	s6 =	sshrl.u32 @!p0 s6, $0xA;
	_ =	swait.ge @!p5 [sflag:s4], $0x4000  }
0x120: {  	s11 =	simm.s32 @!p5 $0x80;
	s6 =	sand.u32 @!p0 $0x3F, s6;
	[sflag:s4] =	ssyncset.done @!p5 $0x0  }
0x121: {  	s6 =	smul.u32 @!p0 $0x6, s6;
	[sflag:s4] =	ssyncadd.s32 @!p5 $0xFFFFC000;
	s4 =	simm.s32 @!p5 $0x4600  }
0x122: {  	[spmem:s1] =	stream.indirect.scatter.add.f32 @!p5 [tilespmem:s4], [sflag:$0x8], $0x80, s14, s11, $0xb8;
	[tilespmem:$0x1FE80] =	vst v63  }
0x123: {  	s4 =	rddreg [dreg:$0x6]  }
0x124: {  	s12 =	simm.s32 @!p0 $0x80;
	s11 =	rddreg [dreg:$0x7];
	s5 =	ssub.s32 @!p0 s5, s6  }
0x125: {  	s6 =	rddreg [dreg:$0x8];
	s4 =	sadd.s32 @!p0 s31, s4;
	s5 =	sand.u32 @!p0 $0xFF, s5  }
0x126: {  	p2 =	sge.u32 @!p5 s0, s6;
	s6 =	simm.s32 @!p0 $0x0;
	s5 =	sshll.u32 @!p0 s5, $0x7  }
0x127: {  	[tilespmem:s12], [sflag:$0x5] =	stream.linear.gather @!p0 [hbm4b:s4+s6], $0x80, $0x38;
	[tilespmem:$0x1FE80] =	vst v63  }
0x128: {  	p1 =	por p2, p5;
	s4 =	sadd.s32 @!p0 $0x200, s5;
	s5 =	sadd.s32 @!p0 s31, s11  }
0x129: {  	[tilespmem:s4], [sflag:$0x5] =	stream.linear.gather @!p0 [hbm4b:s5+s6], $0x80, $0x38;
	[tilespmem:$0x1FE80] =	vst v63  }
0x12a: {  	s4 =	simm.s32 @!p1 $0x4  }
0x12b: {  	_ =	swait.ge @!p1 [sflag:s4], $0x80  }
0x12c: {  	[sflag:s4] =	ssyncset.done @!p1 $0x0  }
0x12d: {  	[sflag:s4] =	ssyncadd.s32 @!p1 $0xFFFFFF80  }
0x12e: {  	s11 =	simm.s32 @!p1 $0x600;
	s5 =	sadd.s32 $0x2, s0;
	_ =	swait.ge @!p1 [sflag:s4], $0x80  }
0x12f: {  	s12 =	simm.s32 @!p1 $0x0;
	p0 =	sge.u32 s5, s9;
	[sflag:s4] =	ssyncset.done @!p1 $0x0  }
0x130: {  	s6 =	smul.u32 @!p0 $0xAB, s5;
	[sflag:s4] =	ssyncadd.s32 @!p1 $0xFFFFFF80;
	s4 =	simm.s32 @!p1 $0x80  }
0x131: {  	[tilespmem:s11], [sflag:$0x1] =	stream.indirect.gather @!p1 [hbm4b:s3+s4], $0x80, s12, s4, $0xb8;
	[tilespmem:$0x1FE80] =	vst v63  }
0x132: {  	s4 =	sshrl.u32 @!p0 s6, $0xA  }
0x133: {  	p1 =	sgt.u32 s5, s9;
	s4 =	sand.u32 @!p0 $0x3F, s4  }
0x134: {  	s6 =	simm.s32 @!p1 $0x8;
	s4 =	smul.u32 @!p0 $0x6, s4  }
0x135: {  	s11 =	sadd.s32 @!p0 $0x5, s0;
	_ =	swait.ge @!p1 [sflag:s6], $0x4000  }
0x136: {  	s12 =	simm.s32 @!p0 $0x8600;
	[sflag:s6] =	ssyncset.done @!p1 $0x0;
	s4 =	ssub.s32 @!p0 s5, s4  }
0x137: {  	[sflag:s6] =	ssyncadd.s32 @!p1 $0xFFFFC000;
	p1 =	sge.u32 @!p0 s11, s9;
	s5 =	simm.s32 @!p0 $0x3  }
0x138: {  	s4 =	sand.u32 @!p0 $0xFF, s4;
	p1 =	por p1, p0;
	_ =	swait.ge @!p0 [sflag:s5], $0x4000  }
0x139: {  	s4 =	sshll.u32 @!p0 s4, $0x7;
	s6 =	smul.u32 @!p1 $0xAB, s11;
	[sflag:s5] =	ssyncset.done @!p0 $0x0  }
0x13a: {  	s4 =	sadd.s32 @!p0 $0x200, s4;
	[sflag:s5] =	ssyncadd.s32 @!p0 $0xFFFFC000;
	s5 =	simm.s32 @!p0 $0x80  }
0x13b: {  	[spmem:s1] =	stream.indirect.scatter.add.f32 @!p0 [tilespmem:s12], [sflag:$0x9], $0x80, s4, s5, $0xb8;
	[tilespmem:$0x1FE80] =	vst v63  }
0x13c: {  	s4 =	sshrl.u32 @!p1 s6, $0xA  }
0x13d: {  	s5 =	rddreg [dreg:$0x9];
	s6 =	simm.s32 @!p1 $0x100;
	s4 =	sand.u32 @!p1 $0x3F, s4  }
0x13e: {  	s12 =	simm.s32 @!p1 $0x0;
	s5 =	sadd.s32 @!p1 s31, s5;
	s4 =	smul.u32 @!p1 $0x6, s4  }
0x13f: {  	[tilespmem:s6], [sflag:$0x6] =	stream.linear.gather @!p1 [hbm4b:s5+s12], $0x80, $0x38;
	[tilespmem:$0x1FE80] =	vst v63  }
0x140: {  	s4 =	ssub.s32 @!p1 s11, s4  }
0x141: {  	s4 =	sand.u32 @!p1 $0xFF, s4  }
0x142: {  	s5 =	rddreg [dreg:$0xa];
	s4 =	sshll.u32 @!p1 s4, $0x7  }
0x143: {  	s6 =	rddreg [dreg:$0xb];
	s5 =	sadd.s32 @!p1 s31, s5;
	s4 =	sadd.s32 @!p1 $0x200, s4  }
0x144: {  	[tilespmem:s4], [sflag:$0x6] =	stream.linear.gather @!p1 [hbm4b:s5+s12], $0x80, $0x38;
	[tilespmem:$0x1FE80] =	vst v63  }
0x145: {  	p1 =	sge.u32 @!p0 s0, s6  }
0x146: {  	p0 =	por p1, p0  }
0x147: {  	s0 =	simm.s32 @!p0 $0x5  }
0x148: {  	_ =	swait.ge @!p0 [sflag:s0], $0x80  }
0x149: {  	[sflag:s0] =	ssyncset.done @!p0 $0x0  }
0x14a: {  	[sflag:s0] =	ssyncadd.s32 @!p0 $0xFFFFFF80  }
0x14b: {  	_ =	swait.ge @!p0 [sflag:s0], $0x80  }
0x14c: {  	s11 =	stileid.u32;
	[sflag:s0] =	ssyncset.done @!p0 $0x0  }
0x14d: {  	s4 =	simm.s32 @!p0 $0x80;
	[sflag:s0] =	ssyncadd.s32 @!p0 $0xFFFFFF80;
	s0 =	simm.s32 @!p0 $0x4600  }
0x14e: {  	[tilespmem:s0], [sflag:$0x2] =	stream.indirect.gather @!p0 [hbm4b:s3+s4], $0x80, s4, s4, $0xb8;
	[tilespmem:$0x1FE80] =	vst v63  }
0x14f: {  	s0 =	sshll.u32 s11, $0x6;
	[bflag:$0x0] =	sbarrier.arrive $0xFFFF  }
0x150: {  	s12 =	sshrl.u32 s7, $0x3;
	s0 =	sor.u32 $0x1C0A, s0;
	s13 =	rddreg [dreg:$0xf]  }
0x151: {  	[hbm:s13], [sflag:s0] =	dma.local [spmem:s12], $0x800  }
0x152: {  	_ =	swait.ge [sflag:s26], $0x800  }
0x153: {  	[sflag:s26] =	ssyncset.done $0x0  }
0x154: {  	s14 =	sshrl.u32 s8, $0x3;
	s15 =	rddreg [dreg:$0x10];
	[sflag:s26] =	ssyncadd.s32 $0xFFFFF800  }
0x155: {  	[hbm:s15], [sflag:s0] =	dma.local [spmem:s14], $0x800  }
0x156: {  	_ =	swait.ge [sflag:s26], $0x800  }
0x157: {  	[sflag:s26] =	ssyncset.done $0x0  }
0x158: {  	s16 =	sshrl.u32 s10, $0x3;
	s17 =	rddreg [dreg:$0x11];
	[sflag:s26] =	ssyncadd.s32 $0xFFFFF800  }
0x159: {  	[hbm:s17], [sflag:s0] =	dma.local [spmem:s16], $0x800  }
0x15a: {  	_ =	swait.ge [sflag:s26], $0x800  }
0x15b: {  	[sflag:s26] =	ssyncset.done $0x0  }
0x15c: {  	s18 =	sshrl.u32 s22, $0x3;
	s19 =	rddreg [dreg:$0x12];
	[sflag:s26] =	ssyncadd.s32 $0xFFFFF800  }
0x15d: {  	[hbm:s19], [sflag:s0] =	dma.local [spmem:s18], $0x800  }
0x15e: {  	_ =	swait.ge [sflag:s26], $0x800  }
0x15f: {  	[sflag:s26] =	ssyncset.done $0x0;
	s31 =	rddreg [dreg:$0xc]  }
0x160: {  	s21 =	rddreg [dreg:$0x13];
	[sflag:s26] =	ssyncadd.s32 $0xFFFFF800;
	s20 =	sshrl.u32 s31, $0x3  }
0x161: {  	[hbm:s21], [sflag:s0] =	dma.local [spmem:s20], $0x700  }
0x162: {  	_ =	swait.ge [sflag:s26], $0x700  }
0x163: {  	s29 =	smov.u32 s22;
	s22 =	sld [smem:$0x7FD];
	_ =	sdelay $0x1  }
0x164: {  	s5 =	smov.u32 s7  }
0x165: {  	[sflag:s26] =	ssyncset.done $0x0;
	s13 =	rddreg [dreg:$0x18];
	p1 =	seq.s32 s22, $0x1  }
0x166: {  	s7 =	rddreg [dreg:$0x19];
	[sflag:s26] =	ssyncadd.s32 $0xFFFFF900;
	s4 =	sshrl.u32 @!p1 s13, $0x3  }
0x167: {  	[hbm:s7], [sflag:s0] =	dma.local @!p1 [spmem:s4], $0x100  }
0x168: {  	s0 =	simm.s32 @!p1 $0xA  }
0x169: {  	_ =	swait.ge @!p1 [sflag:s0], $0x100  }
0x16a: {  	s2 =	sadd.s32 $0x1, s2;
	s23 =	rddreg [dreg:$0x1a]  }
0x16b: {  	p0 =	sne.s32 s2, s23  }
.Ltmp2:
0x16c: {  	_ = 	snop;
	(pc) =	sbr.rel @p0 .LBB2_1-.Ltmp2, $3  }
0x16d: {  	_ =	sdelay $0x1  }
0x16e: {  	[sflag:s0] =	ssyncset.done @!p1 $0x0  }
0x16f: {  	s24 =	smov.u32 s10;
	s6 =	smov.u32 s8;
	[sflag:s0] =	ssyncadd.s32 @!p1 $0xFFFFFF00  }
0x170: {  	_ =	sfence.sel $0x180000  }
0x171: {  	[bflag:$0x0] =	sbarrier.arrive $0xFFFF  }
0x172: {  	_ =	strace $0x9000004D  }
0x173: {  	[bflag:$0x2] =	sbarrier.arrive $0xFFFF  }
0x174: {  	s0 =	rddreg [dreg:$0x2]  }
0x175: {  	s0 =	sadd.s32 @!p1 $0x100000, s0  }
0x176: {  	[sflag:s0] =	ssyncadd.tile.s32 @!p1 $0x1;
	_ =	shalt  }
.Lfunc_end2:
_tile_overlayer_lowered:
.L_overlay_start_2:
0x177: {  	(tag) =	ssettag $0x2  }
0x178: {  	s0 =	rddreg [dreg:$0x0];
	s2 =	stileid.u32  }
0x179: {  	s1 =	rddreg [dreg:$0x1];
	p0 =	sne.s32 s2, $0x0  }
0x17a: {  	s3 =	rddreg [dreg:$0x2];
	[bflag:$0x3] =	sbarrier.arrive $0xFFFF;
	s2 =	simm.s32 @!p0 $0x1C0A  }
0x17b: {  	[timem:s3], [sflag:s2] =	dma.local @!p0 [hbm:s0], s1  }
0x17c: {  	s0 =	simm.s32 @!p0 $0xA  }
0x17d: {  	_ =	swait.ge @!p0 [sflag:s0], s1  }
0x17e: {  	s1 =	ssub.s32 @!p0 $0x0, s1;
	[sflag:s0] =	ssyncset.done @!p0 $0x0  }
0x17f: {  	[sflag:s0] =	ssyncadd.s32 @!p0 s1  }
0x180: {  	[bflag:$0x3] =	sbarrier.arrive $0xFFFF  }
0x181: {  	_ =	shalt  }

// kernel: kernel.8.cloned.1.call-start
scs
__scs_entry_jumppad:
0x0: {  	(pc) =	sbr.rel $0x88, $3  }
0x1: {  	(tag) =	ssettag $0x0;
	lr =	simm.s32 $0x1  }
0x2: {  	[smem:$0x3F93] =	sst lr;
	_ =	strace $0xD0000000  }
0x3: {  	_ = 	snop  }
0x4: {  	_ = 	snop  }
0x5: {  	_ = 	snop  }
0x6: {  	_ = 	snop  }
0x7: {  	_ = 	snop  }
__scs_overlays_trampoline_lowered:
0x8: {  	[smem:$0x3FA2] =	sst s0  }
0x9: {  	[smem:$0x3FA3] =	sst s1  }
0xa: {  	[smem:$0x3FA4] =	sst s2  }
0xb: {  	[smem:$0x3FA5] =	sst s3  }
0xc: {  	[smem:$0x3FA6] =	sst s4  }
0xd: {  	[smem:$0x3FA7] =	sst s5  }
0xe: {  	[smem:$0x3FA8] =	sst s6  }
0xf: {  	[smem:$0x3FA9] =	sst s7  }
0x10: {  	[smem:$0x3FAA] =	sst s8  }
0x11: {  	[smem:$0x3FAB] =	sst s9;
	s0 =	simm.s32 @!p0 $0x0  }
0x12: {  	s1 =	sld [smem:$0x3F91];
	s0 =	simm.s32 @p0 $0x1  }
0x13: {  	[smem:$0x3FAC] =	sst s0;
	s0 =	simm.s32 @!p1 $0x0  }
0x14: {  	s2 =	sld [smem:$0x3F90];
	s0 =	simm.s32 @p1 $0x1  }
0x15: {  	[smem:$0x3FAD] =	sst s0;
	s0 =	simm.s32 @!p2 $0x0  }
0x16: {  	s3 =	sld [smem:$0x3FDB];
	s0 =	simm.s32 @p2 $0x1  }
0x17: {  	s4 =	simm.s32 $0x1BF5;
	[smem:$0x3FAF] =	sst s0  }
0x18: {  	s0 =	sld [smem:$0x3F92];
	_ =	swait.ge [sflag:s4], $0x0  }
0x19: {  	s7 =	sld [smem:$0x3F93]  }
0x1a: {  	s8 =	sadd.s32 $0xFFFFE003, lr  }
0x1b: {  	s9 =	sadd.s32 $0xFFFFFEF7, lr;
	s5 =	simm.s32 $0xFFFFFFFF;
	p2 =	slt.u32 s8, $0xFFFFF086  }
0x1c: {  	p1 =	slt.u32 s9, $0xF7A;
	s5 =	simm.s32 @!p2 $0x0  }
0x1d: {  	s5 =	simm.s32 @p1 $0x1;
	p0 =	seq.s32 s7, s2  }
0x1e: {  	s7 =	smul.u32 @!p0 $0xF7A, s2;
	p2 =	seq.s32 @!p0 s5, $0x0  }
0x1f: {  	s9 =	smul.u32 $0xF7A, s1;
	s8 =	simm.s32 @!p0 $0x1BF5;
	p2 =	por !p2, p0  }
0x20: {  	[sflag:s8] =	ssyncset.s32 @!p0 $0xFFFFF086;
	s6 =	sadd.s32 @!p0 s3, s7;
	s7 =	simm.s32 @!p0 $0x108  }
0x21: {  	s3 =	sadd.s32 s3, s9;
	s6 =	sadd.s32 @!p0 $0x88, s6;
	s7 =	simm.s32 @p2 $0x1082  }
0x22: {  	[simem:s7], [sflag:s8] =	dma.local @!p0 [hbm:s6], $0xF7A  }
0x23: {  	s9 =	sor.u32 $0xD0000000, s2;
	s6 =	simm.s32 $0x108;
	_ =	swait.ge @!p0 [sflag:s8], $0x0  }
0x24: {  	s3 =	sadd.s32 $0x88, s3;
	s6 =	simm.s32 @!p1 $0x1082;
	[sflag:s4] =	ssyncset.s32 $0xFFFFF086  }
0x25: {  	[simem:s6], [sflag:s4] =	dma.local [hbm:s3], $0xF7A  }
0x26: {  	[smem:$0x3F93] =	sst s1;
	(tag) =	ssettag s2;
	_ =	strace s9  }
0x27: {  	s1 =	sld [smem:$0x3FA3]  }
0x28: {  	s2 =	sld [smem:$0x3FA4]  }
0x29: {  	s4 =	sld [smem:$0x3FA6]  }
0x2a: {  	p0 =	seq.s32 s5, $0x0;
	s5 =	sld [smem:$0x3FA7]  }
0x2b: {  	s6 =	sld [smem:$0x3FA8]  }
0x2c: {  	s7 =	sld [smem:$0x3FA9]  }
0x2d: {  	s3 =	simm.s32 $0x108;
	s8 =	sld [smem:$0x3FAA]  }
0x2e: {  	s3 =	simm.s32 @!p0 $0x1082;
	s9 =	sld [smem:$0x3FAB]  }
0x2f: {  	lr =	sadd.s32 s0, s3;
	s0 =	sld [smem:$0x3FA2]  }
0x30: {  	s3 =	sld [smem:$0x3FA5]  }
0x31: {  	[smem:$0x3FAE] =	sst s10  }
0x32: {  	s10 =	sld [smem:$0x3FAC];
	_ =	sdelay $0x3  }
0x33: {  	p0 =	seq.s32 s10, $0x1;
	s10 =	sld [smem:$0x3FAE];
	_ =	sdelay $0x3  }
0x34: {  	[smem:$0x3FAE] =	sst s10  }
0x35: {  	s10 =	sld [smem:$0x3FAD];
	_ =	sdelay $0x3  }
0x36: {  	p1 =	seq.s32 s10, $0x1;
	s10 =	sld [smem:$0x3FAE];
	_ =	sdelay $0x3  }
0x37: {  	[smem:$0x3FAE] =	sst s10  }
0x38: {  	s10 =	sld [smem:$0x3FAF]  }
0x39: {  	_ = 	snop;
	(pc) =	sbr.ind lr, $3  }
0x3a: {  	_ = 	snop  }
0x3b: {  	_ = 	snop  }
0x3c: {  	p2 =	seq.s32 s10, $0x1;
	s10 =	sld [smem:$0x3FAE]  }
0x3d: {  	_ =	shalt  }
0x3e: {  	_ =	shalt  }
0x3f: {  	_ =	shalt  }
0x40: {  	_ =	shalt  }
0x41: {  	_ =	shalt  }
0x42: {  	_ =	shalt  }
0x43: {  	_ =	shalt  }
0x44: {  	_ =	shalt  }
0x45: {  	_ =	shalt  }
0x46: {  	_ =	shalt  }
0x47: {  	_ =	shalt  }
0x48: {  	_ =	shalt  }
0x49: {  	_ =	shalt  }
0x4a: {  	_ =	shalt  }
0x4b: {  	_ =	shalt  }
0x4c: {  	_ =	shalt  }
0x4d: {  	_ =	shalt  }
0x4e: {  	_ =	shalt  }
0x4f: {  	_ =	shalt  }
0x50: {  	_ =	shalt  }
0x51: {  	_ =	shalt  }
0x52: {  	_ =	shalt  }
0x53: {  	_ =	shalt  }
0x54: {  	_ =	shalt  }
0x55: {  	_ =	shalt  }
0x56: {  	_ =	shalt  }
0x57: {  	_ =	shalt  }
0x58: {  	_ =	shalt  }
0x59: {  	_ =	shalt  }
0x5a: {  	_ =	shalt  }
0x5b: {  	_ =	shalt  }
0x5c: {  	_ =	shalt  }
0x5d: {  	_ =	shalt  }
0x5e: {  	_ =	shalt  }
0x5f: {  	_ =	shalt  }
0x60: {  	_ =	shalt  }
0x61: {  	_ =	shalt  }
0x62: {  	_ =	shalt  }
0x63: {  	_ =	shalt  }
0x64: {  	_ =	shalt  }
0x65: {  	_ =	shalt  }
0x66: {  	_ =	shalt  }
0x67: {  	_ =	shalt  }
0x68: {  	_ =	shalt  }
0x69: {  	_ =	shalt  }
0x6a: {  	_ =	shalt  }
0x6b: {  	_ =	shalt  }
0x6c: {  	_ =	shalt  }
0x6d: {  	_ =	shalt  }
0x6e: {  	_ =	shalt  }
0x6f: {  	_ =	shalt  }
0x70: {  	_ =	shalt  }
0x71: {  	_ =	shalt  }
0x72: {  	_ =	shalt  }
0x73: {  	_ =	shalt  }
0x74: {  	_ =	shalt  }
0x75: {  	_ =	shalt  }
0x76: {  	_ =	shalt  }
0x77: {  	_ =	shalt  }
0x78: {  	_ =	shalt  }
0x79: {  	_ =	shalt  }
0x7a: {  	_ =	shalt  }
0x7b: {  	_ =	shalt  }
0x7c: {  	_ =	shalt  }
0x7d: {  	_ =	shalt  }
0x7e: {  	_ =	shalt  }
0x7f: {  	_ =	shalt  }
0x80: {  	_ =	shalt  }
0x81: {  	_ =	shalt  }
0x82: {  	_ =	shalt  }
0x83: {  	_ =	shalt  }
0x84: {  	_ =	shalt  }
0x85: {  	_ =	shalt  }
0x86: {  	_ =	shalt  }
0x87: {  	_ =	shalt  }
.Lfunc_end0:
.L_simem_size_0:
called_computation_lowered:
.L_overlay_start_0:
0x88: {  	s2 =	sld [smem:$0x3FD9]  }
0x89: {  	s3 =	sld [smem:$0x3FFE];
	_ =	sdelay $0x1  }
0x8a: {  	s1 =	srdreg.scid  }
0x8b: {  	s0 =	sand.u32 $0x1, s1  }
0x8c: {  	s17 =	sshll.u32 s0, $0xA;
	s2 =	sadd.s32 s3, s2  }
0x8d: {  	s2 =	sadd.s32 s2, s17  }
0x8e: {  	[smem:$0x3FBA] =	sst s2  }
0x8f: {  	_ = 	snop  }
0x90: {  	s2 =	sld [smem:$0x3FC9];
	(tm) =	ssettm $0x1  }
0x91: {  	s18 =	sld [smem:$0x3FFB];
	_ =	sdelay $0x3  }
0x92: {  	_ =	strace s18  }
0x93: {  	s3 =	sld [smem:$0x3FFC];
	_ =	sdelay $0x3  }
0x94: {  	_ =	strace s3  }
0x95: {  	s3 =	sld [smem:$0x3FFD];
	_ =	sdelay $0x3  }
0x96: {  	_ =	strace s3  }
0x97: {  	_ =	strace $0x8FFFFFFF  }
0x98: {  	s19 =	sld [smem:$0x3FDB];
	_ =	sdelay $0x1  }
0x99: {  	s4 =	simm.s32 $_scs_section_size  }
0x9a: {  	s5 =	simm.s32 $_size__tile_overlayer_lowered;
	s6 =	simm.s32 $_tile_overlayer_lowered  }
0x9b: {  	s22 =	simm.s32 $0x1BFF;
	s21 =	sshll.u32 s6, $0x1;
	s3 =	sadd.s32 s4, s19  }
0x9c: {  	s7 =	simm.s32 $0x0;
	s20 =	sshll.u32 s5, $0x1;
	s5 =	sadd.s32 s21, s3  }
0x9d: {  	[timem:s7], [sflag:s22] =	dma.local [hbm:s5], s20  }
0x9e: {  	_ =	swait.ge [sflag:s22], s20  }
0x9f: {  	s4 =	ssub.s32 $0x0, s20;
	[sflag:s22] =	ssyncset.done $0x0  }
0xa0: {  	[sflag:s22] =	ssyncadd.s32 s4;
	_ =	sdelay $0x1  }
0xa1: {  	s23 =	simm.s32 $0x1B8B  }
0xa2: {  	_ =	swait.ge [sflag:s23], $0x1  }
0xa3: {  	[sflag:s23] =	ssyncset.done $0x0  }
0xa4: {  	s25 =	simm.s32 $0x1B8E;
	s24 =	sld [smem:$0x3FFE];
	[sflag:s23] =	ssyncadd.s32 $0xFFFFFFFF  }
0xa5: {  	s26 =	simm.s32 $execute0_lowered;
	[smem:$0x3FD2] =	sst s25  }
0xa6: {  	s5 =	sshll.u32 s26, $0x1;
	_ =	strace $0x80000046;
	[dreg:$0x1] =	wrdreg $0xFFFFFFFF  }
0xa7: {  	s28 =	simm.s32 $_size_execute0_lowered;
	s3 =	sadd.s32 s3, s5;
	[dreg:$0x0] =	wrdreg $0x0  }
0xa8: {  	s5 =	sshll.u32 s28, $0x1;
	[dreg:$0x2] =	wrdreg s3  }
0xa9: {  	[dreg:$0x3] =	wrdreg s5  }
0xaa: {  	[dreg:$0x4] =	wrdreg $0xC0  }
0xab: {  	_ =	task [dreg:s7], $0x5FFFF  }
0xac: {  	[dreg:$0x1] =	wrdreg $0xFFFFFFFF  }
0xad: {  	[dreg:$0x0] =	wrdreg $0x60  }
0xae: {  	[dreg:$0x2] =	wrdreg s2  }
0xaf: {  	[dreg:$0x3] =	wrdreg s24  }
0xb0: {  	[dreg:$0x4] =	wrdreg $0xC6000  }
0xb1: {  	[dreg:$0x5] =	wrdreg $0x9  }
0xb2: {  	_ =	task.clear_ibuf [dreg:s7], $0x6FFFF;
	_ =	strace $0x90000046  }
0xb3: {  	s29 =	simm.s32 $0x9;
	_ =	strace $0x80000048  }
0xb4: {  	_ =	swait.ge [sflag:s29], $0x1  }
0xb5: {  	[sflag:s29] =	ssyncadd.s32 $0xFFFFFFFF  }
0xb6: {  	_ =	strace $0x90000048  }
0xb7: {  	_ =	sfence  }
0xb8: {  	s30 =	sld [smem:$0x0];
	_ =	sdelay $0x2  }
0xb9: {  	s31 =	sshll.u32 s1, $0xD;
	s1 =	sshrl.u32 s1, $0x2  }
0xba: {  	s3 =	sand.u32 $0x4000, s31;
	s1 =	sadd.s32 s1, s30  }
0xbb: {  	s0 =	sor.u32 s3, s0;
	s1 =	sshll.u32 s1, $0x11  }
0xbc: {  	s0 =	sor.u32 s1, s0  }
0xbd: {  	s0 =	sadd.s32 $0x8F2B, s0  }
0xbe: {  	[sflag:s0] =	ssyncadd.remote.s32 $0x1  }
0xbf: {  	_ =	sfence.sel $0xFFFF  }
0xc0: {  	[dreg:$0x0] =	wrdreg $0xFFFFFFFF;
	(pc) =	sbr.abs _section_cstart, $3  }
0xc1: {  	[dreg:$0x1] =	wrdreg $0xFFFFFFFF  }
0xc2: {  	_ =	task.clear_ibuf [dreg:s7], $0x2FFFF;
	_ =	strace $0x9FFFFFFF  }
0xc3: {  	(tm) =	ssettm $0x7FFFFFFF  }
tec
execute0_lowered:
.L_overlay_start_1:
0x0: {  	(tag) =	ssettag $0x1  }
0x1: {  	s1 =	rddreg [dreg:$0x0]  }
0x2: {  	s5 =	rddreg [dreg:$0x1]  }
0x3: {  	s2 =	rddreg [dreg:$0x2];
	s3 =	simm.s32 $0x0;
	s4 =	srdreg.scid  }
0x4: {  	s23 =	stileid.u32;
	[smem:$0x7FF] =	sst s3  }
0x5: {  	s0 =	sadd.s32 $0xD200, s5;
	s13 =	sand.u32 $0x1, s4;
	s6 =	smul.u32 $0x4E000, s23  }
0x6: {  	s4 =	sadd.s32 $0x3400, s5;
	s14 =	smul.u32 $0x270, s23;
	s12 =	sadd.s32 $0x17000, s5  }
0x7: {  	s10 =	smul.u32 $0x4E, s23;
	s19 =	smin.u32 s23, $0x2;
	p0 =	slt.u32 s23, $0x2  }
0x8: {  	_ =	strace $0x80000047;
	s7 =	ssub.s32 $0x2, s13;
	s9 =	smul.u32 $0x4E2, s13  }
0x9: {  	s21 =	sshrl.u32 s7, $0x1;
	s6 =	sshrl.u32 s6, $0x2;
	s15 =	sadd.s32 $0x80, s14  }
0xa: {  	s16 =	sadd.s32 $0x100, s14;
	s17 =	sadd.s32 $0x180, s14;
	s18 =	sadd.s32 $0x200, s14  }
0xb: {  	s11 =	ssub.s32 s7, s21;
	s5 =	sadd.s32 s6, s2;
	s22 =	sshll.u32 s15, $0x7  }
0xc: {  	s24 =	sshll.u32 s16, $0x7;
	s8 =	sshll.u32 s17, $0x7;
	s10 =	sadd.s32 s10, s9  }
0xd: {  	s9 =	simm.s32 $0x4F;
	s20 =	sshll.u32 s18, $0x7;
	s21 =	smul.u32 $0x2710, s13  }
0xe: {  	s6 =	sadd.s32 s22, s2;
	s29 =	sadd.s32 s8, s2;
	s19 =	sadd.s32 s19, s10  }
0xf: {  	s9 =	simm.s32 @!p0 $0x4E;
	s31 =	sadd.s32 s20, s2;
	s20 =	sshll.u32 s19, $0x4  }
0x10: {  	s25 =	sadd.s32 $0xFFFFFFFE, s9;
	s26 =	sadd.s32 $0xFFFFFFFD, s9;
	[dreg:$0xd] =	wrdreg s31  }
0x11: {  	s10 =	sadd.s32 $0xFFFFFFFC, s9;
	s14 =	sadd.s32 s14, s21;
	[dreg:$0x6] =	wrdreg s25  }
0x12: {  	s15 =	sadd.s32 s21, s15;
	s22 =	sadd.s32 s21, s16;
	[dreg:$0x9] =	wrdreg s26  }
0x13: {  	s7 =	sadd.s32 s0, s20;
	s8 =	sadd.s32 s4, s20;
	[dreg:$0xc] =	wrdreg s10  }
0x14: {  	s14 =	sshll.u32 s14, $0x4;
	s15 =	sshll.u32 s15, $0x4;
	[dreg:$0xe] =	wrdreg s7  }
0x15: {  	s25 =	sadd.s32 s21, s17;
	s14 =	sadd.s32 s12, s14;
	[dreg:$0xf] =	wrdreg s8  }
0x16: {  	s10 =	sadd.s32 $0x40, s20;
	s19 =	sadd.s32 s12, s15;
	[dreg:$0x10] =	wrdreg s14  }
0x17: {  	s17 =	sshll.u32 s25, $0x4;
	s25 =	sadd.s32 $0x30, s8;
	[dreg:$0x11] =	wrdreg s19  }
0x18: {  	s26 =	sadd.s32 s21, s18;
	s16 =	sadd.s32 s10, s0;
	[dreg:$0x5] =	wrdreg s25  }
0x19: {  	s18 =	sshll.u32 s26, $0x4;
	s19 =	sadd.s32 s12, s17;
	[dreg:$0x7] =	wrdreg s16  }
0x1a: {  	s26 =	sadd.s32 $0x50, s20;
	s21 =	sadd.s32 s12, s18;
	[dreg:$0x13] =	wrdreg s19  }
0x1b: {  	s14 =	sshll.u32 s22, $0x4;
	s22 =	sadd.s32 $0x30, s7;
	[dreg:$0x14] =	wrdreg s21  }
0x1c: {  	s7 =	sadd.s32 s26, s0;
	[dreg:$0x4] =	wrdreg s22  }
0x1d: {  	s8 =	sadd.s32 s26, s4;
	[dreg:$0xa] =	wrdreg s7  }
0x1e: {  	s28 =	simm.s32 $0x4;
	s26 =	smax.u32 s11, $0x1;
	[dreg:$0xb] =	wrdreg s8  }
0x1f: {  	s17 =	sadd.s32 $0x10, s20;
	s14 =	sadd.s32 s12, s14;
	[dreg:$0x1b] =	wrdreg s26  }
0x20: {  	s30 =	simm.s32 $0x5;
	s18 =	sadd.s32 s0, s17;
	[dreg:$0x12] =	wrdreg s14  }
0x21: {  	s20 =	sadd.s32 $0x20, s20;
	s19 =	sadd.s32 s4, s17;
	[dreg:$0x15] =	wrdreg s18  }
0x22: {  	s13 =	smul.u32 $0x138800, s13;
	s0 =	sadd.s32 s0, s20;
	[dreg:$0x16] =	wrdreg s19  }
0x23: {  	p1 =	sne.s32 s23, $0x0;
	s21 =	sadd.s32 s4, s20;
	[dreg:$0x17] =	wrdreg s0  }
0x24: {  	s13 =	sshrl.u32 s13, $0x3;
	s22 =	sadd.s32 s10, s4;
	[dreg:$0x18] =	wrdreg s21  }
0x25: {  	s12 =	sadd.s32 s12, s13;
	s13 =	sadd.s32 $0x138000, s2;
	[dreg:$0x8] =	wrdreg s22  }
0x26: {  	s25 =	sadd.s32 $0x27000, s12;
	s0 =	simm.s32 @!p1 $0x0;
	[dreg:$0x19] =	wrdreg s13  }
0x27: {  	s24 =	sadd.s32 s24, s2;
	[dreg:$0x1a] =	wrdreg s25;
	s0 =	simm.s32 @p1 $0x1  }
0x28: {  	v0 =	vimm.f32 $0.0e+00;
	s26 =	simm.s32 $0xA;
	s25 =	simm.s32 $0x600;
	[smem:$0x7FD] =	sst s0  }
.LBB2_1:
0x29: {  	s0 =	simm.s32 $0x0;
	s4 =	simm.s32 $0x200  }
.LBB2_2:
0x2a: {  	p0 =	sne.s32 s4, $0xFE00;
	[tilespmem:s0+$0x670] =	vst v0  }
0x2b: {  	[tilespmem:s0+$0x600] =	vst v0  }
0x2c: {  	[tilespmem:s0+$0x610] =	vst v0  }
.Ltmp0:
0x2d: {  	[tilespmem:s0+$0x620] =	vst v0;
	(pc) =	sbr.rel @p0 .LBB2_2-.Ltmp0, $4  }
0x2e: {  	[tilespmem:s0+$0x630] =	vst v0  }
0x2f: {  	[tilespmem:s0+$0x640] =	vst v0  }
0x30: {  	[tilespmem:s0+$0x650] =	vst v0  }
0x31: {  	[tilespmem:s0+$0x660] =	vst v0;
	s0 =	sshra.s32 s4, $0x2;
	s4 =	sadd.s32 $0x200, s4  }
0x32: {  	[tilespmem:s0+$0x670] =	vst v0  }
0x33: {  	[tilespmem:s0+$0x600] =	vst v0  }
0x34: {  	[tilespmem:s0+$0x610] =	vst v0  }
0x35: {  	[tilespmem:s0+$0x620] =	vst v0  }
0x36: {  	[tilespmem:s0+$0x630] =	vst v0  }
0x37: {  	[tilespmem:s0+$0x640] =	vst v0  }
0x38: {  	[tilespmem:s0+$0x650] =	vst v0  }
0x39: {  	[tilespmem:s0+$0x660] =	vst v0  }
0x3a: {  	[spmem:s5] =	stream.linear.scatter [tilespmem:s25], [sflag:$0xA], $0x4000, $0x38;
	[tilespmem:$0x1FE80] =	vst v63  }
0x3b: {  	_ =	swait.ge [sflag:s26], $0x4000  }
0x3c: {  	[sflag:s26] =	ssyncset.done $0x0  }
0x3d: {  	[sflag:s26] =	ssyncadd.s32 $0xFFFFC000  }
0x3e: {  	[spmem:s6] =	stream.linear.scatter [tilespmem:s25], [sflag:$0xA], $0x4000, $0x38;
	[tilespmem:$0x1FE80] =	vst v63  }
0x3f: {  	_ =	swait.ge [sflag:s26], $0x4000  }
0x40: {  	[sflag:s26] =	ssyncset.done $0x0  }
0x41: {  	[sflag:s26] =	ssyncadd.s32 $0xFFFFC000  }
0x42: {  	[spmem:s24] =	stream.linear.scatter [tilespmem:s25], [sflag:$0xA], $0x4000, $0x38;
	[tilespmem:$0x1FE80] =	vst v63  }
0x43: {  	_ =	swait.ge [sflag:s26], $0x4000  }
0x44: {  	[sflag:s26] =	ssyncset.done $0x0  }
0x45: {  	[sflag:s26] =	ssyncadd.s32 $0xFFFFC000  }
0x46: {  	[spmem:s29] =	stream.linear.scatter [tilespmem:s25], [sflag:$0xA], $0x4000, $0x38;
	[tilespmem:$0x1FE80] =	vst v63  }
0x47: {  	_ =	swait.ge [sflag:s26], $0x4000  }
0x48: {  	[sflag:s26] =	ssyncset.done $0x0  }
0x49: {  	[sflag:s26] =	ssyncadd.s32 $0xFFFFC000  }
0x4a: {  	[spmem:s31] =	stream.linear.scatter [tilespmem:s25], [sflag:$0xA], $0x3800, $0x38;
	[tilespmem:$0x1FE80] =	vst v63  }
0x4b: {  	_ =	swait.ge [sflag:s26], $0x3800  }
0x4c: {  	[sflag:s26] =	ssyncset.done $0x0  }
0x4d: {  	s0 =	simm.s32 @!p1 $0x600;
	[sflag:s26] =	ssyncadd.s32 $0xFFFFC800  }
0x4e: {  	[spmem:s13] =	stream.linear.scatter @!p1 [tilespmem:s0], [sflag:$0xA], $0x800, $0x38;
	[tilespmem:$0x1FE80] =	vst v63  }
0x4f: {  	s0 =	simm.s32 @!p1 $0xA  }
0x50: {  	_ =	swait.ge @!p1 [sflag:s0], $0x800  }
0x51: {  	[sflag:s0] =	ssyncset.done @!p1 $0x0  }
0x52: {  	s4 =	rddreg [dreg:$0xe];
	[sflag:s0] =	ssyncadd.s32 @!p1 $0xFFFFF800;
	s0 =	simm.s32 $0x0  }
0x53: {  	[tilespmem:s0], [sflag:$0x4] =	stream.linear.gather [hbm4b:s4+s0], $0x80, $0x38;
	[tilespmem:$0x1FE80] =	vst v63  }
0x54: {  	s15 =	simm.s32 $0x200;
	s14 =	rddreg [dreg:$0xf]  }
0x55: {  	[tilespmem:s15], [sflag:$0x4] =	stream.linear.gather [hbm4b:s14+s0], $0x80, $0x38;
	[tilespmem:$0x1FE80] =	vst v63  }
0x56: {  	s17 =	simm.s32 $0x80;
	s16 =	rddreg [dreg:$0x15]  }
0x57: {  	[tilespmem:s17], [sflag:$0x5] =	stream.linear.gather [hbm4b:s16+s0], $0x80, $0x38;
	[tilespmem:$0x1FE80] =	vst v63  }
0x58: {  	s19 =	simm.s32 $0x280;
	s18 =	rddreg [dreg:$0x16]  }
0x59: {  	[tilespmem:s19], [sflag:$0x5] =	stream.linear.gather [hbm4b:s18+s0], $0x80, $0x38;
	[tilespmem:$0x1FE80] =	vst v63  }
0x5a: {  	s21 =	simm.s32 $0x100;
	s20 =	rddreg [dreg:$0x17]  }
0x5b: {  	[tilespmem:s21], [sflag:$0x6] =	stream.linear.gather [hbm4b:s20+s0], $0x80, $0x38;
	[tilespmem:$0x1FE80] =	vst v63  }
0x5c: {  	s10 =	smov.u32 s24;
	s24 =	simm.s32 $0x300;
	s23 =	rddreg [dreg:$0x18]  }
0x5d: {  	[tilespmem:s24], [sflag:$0x6] =	stream.linear.gather [hbm4b:s23+s0], $0x80, $0x38;
	[tilespmem:$0x1FE80] =	vst v63  }
0x5e: {  	_ =	swait.ge [sflag:s28], $0x80  }
0x5f: {  	[sflag:s28] =	ssyncset.done $0x0  }
0x60: {  	[sflag:s28] =	ssyncadd.s32 $0xFFFFFF80  }
0x61: {  	_ =	swait.ge [sflag:s28], $0x80  }
0x62: {  	[sflag:s28] =	ssyncset.done $0x0  }
0x63: {  	p0 =	sle.u32 s9, $0x0;
	[sflag:s28] =	ssyncadd.s32 $0xFFFFFF80  }
0x64: {  	[tilespmem:s25], [sflag:$0x1] =	stream.indirect.gather [hbm4b:s1+s17], $0x80, s0, s17, $0xb8;
	[tilespmem:$0x1FE80] =	vst v63  }
0x65: {  	s0 =	smul.u32 @!p0 $0xAB, s0  }
0x66: {  	s7 =	smov.u32 s5;
	_ =	swait.ge [sflag:s30], $0x80  }
0x67: {  	s8 =	smov.u32 s6;
	[sflag:s30] =	ssyncset.done $0x0;
	s0 =	sshrl.u32 @!p0 s0, $0xA  }
0x68: {  	s22 =	smov.u32 s29;
	[sflag:s30] =	ssyncadd.s32 $0xFFFFFF80;
	s0 =	sand.u32 @!p0 $0x3F, s0  }
0x69: {  	p3 =	por $0x1, $0x1;
	_ =	swait.ge [sflag:s30], $0x80;
	s0 =	smul.u32 @!p0 $0x6, s0  }
0x6a: {  	s12 =	simm.s32 $0x1;
	p4 =	sle.u32 s9, $0x3;
	[sflag:s30] =	ssyncset.done $0x0  }
0x6b: {  	s29 =	simm.s32 $0x4600;
	[sflag:s30] =	ssyncadd.s32 $0xFFFFFF80;
	s0 =	ssub.s32 @!p0 $0x0, s0  }
0x6c: {  	[tilespmem:s29], [sflag:$0x2] =	stream.indirect.gather [hbm4b:s1+s17], $0x80, s17, s17, $0xb8;
	[tilespmem:$0x1FE80] =	vst v63  }
0x6d: {  	p2 =	sle.u32 @!p0 s9, $0x3;
	s11 =	simm.s32 @!p3 $0x9;
	s0 =	sand.u32 @!p0 $0xFF, s0  }
0x6e: {  	s31 =	simm.s32 $0x30;
	s4 =	simm.s32 @!p0 $0x3;
	s0 =	sshll.u32 @!p0 s0, $0x7  }
0x6f: {  	[bflag:$0x0] =	sbarrier.arrive $0xFFFF;
	s0 =	sadd.s32 @!p0 $0x200, s0;
	p0 =	por p0, p0  }
0x70: {  	p1 =	sle.u32 s9, $0x1;
	_ =	swait.ge @!p3 [sflag:s11], $0x4000;
	p2 =	por p2, p0  }
0x71: {  	[sflag:s11] =	ssyncset.done @!p3 $0x0;
	s13 =	simm.s32 @!p0 $0x1;
	s4 =	smul.u32 @!p2 $0xAB, s4  }
0x72: {  	s14 =	simm.s32 @!p0 $0x600;
	[sflag:s11] =	ssyncadd.s32 @!p3 $0xFFFFC000;
	s11 =	smul.u32 @!p1 $0xAB, s12  }
0x73: {  	s12 =	simm.s32 @!p0 $0x80;
	_ =	swait.ge @!p0 [sflag:s13], $0x4000;
	s4 =	sshrl.u32 @!p2 s4, $0xA  }
0x74: {  	s15 =	rddreg [dreg:$0x6];
	[sflag:s13] =	ssyncset.done @!p0 $0x0;
	s4 =	sand.u32 @!p2 $0x3F, s4  }
0x75: {  	s16 =	rddreg [dreg:$0x4];
	[sflag:s13] =	ssyncadd.s32 @!p0 $0xFFFFC000;
	s4 =	smul.u32 @!p2 $0x6, s4  }
0x76: {  	[spmem:s2] =	stream.indirect.scatter.add.f32 @!p0 [tilespmem:s14], [sflag:$0x7], $0x80, s0, s12, $0xb8;
	[tilespmem:$0x1FE80] =	vst v63  }
0x77: {  	s13 =	rddreg [dreg:$0x5];
	p3 =	sle.u32 @!p0 s15, $0x0;
	s0 =	sadd.s32 @!p2 $0x0, s16  }
0x78: {  	s12 =	simm.s32 @!p2 $0x0;
	p3 =	por p3, p0;
	s4 =	ssub.s32 @!p2 $0x3, s4  }
0x79: {  	[tilespmem:s12], [sflag:$0x4] =	stream.linear.gather @!p2 [hbm4b:s0+s12], $0x80, $0x38;
	[tilespmem:$0x1FE80] =	vst v63  }
0x7a: {  	s14 =	simm.s32 @!p0 $0x7;
	s0 =	sshrl.u32 @!p1 s11, $0xA;
	s4 =	sand.u32 @!p2 $0xFF, s4  }
0x7b: {  	p1 =	por p1, p1;
	s11 =	sadd.s32 @!p2 $0x0, s13;
	s4 =	sshll.u32 @!p2 s4, $0x7  }
0x7c: {  	s13 =	simm.s32 @!p3 $0x6;
	s0 =	sand.u32 @!p1 $0x3F, s0;
	s4 =	sadd.s32 @!p2 $0x200, s4  }
0x7d: {  	[tilespmem:s4], [sflag:$0x4] =	stream.linear.gather @!p2 [hbm4b:s11+s12], $0x80, $0x38;
	[tilespmem:$0x1FE80] =	vst v63  }
0x7e: {  	s0 =	smul.u32 @!p1 $0x6, s0;
	p2 =	sle.u32 @!p1 s9, $0x4;
	_ =	swait.ge @!p3 [sflag:s13], $0x80  }
0x7f: {  	s4 =	simm.s32 @!p1 $0x4;
	p2 =	por p2, p1;
	[sflag:s13] =	ssyncset.done @!p3 $0x0  }
0x80: {  	s0 =	ssub.s32 @!p1 $0x1, s0;
	s4 =	smul.u32 @!p2 $0xAB, s4;
	[sflag:s13] =	ssyncadd.s32 @!p3 $0xFFFFFF80  }
0x81: {  	s11 =	simm.s32 @!p3 $0x8600;
	s12 =	simm.s32 @!p3 $0x80;
	_ =	swait.ge @!p3 [sflag:s13], $0x80  }
0x82: {  	s0 =	sand.u32 @!p1 $0xFF, s0;
	s4 =	sshrl.u32 @!p2 s4, $0xA;
	[sflag:s13] =	ssyncset.done @!p3 $0x0  }
0x83: {  	s4 =	sand.u32 @!p2 $0x3F, s4;
	[sflag:s13] =	ssyncadd.s32 @!p3 $0xFFFFFF80;
	s13 =	simm.s32 @!p3 $0x100  }
0x84: {  	[tilespmem:s11], [sflag:$0x3] =	stream.indirect.gather @!p3 [hbm4b:s1+s12], $0x80, s13, s12, $0xb8;
	[tilespmem:$0x1FE80] =	vst v63  }
0x85: {  	s0 =	sshll.u32 @!p1 s0, $0x7;
	s4 =	smul.u32 @!p2 $0x6, s4;
	_ =	swait.ge @!p0 [sflag:s14], $0x4000  }
0x86: {  	s0 =	sadd.s32 @!p1 $0x200, s0;
	s11 =	simm.s32 @!p1 $0x2;
	[sflag:s14] =	ssyncset.done @!p0 $0x0  }
0x87: {  	s12 =	simm.s32 $0x2;
	s4 =	ssub.s32 @!p2 $0x4, s4;
	[sflag:s14] =	ssyncadd.s32 @!p0 $0xFFFFC000  }
0x88: {  	p0 =	sle.u32 s9, $0x2;
	s14 =	simm.s32 @!p1 $0x80;
	_ =	swait.ge @!p1 [sflag:s11], $0x4000  }
0x89: {  	s12 =	smul.u32 @!p0 $0xAB, s12;
	[sflag:s11] =	ssyncset.done @!p1 $0x0;
	s13 =	rddreg [dreg:$0x7]  }
0x8a: {  	s15 =	rddreg [dreg:$0x9];
	[sflag:s11] =	ssyncadd.s32 @!p1 $0xFFFFC000;
	s11 =	simm.s32 @!p1 $0x4600  }
0x8b: {  	s13 =	sadd.s32 @!p2 $0x0, s13;
	p3 =	sle.u32 @!p1 s15, $0x0;
	s12 =	sshrl.u32 @!p0 s12, $0xA  }
0x8c: {  	[spmem:s2] =	stream.indirect.scatter.add.f32 @!p1 [tilespmem:s11], [sflag:$0x8], $0x80, s0, s14, $0xb8;
	[tilespmem:$0x1FE80] =	vst v63  }
0x8d: {  	s0 =	sand.u32 @!p2 $0xFF, s4;
	s4 =	rddreg [dreg:$0x8];
	s11 =	simm.s32 @!p2 $0x80  }
0x8e: {  	s14 =	simm.s32 @!p2 $0x0;
	p1 =	por p3, p1;
	s12 =	sand.u32 @!p0 $0x3F, s12  }
0x8f: {  	p3 =	sle.u32 @!p0 s9, $0x5;
	s0 =	sshll.u32 @!p2 s0, $0x7;
	s12 =	smul.u32 @!p0 $0x6, s12  }
0x90: {  	[tilespmem:s11], [sflag:$0x5] =	stream.linear.gather @!p2 [hbm4b:s13+s14], $0x80, $0x38;
	[tilespmem:$0x1FE80] =	vst v63  }
0x91: {  	s4 =	sadd.s32 @!p2 $0x0, s4;
	s16 =	simm.s32 @!p1 $0x0;
	s11 =	simm.s32 @!p0 $0x5  }
0x92: {  	s0 =	sadd.s32 @!p2 $0x200, s0;
	s13 =	simm.s32 @!p1 $0x4;
	s12 =	ssub.s32 @!p0 $0x2, s12  }
0x93: {  	[tilespmem:s0], [sflag:$0x5] =	stream.linear.gather @!p2 [hbm4b:s4+s14], $0x80, $0x38;
	[tilespmem:$0x1FE80] =	vst v63  }
0x94: {  	p2 =	por p3, p0;
	s0 =	simm.s32 $0x3;
	_ =	swait.ge @!p1 [sflag:s13], $0x80  }
0x95: {  	s4 =	simm.s32 $0x6;
	p3 =	slt.u32 s9, $0x2;
	[sflag:s13] =	ssyncset.done @!p1 $0x0  }
0x96: {  	s14 =	simm.s32 @!p1 $0x600;
	s11 =	smul.u32 @!p2 $0xAB, s11;
	[sflag:s13] =	ssyncadd.s32 @!p1 $0xFFFFFF80  }
0x97: {  	s12 =	sand.u32 @!p0 $0xFF, s12;
	s15 =	simm.s32 @!p3 $0x8;
	_ =	swait.ge @!p1 [sflag:s13], $0x80  }
0x98: {  	s12 =	sshll.u32 @!p0 s12, $0x7;
	s11 =	sshrl.u32 @!p2 s11, $0xA;
	[sflag:s13] =	ssyncset.done @!p1 $0x0  }
0x99: {  	s11 =	sand.u32 @!p2 $0x3F, s11;
	[sflag:s13] =	ssyncadd.s32 @!p1 $0xFFFFFF80;
	s13 =	simm.s32 @!p1 $0x80  }
0x9a: {  	[tilespmem:s14], [sflag:$0x1] =	stream.indirect.gather @!p1 [hbm4b:s1+s13], $0x80, s16, s13, $0xb8;
	[tilespmem:$0x1FE80] =	vst v63  }
0x9b: {  	s12 =	sadd.s32 @!p0 $0x200, s12;
	s11 =	smul.u32 @!p2 $0x6, s11;
	_ =	swait.ge @!p3 [sflag:s15], $0x4000  }
0x9c: {  	s13 =	smul.u32 @!p4 $0xAB, s0;
	s14 =	simm.s32 @!p0 $0x3;
	[sflag:s15] =	ssyncset.done @!p3 $0x0  }
0x9d: {  	s16 =	simm.s32 @!p0 $0x80;
	s11 =	ssub.s32 @!p2 $0x5, s11;
	[sflag:s15] =	ssyncadd.s32 @!p3 $0xFFFFC000  }
0x9e: {  	p1 =	sle.u32 s9, $0x4;
	s11 =	sand.u32 @!p2 $0xFF, s11;
	_ =	swait.ge @!p0 [sflag:s14], $0x4000  }
0x9f: {  	p5 =	por p1, p1;
	s11 =	sshll.u32 @!p2 s11, $0x7;
	[sflag:s14] =	ssyncset.done @!p0 $0x0  }
0xa0: {  	s15 =	simm.s32 @!p0 $0x8600;
	s11 =	sadd.s32 @!p2 $0x200, s11;
	[sflag:s14] =	ssyncadd.s32 @!p0 $0xFFFFC000  }
0xa1: {  	[spmem:s2] =	stream.indirect.scatter.add.f32 @!p0 [tilespmem:s15], [sflag:$0x9], $0x80, s12, s16, $0xb8;
	[tilespmem:$0x1FE80] =	vst v63  }
0xa2: {  	p3 =	sle.u32 @!p4 s9, $0x6;
	s14 =	rddreg [dreg:$0xa];
	s12 =	sshrl.u32 @!p4 s13, $0xA  }
0xa3: {  	s13 =	simm.s32 $0x4;
	s15 =	simm.s32 @!p2 $0x100;
	s14 =	sadd.s32 @!p2 $0x0, s14  }
0xa4: {  	s16 =	simm.s32 @!p2 $0x0;
	s12 =	sand.u32 @!p4 $0x3F, s12;
	s13 =	smul.u32 @!p1 $0xAB, s13  }
0xa5: {  	[tilespmem:s15], [sflag:$0x6] =	stream.linear.gather @!p2 [hbm4b:s14+s16], $0x80, $0x38;
	[tilespmem:$0x1FE80] =	vst v63  }
0xa6: {  	s18 =	rddreg [dreg:$0xc];
	s12 =	smul.u32 @!p4 $0x6, s12;
	s13 =	sshrl.u32 @!p1 s13, $0xA  }
0xa7: {  	s14 =	rddreg [dreg:$0xb];
	p1 =	por p4, p4;
	s13 =	sand.u32 @!p5 $0x3F, s13  }
0xa8: {  	s12 =	ssub.s32 @!p4 $0x3, s12;
	s17 =	smul.u32 @!p5 $0x6, s13;
	s13 =	sadd.s32 @!p2 $0x0, s14  }
0xa9: {  	[tilespmem:s11], [sflag:$0x6] =	stream.linear.gather @!p2 [hbm4b:s13+s16], $0x80, $0x38;
	[tilespmem:$0x1FE80] =	vst v63  }
0xaa: {  	s15 =	simm.s32 $0x30;
	s5 =	simm.s32 @!p1 $0x0;
	s11 =	sand.u32 @!p4 $0xFF, s12  }
0xab: {  	s5 =	simm.s32 @p1 $0x1;
	s11 =	sshll.u32 @!p4 s11, $0x7;
	s12 =	ssub.s32 @!p5 $0x4, s17  }
0xac: {  	p2 =	sle.u32 @!p0 s18, $0x0;
	s17 =	sadd.s32 @!p4 $0x200, s11;
	s11 =	sand.u32 @!p5 $0xFF, s12  }
0xad: {  	s13 =	simm.s32 @!p4 $0x6;
	p0 =	por p2, p0;
	s11 =	sshll.u32 @!p5 s11, $0x7  }
0xae: {  	[smem:$0x7FC] =	sst s5;
	s14 =	sadd.s32 @!p5 $0x200, s11;
	s11 =	simm.s32 @!p0 $0x5  }
.LBB2_4:
0xaf: {  	s5 =	simm.s32 @!p5 $0x0  }
0xb0: {  	s5 =	simm.s32 @p5 $0x1  }
0xb1: {  	s16 =	smov.u32 s4;
	s4 =	sadd.s32 $0x3, s4;
	[smem:$0x7F9] =	sst s5  }
0xb2: {  	p2 =	sne.s32 s4, $0x51;
	_ =	swait.ge @!p0 [sflag:s11], $0x80  }
0xb3: {  	s15 =	sadd.s32 $0x30, s15;
	s5 =	simm.s32 @!p2 $0x0;
	s21 =	sld [smem:$0x7FC]  }
0xb4: {  	s12 =	simm.s32 @!p0 $0x80;
	s5 =	simm.s32 @p2 $0x1;
	[sflag:s11] =	ssyncset.done @!p0 $0x0  }
0xb5: {  	s20 =	simm.s32 @!p0 $0x4600;
	[smem:$0x7FB] =	sst s5;
	[sflag:s11] =	ssyncadd.s32 @!p0 $0xFFFFFF80  }
0xb6: {  	p2 =	seq.s32 s0, $0x0;
	_ =	swait.ge @!p0 [sflag:s11], $0x80;
	p1 =	seq.s32 s21, $0x1  }
0xb7: {  	[sflag:s11] =	ssyncset.done @!p0 $0x0;
	s21 =	sadd.s32 @!p5 $0x4, s0;
	s18 =	simm.s32 @!p1 $0x80  }
0xb8: {  	s19 =	simm.s32 @!p1 $0x600;
	[sflag:s11] =	ssyncadd.s32 @!p0 $0xFFFFFF80;
	s11 =	sadd.s32 $0x2, s0  }
0xb9: {  	[tilespmem:s20], [sflag:$0x2] =	stream.indirect.gather @!p0 [hbm4b:s1+s12], $0x80, s12, s12, $0xb8;
	[tilespmem:$0x1FE80] =	vst v63  }
0xba: {  	p3 =	por p3, p1;
	s12 =	simm.s32 @!p2 $0x9;
	s20 =	simm.s32 @!p1 $0x1  }
0xbb: {  	p0 =	sge.u32 @!p5 s21, s9;
	p4 =	sge.u32 s11, s9;
	s24 =	smul.u32 @!p3 $0xAB, s13  }
0xbc: {  	_ =	swait.ge @!p2 [sflag:s12], $0x4000;
	p0 =	por p0, p5;
	s5 =	smul.u32 @!p4 $0xAB, s11  }
0xbd: {  	[sflag:s12] =	ssyncset.done @!p2 $0x0;
	s23 =	smul.u32 @!p0 $0xAB, s21;
	s24 =	sshrl.u32 @!p3 s24, $0xA  }
0xbe: {  	[sflag:s12] =	ssyncadd.s32 @!p2 $0xFFFFC000;
	s12 =	sadd.s32 @!p4 $0x5, s0;
	s24 =	sand.u32 @!p3 $0x3F, s24  }
0xbf: {  	s5 =	sshrl.u32 @!p4 s5, $0xA;
	_ =	swait.ge @!p1 [sflag:s20], $0x4000;
	s23 =	sshrl.u32 @!p0 s23, $0xA  }
0xc0: {  	p5 =	sge.u32 @!p4 s12, s9;
	[sflag:s20] =	ssyncset.done @!p1 $0x0;
	s23 =	sand.u32 @!p0 $0x3F, s23  }
0xc1: {  	s29 =	rddreg [dreg:$0x4];
	[sflag:s20] =	ssyncadd.s32 @!p1 $0xFFFFC000;
	s23 =	smul.u32 @!p0 $0x6, s23  }
0xc2: {  	[spmem:s2] =	stream.indirect.scatter.add.f32 @!p1 [tilespmem:s19], [sflag:$0x7], $0x80, s17, s18, $0xb8;
	[tilespmem:$0x1FE80] =	vst v63  }
0xc3: {  	s6 =	rddreg [dreg:$0x5];
	p6 =	por p5, p4;
	s17 =	smul.u32 @!p3 $0x6, s24  }
0xc4: {  	s20 =	rddreg [dreg:$0x6];
	s19 =	sadd.s32 @!p3 s31, s29;
	s21 =	ssub.s32 @!p0 s21, s23  }
0xc5: {  	s18 =	sand.u32 @!p0 $0xFF, s21;
	s21 =	simm.s32 @!p3 $0x0;
	s13 =	ssub.s32 @!p3 s13, s17  }
0xc6: {  	[tilespmem:s21], [sflag:$0x4] =	stream.linear.gather @!p3 [hbm4b:s19+s21], $0x80, $0x38;
	[tilespmem:$0x1FE80] =	vst v63  }
0xc7: {  	p5 =	sge.u32 s16, s9;
	p2 =	sge.u32 @!p1 s0, s20;
	s17 =	sand.u32 @!p3 $0xFF, s13  }
0xc8: {  	s6 =	sadd.s32 @!p3 s31, s6;
	p2 =	por p2, p1;
	s17 =	sshll.u32 @!p3 s17, $0x7  }
0xc9: {  	s20 =	smul.u32 @!p6 $0xAB, s12;
	s23 =	simm.s32 @!p2 $0x6;
	s17 =	sadd.s32 @!p3 $0x200, s17  }
0xca: {  	[tilespmem:s17], [sflag:$0x4] =	stream.linear.gather @!p3 [hbm4b:s6+s21], $0x80, $0x38;
	[tilespmem:$0x1FE80] =	vst v63  }
0xcb: {  	s19 =	sshrl.u32 @!p6 s20, $0xA;
	s20 =	smul.u32 @!p5 $0xAB, s16;
	_ =	swait.ge @!p2 [sflag:s23], $0x80  }
0xcc: {  	s19 =	sand.u32 @!p6 $0x3F, s19;
	s6 =	simm.s32 @!p2 $0x8600;
	[sflag:s23] =	ssyncset.done @!p2 $0x0  }
0xcd: {  	s17 =	smul.u32 @!p6 $0x6, s19;
	s19 =	sshrl.u32 @!p5 s20, $0xA;
	[sflag:s23] =	ssyncadd.s32 @!p2 $0xFFFFFF80  }
0xce: {  	s20 =	simm.s32 @!p2 $0x80;
	s21 =	simm.s32 @!p1 $0x7;
	_ =	swait.ge @!p2 [sflag:s23], $0x80  }
0xcf: {  	s19 =	sand.u32 @!p5 $0x3F, s19;
	s12 =	ssub.s32 @!p6 s12, s17;
	[sflag:s23] =	ssyncset.done @!p2 $0x0  }
0xd0: {  	s17 =	smul.u32 @!p5 $0x6, s19;
	s19 =	simm.s32 @!p2 $0x100;
	[sflag:s23] =	ssyncadd.s32 @!p2 $0xFFFFFF80  }
0xd1: {  	[tilespmem:s6], [sflag:$0x3] =	stream.indirect.gather @!p2 [hbm4b:s1+s20], $0x80, s19, s20, $0xb8;
	[tilespmem:$0x1FE80] =	vst v63  }
0xd2: {  	s13 =	sadd.s32 @!p5 $0x3, s16;
	s6 =	ssub.s32 @!p5 s16, s17;
	_ =	swait.ge @!p1 [sflag:s21], $0x4000  }
0xd3: {  	s6 =	sand.u32 @!p5 $0xFF, s6;
	[sflag:s21] =	ssyncset.done @!p1 $0x0;
	s23 =	sld [smem:$0x7F9]  }
0xd4: {  	s6 =	sshll.u32 @!p5 s6, $0x7;
	[sflag:s21] =	ssyncadd.s32 @!p1 $0xFFFFC000;
	p1 =	sge.u32 @!p5 s13, s9  }
0xd5: {  	s5 =	sand.u32 @!p4 $0x3F, s5;
	s17 =	sadd.s32 @!p5 $0x200, s6;
	s6 =	simm.s32 @!p1 $0x0  }
0xd6: {  	s5 =	smul.u32 @!p4 $0x6, s5;
	s6 =	simm.s32 @p1 $0x1;
	p1 =	seq.s32 s23, $0x1  }
0xd7: {  	s18 =	sshll.u32 @!p0 s18, $0x7;
	[smem:$0x7FA] =	sst s6;
	s6 =	simm.s32 @!p1 $0x2  }
0xd8: {  	s24 =	simm.s32 @!p0 $0x80;
	s18 =	sadd.s32 @!p0 $0x200, s18;
	_ =	swait.ge @!p1 [sflag:s6], $0x4000  }
0xd9: {  	s23 =	simm.s32 @!p1 $0x80;
	[sflag:s6] =	ssyncset.done @!p1 $0x0;
	s20 =	rddreg [dreg:$0x7]  }
0xda: {  	s29 =	rddreg [dreg:$0x9];
	[sflag:s6] =	ssyncadd.s32 @!p1 $0xFFFFC000;
	s6 =	simm.s32 @!p1 $0x4600  }
0xdb: {  	[spmem:s2] =	stream.indirect.scatter.add.f32 @!p1 [tilespmem:s6], [sflag:$0x8], $0x80, s14, s23, $0xb8;
	[tilespmem:$0x1FE80] =	vst v63  }
0xdc: {  	s19 =	sadd.s32 $0x1, s16;
	p2 =	sge.u32 @!p1 s0, s29;
	s6 =	sadd.s32 @!p0 s31, s20  }
0xdd: {  	s14 =	simm.s32 @!p0 $0x0;
	p2 =	por p2, p1;
	p1 =	por p5, p5  }
0xde: {  	[tilespmem:s24], [sflag:$0x5] =	stream.linear.gather @!p0 [hbm4b:s6+s14], $0x80, $0x38;
	[tilespmem:$0x1FE80] =	vst v63  }
0xdf: {  	p3 =	sge.u32 s19, s9;
	s21 =	rddreg [dreg:$0x8];
	s6 =	simm.s32 @!p1 $0x0  }
0xe0: {  	s21 =	sadd.s32 @!p0 s31, s21;
	s20 =	smul.u32 @!p3 $0xAB, s19;
	s6 =	simm.s32 @p1 $0x1  }
0xe1: {  	[tilespmem:s18], [sflag:$0x5] =	stream.linear.gather @!p0 [hbm4b:s21+s14], $0x80, $0x38;
	[tilespmem:$0x1FE80] =	vst v63  }
0xe2: {  	p5 =	por p3, p3;
	[smem:$0x7FC] =	sst s6;
	s14 =	simm.s32 @!p2 $0x4  }
0xe3: {  	s24 =	sld [smem:$0x7FA];
	s6 =	sshrl.u32 @!p3 s20, $0xA;
	_ =	swait.ge @!p2 [sflag:s14], $0x80  }
0xe4: {  	s5 =	ssub.s32 @!p4 s11, s5;
	s6 =	sand.u32 @!p5 $0x3F, s6;
	[sflag:s14] =	ssyncset.done @!p2 $0x0  }
0xe5: {  	s5 =	sand.u32 @!p4 $0xFF, s5;
	s6 =	smul.u32 @!p5 $0x6, s6;
	[sflag:s14] =	ssyncadd.s32 @!p2 $0xFFFFFF80  }
0xe6: {  	s18 =	simm.s32 @!p2 $0x600;
	p0 =	sgt.u32 s11, s9;
	_ =	swait.ge @!p2 [sflag:s14], $0x80  }
0xe7: {  	s11 =	simm.s32 @!p0 $0x8;
	s6 =	ssub.s32 @!p5 s19, s6;
	[sflag:s14] =	ssyncset.done @!p2 $0x0  }
0xe8: {  	s19 =	simm.s32 @!p2 $0x0;
	[sflag:s14] =	ssyncadd.s32 @!p2 $0xFFFFFF80;
	s14 =	simm.s32 @!p2 $0x80  }
0xe9: {  	[tilespmem:s18], [sflag:$0x1] =	stream.indirect.gather @!p2 [hbm4b:s1+s14], $0x80, s19, s14, $0xb8;
	[tilespmem:$0x1FE80] =	vst v63  }
0xea: {  	s5 =	sshll.u32 @!p4 s5, $0x7;
	s6 =	sand.u32 @!p5 $0xFF, s6;
	_ =	swait.ge @!p0 [sflag:s11], $0x4000  }
0xeb: {  	s12 =	sand.u32 @!p6 $0xFF, s12;
	s6 =	sshll.u32 @!p5 s6, $0x7;
	[sflag:s11] =	ssyncset.done @!p0 $0x0  }
0xec: {  	s14 =	sadd.s32 @!p5 $0x200, s6;
	s6 =	simm.s32 @!p4 $0x3;
	[sflag:s11] =	ssyncadd.s32 @!p0 $0xFFFFC000  }
0xed: {  	s5 =	sadd.s32 @!p4 $0x200, s5;
	s12 =	sshll.u32 @!p6 s12, $0x7;
	_ =	swait.ge @!p4 [sflag:s6], $0x4000  }
0xee: {  	s12 =	sadd.s32 @!p6 $0x200, s12;
	s18 =	simm.s32 @!p4 $0x80;
	s19 =	rddreg [dreg:$0xa]  }
0xef: {  	s11 =	simm.s32 @!p4 $0x8600;
	[sflag:s6] =	ssyncset.done @!p4 $0x0;
	s29 =	sld [smem:$0x7FB]  }
0xf0: {  	s20 =	rddreg [dreg:$0xb];
	[sflag:s6] =	ssyncadd.s32 @!p4 $0xFFFFC000;
	s6 =	simm.s32 @!p6 $0x100  }
0xf1: {  	[spmem:s2] =	stream.indirect.scatter.add.f32 @!p4 [tilespmem:s11], [sflag:$0x9], $0x80, s5, s18, $0xb8;
	[tilespmem:$0x1FE80] =	vst v63  }
0xf2: {  	s5 =	sadd.s32 @!p6 s31, s19;
	s18 =	rddreg [dreg:$0xc];
	p2 =	seq.s32 s29, $0x1  }
.Ltmp1:
0xf3: {  	s11 =	simm.s32 @!p6 $0x0;
	p0 =	sge.u32 @!p4 s0, s18;
	(pc) =	sbr.rel @p2 .LBB2_4-.Ltmp1, $4  }
0xf4: {  	[tilespmem:s6], [sflag:$0x6] =	stream.linear.gather @!p6 [hbm4b:s5+s11], $0x80, $0x38;
	[tilespmem:$0x1FE80] =	vst v63  }
0xf5: {  	p3 =	seq.s32 s24, $0x1;
	s5 =	sadd.s32 @!p6 s31, s20;
	p0 =	por p0, p4  }
0xf6: {  	[tilespmem:s12], [sflag:$0x6] =	stream.linear.gather @!p6 [hbm4b:s5+s11], $0x80, $0x38;
	[tilespmem:$0x1FE80] =	vst v63  }
0xf7: {  	s0 =	smov.u32 s16;
	s31 =	smov.u32 s15;
	s11 =	simm.s32 @!p0 $0x5  }
0xf8: {  	_ =	swait.ge @!p0 [sflag:s11], $0x80  }
0xf9: {  	[sflag:s11] =	ssyncset.done @!p0 $0x0  }
0xfa: {  	[sflag:s11] =	ssyncadd.s32 @!p0 $0xFFFFFF80  }
0xfb: {  	_ =	swait.ge @!p0 [sflag:s11], $0x80  }
0xfc: {  	[sflag:s11] =	ssyncset.done @!p0 $0x0  }
0xfd: {  	s4 =	simm.s32 @!p0 $0x80;
	s5 =	simm.s32 @!p0 $0x4600;
	[sflag:s11] =	ssyncadd.s32 @!p0 $0xFFFFFF80  }
0xfe: {  	[tilespmem:s5], [sflag:$0x2] =	stream.indirect.gather @!p0 [hbm4b:s1+s4], $0x80, s4, s4, $0xb8;
	[tilespmem:$0x1FE80] =	vst v63  }
0xff: {  	p0 =	seq.s32 s0, $0x0  }
0x100: {  	s4 =	simm.s32 @!p0 $0x9  }
0x101: {  	_ =	swait.ge @!p0 [sflag:s4], $0x4000  }
0x102: {  	s6 =	sld [smem:$0x7FC];
	_ =	sdelay $0x2  }
0x103: {  	[sflag:s4] =	ssyncset.done @!p0 $0x0;
	p1 =	seq.s32 s6, $0x1  }
0x104: {  	[sflag:s4] =	ssyncadd.s32 @!p0 $0xFFFFC000;
	s4 =	simm.s32 @!p1 $0x1  }
0x105: {  	_ =	swait.ge @!p1 [sflag:s4], $0x4000  }
0x106: {  	s5 =	simm.s32 @!p1 $0x80;
	p0 =	por p3, p1;
	[sflag:s4] =	ssyncset.done @!p1 $0x0  }
0x107: {  	s6 =	simm.s32 @!p1 $0x600;
	[sflag:s4] =	ssyncadd.s32 @!p1 $0xFFFFC000;
	s4 =	smul.u32 @!p0 $0xAB, s13  }
0x108: {  	[spmem:s2] =	stream.indirect.scatter.add.f32 @!p1 [tilespmem:s6], [sflag:$0x7], $0x80, s17, s5, $0xb8;
	[tilespmem:$0x1FE80] =	vst v63  }
0x109: {  	s4 =	sshrl.u32 @!p0 s4, $0xA  }
0x10a: {  	s5 =	rddreg [dreg:$0x4];
	s4 =	sand.u32 @!p0 $0x3F, s4  }
0x10b: {  	s11 =	simm.s32 @!p0 $0x0;
	s5 =	sadd.s32 @!p0 s31, s5;
	s4 =	smul.u32 @!p0 $0x6, s4  }
0x10c: {  	[tilespmem:s11], [sflag:$0x4] =	stream.linear.gather @!p0 [hbm4b:s5+s11], $0x80, $0x38;
	[tilespmem:$0x1FE80] =	vst v63  }
0x10d: {  	s4 =	ssub.s32 @!p0 s13, s4  }
0x10e: {  	s4 =	sand.u32 @!p0 $0xFF, s4  }
0x10f: {  	s6 =	rddreg [dreg:$0x5];
	s4 =	sshll.u32 @!p0 s4, $0x7  }
0x110: {  	s6 =	sadd.s32 @!p0 s31, s6;
	s5 =	rddreg [dreg:$0x6];
	s4 =	sadd.s32 @!p0 $0x200, s4  }
0x111: {  	[tilespmem:s4], [sflag:$0x4] =	stream.linear.gather @!p0 [hbm4b:s6+s11], $0x80, $0x38;
	[tilespmem:$0x1FE80] =	vst v63  }
0x112: {  	p0 =	sge.u32 @!p1 s0, s5  }
0x113: {  	p0 =	por p0, p1  }
0x114: {  	s4 =	simm.s32 @!p0 $0x6  }
0x115: {  	_ =	swait.ge @!p0 [sflag:s4], $0x80  }
0x116: {  	[sflag:s4] =	ssyncset.done @!p0 $0x0  }
0x117: {  	[sflag:s4] =	ssyncadd.s32 @!p0 $0xFFFFFF80  }
0x118: {  	_ =	swait.ge @!p0 [sflag:s4], $0x80  }
0x119: {  	s5 =	sadd.s32 @!p5 $0x4, s0;
	s6 =	simm.s32 @!p0 $0x8600;
	[sflag:s4] =	ssyncset.done @!p0 $0x0  }
0x11a: {  	s11 =	simm.s32 @!p0 $0x80;
	[sflag:s4] =	ssyncadd.s32 @!p0 $0xFFFFFF80;
	s4 =	simm.s32 @!p0 $0x100  }
0x11b: {  	[tilespmem:s6], [sflag:$0x3] =	stream.indirect.gather @!p0 [hbm4b:s1+s11], $0x80, s4, s11, $0xb8;
	[tilespmem:$0x1FE80] =	vst v63  }
0x11c: {  	p0 =	sge.u32 @!p5 s5, s9;
	s4 =	simm.s32 @!p1 $0x7  }
0x11d: {  	p0 =	por p0, p5;
	_ =	swait.ge @!p1 [sflag:s4], $0x4000  }
0x11e: {  	s6 =	smul.u32 @!p0 $0xAB, s5;
	[sflag:s4] =	ssyncset.done @!p1 $0x0  }
0x11f: {  	[sflag:s4] =	ssyncadd.s32 @!p1 $0xFFFFC000;
	s4 =	simm.s32 @!p5 $0x2  }
0x120: {  	s6 =	sshrl.u32 @!p0 s6, $0xA;
	_ =	swait.ge @!p5 [sflag:s4], $0x4000  }
0x121: {  	s11 =	simm.s32 @!p5 $0x80;
	s6 =	sand.u32 @!p0 $0x3F, s6;
	[sflag:s4] =	ssyncset.done @!p5 $0x0  }
0x122: {  	s6 =	smul.u32 @!p0 $0x6, s6;
	[sflag:s4] =	ssyncadd.s32 @!p5 $0xFFFFC000;
	s4 =	simm.s32 @!p5 $0x4600  }
0x123: {  	[spmem:s2] =	stream.indirect.scatter.add.f32 @!p5 [tilespmem:s4], [sflag:$0x8], $0x80, s14, s11, $0xb8;
	[tilespmem:$0x1FE80] =	vst v63  }
0x124: {  	s4 =	rddreg [dreg:$0x7]  }
0x125: {  	s12 =	simm.s32 @!p0 $0x80;
	s11 =	rddreg [dreg:$0x8];
	s5 =	ssub.s32 @!p0 s5, s6  }
0x126: {  	s6 =	rddreg [dreg:$0x9];
	s4 =	sadd.s32 @!p0 s31, s4;
	s5 =	sand.u32 @!p0 $0xFF, s5  }
0x127: {  	p2 =	sge.u32 @!p5 s0, s6;
	s6 =	simm.s32 @!p0 $0x0;
	s5 =	sshll.u32 @!p0 s5, $0x7  }
0x128: {  	[tilespmem:s12], [sflag:$0x5] =	stream.linear.gather @!p0 [hbm4b:s4+s6], $0x80, $0x38;
	[tilespmem:$0x1FE80] =	vst v63  }
0x129: {  	p1 =	por p2, p5;
	s4 =	sadd.s32 @!p0 $0x200, s5;
	s5 =	sadd.s32 @!p0 s31, s11  }
0x12a: {  	[tilespmem:s4], [sflag:$0x5] =	stream.linear.gather @!p0 [hbm4b:s5+s6], $0x80, $0x38;
	[tilespmem:$0x1FE80] =	vst v63  }
0x12b: {  	s4 =	simm.s32 @!p1 $0x4  }
0x12c: {  	_ =	swait.ge @!p1 [sflag:s4], $0x80  }
0x12d: {  	[sflag:s4] =	ssyncset.done @!p1 $0x0  }
0x12e: {  	[sflag:s4] =	ssyncadd.s32 @!p1 $0xFFFFFF80  }
0x12f: {  	s11 =	simm.s32 @!p1 $0x600;
	s5 =	sadd.s32 $0x2, s0;
	_ =	swait.ge @!p1 [sflag:s4], $0x80  }
0x130: {  	s12 =	simm.s32 @!p1 $0x0;
	p0 =	sge.u32 s5, s9;
	[sflag:s4] =	ssyncset.done @!p1 $0x0  }
0x131: {  	s6 =	smul.u32 @!p0 $0xAB, s5;
	[sflag:s4] =	ssyncadd.s32 @!p1 $0xFFFFFF80;
	s4 =	simm.s32 @!p1 $0x80  }
0x132: {  	[tilespmem:s11], [sflag:$0x1] =	stream.indirect.gather @!p1 [hbm4b:s1+s4], $0x80, s12, s4, $0xb8;
	[tilespmem:$0x1FE80] =	vst v63  }
0x133: {  	s4 =	sshrl.u32 @!p0 s6, $0xA  }
0x134: {  	p1 =	sgt.u32 s5, s9;
	s4 =	sand.u32 @!p0 $0x3F, s4  }
0x135: {  	s6 =	simm.s32 @!p1 $0x8;
	s4 =	smul.u32 @!p0 $0x6, s4  }
0x136: {  	s11 =	sadd.s32 @!p0 $0x5, s0;
	_ =	swait.ge @!p1 [sflag:s6], $0x4000  }
0x137: {  	s12 =	simm.s32 @!p0 $0x8600;
	[sflag:s6] =	ssyncset.done @!p1 $0x0;
	s4 =	ssub.s32 @!p0 s5, s4  }
0x138: {  	[sflag:s6] =	ssyncadd.s32 @!p1 $0xFFFFC000;
	p1 =	sge.u32 @!p0 s11, s9;
	s5 =	simm.s32 @!p0 $0x3  }
0x139: {  	s4 =	sand.u32 @!p0 $0xFF, s4;
	p1 =	por p1, p0;
	_ =	swait.ge @!p0 [sflag:s5], $0x4000  }
0x13a: {  	s4 =	sshll.u32 @!p0 s4, $0x7;
	s6 =	smul.u32 @!p1 $0xAB, s11;
	[sflag:s5] =	ssyncset.done @!p0 $0x0  }
0x13b: {  	s4 =	sadd.s32 @!p0 $0x200, s4;
	[sflag:s5] =	ssyncadd.s32 @!p0 $0xFFFFC000;
	s5 =	simm.s32 @!p0 $0x80  }
0x13c: {  	[spmem:s2] =	stream.indirect.scatter.add.f32 @!p0 [tilespmem:s12], [sflag:$0x9], $0x80, s4, s5, $0xb8;
	[tilespmem:$0x1FE80] =	vst v63  }
0x13d: {  	s4 =	sshrl.u32 @!p1 s6, $0xA  }
0x13e: {  	s5 =	rddreg [dreg:$0xa];
	s6 =	simm.s32 @!p1 $0x100;
	s4 =	sand.u32 @!p1 $0x3F, s4  }
0x13f: {  	s12 =	simm.s32 @!p1 $0x0;
	s5 =	sadd.s32 @!p1 s31, s5;
	s4 =	smul.u32 @!p1 $0x6, s4  }
0x140: {  	[tilespmem:s6], [sflag:$0x6] =	stream.linear.gather @!p1 [hbm4b:s5+s12], $0x80, $0x38;
	[tilespmem:$0x1FE80] =	vst v63  }
0x141: {  	s4 =	ssub.s32 @!p1 s11, s4  }
0x142: {  	s4 =	sand.u32 @!p1 $0xFF, s4  }
0x143: {  	s5 =	rddreg [dreg:$0xb];
	s4 =	sshll.u32 @!p1 s4, $0x7  }
0x144: {  	s6 =	rddreg [dreg:$0xc];
	s5 =	sadd.s32 @!p1 s31, s5;
	s4 =	sadd.s32 @!p1 $0x200, s4  }
0x145: {  	[tilespmem:s4], [sflag:$0x6] =	stream.linear.gather @!p1 [hbm4b:s5+s12], $0x80, $0x38;
	[tilespmem:$0x1FE80] =	vst v63  }
0x146: {  	p1 =	sge.u32 @!p0 s0, s6  }
0x147: {  	p0 =	por p1, p0  }
0x148: {  	s0 =	simm.s32 @!p0 $0x5  }
0x149: {  	_ =	swait.ge @!p0 [sflag:s0], $0x80  }
0x14a: {  	[sflag:s0] =	ssyncset.done @!p0 $0x0  }
0x14b: {  	[sflag:s0] =	ssyncadd.s32 @!p0 $0xFFFFFF80  }
0x14c: {  	_ =	swait.ge @!p0 [sflag:s0], $0x80  }
0x14d: {  	s11 =	stileid.u32;
	[sflag:s0] =	ssyncset.done @!p0 $0x0  }
0x14e: {  	s4 =	simm.s32 @!p0 $0x80;
	[sflag:s0] =	ssyncadd.s32 @!p0 $0xFFFFFF80;
	s0 =	simm.s32 @!p0 $0x4600  }
0x14f: {  	[tilespmem:s0], [sflag:$0x2] =	stream.indirect.gather @!p0 [hbm4b:s1+s4], $0x80, s4, s4, $0xb8;
	[tilespmem:$0x1FE80] =	vst v63  }
0x150: {  	s0 =	sshll.u32 s11, $0x6;
	[bflag:$0x0] =	sbarrier.arrive $0xFFFF  }
0x151: {  	s12 =	sshrl.u32 s7, $0x3;
	s0 =	sor.u32 $0x1C0A, s0;
	s13 =	rddreg [dreg:$0x10]  }
0x152: {  	[hbm:s13], [sflag:s0] =	dma.local [spmem:s12], $0x800  }
0x153: {  	_ =	swait.ge [sflag:s26], $0x800  }
0x154: {  	[sflag:s26] =	ssyncset.done $0x0  }
0x155: {  	s14 =	sshrl.u32 s8, $0x3;
	s15 =	rddreg [dreg:$0x11];
	[sflag:s26] =	ssyncadd.s32 $0xFFFFF800  }
0x156: {  	[hbm:s15], [sflag:s0] =	dma.local [spmem:s14], $0x800  }
0x157: {  	_ =	swait.ge [sflag:s26], $0x800  }
0x158: {  	[sflag:s26] =	ssyncset.done $0x0  }
0x159: {  	s16 =	sshrl.u32 s10, $0x3;
	s17 =	rddreg [dreg:$0x12];
	[sflag:s26] =	ssyncadd.s32 $0xFFFFF800  }
0x15a: {  	[hbm:s17], [sflag:s0] =	dma.local [spmem:s16], $0x800  }
0x15b: {  	_ =	swait.ge [sflag:s26], $0x800  }
0x15c: {  	[sflag:s26] =	ssyncset.done $0x0  }
0x15d: {  	s18 =	sshrl.u32 s22, $0x3;
	s19 =	rddreg [dreg:$0x13];
	[sflag:s26] =	ssyncadd.s32 $0xFFFFF800  }
0x15e: {  	[hbm:s19], [sflag:s0] =	dma.local [spmem:s18], $0x800  }
0x15f: {  	_ =	swait.ge [sflag:s26], $0x800  }
0x160: {  	[sflag:s26] =	ssyncset.done $0x0;
	s31 =	rddreg [dreg:$0xd]  }
0x161: {  	s21 =	rddreg [dreg:$0x14];
	[sflag:s26] =	ssyncadd.s32 $0xFFFFF800;
	s20 =	sshrl.u32 s31, $0x3  }
0x162: {  	[hbm:s21], [sflag:s0] =	dma.local [spmem:s20], $0x700  }
0x163: {  	_ =	swait.ge [sflag:s26], $0x700  }
0x164: {  	s29 =	smov.u32 s22;
	s22 =	sld [smem:$0x7FD];
	_ =	sdelay $0x1  }
0x165: {  	s5 =	smov.u32 s7  }
0x166: {  	[sflag:s26] =	ssyncset.done $0x0;
	s13 =	rddreg [dreg:$0x19];
	p1 =	seq.s32 s22, $0x1  }
0x167: {  	s7 =	rddreg [dreg:$0x1a];
	[sflag:s26] =	ssyncadd.s32 $0xFFFFF900;
	s4 =	sshrl.u32 @!p1 s13, $0x3  }
0x168: {  	[hbm:s7], [sflag:s0] =	dma.local @!p1 [spmem:s4], $0x100  }
0x169: {  	s0 =	simm.s32 @!p1 $0xA  }
0x16a: {  	_ =	swait.ge @!p1 [sflag:s0], $0x100  }
0x16b: {  	s3 =	sadd.s32 $0x1, s3;
	s23 =	rddreg [dreg:$0x1b]  }
0x16c: {  	p0 =	sne.s32 s3, s23  }
.Ltmp2:
0x16d: {  	_ = 	snop;
	(pc) =	sbr.rel @p0 .LBB2_1-.Ltmp2, $3  }
0x16e: {  	_ =	sdelay $0x1  }
0x16f: {  	[sflag:s0] =	ssyncset.done @!p1 $0x0  }
0x170: {  	s24 =	smov.u32 s10;
	s6 =	smov.u32 s8;
	[sflag:s0] =	ssyncadd.s32 @!p1 $0xFFFFFF00  }
0x171: {  	_ =	sfence.sel $0x180000  }
0x172: {  	[bflag:$0x0] =	sbarrier.arrive $0xFFFF  }
0x173: {  	_ =	strace $0x90000047  }
0x174: {  	[bflag:$0x2] =	sbarrier.arrive $0xFFFF  }
0x175: {  	s0 =	rddreg [dreg:$0x3]  }
0x176: {  	s0 =	sadd.s32 @!p1 $0x100000, s0  }
0x177: {  	[sflag:s0] =	ssyncadd.tile.s32 @!p1 $0x1;
	_ =	shalt  }
.Lfunc_end2:
_tile_overlayer_lowered:
.L_overlay_start_2:
0x178: {  	(tag) =	ssettag $0x2  }
0x179: {  	s0 =	rddreg [dreg:$0x0];
	s2 =	stileid.u32  }
0x17a: {  	s1 =	rddreg [dreg:$0x1];
	p0 =	sne.s32 s2, $0x0  }
0x17b: {  	s3 =	rddreg [dreg:$0x2];
	[bflag:$0x3] =	sbarrier.arrive $0xFFFF;
	s2 =	simm.s32 @!p0 $0x1C0A  }
0x17c: {  	[timem:s3], [sflag:s2] =	dma.local @!p0 [hbm:s0], s1  }
0x17d: {  	s0 =	simm.s32 @!p0 $0xA  }
0x17e: {  	_ =	swait.ge @!p0 [sflag:s0], s1  }
0x17f: {  	s1 =	ssub.s32 @!p0 $0x0, s1;
	[sflag:s0] =	ssyncset.done @!p0 $0x0  }
0x180: {  	[sflag:s0] =	ssyncadd.s32 @!p0 s1  }
0x181: {  	[bflag:$0x3] =	sbarrier.arrive $0xFFFF  }
0x182: {  	_ =	shalt  }

</sc_bundles>
